<compile_context>
chip_gen: v7x
topology: tpu7x:2x2x1
jax: 0.10.2.dev20260603
libtpu: 0.0.44.dev20260713+nightly
codegen_flags: <defaults>
</compile_context>

<pallas_src>
import functools

import jax
import jax.numpy as jnp
from jax import lax
from jax.experimental import pallas as pl
from jax.experimental.pallas import tpu as pltpu
from jax.experimental.pallas import tpu_sc as plsc

_N = 50000
_E = 1600000
_CIN = 8
_COUT = 16
_F = _CIN * 4
_FH = _F // 2

_NC = 2
_NS = 16
_IW = 125
_CH_ROWS = 16
_CH = _IW * _CH_ROWS
_EPT = _E // _NS
_NCHUNK = _EPT // _CH
_NIO = 10
_RPT = _N // _NIO


@functools.lru_cache(maxsize=None)
def _make_sc_agg():
    mesh = plsc.VectorSubcoreMesh(core_axis_name="c", subcore_axis_name="s")

    @functools.partial(
        pl.kernel,
        mesh=mesh,
        compiler_params=pltpu.CompilerParams(use_tc_tiling_on_sc=False),
        out_type=jax.ShapeDtypeStruct((_N, _F), jnp.float32),
        scratch_types=[
            pltpu.VMEM((2, _CH_ROWS, _IW), jnp.int32),
            pltpu.VMEM((2, _CH_ROWS, _IW), jnp.int32),
            pltpu.VMEM((2, _CH, _FH), jnp.float32),
            pltpu.VMEM_SHARED((_N, _FH), jnp.float32),
            pltpu.SemaphoreType.DMA,
            pltpu.SemaphoreType.DMA,
            pltpu.SemaphoreType.DMA,
        ],
    )
    def _sc_agg(xs_hbm, src_hbm, dst_hbm, zero_hbm, out_hbm,
                gid_v, dst_v, rows_v, agg_sh, semg, semi, sems):
        c = lax.axis_index("c")
        s = lax.axis_index("s")

        @pl.when(s < _NIO)
        def _init():
            pltpu.sync_copy(zero_hbm, agg_sh.at[pl.ds(s * _RPT, _RPT)])
        plsc.subcore_barrier()

        row0 = s * (_EPT // _IW)

        def load_idx(k, b):
            base = row0 + k * _CH_ROWS
            pltpu.async_copy(src_hbm.at[pl.ds(base, _CH_ROWS)],
                             gid_v.at[b], semi)
            pltpu.async_copy(dst_hbm.at[pl.ds(base, _CH_ROWS)],
                             dst_v.at[b], semi)

        def wait_idx(b):
            pltpu.make_async_copy(src_hbm.at[pl.ds(0, _CH_ROWS)],
                                  gid_v.at[b], semi).wait()
            pltpu.make_async_copy(dst_hbm.at[pl.ds(0, _CH_ROWS)],
                                  dst_v.at[b], semi).wait()

        def fire_gathers(b):
            for j in range(_CH_ROWS):
                pltpu.async_copy(xs_hbm.at[c].at[gid_v.at[b, j]],
                                 rows_v.at[b, pl.ds(j * _IW, _IW)], semg)

        def wait_gathers(b):
            for j in range(_CH_ROWS):
                pltpu.make_async_copy(
                    xs_hbm.at[c].at[gid_v.at[b, j]],
                    rows_v.at[b, pl.ds(j * _IW, _IW)], semg).wait()

        def scatter_chunk(b):
            for j in range(_CH_ROWS):
                pltpu.async_copy(rows_v.at[b, pl.ds(j * _IW, _IW)],
                                 agg_sh.at[dst_v.at[b, j]], sems, add=True)
            for j in range(_CH_ROWS):
                pltpu.make_async_copy(rows_v.at[b, pl.ds(j * _IW, _IW)],
                                      agg_sh.at[dst_v.at[b, j]],
                                      sems).wait()

        load_idx(0, 0)
        wait_idx(0)
        fire_gathers(0)
        load_idx(1, 1)

        @pl.loop(0, _NCHUNK // 2)
        def _pair(m):
            for b in (0, 1):
                k = m * 2 + b

                @pl.when(k + 1 < _NCHUNK)
                def _prefetch():
                    wait_idx(1 - b)
                    fire_gathers(1 - b)

                wait_gathers(b)
                scatter_chunk(b)

                @pl.when(k + 2 < _NCHUNK)
                def _nextidx():
                    load_idx(k + 2, b)

        plsc.subcore_barrier()

        @pl.when(s < _NIO)
        def _writeback():
            pltpu.sync_copy(agg_sh.at[pl.ds(s * _RPT, _RPT)],
                            out_hbm.at[pl.ds(s * _RPT, _RPT),
                                       pl.ds(c * _FH, _FH)])

    return _sc_agg


_NB = 1024


def _routing_body(agg_ref, quat_ref, ab_ref, out_ref):
    eps = 1e-8
    a = jnp.transpose(agg_ref[...])
    a = a.reshape(_CIN, 4, _NB)
    pw, px, py, pz = a[:, 0], a[:, 1], a[:, 2], a[:, 3]
    inv = 1.0 / (jnp.sqrt(pw * pw + px * px + py * py + pz * pz) + eps)
    pw, px, py, pz = pw * inv, px * inv, py * inv, pz * inv

    qw = quat_ref[0:16, :][:, :, None]
    qx = quat_ref[16:32, :][:, :, None]
    qy = quat_ref[32:48, :][:, :, None]
    qz = quat_ref[48:64, :][:, :, None]
    bw, bx, by, bz = pw[None], px[None], py[None], pz[None]
    vw = qw * bw - qx * bx - qy * by - qz * bz
    vx = qw * bx + qx * bw + qy * bz - qz * by
    vy = qw * by - qx * bz + qy * bw + qz * bx
    vz = qw * bz + qx * by - qy * bx + qz * bw

    def pose_and_agree(sw, sx, sy, sz):
        inv = 1.0 / (jnp.sqrt(sw * sw + sx * sx + sy * sy + sz * sz) + eps)
        ow, ox, oy, oz = sw * inv, sx * inv, sy * inv, sz * inv
        agree = (vw * ow[:, None] + vx * ox[:, None]
                 + vy * oy[:, None] + vz * oz[:, None])
        return ow, ox, oy, oz, agree

    sixteenth = jnp.float32(1.0 / _COUT)
    ow, ox, oy, oz, agree = pose_and_agree(
        vw.sum(axis=1) * sixteenth, vx.sum(axis=1) * sixteenth,
        vy.sum(axis=1) * sixteenth, vz.sum(axis=1) * sixteenth)
    b = agree

    for it in range(2):
        e = jnp.exp(b)
        cz = (1.0 / e.sum(axis=0))[None]
        c = e * cz
        ow, ox, oy, oz, agree = pose_and_agree(
            (c * vw).sum(axis=1), (c * vx).sum(axis=1),
            (c * vy).sum(axis=1), (c * vz).sum(axis=1))
        if it == 0:
            b = b + agree

    al = ab_ref[:, 0:1]
    be = ab_ref[:, 1:2]
    act = jax.nn.sigmoid(al * (agree.sum(axis=1) * jnp.float32(0.125)) + be)
    out = jnp.stack([ow * act, ox * act, oy * act, oz * act], axis=1)
    out_ref[...] = jnp.transpose(out.reshape(64, _NB))


def _routing_call(agg_nm, quat_n, ab):
    grid = (pl.cdiv(_N, _NB),)
    return pl.pallas_call(
        _routing_body,
        grid=grid,
        in_specs=[
            pl.BlockSpec((_NB, _F), lambda i: (i, 0)),
            pl.BlockSpec((64, 8), lambda i: (0, 0)),
            pl.BlockSpec((16, 2), lambda i: (0, 0)),
        ],
        out_specs=pl.BlockSpec((_NB, 64), lambda i: (i, 0)),
        out_shape=jax.ShapeDtypeStruct((_N, 64), jnp.float32),
    )(agg_nm, quat_n, ab)


def kernel(x, edge_index, quaternions, alpha, beta):
    xs = x.reshape(_N, 2, _FH).transpose(1, 0, 2)
    src2 = edge_index[0].reshape(_E // _IW, _IW)
    dst2 = edge_index[1].reshape(_E // _IW, _IW)
    zero = jnp.zeros((_RPT, _FH), jnp.float32)
    agg_nm = _make_sc_agg()(xs, src2, dst2, zero)
    qnorm = jnp.linalg.norm(quaternions, axis=-1, keepdims=True)
    quat_n = (quaternions / (qnorm + 1e-8)).transpose(2, 0, 1).reshape(64, _CIN)
    ab = jnp.stack([alpha, beta], axis=1)
    out2d = _routing_call(agg_nm, quat_n, ab)
    return out2d.reshape(_N, _COUT, 4)

# --- scband reference (transcript-rebuilt; emitter-appended) ---
"""Pipeline reference for scband-quat-capsule-layer-44023414784335 (READ-ONLY COPY).

The authoritative reference and input builder live on the scoring server;
editing this copy changes nothing except your own understanding.
"""

import jax, jax.numpy as jnp
import numpy as np

N = 50000
E = 1600000
CIN = 8
COUT = 16
ITERATIONS = 3


def quat_mul(q, p):
    # Hamilton product, last dim = 4 (w, x, y, z)
    w1, x1, y1, z1 = q[..., 0], q[..., 1], q[..., 2], q[..., 3]
    w2, x2, y2, z2 = p[..., 0], p[..., 1], p[..., 2], p[..., 3]
    w = w1 * w2 - x1 * x2 - y1 * y2 - z1 * z2
    x = w1 * x2 + x1 * w2 + y1 * z2 - z1 * y2
    y = w1 * y2 - x1 * z2 + y1 * w2 + z1 * x2
    z = w1 * z2 + x1 * y2 - y1 * x2 + z1 * w2
    return jnp.stack([w, x, y, z], axis=-1)


def quat_normalize(q, eps=1e-8):
    return q / (jnp.linalg.norm(q, axis=-1, keepdims=True) + eps)


def setup_inputs(seed: int = 0) -> dict:
    key = jax.random.key(seed)
    k1, k2, k3, k4, k5 = jax.random.split(key, 5)
    x = jax.random.normal(k1, (N, CIN, 4), dtype=jnp.float32)
    edge_index = jax.random.randint(k2, (2, E), 0, N, dtype=jnp.int32)
    quaternions = jax.random.normal(k3, (COUT, CIN, 4), dtype=jnp.float32)
    alpha = jax.random.normal(k4, (COUT,), dtype=jnp.float32)
    beta = jax.random.normal(k5, (COUT,), dtype=jnp.float32)
    return {"x": x, "edge_index": edge_index, "quaternions": quaternions, "alpha": alpha, "beta": beta}


def reference(x, edge_index, quaternions, alpha, beta):
    n = x.shape[0]
    src = edge_index[0]
    dst = edge_index[1]
    # message passing: gather source-node capsule poses, scatter-mean to dst
    msgs = jnp.take(x, src, axis=0)  # [E, CIN, 4]
    agg = jax.ops.segment_sum(msgs, dst, num_segments=n)  # [N, CIN, 4]
    deg = jax.ops.segment_sum(jnp.ones((msgs.shape[0],), dtype=x.dtype), dst, num_segments=n)
    pooled = agg / jnp.clip(deg, 1.0, None)[:, None, None]
    pooled = quat_normalize(pooled)  # [N, CIN, 4]
    # quaternion votes: transform each input capsule pose by learned quaternions
    votes = quat_mul(quaternions[None, :, :, :], pooled[:, None, :, :])  # [N, COUT, CIN, 4]
    votes = quat_normalize(votes)
    # dynamic routing
    b = jnp.zeros((n, COUT, CIN), dtype=x.dtype)
    pose = None
    agree = None
    for _ in range(ITERATIONS):
        c = jax.nn.softmax(b, axis=1)  # route each input capsule over output capsules
        s = jnp.sum(c[..., None] * votes, axis=2)  # [N, COUT, 4]
        pose = quat_normalize(s)
        agree = jnp.sum(votes * pose[:, :, None, :], axis=-1)  # [N, COUT, CIN]
        b = b + agree
    activation = jax.nn.sigmoid(alpha[None, :] * jnp.mean(agree, axis=-1) + beta[None, :])  # [N, COUT]
    out = pose * activation[:, :, None]  # [N, COUT, 4]
    return out

if __name__ == "__main__":
    import jax
    _d = setup_inputs()
    print(jax.jit(kernel)(*tuple(_d.values())))

</pallas_src>

<mosaic_0001>
#map = affine_map<(d0, d1) -> (0, 0, 0)>
#map1 = affine_map<(d0, d1) -> (0, 0)>
module attributes {stable_mosaic.version = 14 : i64} {
  func.func @_sc_agg(%arg0: i32, %arg1: i32, %arg2: memref<2x50000x16xf32, #tpu.memory_space<hbm>>, %arg3: memref<12800x125xi32, #tpu.memory_space<hbm>>, %arg4: memref<12800x125xi32, #tpu.memory_space<hbm>>, %arg5: memref<5000x16xf32, #tpu.memory_space<hbm>>, %arg6: memref<50000x32xf32, #tpu.memory_space<hbm>>, %arg7: memref<2x16x125xi32, #tpu.memory_space<vmem>>, %arg8: memref<2x16x125xi32, #tpu.memory_space<vmem>>, %arg9: memref<2x2000x16xf32, #tpu.memory_space<vmem>>, %arg10: memref<50000x16xf32, #tpu.memory_space<vmem_shared>>, %arg11: memref<!tpu.dma_semaphore, #tpu.memory_space<semaphore_mem>>, %arg12: memref<!tpu.dma_semaphore, #tpu.memory_space<semaphore_mem>>, %arg13: memref<!tpu.dma_semaphore, #tpu.memory_space<semaphore_mem>>) attributes {dimension_semantics = [#tpu.dimension_semantics<core_parallel>, #tpu.dimension_semantics<subcore_parallel>], iteration_bounds = array<i64: 2, 16>, scalar_prefetch = 0 : i64, scratch_operands = 7 : i64, tpu.core_type = #tpu.core_type<sc_vector_subcore>, window_params = [{transform_indices = #map}, {transform_indices = #map1}, {transform_indices = #map1}, {transform_indices = #map1}, {transform_indices = #map1}]} {
    %lt3A = arith.constant 10 : i32
    %lt3A_0 = arith.cmpi slt, %arg1, %lt3A : i32
    %convert_element_type3A = arith.extui %lt3A_0 : i1 to i32
    %cond3A = arith.constant 0 : i32
    %cond3A_1 = arith.cmpi ne, %convert_element_type3A, %cond3A : i32
    scf.if %cond3A_1 {
      %mul3A_368 = arith.constant 5000 : i32
      %mul3A_369 = arith.muli %arg1, %mul3A_368 : i32
      "tpu.region"() ({
        %run_scoped3A = tpu.sem_alloc : memref<!tpu.dma_semaphore, #tpu.memory_space<semaphore_mem>>
        %dma_start3A_370 = arith.constant 0 : i32
        %dma_start3A_371 = tpu.memref_slice %arg10[%mul3A_369, %dma_start3A_370] : memref<50000x16xf32, #tpu.memory_space<vmem_shared>> -> memref<5000x16xf32, #tpu.memory_space<vmem_shared>>
        tpu.enqueue_dma source(%arg5 : memref<5000x16xf32, #tpu.memory_space<hbm>>) target(%dma_start3A_371 : memref<5000x16xf32, #tpu.memory_space<vmem_shared>>) target_semaphore(%run_scoped3A : memref<!tpu.dma_semaphore, #tpu.memory_space<semaphore_mem>>)
        %dma_wait3A_372 = arith.constant 0 : i32
        %dma_wait3A_373 = tpu.memref_slice %arg10[%mul3A_369, %dma_wait3A_372] : memref<50000x16xf32, #tpu.memory_space<vmem_shared>> -> memref<5000x16xf32, #tpu.memory_space<vmem_shared>>
        tpu.wait_dma2 semaphore(%run_scoped3A : memref<!tpu.dma_semaphore, #tpu.memory_space<semaphore_mem>>) src(%arg5 : memref<5000x16xf32, #tpu.memory_space<hbm>>) dst(%dma_wait3A_373 : memref<5000x16xf32, #tpu.memory_space<vmem_shared>>)
        tpu.yield
      }) : () -> ()
    } else {
    }
    %barrier3A = arith.constant 0 : index
    tpu.barrier barrier_id(%barrier3A)
    %mul3A = arith.constant 800 : i32
    %mul3A_2 = arith.muli %arg1, %mul3A : i32
    %add3A = arith.constant 0 : i32
    %add3A_3 = arith.addi %mul3A_2, %add3A : i32
    %dma_start3A = arith.constant 0 : i32
    %dma_start3A_4 = arith.constant 0 : i32
    %dma_start3A_5 = arith.constant 0 : i32
    %dma_start3A_6 = tpu.memref_slice %arg7[%dma_start3A, %dma_start3A_4, %dma_start3A_5] : memref<2x16x125xi32, #tpu.memory_space<vmem>> -> memref<1x16x125xi32, #tpu.memory_space<vmem>>
    %dma_start3A_7 = tpu.memref_squeeze %dma_start3A_6 : memref<1x16x125xi32, #tpu.memory_space<vmem>> -> memref<16x125xi32, #tpu.memory_space<vmem>>
    %dma_start3A_8 = arith.constant 0 : i32
    %dma_start3A_9 = tpu.memref_slice %arg3[%add3A_3, %dma_start3A_8] : memref<12800x125xi32, #tpu.memory_space<hbm>> -> memref<16x125xi32, #tpu.memory_space<hbm>>
    %dma_start3A_10 = arith.constant 0 : i32
    %dma_start3A_11 = arith.constant 0 : i32
    %dma_start3A_12 = tpu.memref_slice %arg7[%dma_start3A, %dma_start3A_10, %dma_start3A_11] : memref<2x16x125xi32, #tpu.memory_space<vmem>> -> memref<1x16x125xi32, #tpu.memory_space<vmem>>
    %dma_start3A_13 = tpu.memref_squeeze %dma_start3A_12 : memref<1x16x125xi32, #tpu.memory_space<vmem>> -> memref<16x125xi32, #tpu.memory_space<vmem>>
    %dma_start3A_14 = arith.constant 0 : i32
    %dma_start3A_15 = tpu.memref_slice %arg3[%add3A_3, %dma_start3A_14] : memref<12800x125xi32, #tpu.memory_space<hbm>> -> memref<16x125xi32, #tpu.memory_space<hbm>>
    tpu.enqueue_dma source(%dma_start3A_15 : memref<16x125xi32, #tpu.memory_space<hbm>>) target(%dma_start3A_13 : memref<16x125xi32, #tpu.memory_space<vmem>>) target_semaphore(%arg12 : memref<!tpu.dma_semaphore, #tpu.memory_space<semaphore_mem>>)
    %dma_start3A_16 = arith.constant 0 : i32
    %dma_start3A_17 = arith.constant 0 : i32
    %dma_start3A_18 = arith.constant 0 : i32
    %dma_start3A_19 = tpu.memref_slice %arg8[%dma_start3A_16, %dma_start3A_17, %dma_start3A_18] : memref<2x16x125xi32, #tpu.memory_space<vmem>> -> memref<1x16x125xi32, #tpu.memory_space<vmem>>
    %dma_start3A_20 = tpu.memref_squeeze %dma_start3A_19 : memref<1x16x125xi32, #tpu.memory_space<vmem>> -> memref<16x125xi32, #tpu.memory_space<vmem>>
    %dma_start3A_21 = arith.constant 0 : i32
    %dma_start3A_22 = tpu.memref_slice %arg4[%add3A_3, %dma_start3A_21] : memref<12800x125xi32, #tpu.memory_space<hbm>> -> memref<16x125xi32, #tpu.memory_space<hbm>>
    %dma_start3A_23 = arith.constant 0 : i32
    %dma_start3A_24 = arith.constant 0 : i32
    %dma_start3A_25 = tpu.memref_slice %arg8[%dma_start3A_16, %dma_start3A_23, %dma_start3A_24] : memref<2x16x125xi32, #tpu.memory_space<vmem>> -> memref<1x16x125xi32, #tpu.memory_space<vmem>>
    %dma_start3A_26 = tpu.memref_squeeze %dma_start3A_25 : memref<1x16x125xi32, #tpu.memory_space<vmem>> -> memref<16x125xi32, #tpu.memory_space<vmem>>
    %dma_start3A_27 = arith.constant 0 : i32
    %dma_start3A_28 = tpu.memref_slice %arg4[%add3A_3, %dma_start3A_27] : memref<12800x125xi32, #tpu.memory_space<hbm>> -> memref<16x125xi32, #tpu.memory_space<hbm>>
    tpu.enqueue_dma source(%dma_start3A_28 : memref<16x125xi32, #tpu.memory_space<hbm>>) target(%dma_start3A_26 : memref<16x125xi32, #tpu.memory_space<vmem>>) target_semaphore(%arg12 : memref<!tpu.dma_semaphore, #tpu.memory_space<semaphore_mem>>)
    %dma_wait3A = arith.constant 0 : i32
    %dma_wait3A_29 = arith.constant 0 : i32
    %dma_wait3A_30 = arith.constant 0 : i32
    %dma_wait3A_31 = tpu.memref_slice %arg7[%dma_wait3A, %dma_wait3A_29, %dma_wait3A_30] : memref<2x16x125xi32, #tpu.memory_space<vmem>> -> memref<1x16x125xi32, #tpu.memory_space<vmem>>
    %dma_wait3A_32 = tpu.memref_squeeze %dma_wait3A_31 : memref<1x16x125xi32, #tpu.memory_space<vmem>> -> memref<16x125xi32, #tpu.memory_space<vmem>>
    %dma_wait3A_33 = arith.constant 0 : i32
    %dma_wait3A_34 = arith.constant 0 : i32
    %dma_wait3A_35 = tpu.memref_slice %arg3[%dma_wait3A_33, %dma_wait3A_34] : memref<12800x125xi32, #tpu.memory_space<hbm>> -> memref<16x125xi32, #tpu.memory_space<hbm>>
    %dma_wait3A_36 = arith.constant 0 : i32
    %dma_wait3A_37 = arith.constant 0 : i32
    %dma_wait3A_38 = tpu.memref_slice %arg7[%dma_wait3A, %dma_wait3A_36, %dma_wait3A_37] : memref<2x16x125xi32, #tpu.memory_space<vmem>> -> memref<1x16x125xi32, #tpu.memory_space<vmem>>
    %dma_wait3A_39 = tpu.memref_squeeze %dma_wait3A_38 : memref<1x16x125xi32, #tpu.memory_space<vmem>> -> memref<16x125xi32, #tpu.memory_space<vmem>>
    %dma_wait3A_40 = arith.constant 0 : i32
    %dma_wait3A_41 = arith.constant 0 : i32
    %dma_wait3A_42 = tpu.memref_slice %arg3[%dma_wait3A_40, %dma_wait3A_41] : memref<12800x125xi32, #tpu.memory_space<hbm>> -> memref<16x125xi32, #tpu.memory_space<hbm>>
    tpu.wait_dma2 semaphore(%arg12 : memref<!tpu.dma_semaphore, #tpu.memory_space<semaphore_mem>>) src(%dma_wait3A_42 : memref<16x125xi32, #tpu.memory_space<hbm>>) dst(%dma_wait3A_39 : memref<16x125xi32, #tpu.memory_space<vmem>>)
    %dma_wait3A_43 = arith.constant 0 : i32
    %dma_wait3A_44 = arith.constant 0 : i32
    %dma_wait3A_45 = arith.constant 0 : i32
    %dma_wait3A_46 = tpu.memref_slice %arg8[%dma_wait3A_43, %dma_wait3A_44, %dma_wait3A_45] : memref<2x16x125xi32, #tpu.memory_space<vmem>> -> memref<1x16x125xi32, #tpu.memory_space<vmem>>
    %dma_wait3A_47 = tpu.memref_squeeze %dma_wait3A_46 : memref<1x16x125xi32, #tpu.memory_space<vmem>> -> memref<16x125xi32, #tpu.memory_space<vmem>>
    %dma_wait3A_48 = arith.constant 0 : i32
    %dma_wait3A_49 = arith.constant 0 : i32
    %dma_wait3A_50 = tpu.memref_slice %arg4[%dma_wait3A_48, %dma_wait3A_49] : memref<12800x125xi32, #tpu.memory_space<hbm>> -> memref<16x125xi32, #tpu.memory_space<hbm>>
    %dma_wait3A_51 = arith.constant 0 : i32
    %dma_wait3A_52 = arith.constant 0 : i32
    %dma_wait3A_53 = tpu.memref_slice %arg8[%dma_wait3A_43, %dma_wait3A_51, %dma_wait3A_52] : memref<2x16x125xi32, #tpu.memory_space<vmem>> -> memref<1x16x125xi32, #tpu.memory_space<vmem>>
    %dma_wait3A_54 = tpu.memref_squeeze %dma_wait3A_53 : memref<1x16x125xi32, #tpu.memory_space<vmem>> -> memref<16x125xi32, #tpu.memory_space<vmem>>
    %dma_wait3A_55 = arith.constant 0 : i32
    %dma_wait3A_56 = arith.constant 0 : i32
    %dma_wait3A_57 = tpu.memref_slice %arg4[%dma_wait3A_55, %dma_wait3A_56] : memref<12800x125xi32, #tpu.memory_space<hbm>> -> memref<16x125xi32, #tpu.memory_space<hbm>>
    tpu.wait_dma2 semaphore(%arg12 : memref<!tpu.dma_semaphore, #tpu.memory_space<semaphore_mem>>) src(%dma_wait3A_57 : memref<16x125xi32, #tpu.memory_space<hbm>>) dst(%dma_wait3A_54 : memref<16x125xi32, #tpu.memory_space<vmem>>)
    %dma_start3A_58 = arith.constant 0 : i32
    %dma_start3A_59 = arith.constant 0 : i32
    %dma_start3A_60 = arith.constant 0 : i32
    %dma_start3A_61 = arith.constant 0 : i32
    %dma_start3A_62 = arith.constant 0 : i32
    %dma_start3A_63 = tpu.memref_slice %arg9[%dma_start3A_60, %dma_start3A_61, %dma_start3A_62] : memref<2x2000x16xf32, #tpu.memory_space<vmem>> -> memref<1x125x16xf32, #tpu.memory_space<vmem>>
    %dma_start3A_64 = tpu.memref_squeeze %dma_start3A_63 : memref<1x125x16xf32, #tpu.memory_space<vmem>> -> memref<125x16xf32, #tpu.memory_space<vmem>>
    %dma_start3A_65 = arith.constant 0 : i32
    %dma_start3A_66 = tpu.memref_slice %arg7[%dma_start3A_58, %dma_start3A_59, %dma_start3A_65] : memref<2x16x125xi32, #tpu.memory_space<vmem>> -> memref<1x1x125xi32, #tpu.memory_space<vmem>>
    %dma_start3A_67 = tpu.memref_squeeze %dma_start3A_66 : memref<1x1x125xi32, #tpu.memory_space<vmem>> -> memref<125xi32, #tpu.memory_space<vmem>>
    %dma_start3A_68 = arith.constant 0 : i32
    %dma_start3A_69 = arith.constant 0 : i32
    %dma_start3A_70 = tpu.memref_slice %arg2[%arg0, %dma_start3A_68, %dma_start3A_69] : memref<2x50000x16xf32, #tpu.memory_space<hbm>> -> memref<1x50000x16xf32, #tpu.memory_space<hbm>>
    %dma_start3A_71 = tpu.memref_squeeze %dma_start3A_70 : memref<1x50000x16xf32, #tpu.memory_space<hbm>> -> memref<50000x16xf32, #tpu.memory_space<hbm>>
    %dma_start3A_72 = arith.constant 0 : i32
    %dma_start3A_73 = arith.constant 0 : i32
    %dma_start3A_74 = tpu.memref_slice %dma_start3A_71[%dma_start3A_72, %dma_start3A_73] : memref<50000x16xf32, #tpu.memory_space<hbm>> -> memref<50000x16xf32, #tpu.memory_space<hbm>>
    tpu.enqueue_indirect_dma source(%dma_start3A_74 : memref<50000x16xf32, #tpu.memory_space<hbm>>) target(%dma_start3A_64 : memref<125x16xf32, #tpu.memory_space<vmem>>) offsets(%dma_start3A_67 : memref<125xi32, #tpu.memory_space<vmem>>) semaphore(%arg11 : memref<!tpu.dma_semaphore, #tpu.memory_space<semaphore_mem>>)
    %dma_start3A_75 = arith.constant 0 : i32
    %dma_start3A_76 = arith.constant 1 : i32
    %dma_start3A_77 = arith.constant 0 : i32
    %dma_start3A_78 = arith.constant 125 : i32
    %dma_start3A_79 = arith.constant 0 : i32
    %dma_start3A_80 = tpu.memref_slice %arg9[%dma_start3A_77, %dma_start3A_78, %dma_start3A_79] : memref<2x2000x16xf32, #tpu.memory_space<vmem>> -> memref<1x125x16xf32, #tpu.memory_space<vmem>>
    %dma_start3A_81 = tpu.memref_squeeze %dma_start3A_80 : memref<1x125x16xf32, #tpu.memory_space<vmem>> -> memref<125x16xf32, #tpu.memory_space<vmem>>
    %dma_start3A_82 = arith.constant 0 : i32
    %dma_start3A_83 = tpu.memref_slice %arg7[%dma_start3A_75, %dma_start3A_76, %dma_start3A_82] : memref<2x16x125xi32, #tpu.memory_space<vmem>> -> memref<1x1x125xi32, #tpu.memory_space<vmem>>
    %dma_start3A_84 = tpu.memref_squeeze %dma_start3A_83 : memref<1x1x125xi32, #tpu.memory_space<vmem>> -> memref<125xi32, #tpu.memory_space<vmem>>
    %dma_start3A_85 = arith.constant 0 : i32
    %dma_start3A_86 = arith.constant 0 : i32
    %dma_start3A_87 = tpu.memref_slice %arg2[%arg0, %dma_start3A_85, %dma_start3A_86] : memref<2x50000x16xf32, #tpu.memory_space<hbm>> -> memref<1x50000x16xf32, #tpu.memory_space<hbm>>
    %dma_start3A_88 = tpu.memref_squeeze %dma_start3A_87 : memref<1x50000x16xf32, #tpu.memory_space<hbm>> -> memref<50000x16xf32, #tpu.memory_space<hbm>>
    %dma_start3A_89 = arith.constant 0 : i32
    %dma_start3A_90 = arith.constant 0 : i32
    %dma_start3A_91 = tpu.memref_slice %dma_start3A_88[%dma_start3A_89, %dma_start3A_90] : memref<50000x16xf32, #tpu.memory_space<hbm>> -> memref<50000x16xf32, #tpu.memory_space<hbm>>
    tpu.enqueue_indirect_dma source(%dma_start3A_91 : memref<50000x16xf32, #tpu.memory_space<hbm>>) target(%dma_start3A_81 : memref<125x16xf32, #tpu.memory_space<vmem>>) offsets(%dma_start3A_84 : memref<125xi32, #tpu.memory_space<vmem>>) semaphore(%arg11 : memref<!tpu.dma_semaphore, #tpu.memory_space<semaphore_mem>>)
    %dma_start3A_92 = arith.constant 0 : i32
    %dma_start3A_93 = arith.constant 2 : i32
    %dma_start3A_94 = arith.constant 0 : i32
    %dma_start3A_95 = arith.constant 250 : i32
    %dma_start3A_96 = arith.constant 0 : i32
    %dma_start3A_97 = tpu.memref_slice %arg9[%dma_start3A_94, %dma_start3A_95, %dma_start3A_96] : memref<2x2000x16xf32, #tpu.memory_space<vmem>> -> memref<1x125x16xf32, #tpu.memory_space<vmem>>
    %dma_start3A_98 = tpu.memref_squeeze %dma_start3A_97 : memref<1x125x16xf32, #tpu.memory_space<vmem>> -> memref<125x16xf32, #tpu.memory_space<vmem>>
    %dma_start3A_99 = arith.constant 0 : i32
    %dma_start3A_100 = tpu.memref_slice %arg7[%dma_start3A_92, %dma_start3A_93, %dma_start3A_99] : memref<2x16x125xi32, #tpu.memory_space<vmem>> -> memref<1x1x125xi32, #tpu.memory_space<vmem>>
    %dma_start3A_101 = tpu.memref_squeeze %dma_start3A_100 : memref<1x1x125xi32, #tpu.memory_space<vmem>> -> memref<125xi32, #tpu.memory_space<vmem>>
    %dma_start3A_102 = arith.constant 0 : i32
    %dma_start3A_103 = arith.constant 0 : i32
    %dma_start3A_104 = tpu.memref_slice %arg2[%arg0, %dma_start3A_102, %dma_start3A_103] : memref<2x50000x16xf32, #tpu.memory_space<hbm>> -> memref<1x50000x16xf32, #tpu.memory_space<hbm>>
    %dma_start3A_105 = tpu.memref_squeeze %dma_start3A_104 : memref<1x50000x16xf32, #tpu.memory_space<hbm>> -> memref<50000x16xf32, #tpu.memory_space<hbm>>
    %dma_start3A_106 = arith.constant 0 : i32
    %dma_start3A_107 = arith.constant 0 : i32
    %dma_start3A_108 = tpu.memref_slice %dma_start3A_105[%dma_start3A_106, %dma_start3A_107] : memref<50000x16xf32, #tpu.memory_space<hbm>> -> memref<50000x16xf32, #tpu.memory_space<hbm>>
    tpu.enqueue_indirect_dma source(%dma_start3A_108 : memref<50000x16xf32, #tpu.memory_space<hbm>>) target(%dma_start3A_98 : memref<125x16xf32, #tpu.memory_space<vmem>>) offsets(%dma_start3A_101 : memref<125xi32, #tpu.memory_space<vmem>>) semaphore(%arg11 : memref<!tpu.dma_semaphore, #tpu.memory_space<semaphore_mem>>)
    %dma_start3A_109 = arith.constant 0 : i32
    %dma_start3A_110 = arith.constant 3 : i32
    %dma_start3A_111 = arith.constant 0 : i32
    %dma_start3A_112 = arith.constant 375 : i32
    %dma_start3A_113 = arith.constant 0 : i32
    %dma_start3A_114 = tpu.memref_slice %arg9[%dma_start3A_111, %dma_start3A_112, %dma_start3A_113] : memref<2x2000x16xf32, #tpu.memory_space<vmem>> -> memref<1x125x16xf32, #tpu.memory_space<vmem>>
    %dma_start3A_115 = tpu.memref_squeeze %dma_start3A_114 : memref<1x125x16xf32, #tpu.memory_space<vmem>> -> memref<125x16xf32, #tpu.memory_space<vmem>>
    %dma_start3A_116 = arith.constant 0 : i32
    %dma_start3A_117 = tpu.memref_slice %arg7[%dma_start3A_109, %dma_start3A_110, %dma_start3A_116] : memref<2x16x125xi32, #tpu.memory_space<vmem>> -> memref<1x1x125xi32, #tpu.memory_space<vmem>>
    %dma_start3A_118 = tpu.memref_squeeze %dma_start3A_117 : memref<1x1x125xi32, #tpu.memory_space<vmem>> -> memref<125xi32, #tpu.memory_space<vmem>>
    %dma_start3A_119 = arith.constant 0 : i32
    %dma_start3A_120 = arith.constant 0 : i32
    %dma_start3A_121 = tpu.memref_slice %arg2[%arg0, %dma_start3A_119, %dma_start3A_120] : memref<2x50000x16xf32, #tpu.memory_space<hbm>> -> memref<1x50000x16xf32, #tpu.memory_space<hbm>>
    %dma_start3A_122 = tpu.memref_squeeze %dma_start3A_121 : memref<1x50000x16xf32, #tpu.memory_space<hbm>> -> memref<50000x16xf32, #tpu.memory_space<hbm>>
    %dma_start3A_123 = arith.constant 0 : i32
    %dma_start3A_124 = arith.constant 0 : i32
    %dma_start3A_125 = tpu.memref_slice %dma_start3A_122[%dma_start3A_123, %dma_start3A_124] : memref<50000x16xf32, #tpu.memory_space<hbm>> -> memref<50000x16xf32, #tpu.memory_space<hbm>>
    tpu.enqueue_indirect_dma source(%dma_start3A_125 : memref<50000x16xf32, #tpu.memory_space<hbm>>) target(%dma_start3A_115 : memref<125x16xf32, #tpu.memory_space<vmem>>) offsets(%dma_start3A_118 : memref<125xi32, #tpu.memory_space<vmem>>) semaphore(%arg11 : memref<!tpu.dma_semaphore, #tpu.memory_space<semaphore_mem>>)
    %dma_start3A_126 = arith.constant 0 : i32
    %dma_start3A_127 = arith.constant 4 : i32
    %dma_start3A_128 = arith.constant 0 : i32
    %dma_start3A_129 = arith.constant 500 : i32
    %dma_start3A_130 = arith.constant 0 : i32
    %dma_start3A_131 = tpu.memref_slice %arg9[%dma_start3A_128, %dma_start3A_129, %dma_start3A_130] : memref<2x2000x16xf32, #tpu.memory_space<vmem>> -> memref<1x125x16xf32, #tpu.memory_space<vmem>>
    %dma_start3A_132 = tpu.memref_squeeze %dma_start3A_131 : memref<1x125x16xf32, #tpu.memory_space<vmem>> -> memref<125x16xf32, #tpu.memory_space<vmem>>
    %dma_start3A_133 = arith.constant 0 : i32
    %dma_start3A_134 = tpu.memref_slice %arg7[%dma_start3A_126, %dma_start3A_127, %dma_start3A_133] : memref<2x16x125xi32, #tpu.memory_space<vmem>> -> memref<1x1x125xi32, #tpu.memory_space<vmem>>
    %dma_start3A_135 = tpu.memref_squeeze %dma_start3A_134 : memref<1x1x125xi32, #tpu.memory_space<vmem>> -> memref<125xi32, #tpu.memory_space<vmem>>
    %dma_start3A_136 = arith.constant 0 : i32
    %dma_start3A_137 = arith.constant 0 : i32
    %dma_start3A_138 = tpu.memref_slice %arg2[%arg0, %dma_start3A_136, %dma_start3A_137] : memref<2x50000x16xf32, #tpu.memory_space<hbm>> -> memref<1x50000x16xf32, #tpu.memory_space<hbm>>
    %dma_start3A_139 = tpu.memref_squeeze %dma_start3A_138 : memref<1x50000x16xf32, #tpu.memory_space<hbm>> -> memref<50000x16xf32, #tpu.memory_space<hbm>>
    %dma_start3A_140 = arith.constant 0 : i32
    %dma_start3A_141 = arith.constant 0 : i32
    %dma_start3A_142 = tpu.memref_slice %dma_start3A_139[%dma_start3A_140, %dma_start3A_141] : memref<50000x16xf32, #tpu.memory_space<hbm>> -> memref<50000x16xf32, #tpu.memory_space<hbm>>
    tpu.enqueue_indirect_dma source(%dma_start3A_142 : memref<50000x16xf32, #tpu.memory_space<hbm>>) target(%dma_start3A_132 : memref<125x16xf32, #tpu.memory_space<vmem>>) offsets(%dma_start3A_135 : memref<125xi32, #tpu.memory_space<vmem>>) semaphore(%arg11 : memref<!tpu.dma_semaphore, #tpu.memory_space<semaphore_mem>>)
    %dma_start3A_143 = arith.constant 0 : i32
    %dma_start3A_144 = arith.constant 5 : i32
    %dma_start3A_145 = arith.constant 0 : i32
    %dma_start3A_146 = arith.constant 625 : i32
    %dma_start3A_147 = arith.constant 0 : i32
    %dma_start3A_148 = tpu.memref_slice %arg9[%dma_start3A_145, %dma_start3A_146, %dma_start3A_147] : memref<2x2000x16xf32, #tpu.memory_space<vmem>> -> memref<1x125x16xf32, #tpu.memory_space<vmem>>
    %dma_start3A_149 = tpu.memref_squeeze %dma_start3A_148 : memref<1x125x16xf32, #tpu.memory_space<vmem>> -> memref<125x16xf32, #tpu.memory_space<vmem>>
    %dma_start3A_150 = arith.constant 0 : i32
    %dma_start3A_151 = tpu.memref_slice %arg7[%dma_start3A_143, %dma_start3A_144, %dma_start3A_150] : memref<2x16x125xi32, #tpu.memory_space<vmem>> -> memref<1x1x125xi32, #tpu.memory_space<vmem>>
    %dma_start3A_152 = tpu.memref_squeeze %dma_start3A_151 : memref<1x1x125xi32, #tpu.memory_space<vmem>> -> memref<125xi32, #tpu.memory_space<vmem>>
    %dma_start3A_153 = arith.constant 0 : i32
    %dma_start3A_154 = arith.constant 0 : i32
    %dma_start3A_155 = tpu.memref_slice %arg2[%arg0, %dma_start3A_153, %dma_start3A_154] : memref<2x50000x16xf32, #tpu.memory_space<hbm>> -> memref<1x50000x16xf32, #tpu.memory_space<hbm>>
    %dma_start3A_156 = tpu.memref_squeeze %dma_start3A_155 : memref<1x50000x16xf32, #tpu.memory_space<hbm>> -> memref<50000x16xf32, #tpu.memory_space<hbm>>
    %dma_start3A_157 = arith.constant 0 : i32
    %dma_start3A_158 = arith.constant 0 : i32
    %dma_start3A_159 = tpu.memref_slice %dma_start3A_156[%dma_start3A_157, %dma_start3A_158] : memref<50000x16xf32, #tpu.memory_space<hbm>> -> memref<50000x16xf32, #tpu.memory_space<hbm>>
    tpu.enqueue_indirect_dma source(%dma_start3A_159 : memref<50000x16xf32, #tpu.memory_space<hbm>>) target(%dma_start3A_149 : memref<125x16xf32, #tpu.memory_space<vmem>>) offsets(%dma_start3A_152 : memref<125xi32, #tpu.memory_space<vmem>>) semaphore(%arg11 : memref<!tpu.dma_semaphore, #tpu.memory_space<semaphore_mem>>)
    %dma_start3A_160 = arith.constant 0 : i32
    %dma_start3A_161 = arith.constant 6 : i32
    %dma_start3A_162 = arith.constant 0 : i32
    %dma_start3A_163 = arith.constant 750 : i32
    %dma_start3A_164 = arith.constant 0 : i32
    %dma_start3A_165 = tpu.memref_slice %arg9[%dma_start3A_162, %dma_start3A_163, %dma_start3A_164] : memref<2x2000x16xf32, #tpu.memory_space<vmem>> -> memref<1x125x16xf32, #tpu.memory_space<vmem>>
    %dma_start3A_166 = tpu.memref_squeeze %dma_start3A_165 : memref<1x125x16xf32, #tpu.memory_space<vmem>> -> memref<125x16xf32, #tpu.memory_space<vmem>>
    %dma_start3A_167 = arith.constant 0 : i32
    %dma_start3A_168 = tpu.memref_slice %arg7[%dma_start3A_160, %dma_start3A_161, %dma_start3A_167] : memref<2x16x125xi32, #tpu.memory_space<vmem>> -> memref<1x1x125xi32, #tpu.memory_space<vmem>>
    %dma_start3A_169 = tpu.memref_squeeze %dma_start3A_168 : memref<1x1x125xi32, #tpu.memory_space<vmem>> -> memref<125xi32, #tpu.memory_space<vmem>>
    %dma_start3A_170 = arith.constant 0 : i32
    %dma_start3A_171 = arith.constant 0 : i32
    %dma_start3A_172 = tpu.memref_slice %arg2[%arg0, %dma_start3A_170, %dma_start3A_171] : memref<2x50000x16xf32, #tpu.memory_space<hbm>> -> memref<1x50000x16xf32, #tpu.memory_space<hbm>>
    %dma_start3A_173 = tpu.memref_squeeze %dma_start3A_172 : memref<1x50000x16xf32, #tpu.memory_space<hbm>> -> memref<50000x16xf32, #tpu.memory_space<hbm>>
    %dma_start3A_174 = arith.constant 0 : i32
    %dma_start3A_175 = arith.constant 0 : i32
    %dma_start3A_176 = tpu.memref_slice %dma_start3A_173[%dma_start3A_174, %dma_start3A_175] : memref<50000x16xf32, #tpu.memory_space<hbm>> -> memref<50000x16xf32, #tpu.memory_space<hbm>>
    tpu.enqueue_indirect_dma source(%dma_start3A_176 : memref<50000x16xf32, #tpu.memory_space<hbm>>) target(%dma_start3A_166 : memref<125x16xf32, #tpu.memory_space<vmem>>) offsets(%dma_start3A_169 : memref<125xi32, #tpu.memory_space<vmem>>) semaphore(%arg11 : memref<!tpu.dma_semaphore, #tpu.memory_space<semaphore_mem>>)
    %dma_start3A_177 = arith.constant 0 : i32
    %dma_start3A_178 = arith.constant 7 : i32
    %dma_start3A_179 = arith.constant 0 : i32
    %dma_start3A_180 = arith.constant 875 : i32
    %dma_start3A_181 = arith.constant 0 : i32
    %dma_start3A_182 = tpu.memref_slice %arg9[%dma_start3A_179, %dma_start3A_180, %dma_start3A_181] : memref<2x2000x16xf32, #tpu.memory_space<vmem>> -> memref<1x125x16xf32, #tpu.memory_space<vmem>>
    %dma_start3A_183 = tpu.memref_squeeze %dma_start3A_182 : memref<1x125x16xf32, #tpu.memory_space<vmem>> -> memref<125x16xf32, #tpu.memory_space<vmem>>
    %dma_start3A_184 = arith.constant 0 : i32
    %dma_start3A_185 = tpu.memref_slice %arg7[%dma_start3A_177, %dma_start3A_178, %dma_start3A_184] : memref<2x16x125xi32, #tpu.memory_space<vmem>> -> memref<1x1x125xi32, #tpu.memory_space<vmem>>
    %dma_start3A_186 = tpu.memref_squeeze %dma_start3A_185 : memref<1x1x125xi32, #tpu.memory_space<vmem>> -> memref<125xi32, #tpu.memory_space<vmem>>
    %dma_start3A_187 = arith.constant 0 : i32
    %dma_start3A_188 = arith.constant 0 : i32
    %dma_start3A_189 = tpu.memref_slice %arg2[%arg0, %dma_start3A_187, %dma_start3A_188] : memref<2x50000x16xf32, #tpu.memory_space<hbm>> -> memref<1x50000x16xf32, #tpu.memory_space<hbm>>
    %dma_start3A_190 = tpu.memref_squeeze %dma_start3A_189 : memref<1x50000x16xf32, #tpu.memory_space<hbm>> -> memref<50000x16xf32, #tpu.memory_space<hbm>>
    %dma_start3A_191 = arith.constant 0 : i32
    %dma_start3A_192 = arith.constant 0 : i32
    %dma_start3A_193 = tpu.memref_slice %dma_start3A_190[%dma_start3A_191, %dma_start3A_192] : memref<50000x16xf32, #tpu.memory_space<hbm>> -> memref<50000x16xf32, #tpu.memory_space<hbm>>
    tpu.enqueue_indirect_dma source(%dma_start3A_193 : memref<50000x16xf32, #tpu.memory_space<hbm>>) target(%dma_start3A_183 : memref<125x16xf32, #tpu.memory_space<vmem>>) offsets(%dma_start3A_186 : memref<125xi32, #tpu.memory_space<vmem>>) semaphore(%arg11 : memref<!tpu.dma_semaphore, #tpu.memory_space<semaphore_mem>>)
    %dma_start3A_194 = arith.constant 0 : i32
    %dma_start3A_195 = arith.constant 8 : i32
    %dma_start3A_196 = arith.constant 0 : i32
    %dma_start3A_197 = arith.constant 1000 : i32
    %dma_start3A_198 = arith.constant 0 : i32
    %dma_start3A_199 = tpu.memref_slice %arg9[%dma_start3A_196, %dma_start3A_197, %dma_start3A_198] : memref<2x2000x16xf32, #tpu.memory_space<vmem>> -> memref<1x125x16xf32, #tpu.memory_space<vmem>>
    %dma_start3A_200 = tpu.memref_squeeze %dma_start3A_199 : memref<1x125x16xf32, #tpu.memory_space<vmem>> -> memref<125x16xf32, #tpu.memory_space<vmem>>
    %dma_start3A_201 = arith.constant 0 : i32
    %dma_start3A_202 = tpu.memref_slice %arg7[%dma_start3A_194, %dma_start3A_195, %dma_start3A_201] : memref<2x16x125xi32, #tpu.memory_space<vmem>> -> memref<1x1x125xi32, #tpu.memory_space<vmem>>
    %dma_start3A_203 = tpu.memref_squeeze %dma_start3A_202 : memref<1x1x125xi32, #tpu.memory_space<vmem>> -> memref<125xi32, #tpu.memory_space<vmem>>
    %dma_start3A_204 = arith.constant 0 : i32
    %dma_start3A_205 = arith.constant 0 : i32
    %dma_start3A_206 = tpu.memref_slice %arg2[%arg0, %dma_start3A_204, %dma_start3A_205] : memref<2x50000x16xf32, #tpu.memory_space<hbm>> -> memref<1x50000x16xf32, #tpu.memory_space<hbm>>
    %dma_start3A_207 = tpu.memref_squeeze %dma_start3A_206 : memref<1x50000x16xf32, #tpu.memory_space<hbm>> -> memref<50000x16xf32, #tpu.memory_space<hbm>>
    %dma_start3A_208 = arith.constant 0 : i32
    %dma_start3A_209 = arith.constant 0 : i32
    %dma_start3A_210 = tpu.memref_slice %dma_start3A_207[%dma_start3A_208, %dma_start3A_209] : memref<50000x16xf32, #tpu.memory_space<hbm>> -> memref<50000x16xf32, #tpu.memory_space<hbm>>
    tpu.enqueue_indirect_dma source(%dma_start3A_210 : memref<50000x16xf32, #tpu.memory_space<hbm>>) target(%dma_start3A_200 : memref<125x16xf32, #tpu.memory_space<vmem>>) offsets(%dma_start3A_203 : memref<125xi32, #tpu.memory_space<vmem>>) semaphore(%arg11 : memref<!tpu.dma_semaphore, #tpu.memory_space<semaphore_mem>>)
    %dma_start3A_211 = arith.constant 0 : i32
    %dma_start3A_212 = arith.constant 9 : i32
    %dma_start3A_213 = arith.constant 0 : i32
    %dma_start3A_214 = arith.constant 1125 : i32
    %dma_start3A_215 = arith.constant 0 : i32
    %dma_start3A_216 = tpu.memref_slice %arg9[%dma_start3A_213, %dma_start3A_214, %dma_start3A_215] : memref<2x2000x16xf32, #tpu.memory_space<vmem>> -> memref<1x125x16xf32, #tpu.memory_space<vmem>>
    %dma_start3A_217 = tpu.memref_squeeze %dma_start3A_216 : memref<1x125x16xf32, #tpu.memory_space<vmem>> -> memref<125x16xf32, #tpu.memory_space<vmem>>
    %dma_start3A_218 = arith.constant 0 : i32
    %dma_start3A_219 = tpu.memref_slice %arg7[%dma_start3A_211, %dma_start3A_212, %dma_start3A_218] : memref<2x16x125xi32, #tpu.memory_space<vmem>> -> memref<1x1x125xi32, #tpu.memory_space<vmem>>
    %dma_start3A_220 = tpu.memref_squeeze %dma_start3A_219 : memref<1x1x125xi32, #tpu.memory_space<vmem>> -> memref<125xi32, #tpu.memory_space<vmem>>
    %dma_start3A_221 = arith.constant 0 : i32
    %dma_start3A_222 = arith.constant 0 : i32
    %dma_start3A_223 = tpu.memref_slice %arg2[%arg0, %dma_start3A_221, %dma_start3A_222] : memref<2x50000x16xf32, #tpu.memory_space<hbm>> -> memref<1x50000x16xf32, #tpu.memory_space<hbm>>
    %dma_start3A_224 = tpu.memref_squeeze %dma_start3A_223 : memref<1x50000x16xf32, #tpu.memory_space<hbm>> -> memref<50000x16xf32, #tpu.memory_space<hbm>>
    %dma_start3A_225 = arith.constant 0 : i32
    %dma_start3A_226 = arith.constant 0 : i32
    %dma_start3A_227 = tpu.memref_slice %dma_start3A_224[%dma_start3A_225, %dma_start3A_226] : memref<50000x16xf32, #tpu.memory_space<hbm>> -> memref<50000x16xf32, #tpu.memory_space<hbm>>
    tpu.enqueue_indirect_dma source(%dma_start3A_227 : memref<50000x16xf32, #tpu.memory_space<hbm>>) target(%dma_start3A_217 : memref<125x16xf32, #tpu.memory_space<vmem>>) offsets(%dma_start3A_220 : memref<125xi32, #tpu.memory_space<vmem>>) semaphore(%arg11 : memref<!tpu.dma_semaphore, #tpu.memory_space<semaphore_mem>>)
    %dma_start3A_228 = arith.constant 0 : i32
    %dma_start3A_229 = arith.constant 10 : i32
    %dma_start3A_230 = arith.constant 0 : i32
    %dma_start3A_231 = arith.constant 1250 : i32
    %dma_start3A_232 = arith.constant 0 : i32
    %dma_start3A_233 = tpu.memref_slice %arg9[%dma_start3A_230, %dma_start3A_231, %dma_start3A_232] : memref<2x2000x16xf32, #tpu.memory_space<vmem>> -> memref<1x125x16xf32, #tpu.memory_space<vmem>>
    %dma_start3A_234 = tpu.memref_squeeze %dma_start3A_233 : memref<1x125x16xf32, #tpu.memory_space<vmem>> -> memref<125x16xf32, #tpu.memory_space<vmem>>
    %dma_start3A_235 = arith.constant 0 : i32
    %dma_start3A_236 = tpu.memref_slice %arg7[%dma_start3A_228, %dma_start3A_229, %dma_start3A_235] : memref<2x16x125xi32, #tpu.memory_space<vmem>> -> memref<1x1x125xi32, #tpu.memory_space<vmem>>
    %dma_start3A_237 = tpu.memref_squeeze %dma_start3A_236 : memref<1x1x125xi32, #tpu.memory_space<vmem>> -> memref<125xi32, #tpu.memory_space<vmem>>
    %dma_start3A_238 = arith.constant 0 : i32
    %dma_start3A_239 = arith.constant 0 : i32
    %dma_start3A_240 = tpu.memref_slice %arg2[%arg0, %dma_start3A_238, %dma_start3A_239] : memref<2x50000x16xf32, #tpu.memory_space<hbm>> -> memref<1x50000x16xf32, #tpu.memory_space<hbm>>
    %dma_start3A_241 = tpu.memref_squeeze %dma_start3A_240 : memref<1x50000x16xf32, #tpu.memory_space<hbm>> -> memref<50000x16xf32, #tpu.memory_space<hbm>>
    %dma_start3A_242 = arith.constant 0 : i32
    %dma_start3A_243 = arith.constant 0 : i32
    %dma_start3A_244 = tpu.memref_slice %dma_start3A_241[%dma_start3A_242, %dma_start3A_243] : memref<50000x16xf32, #tpu.memory_space<hbm>> -> memref<50000x16xf32, #tpu.memory_space<hbm>>
    tpu.enqueue_indirect_dma source(%dma_start3A_244 : memref<50000x16xf32, #tpu.memory_space<hbm>>) target(%dma_start3A_234 : memref<125x16xf32, #tpu.memory_space<vmem>>) offsets(%dma_start3A_237 : memref<125xi32, #tpu.memory_space<vmem>>) semaphore(%arg11 : memref<!tpu.dma_semaphore, #tpu.memory_space<semaphore_mem>>)
    %dma_start3A_245 = arith.constant 0 : i32
    %dma_start3A_246 = arith.constant 11 : i32
    %dma_start3A_247 = arith.constant 0 : i32
    %dma_start3A_248 = arith.constant 1375 : i32
    %dma_start3A_249 = arith.constant 0 : i32
    %dma_start3A_250 = tpu.memref_slice %arg9[%dma_start3A_247, %dma_start3A_248, %dma_start3A_249] : memref<2x2000x16xf32, #tpu.memory_space<vmem>> -> memref<1x125x16xf32, #tpu.memory_space<vmem>>
    %dma_start3A_251 = tpu.memref_squeeze %dma_start3A_250 : memref<1x125x16xf32, #tpu.memory_space<vmem>> -> memref<125x16xf32, #tpu.memory_space<vmem>>
    %dma_start3A_252 = arith.constant 0 : i32
    %dma_start3A_253 = tpu.memref_slice %arg7[%dma_start3A_245, %dma_start3A_246, %dma_start3A_252] : memref<2x16x125xi32, #tpu.memory_space<vmem>> -> memref<1x1x125xi32, #tpu.memory_space<vmem>>
    %dma_start3A_254 = tpu.memref_squeeze %dma_start3A_253 : memref<1x1x125xi32, #tpu.memory_space<vmem>> -> memref<125xi32, #tpu.memory_space<vmem>>
    %dma_start3A_255 = arith.constant 0 : i32
    %dma_start3A_256 = arith.constant 0 : i32
    %dma_start3A_257 = tpu.memref_slice %arg2[%arg0, %dma_start3A_255, %dma_start3A_256] : memref<2x50000x16xf32, #tpu.memory_space<hbm>> -> memref<1x50000x16xf32, #tpu.memory_space<hbm>>
    %dma_start3A_258 = tpu.memref_squeeze %dma_start3A_257 : memref<1x50000x16xf32, #tpu.memory_space<hbm>> -> memref<50000x16xf32, #tpu.memory_space<hbm>>
    %dma_start3A_259 = arith.constant 0 : i32
    %dma_start3A_260 = arith.constant 0 : i32
    %dma_start3A_261 = tpu.memref_slice %dma_start3A_258[%dma_start3A_259, %dma_start3A_260] : memref<50000x16xf32, #tpu.memory_space<hbm>> -> memref<50000x16xf32, #tpu.memory_space<hbm>>
    tpu.enqueue_indirect_dma source(%dma_start3A_261 : memref<50000x16xf32, #tpu.memory_space<hbm>>) target(%dma_start3A_251 : memref<125x16xf32, #tpu.memory_space<vmem>>) offsets(%dma_start3A_254 : memref<125xi32, #tpu.memory_space<vmem>>) semaphore(%arg11 : memref<!tpu.dma_semaphore, #tpu.memory_space<semaphore_mem>>)
    %dma_start3A_262 = arith.constant 0 : i32
    %dma_start3A_263 = arith.constant 12 : i32
    %dma_start3A_264 = arith.constant 0 : i32
    %dma_start3A_265 = arith.constant 1500 : i32
    %dma_start3A_266 = arith.constant 0 : i32
    %dma_start3A_267 = tpu.memref_slice %arg9[%dma_start3A_264, %dma_start3A_265, %dma_start3A_266] : memref<2x2000x16xf32, #tpu.memory_space<vmem>> -> memref<1x125x16xf32, #tpu.memory_space<vmem>>
    %dma_start3A_268 = tpu.memref_squeeze %dma_start3A_267 : memref<1x125x16xf32, #tpu.memory_space<vmem>> -> memref<125x16xf32, #tpu.memory_space<vmem>>
    %dma_start3A_269 = arith.constant 0 : i32
    %dma_start3A_270 = tpu.memref_slice %arg7[%dma_start3A_262, %dma_start3A_263, %dma_start3A_269] : memref<2x16x125xi32, #tpu.memory_space<vmem>> -> memref<1x1x125xi32, #tpu.memory_space<vmem>>
    %dma_start3A_271 = tpu.memref_squeeze %dma_start3A_270 : memref<1x1x125xi32, #tpu.memory_space<vmem>> -> memref<125xi32, #tpu.memory_space<vmem>>
    %dma_start3A_272 = arith.constant 0 : i32
    %dma_start3A_273 = arith.constant 0 : i32
    %dma_start3A_274 = tpu.memref_slice %arg2[%arg0, %dma_start3A_272, %dma_start3A_273] : memref<2x50000x16xf32, #tpu.memory_space<hbm>> -> memref<1x50000x16xf32, #tpu.memory_space<hbm>>
    %dma_start3A_275 = tpu.memref_squeeze %dma_start3A_274 : memref<1x50000x16xf32, #tpu.memory_space<hbm>> -> memref<50000x16xf32, #tpu.memory_space<hbm>>
    %dma_start3A_276 = arith.constant 0 : i32
    %dma_start3A_277 = arith.constant 0 : i32
    %dma_start3A_278 = tpu.memref_slice %dma_start3A_275[%dma_start3A_276, %dma_start3A_277] : memref<50000x16xf32, #tpu.memory_space<hbm>> -> memref<50000x16xf32, #tpu.memory_space<hbm>>
    tpu.enqueue_indirect_dma source(%dma_start3A_278 : memref<50000x16xf32, #tpu.memory_space<hbm>>) target(%dma_start3A_268 : memref<125x16xf32, #tpu.memory_space<vmem>>) offsets(%dma_start3A_271 : memref<125xi32, #tpu.memory_space<vmem>>) semaphore(%arg11 : memref<!tpu.dma_semaphore, #tpu.memory_space<semaphore_mem>>)
    %dma_start3A_279 = arith.constant 0 : i32
    %dma_start3A_280 = arith.constant 13 : i32
    %dma_start3A_281 = arith.constant 0 : i32
    %dma_start3A_282 = arith.constant 1625 : i32
    %dma_start3A_283 = arith.constant 0 : i32
    %dma_start3A_284 = tpu.memref_slice %arg9[%dma_start3A_281, %dma_start3A_282, %dma_start3A_283] : memref<2x2000x16xf32, #tpu.memory_space<vmem>> -> memref<1x125x16xf32, #tpu.memory_space<vmem>>
    %dma_start3A_285 = tpu.memref_squeeze %dma_start3A_284 : memref<1x125x16xf32, #tpu.memory_space<vmem>> -> memref<125x16xf32, #tpu.memory_space<vmem>>
    %dma_start3A_286 = arith.constant 0 : i32
    %dma_start3A_287 = tpu.memref_slice %arg7[%dma_start3A_279, %dma_start3A_280, %dma_start3A_286] : memref<2x16x125xi32, #tpu.memory_space<vmem>> -> memref<1x1x125xi32, #tpu.memory_space<vmem>>
    %dma_start3A_288 = tpu.memref_squeeze %dma_start3A_287 : memref<1x1x125xi32, #tpu.memory_space<vmem>> -> memref<125xi32, #tpu.memory_space<vmem>>
    %dma_start3A_289 = arith.constant 0 : i32
    %dma_start3A_290 = arith.constant 0 : i32
    %dma_start3A_291 = tpu.memref_slice %arg2[%arg0, %dma_start3A_289, %dma_start3A_290] : memref<2x50000x16xf32, #tpu.memory_space<hbm>> -> memref<1x50000x16xf32, #tpu.memory_space<hbm>>
    %dma_start3A_292 = tpu.memref_squeeze %dma_start3A_291 : memref<1x50000x16xf32, #tpu.memory_space<hbm>> -> memref<50000x16xf32, #tpu.memory_space<hbm>>
    %dma_start3A_293 = arith.constant 0 : i32
    %dma_start3A_294 = arith.constant 0 : i32
    %dma_start3A_295 = tpu.memref_slice %dma_start3A_292[%dma_start3A_293, %dma_start3A_294] : memref<50000x16xf32, #tpu.memory_space<hbm>> -> memref<50000x16xf32, #tpu.memory_space<hbm>>
    tpu.enqueue_indirect_dma source(%dma_start3A_295 : memref<50000x16xf32, #tpu.memory_space<hbm>>) target(%dma_start3A_285 : memref<125x16xf32, #tpu.memory_space<vmem>>) offsets(%dma_start3A_288 : memref<125xi32, #tpu.memory_space<vmem>>) semaphore(%arg11 : memref<!tpu.dma_semaphore, #tpu.memory_space<semaphore_mem>>)
    %dma_start3A_296 = arith.constant 0 : i32
    %dma_start3A_297 = arith.constant 14 : i32
    %dma_start3A_298 = arith.constant 0 : i32
    %dma_start3A_299 = arith.constant 1750 : i32
    %dma_start3A_300 = arith.constant 0 : i32
    %dma_start3A_301 = tpu.memref_slice %arg9[%dma_start3A_298, %dma_start3A_299, %dma_start3A_300] : memref<2x2000x16xf32, #tpu.memory_space<vmem>> -> memref<1x125x16xf32, #tpu.memory_space<vmem>>
    %dma_start3A_302 = tpu.memref_squeeze %dma_start3A_301 : memref<1x125x16xf32, #tpu.memory_space<vmem>> -> memref<125x16xf32, #tpu.memory_space<vmem>>
    %dma_start3A_303 = arith.constant 0 : i32
    %dma_start3A_304 = tpu.memref_slice %arg7[%dma_start3A_296, %dma_start3A_297, %dma_start3A_303] : memref<2x16x125xi32, #tpu.memory_space<vmem>> -> memref<1x1x125xi32, #tpu.memory_space<vmem>>
    %dma_start3A_305 = tpu.memref_squeeze %dma_start3A_304 : memref<1x1x125xi32, #tpu.memory_space<vmem>> -> memref<125xi32, #tpu.memory_space<vmem>>
    %dma_start3A_306 = arith.constant 0 : i32
    %dma_start3A_307 = arith.constant 0 : i32
    %dma_start3A_308 = tpu.memref_slice %arg2[%arg0, %dma_start3A_306, %dma_start3A_307] : memref<2x50000x16xf32, #tpu.memory_space<hbm>> -> memref<1x50000x16xf32, #tpu.memory_space<hbm>>
    %dma_start3A_309 = tpu.memref_squeeze %dma_start3A_308 : memref<1x50000x16xf32, #tpu.memory_space<hbm>> -> memref<50000x16xf32, #tpu.memory_space<hbm>>
    %dma_start3A_310 = arith.constant 0 : i32
    %dma_start3A_311 = arith.constant 0 : i32
    %dma_start3A_312 = tpu.memref_slice %dma_start3A_309[%dma_start3A_310, %dma_start3A_311] : memref<50000x16xf32, #tpu.memory_space<hbm>> -> memref<50000x16xf32, #tpu.memory_space<hbm>>
    tpu.enqueue_indirect_dma source(%dma_start3A_312 : memref<50000x16xf32, #tpu.memory_space<hbm>>) target(%dma_start3A_302 : memref<125x16xf32, #tpu.memory_space<vmem>>) offsets(%dma_start3A_305 : memref<125xi32, #tpu.memory_space<vmem>>) semaphore(%arg11 : memref<!tpu.dma_semaphore, #tpu.memory_space<semaphore_mem>>)
    %dma_start3A_313 = arith.constant 0 : i32
    %dma_start3A_314 = arith.constant 15 : i32
    %dma_start3A_315 = arith.constant 0 : i32
    %dma_start3A_316 = arith.constant 1875 : i32
    %dma_start3A_317 = arith.constant 0 : i32
    %dma_start3A_318 = tpu.memref_slice %arg9[%dma_start3A_315, %dma_start3A_316, %dma_start3A_317] : memref<2x2000x16xf32, #tpu.memory_space<vmem>> -> memref<1x125x16xf32, #tpu.memory_space<vmem>>
    %dma_start3A_319 = tpu.memref_squeeze %dma_start3A_318 : memref<1x125x16xf32, #tpu.memory_space<vmem>> -> memref<125x16xf32, #tpu.memory_space<vmem>>
    %dma_start3A_320 = arith.constant 0 : i32
    %dma_start3A_321 = tpu.memref_slice %arg7[%dma_start3A_313, %dma_start3A_314, %dma_start3A_320] : memref<2x16x125xi32, #tpu.memory_space<vmem>> -> memref<1x1x125xi32, #tpu.memory_space<vmem>>
    %dma_start3A_322 = tpu.memref_squeeze %dma_start3A_321 : memref<1x1x125xi32, #tpu.memory_space<vmem>> -> memref<125xi32, #tpu.memory_space<vmem>>
    %dma_start3A_323 = arith.constant 0 : i32
    %dma_start3A_324 = arith.constant 0 : i32
    %dma_start3A_325 = tpu.memref_slice %arg2[%arg0, %dma_start3A_323, %dma_start3A_324] : memref<2x50000x16xf32, #tpu.memory_space<hbm>> -> memref<1x50000x16xf32, #tpu.memory_space<hbm>>
    %dma_start3A_326 = tpu.memref_squeeze %dma_start3A_325 : memref<1x50000x16xf32, #tpu.memory_space<hbm>> -> memref<50000x16xf32, #tpu.memory_space<hbm>>
    %dma_start3A_327 = arith.constant 0 : i32
    %dma_start3A_328 = arith.constant 0 : i32
    %dma_start3A_329 = tpu.memref_slice %dma_start3A_326[%dma_start3A_327, %dma_start3A_328] : memref<50000x16xf32, #tpu.memory_space<hbm>> -> memref<50000x16xf32, #tpu.memory_space<hbm>>
    tpu.enqueue_indirect_dma source(%dma_start3A_329 : memref<50000x16xf32, #tpu.memory_space<hbm>>) target(%dma_start3A_319 : memref<125x16xf32, #tpu.memory_space<vmem>>) offsets(%dma_start3A_322 : memref<125xi32, #tpu.memory_space<vmem>>) semaphore(%arg11 : memref<!tpu.dma_semaphore, #tpu.memory_space<semaphore_mem>>)
    %add3A_330 = arith.constant 16 : i32
    %add3A_331 = arith.addi %mul3A_2, %add3A_330 : i32
    %dma_start3A_332 = arith.constant 1 : i32
    %dma_start3A_333 = arith.constant 0 : i32
    %dma_start3A_334 = arith.constant 0 : i32
    %dma_start3A_335 = tpu.memref_slice %arg7[%dma_start3A_332, %dma_start3A_333, %dma_start3A_334] : memref<2x16x125xi32, #tpu.memory_space<vmem>> -> memref<1x16x125xi32, #tpu.memory_space<vmem>>
    %dma_start3A_336 = tpu.memref_squeeze %dma_start3A_335 : memref<1x16x125xi32, #tpu.memory_space<vmem>> -> memref<16x125xi32, #tpu.memory_space<vmem>>
    %dma_start3A_337 = arith.constant 0 : i32
    %dma_start3A_338 = tpu.memref_slice %arg3[%add3A_331, %dma_start3A_337] : memref<12800x125xi32, #tpu.memory_space<hbm>> -> memref<16x125xi32, #tpu.memory_space<hbm>>
    %dma_start3A_339 = arith.constant 0 : i32
    %dma_start3A_340 = arith.constant 0 : i32
    %dma_start3A_341 = tpu.memref_slice %arg7[%dma_start3A_332, %dma_start3A_339, %dma_start3A_340] : memref<2x16x125xi32, #tpu.memory_space<vmem>> -> memref<1x16x125xi32, #tpu.memory_space<vmem>>
    %dma_start3A_342 = tpu.memref_squeeze %dma_start3A_341 : memref<1x16x125xi32, #tpu.memory_space<vmem>> -> memref<16x125xi32, #tpu.memory_space<vmem>>
    %dma_start3A_343 = arith.constant 0 : i32
    %dma_start3A_344 = tpu.memref_slice %arg3[%add3A_331, %dma_start3A_343] : memref<12800x125xi32, #tpu.memory_space<hbm>> -> memref<16x125xi32, #tpu.memory_space<hbm>>
    tpu.enqueue_dma source(%dma_start3A_344 : memref<16x125xi32, #tpu.memory_space<hbm>>) target(%dma_start3A_342 : memref<16x125xi32, #tpu.memory_space<vmem>>) target_semaphore(%arg12 : memref<!tpu.dma_semaphore, #tpu.memory_space<semaphore_mem>>)
    %dma_start3A_345 = arith.constant 1 : i32
    %dma_start3A_346 = arith.constant 0 : i32
    %dma_start3A_347 = arith.constant 0 : i32
    %dma_start3A_348 = tpu.memref_slice %arg8[%dma_start3A_345, %dma_start3A_346, %dma_start3A_347] : memref<2x16x125xi32, #tpu.memory_space<vmem>> -> memref<1x16x125xi32, #tpu.memory_space<vmem>>
    %dma_start3A_349 = tpu.memref_squeeze %dma_start3A_348 : memref<1x16x125xi32, #tpu.memory_space<vmem>> -> memref<16x125xi32, #tpu.memory_space<vmem>>
    %dma_start3A_350 = arith.constant 0 : i32
    %dma_start3A_351 = tpu.memref_slice %arg4[%add3A_331, %dma_start3A_350] : memref<12800x125xi32, #tpu.memory_space<hbm>> -> memref<16x125xi32, #tpu.memory_space<hbm>>
    %dma_start3A_352 = arith.constant 0 : i32
    %dma_start3A_353 = arith.constant 0 : i32
    %dma_start3A_354 = tpu.memref_slice %arg8[%dma_start3A_345, %dma_start3A_352, %dma_start3A_353] : memref<2x16x125xi32, #tpu.memory_space<vmem>> -> memref<1x16x125xi32, #tpu.memory_space<vmem>>
    %dma_start3A_355 = tpu.memref_squeeze %dma_start3A_354 : memref<1x16x125xi32, #tpu.memory_space<vmem>> -> memref<16x125xi32, #tpu.memory_space<vmem>>
    %dma_start3A_356 = arith.constant 0 : i32
    %dma_start3A_357 = tpu.memref_slice %arg4[%add3A_331, %dma_start3A_356] : memref<12800x125xi32, #tpu.memory_space<hbm>> -> memref<16x125xi32, #tpu.memory_space<hbm>>
    tpu.enqueue_dma source(%dma_start3A_357 : memref<16x125xi32, #tpu.memory_space<hbm>>) target(%dma_start3A_355 : memref<16x125xi32, #tpu.memory_space<vmem>>) target_semaphore(%arg12 : memref<!tpu.dma_semaphore, #tpu.memory_space<semaphore_mem>>)
    %scan3A = arith.constant 0 : i32
    %scan3A_358 = arith.constant 25 : i32
    %scan3A_359 = arith.addi %scan3A, %scan3A_358 : i32
    %scan3A_360 = arith.constant 1 : i32
    scf.for %scan3A_368 = %scan3A to %scan3A_359 step %scan3A_360  : i32 {
      %mul3A_369 = arith.constant 1 : i32
      %mul3A_370 = arith.muli %scan3A_368, %mul3A_369 : i32
      %add3A_371 = arith.constant 0 : i32
      %add3A_372 = arith.addi %add3A_371, %mul3A_370 : i32
      %mul3A_373 = arith.constant 2 : i32
      %mul3A_374 = arith.muli %add3A_372, %mul3A_373 : i32
      %add3A_375 = arith.constant 0 : i32
      %add3A_376 = arith.addi %mul3A_374, %add3A_375 : i32
      %add3A_377 = arith.constant 1 : i32
      %add3A_378 = arith.addi %add3A_376, %add3A_377 : i32
      %lt3A_379 = arith.constant 50 : i32
      %lt3A_380 = arith.cmpi slt, %add3A_378, %lt3A_379 : i32
      %convert_element_type3A_381 = arith.extui %lt3A_380 : i1 to i32
      %cond3A_382 = arith.constant 0 : i32
      %cond3A_383 = arith.cmpi ne, %convert_element_type3A_381, %cond3A_382 : i32
      scf.if %cond3A_383 {
        %dma_wait3A_1785 = arith.constant 1 : i32
        %dma_wait3A_1786 = arith.constant 0 : i32
        %dma_wait3A_1787 = arith.constant 0 : i32
        %dma_wait3A_1788 = tpu.memref_slice %arg7[%dma_wait3A_1785, %dma_wait3A_1786, %dma_wait3A_1787] : memref<2x16x125xi32, #tpu.memory_space<vmem>> -> memref<1x16x125xi32, #tpu.memory_space<vmem>>
        %dma_wait3A_1789 = tpu.memref_squeeze %dma_wait3A_1788 : memref<1x16x125xi32, #tpu.memory_space<vmem>> -> memref<16x125xi32, #tpu.memory_space<vmem>>
        %dma_wait3A_1790 = arith.constant 0 : i32
        %dma_wait3A_1791 = arith.constant 0 : i32
        %dma_wait3A_1792 = tpu.memref_slice %arg3[%dma_wait3A_1790, %dma_wait3A_1791] : memref<12800x125xi32, #tpu.memory_space<hbm>> -> memref<16x125xi32, #tpu.memory_space<hbm>>
        %dma_wait3A_1793 = arith.constant 0 : i32
        %dma_wait3A_1794 = arith.constant 0 : i32
        %dma_wait3A_1795 = tpu.memref_slice %arg7[%dma_wait3A_1785, %dma_wait3A_1793, %dma_wait3A_1794] : memref<2x16x125xi32, #tpu.memory_space<vmem>> -> memref<1x16x125xi32, #tpu.memory_space<vmem>>
        %dma_wait3A_1796 = tpu.memref_squeeze %dma_wait3A_1795 : memref<1x16x125xi32, #tpu.memory_space<vmem>> -> memref<16x125xi32, #tpu.memory_space<vmem>>
        %dma_wait3A_1797 = arith.constant 0 : i32
        %dma_wait3A_1798 = arith.constant 0 : i32
        %dma_wait3A_1799 = tpu.memref_slice %arg3[%dma_wait3A_1797, %dma_wait3A_1798] : memref<12800x125xi32, #tpu.memory_space<hbm>> -> memref<16x125xi32, #tpu.memory_space<hbm>>
        tpu.wait_dma2 semaphore(%arg12 : memref<!tpu.dma_semaphore, #tpu.memory_space<semaphore_mem>>) src(%dma_wait3A_1799 : memref<16x125xi32, #tpu.memory_space<hbm>>) dst(%dma_wait3A_1796 : memref<16x125xi32, #tpu.memory_space<vmem>>)
        %dma_wait3A_1800 = arith.constant 1 : i32
        %dma_wait3A_1801 = arith.constant 0 : i32
        %dma_wait3A_1802 = arith.constant 0 : i32
        %dma_wait3A_1803 = tpu.memref_slice %arg8[%dma_wait3A_1800, %dma_wait3A_1801, %dma_wait3A_1802] : memref<2x16x125xi32, #tpu.memory_space<vmem>> -> memref<1x16x125xi32, #tpu.memory_space<vmem>>
        %dma_wait3A_1804 = tpu.memref_squeeze %dma_wait3A_1803 : memref<1x16x125xi32, #tpu.memory_space<vmem>> -> memref<16x125xi32, #tpu.memory_space<vmem>>
        %dma_wait3A_1805 = arith.constant 0 : i32
        %dma_wait3A_1806 = arith.constant 0 : i32
        %dma_wait3A_1807 = tpu.memref_slice %arg4[%dma_wait3A_1805, %dma_wait3A_1806] : memref<12800x125xi32, #tpu.memory_space<hbm>> -> memref<16x125xi32, #tpu.memory_space<hbm>>
        %dma_wait3A_1808 = arith.constant 0 : i32
        %dma_wait3A_1809 = arith.constant 0 : i32
        %dma_wait3A_1810 = tpu.memref_slice %arg8[%dma_wait3A_1800, %dma_wait3A_1808, %dma_wait3A_1809] : memref<2x16x125xi32, #tpu.memory_space<vmem>> -> memref<1x16x125xi32, #tpu.memory_space<vmem>>
        %dma_wait3A_1811 = tpu.memref_squeeze %dma_wait3A_1810 : memref<1x16x125xi32, #tpu.memory_space<vmem>> -> memref<16x125xi32, #tpu.memory_space<vmem>>
        %dma_wait3A_1812 = arith.constant 0 : i32
        %dma_wait3A_1813 = arith.constant 0 : i32
        %dma_wait3A_1814 = tpu.memref_slice %arg4[%dma_wait3A_1812, %dma_wait3A_1813] : memref<12800x125xi32, #tpu.memory_space<hbm>> -> memref<16x125xi32, #tpu.memory_space<hbm>>
        tpu.wait_dma2 semaphore(%arg12 : memref<!tpu.dma_semaphore, #tpu.memory_space<semaphore_mem>>) src(%dma_wait3A_1814 : memref<16x125xi32, #tpu.memory_space<hbm>>) dst(%dma_wait3A_1811 : memref<16x125xi32, #tpu.memory_space<vmem>>)
        %dma_start3A_1815 = arith.constant 1 : i32
        %dma_start3A_1816 = arith.constant 0 : i32
        %dma_start3A_1817 = arith.constant 1 : i32
        %dma_start3A_1818 = arith.constant 0 : i32
        %dma_start3A_1819 = arith.constant 0 : i32
        %dma_start3A_1820 = tpu.memref_slice %arg9[%dma_start3A_1817, %dma_start3A_1818, %dma_start3A_1819] : memref<2x2000x16xf32, #tpu.memory_space<vmem>> -> memref<1x125x16xf32, #tpu.memory_space<vmem>>
        %dma_start3A_1821 = tpu.memref_squeeze %dma_start3A_1820 : memref<1x125x16xf32, #tpu.memory_space<vmem>> -> memref<125x16xf32, #tpu.memory_space<vmem>>
        %dma_start3A_1822 = arith.constant 0 : i32
        %dma_start3A_1823 = tpu.memref_slice %arg7[%dma_start3A_1815, %dma_start3A_1816, %dma_start3A_1822] : memref<2x16x125xi32, #tpu.memory_space<vmem>> -> memref<1x1x125xi32, #tpu.memory_space<vmem>>
        %dma_start3A_1824 = tpu.memref_squeeze %dma_start3A_1823 : memref<1x1x125xi32, #tpu.memory_space<vmem>> -> memref<125xi32, #tpu.memory_space<vmem>>
        %dma_start3A_1825 = arith.constant 0 : i32
        %dma_start3A_1826 = arith.constant 0 : i32
        %dma_start3A_1827 = tpu.memref_slice %arg2[%arg0, %dma_start3A_1825, %dma_start3A_1826] : memref<2x50000x16xf32, #tpu.memory_space<hbm>> -> memref<1x50000x16xf32, #tpu.memory_space<hbm>>
        %dma_start3A_1828 = tpu.memref_squeeze %dma_start3A_1827 : memref<1x50000x16xf32, #tpu.memory_space<hbm>> -> memref<50000x16xf32, #tpu.memory_space<hbm>>
        %dma_start3A_1829 = arith.constant 0 : i32
        %dma_start3A_1830 = arith.constant 0 : i32
        %dma_start3A_1831 = tpu.memref_slice %dma_start3A_1828[%dma_start3A_1829, %dma_start3A_1830] : memref<50000x16xf32, #tpu.memory_space<hbm>> -> memref<50000x16xf32, #tpu.memory_space<hbm>>
        tpu.enqueue_indirect_dma source(%dma_start3A_1831 : memref<50000x16xf32, #tpu.memory_space<hbm>>) target(%dma_start3A_1821 : memref<125x16xf32, #tpu.memory_space<vmem>>) offsets(%dma_start3A_1824 : memref<125xi32, #tpu.memory_space<vmem>>) semaphore(%arg11 : memref<!tpu.dma_semaphore, #tpu.memory_space<semaphore_mem>>)
        %dma_start3A_1832 = arith.constant 1 : i32
        %dma_start3A_1833 = arith.constant 1 : i32
        %dma_start3A_1834 = arith.constant 1 : i32
        %dma_start3A_1835 = arith.constant 125 : i32
        %dma_start3A_1836 = arith.constant 0 : i32
        %dma_start3A_1837 = tpu.memref_slice %arg9[%dma_start3A_1834, %dma_start3A_1835, %dma_start3A_1836] : memref<2x2000x16xf32, #tpu.memory_space<vmem>> -> memref<1x125x16xf32, #tpu.memory_space<vmem>>
        %dma_start3A_1838 = tpu.memref_squeeze %dma_start3A_1837 : memref<1x125x16xf32, #tpu.memory_space<vmem>> -> memref<125x16xf32, #tpu.memory_space<vmem>>
        %dma_start3A_1839 = arith.constant 0 : i32
        %dma_start3A_1840 = tpu.memref_slice %arg7[%dma_start3A_1832, %dma_start3A_1833, %dma_start3A_1839] : memref<2x16x125xi32, #tpu.memory_space<vmem>> -> memref<1x1x125xi32, #tpu.memory_space<vmem>>
        %dma_start3A_1841 = tpu.memref_squeeze %dma_start3A_1840 : memref<1x1x125xi32, #tpu.memory_space<vmem>> -> memref<125xi32, #tpu.memory_space<vmem>>
        %dma_start3A_1842 = arith.constant 0 : i32
        %dma_start3A_1843 = arith.constant 0 : i32
        %dma_start3A_1844 = tpu.memref_slice %arg2[%arg0, %dma_start3A_1842, %dma_start3A_1843] : memref<2x50000x16xf32, #tpu.memory_space<hbm>> -> memref<1x50000x16xf32, #tpu.memory_space<hbm>>
        %dma_start3A_1845 = tpu.memref_squeeze %dma_start3A_1844 : memref<1x50000x16xf32, #tpu.memory_space<hbm>> -> memref<50000x16xf32, #tpu.memory_space<hbm>>
        %dma_start3A_1846 = arith.constant 0 : i32
        %dma_start3A_1847 = arith.constant 0 : i32
        %dma_start3A_1848 = tpu.memref_slice %dma_start3A_1845[%dma_start3A_1846, %dma_start3A_1847] : memref<50000x16xf32, #tpu.memory_space<hbm>> -> memref<50000x16xf32, #tpu.memory_space<hbm>>
        tpu.enqueue_indirect_dma source(%dma_start3A_1848 : memref<50000x16xf32, #tpu.memory_space<hbm>>) target(%dma_start3A_1838 : memref<125x16xf32, #tpu.memory_space<vmem>>) offsets(%dma_start3A_1841 : memref<125xi32, #tpu.memory_space<vmem>>) semaphore(%arg11 : memref<!tpu.dma_semaphore, #tpu.memory_space<semaphore_mem>>)
        %dma_start3A_1849 = arith.constant 1 : i32
        %dma_start3A_1850 = arith.constant 2 : i32
        %dma_start3A_1851 = arith.constant 1 : i32
        %dma_start3A_1852 = arith.constant 250 : i32
        %dma_start3A_1853 = arith.constant 0 : i32
        %dma_start3A_1854 = tpu.memref_slice %arg9[%dma_start3A_1851, %dma_start3A_1852, %dma_start3A_1853] : memref<2x2000x16xf32, #tpu.memory_space<vmem>> -> memref<1x125x16xf32, #tpu.memory_space<vmem>>
        %dma_start3A_1855 = tpu.memref_squeeze %dma_start3A_1854 : memref<1x125x16xf32, #tpu.memory_space<vmem>> -> memref<125x16xf32, #tpu.memory_space<vmem>>
        %dma_start3A_1856 = arith.constant 0 : i32
        %dma_start3A_1857 = tpu.memref_slice %arg7[%dma_start3A_1849, %dma_start3A_1850, %dma_start3A_1856] : memref<2x16x125xi32, #tpu.memory_space<vmem>> -> memref<1x1x125xi32, #tpu.memory_space<vmem>>
        %dma_start3A_1858 = tpu.memref_squeeze %dma_start3A_1857 : memref<1x1x125xi32, #tpu.memory_space<vmem>> -> memref<125xi32, #tpu.memory_space<vmem>>
        %dma_start3A_1859 = arith.constant 0 : i32
        %dma_start3A_1860 = arith.constant 0 : i32
        %dma_start3A_1861 = tpu.memref_slice %arg2[%arg0, %dma_start3A_1859, %dma_start3A_1860] : memref<2x50000x16xf32, #tpu.memory_space<hbm>> -> memref<1x50000x16xf32, #tpu.memory_space<hbm>>
        %dma_start3A_1862 = tpu.memref_squeeze %dma_start3A_1861 : memref<1x50000x16xf32, #tpu.memory_space<hbm>> -> memref<50000x16xf32, #tpu.memory_space<hbm>>
        %dma_start3A_1863 = arith.constant 0 : i32
        %dma_start3A_1864 = arith.constant 0 : i32
        %dma_start3A_1865 = tpu.memref_slice %dma_start3A_1862[%dma_start3A_1863, %dma_start3A_1864] : memref<50000x16xf32, #tpu.memory_space<hbm>> -> memref<50000x16xf32, #tpu.memory_space<hbm>>
        tpu.enqueue_indirect_dma source(%dma_start3A_1865 : memref<50000x16xf32, #tpu.memory_space<hbm>>) target(%dma_start3A_1855 : memref<125x16xf32, #tpu.memory_space<vmem>>) offsets(%dma_start3A_1858 : memref<125xi32, #tpu.memory_space<vmem>>) semaphore(%arg11 : memref<!tpu.dma_semaphore, #tpu.memory_space<semaphore_mem>>)
        %dma_start3A_1866 = arith.constant 1 : i32
        %dma_start3A_1867 = arith.constant 3 : i32
        %dma_start3A_1868 = arith.constant 1 : i32
        %dma_start3A_1869 = arith.constant 375 : i32
        %dma_start3A_1870 = arith.constant 0 : i32
        %dma_start3A_1871 = tpu.memref_slice %arg9[%dma_start3A_1868, %dma_start3A_1869, %dma_start3A_1870] : memref<2x2000x16xf32, #tpu.memory_space<vmem>> -> memref<1x125x16xf32, #tpu.memory_space<vmem>>
        %dma_start3A_1872 = tpu.memref_squeeze %dma_start3A_1871 : memref<1x125x16xf32, #tpu.memory_space<vmem>> -> memref<125x16xf32, #tpu.memory_space<vmem>>
        %dma_start3A_1873 = arith.constant 0 : i32
        %dma_start3A_1874 = tpu.memref_slice %arg7[%dma_start3A_1866, %dma_start3A_1867, %dma_start3A_1873] : memref<2x16x125xi32, #tpu.memory_space<vmem>> -> memref<1x1x125xi32, #tpu.memory_space<vmem>>
        %dma_start3A_1875 = tpu.memref_squeeze %dma_start3A_1874 : memref<1x1x125xi32, #tpu.memory_space<vmem>> -> memref<125xi32, #tpu.memory_space<vmem>>
        %dma_start3A_1876 = arith.constant 0 : i32
        %dma_start3A_1877 = arith.constant 0 : i32
        %dma_start3A_1878 = tpu.memref_slice %arg2[%arg0, %dma_start3A_1876, %dma_start3A_1877] : memref<2x50000x16xf32, #tpu.memory_space<hbm>> -> memref<1x50000x16xf32, #tpu.memory_space<hbm>>
        %dma_start3A_1879 = tpu.memref_squeeze %dma_start3A_1878 : memref<1x50000x16xf32, #tpu.memory_space<hbm>> -> memref<50000x16xf32, #tpu.memory_space<hbm>>
        %dma_start3A_1880 = arith.constant 0 : i32
        %dma_start3A_1881 = arith.constant 0 : i32
        %dma_start3A_1882 = tpu.memref_slice %dma_start3A_1879[%dma_start3A_1880, %dma_start3A_1881] : memref<50000x16xf32, #tpu.memory_space<hbm>> -> memref<50000x16xf32, #tpu.memory_space<hbm>>
        tpu.enqueue_indirect_dma source(%dma_start3A_1882 : memref<50000x16xf32, #tpu.memory_space<hbm>>) target(%dma_start3A_1872 : memref<125x16xf32, #tpu.memory_space<vmem>>) offsets(%dma_start3A_1875 : memref<125xi32, #tpu.memory_space<vmem>>) semaphore(%arg11 : memref<!tpu.dma_semaphore, #tpu.memory_space<semaphore_mem>>)
        %dma_start3A_1883 = arith.constant 1 : i32
        %dma_start3A_1884 = arith.constant 4 : i32
        %dma_start3A_1885 = arith.constant 1 : i32
        %dma_start3A_1886 = arith.constant 500 : i32
        %dma_start3A_1887 = arith.constant 0 : i32
        %dma_start3A_1888 = tpu.memref_slice %arg9[%dma_start3A_1885, %dma_start3A_1886, %dma_start3A_1887] : memref<2x2000x16xf32, #tpu.memory_space<vmem>> -> memref<1x125x16xf32, #tpu.memory_space<vmem>>
        %dma_start3A_1889 = tpu.memref_squeeze %dma_start3A_1888 : memref<1x125x16xf32, #tpu.memory_space<vmem>> -> memref<125x16xf32, #tpu.memory_space<vmem>>
        %dma_start3A_1890 = arith.constant 0 : i32
        %dma_start3A_1891 = tpu.memref_slice %arg7[%dma_start3A_1883, %dma_start3A_1884, %dma_start3A_1890] : memref<2x16x125xi32, #tpu.memory_space<vmem>> -> memref<1x1x125xi32, #tpu.memory_space<vmem>>
        %dma_start3A_1892 = tpu.memref_squeeze %dma_start3A_1891 : memref<1x1x125xi32, #tpu.memory_space<vmem>> -> memref<125xi32, #tpu.memory_space<vmem>>
        %dma_start3A_1893 = arith.constant 0 : i32
        %dma_start3A_1894 = arith.constant 0 : i32
        %dma_start3A_1895 = tpu.memref_slice %arg2[%arg0, %dma_start3A_1893, %dma_start3A_1894] : memref<2x50000x16xf32, #tpu.memory_space<hbm>> -> memref<1x50000x16xf32, #tpu.memory_space<hbm>>
        %dma_start3A_1896 = tpu.memref_squeeze %dma_start3A_1895 : memref<1x50000x16xf32, #tpu.memory_space<hbm>> -> memref<50000x16xf32, #tpu.memory_space<hbm>>
        %dma_start3A_1897 = arith.constant 0 : i32
        %dma_start3A_1898 = arith.constant 0 : i32
        %dma_start3A_1899 = tpu.memref_slice %dma_start3A_1896[%dma_start3A_1897, %dma_start3A_1898] : memref<50000x16xf32, #tpu.memory_space<hbm>> -> memref<50000x16xf32, #tpu.memory_space<hbm>>
        tpu.enqueue_indirect_dma source(%dma_start3A_1899 : memref<50000x16xf32, #tpu.memory_space<hbm>>) target(%dma_start3A_1889 : memref<125x16xf32, #tpu.memory_space<vmem>>) offsets(%dma_start3A_1892 : memref<125xi32, #tpu.memory_space<vmem>>) semaphore(%arg11 : memref<!tpu.dma_semaphore, #tpu.memory_space<semaphore_mem>>)
        %dma_start3A_1900 = arith.constant 1 : i32
        %dma_start3A_1901 = arith.constant 5 : i32
        %dma_start3A_1902 = arith.constant 1 : i32
        %dma_start3A_1903 = arith.constant 625 : i32
        %dma_start3A_1904 = arith.constant 0 : i32
        %dma_start3A_1905 = tpu.memref_slice %arg9[%dma_start3A_1902, %dma_start3A_1903, %dma_start3A_1904] : memref<2x2000x16xf32, #tpu.memory_space<vmem>> -> memref<1x125x16xf32, #tpu.memory_space<vmem>>
        %dma_start3A_1906 = tpu.memref_squeeze %dma_start3A_1905 : memref<1x125x16xf32, #tpu.memory_space<vmem>> -> memref<125x16xf32, #tpu.memory_space<vmem>>
        %dma_start3A_1907 = arith.constant 0 : i32
        %dma_start3A_1908 = tpu.memref_slice %arg7[%dma_start3A_1900, %dma_start3A_1901, %dma_start3A_1907] : memref<2x16x125xi32, #tpu.memory_space<vmem>> -> memref<1x1x125xi32, #tpu.memory_space<vmem>>
        %dma_start3A_1909 = tpu.memref_squeeze %dma_start3A_1908 : memref<1x1x125xi32, #tpu.memory_space<vmem>> -> memref<125xi32, #tpu.memory_space<vmem>>
        %dma_start3A_1910 = arith.constant 0 : i32
        %dma_start3A_1911 = arith.constant 0 : i32
        %dma_start3A_1912 = tpu.memref_slice %arg2[%arg0, %dma_start3A_1910, %dma_start3A_1911] : memref<2x50000x16xf32, #tpu.memory_space<hbm>> -> memref<1x50000x16xf32, #tpu.memory_space<hbm>>
        %dma_start3A_1913 = tpu.memref_squeeze %dma_start3A_1912 : memref<1x50000x16xf32, #tpu.memory_space<hbm>> -> memref<50000x16xf32, #tpu.memory_space<hbm>>
        %dma_start3A_1914 = arith.constant 0 : i32
        %dma_start3A_1915 = arith.constant 0 : i32
        %dma_start3A_1916 = tpu.memref_slice %dma_start3A_1913[%dma_start3A_1914, %dma_start3A_1915] : memref<50000x16xf32, #tpu.memory_space<hbm>> -> memref<50000x16xf32, #tpu.memory_space<hbm>>
        tpu.enqueue_indirect_dma source(%dma_start3A_1916 : memref<50000x16xf32, #tpu.memory_space<hbm>>) target(%dma_start3A_1906 : memref<125x16xf32, #tpu.memory_space<vmem>>) offsets(%dma_start3A_1909 : memref<125xi32, #tpu.memory_space<vmem>>) semaphore(%arg11 : memref<!tpu.dma_semaphore, #tpu.memory_space<semaphore_mem>>)
        %dma_start3A_1917 = arith.constant 1 : i32
        %dma_start3A_1918 = arith.constant 6 : i32
        %dma_start3A_1919 = arith.constant 1 : i32
        %dma_start3A_1920 = arith.constant 750 : i32
        %dma_start3A_1921 = arith.constant 0 : i32
        %dma_start3A_1922 = tpu.memref_slice %arg9[%dma_start3A_1919, %dma_start3A_1920, %dma_start3A_1921] : memref<2x2000x16xf32, #tpu.memory_space<vmem>> -> memref<1x125x16xf32, #tpu.memory_space<vmem>>
        %dma_start3A_1923 = tpu.memref_squeeze %dma_start3A_1922 : memref<1x125x16xf32, #tpu.memory_space<vmem>> -> memref<125x16xf32, #tpu.memory_space<vmem>>
        %dma_start3A_1924 = arith.constant 0 : i32
        %dma_start3A_1925 = tpu.memref_slice %arg7[%dma_start3A_1917, %dma_start3A_1918, %dma_start3A_1924] : memref<2x16x125xi32, #tpu.memory_space<vmem>> -> memref<1x1x125xi32, #tpu.memory_space<vmem>>
        %dma_start3A_1926 = tpu.memref_squeeze %dma_start3A_1925 : memref<1x1x125xi32, #tpu.memory_space<vmem>> -> memref<125xi32, #tpu.memory_space<vmem>>
        %dma_start3A_1927 = arith.constant 0 : i32
        %dma_start3A_1928 = arith.constant 0 : i32
        %dma_start3A_1929 = tpu.memref_slice %arg2[%arg0, %dma_start3A_1927, %dma_start3A_1928] : memref<2x50000x16xf32, #tpu.memory_space<hbm>> -> memref<1x50000x16xf32, #tpu.memory_space<hbm>>
        %dma_start3A_1930 = tpu.memref_squeeze %dma_start3A_1929 : memref<1x50000x16xf32, #tpu.memory_space<hbm>> -> memref<50000x16xf32, #tpu.memory_space<hbm>>
        %dma_start3A_1931 = arith.constant 0 : i32
        %dma_start3A_1932 = arith.constant 0 : i32
        %dma_start3A_1933 = tpu.memref_slice %dma_start3A_1930[%dma_start3A_1931, %dma_start3A_1932] : memref<50000x16xf32, #tpu.memory_space<hbm>> -> memref<50000x16xf32, #tpu.memory_space<hbm>>
        tpu.enqueue_indirect_dma source(%dma_start3A_1933 : memref<50000x16xf32, #tpu.memory_space<hbm>>) target(%dma_start3A_1923 : memref<125x16xf32, #tpu.memory_space<vmem>>) offsets(%dma_start3A_1926 : memref<125xi32, #tpu.memory_space<vmem>>) semaphore(%arg11 : memref<!tpu.dma_semaphore, #tpu.memory_space<semaphore_mem>>)
        %dma_start3A_1934 = arith.constant 1 : i32
        %dma_start3A_1935 = arith.constant 7 : i32
        %dma_start3A_1936 = arith.constant 1 : i32
        %dma_start3A_1937 = arith.constant 875 : i32
        %dma_start3A_1938 = arith.constant 0 : i32
        %dma_start3A_1939 = tpu.memref_slice %arg9[%dma_start3A_1936, %dma_start3A_1937, %dma_start3A_1938] : memref<2x2000x16xf32, #tpu.memory_space<vmem>> -> memref<1x125x16xf32, #tpu.memory_space<vmem>>
        %dma_start3A_1940 = tpu.memref_squeeze %dma_start3A_1939 : memref<1x125x16xf32, #tpu.memory_space<vmem>> -> memref<125x16xf32, #tpu.memory_space<vmem>>
        %dma_start3A_1941 = arith.constant 0 : i32
        %dma_start3A_1942 = tpu.memref_slice %arg7[%dma_start3A_1934, %dma_start3A_1935, %dma_start3A_1941] : memref<2x16x125xi32, #tpu.memory_space<vmem>> -> memref<1x1x125xi32, #tpu.memory_space<vmem>>
        %dma_start3A_1943 = tpu.memref_squeeze %dma_start3A_1942 : memref<1x1x125xi32, #tpu.memory_space<vmem>> -> memref<125xi32, #tpu.memory_space<vmem>>
        %dma_start3A_1944 = arith.constant 0 : i32
        %dma_start3A_1945 = arith.constant 0 : i32
        %dma_start3A_1946 = tpu.memref_slice %arg2[%arg0, %dma_start3A_1944, %dma_start3A_1945] : memref<2x50000x16xf32, #tpu.memory_space<hbm>> -> memref<1x50000x16xf32, #tpu.memory_space<hbm>>
        %dma_start3A_1947 = tpu.memref_squeeze %dma_start3A_1946 : memref<1x50000x16xf32, #tpu.memory_space<hbm>> -> memref<50000x16xf32, #tpu.memory_space<hbm>>
        %dma_start3A_1948 = arith.constant 0 : i32
        %dma_start3A_1949 = arith.constant 0 : i32
        %dma_start3A_1950 = tpu.memref_slice %dma_start3A_1947[%dma_start3A_1948, %dma_start3A_1949] : memref<50000x16xf32, #tpu.memory_space<hbm>> -> memref<50000x16xf32, #tpu.memory_space<hbm>>
        tpu.enqueue_indirect_dma source(%dma_start3A_1950 : memref<50000x16xf32, #tpu.memory_space<hbm>>) target(%dma_start3A_1940 : memref<125x16xf32, #tpu.memory_space<vmem>>) offsets(%dma_start3A_1943 : memref<125xi32, #tpu.memory_space<vmem>>) semaphore(%arg11 : memref<!tpu.dma_semaphore, #tpu.memory_space<semaphore_mem>>)
        %dma_start3A_1951 = arith.constant 1 : i32
        %dma_start3A_1952 = arith.constant 8 : i32
        %dma_start3A_1953 = arith.constant 1 : i32
        %dma_start3A_1954 = arith.constant 1000 : i32
        %dma_start3A_1955 = arith.constant 0 : i32
        %dma_start3A_1956 = tpu.memref_slice %arg9[%dma_start3A_1953, %dma_start3A_1954, %dma_start3A_1955] : memref<2x2000x16xf32, #tpu.memory_space<vmem>> -> memref<1x125x16xf32, #tpu.memory_space<vmem>>
        %dma_start3A_1957 = tpu.memref_squeeze %dma_start3A_1956 : memref<1x125x16xf32, #tpu.memory_space<vmem>> -> memref<125x16xf32, #tpu.memory_space<vmem>>
        %dma_start3A_1958 = arith.constant 0 : i32
        %dma_start3A_1959 = tpu.memref_slice %arg7[%dma_start3A_1951, %dma_start3A_1952, %dma_start3A_1958] : memref<2x16x125xi32, #tpu.memory_space<vmem>> -> memref<1x1x125xi32, #tpu.memory_space<vmem>>
        %dma_start3A_1960 = tpu.memref_squeeze %dma_start3A_1959 : memref<1x1x125xi32, #tpu.memory_space<vmem>> -> memref<125xi32, #tpu.memory_space<vmem>>
        %dma_start3A_1961 = arith.constant 0 : i32
        %dma_start3A_1962 = arith.constant 0 : i32
        %dma_start3A_1963 = tpu.memref_slice %arg2[%arg0, %dma_start3A_1961, %dma_start3A_1962] : memref<2x50000x16xf32, #tpu.memory_space<hbm>> -> memref<1x50000x16xf32, #tpu.memory_space<hbm>>
        %dma_start3A_1964 = tpu.memref_squeeze %dma_start3A_1963 : memref<1x50000x16xf32, #tpu.memory_space<hbm>> -> memref<50000x16xf32, #tpu.memory_space<hbm>>
        %dma_start3A_1965 = arith.constant 0 : i32
        %dma_start3A_1966 = arith.constant 0 : i32
        %dma_start3A_1967 = tpu.memref_slice %dma_start3A_1964[%dma_start3A_1965, %dma_start3A_1966] : memref<50000x16xf32, #tpu.memory_space<hbm>> -> memref<50000x16xf32, #tpu.memory_space<hbm>>
        tpu.enqueue_indirect_dma source(%dma_start3A_1967 : memref<50000x16xf32, #tpu.memory_space<hbm>>) target(%dma_start3A_1957 : memref<125x16xf32, #tpu.memory_space<vmem>>) offsets(%dma_start3A_1960 : memref<125xi32, #tpu.memory_space<vmem>>) semaphore(%arg11 : memref<!tpu.dma_semaphore, #tpu.memory_space<semaphore_mem>>)
        %dma_start3A_1968 = arith.constant 1 : i32
        %dma_start3A_1969 = arith.constant 9 : i32
        %dma_start3A_1970 = arith.constant 1 : i32
        %dma_start3A_1971 = arith.constant 1125 : i32
        %dma_start3A_1972 = arith.constant 0 : i32
        %dma_start3A_1973 = tpu.memref_slice %arg9[%dma_start3A_1970, %dma_start3A_1971, %dma_start3A_1972] : memref<2x2000x16xf32, #tpu.memory_space<vmem>> -> memref<1x125x16xf32, #tpu.memory_space<vmem>>
        %dma_start3A_1974 = tpu.memref_squeeze %dma_start3A_1973 : memref<1x125x16xf32, #tpu.memory_space<vmem>> -> memref<125x16xf32, #tpu.memory_space<vmem>>
        %dma_start3A_1975 = arith.constant 0 : i32
        %dma_start3A_1976 = tpu.memref_slice %arg7[%dma_start3A_1968, %dma_start3A_1969, %dma_start3A_1975] : memref<2x16x125xi32, #tpu.memory_space<vmem>> -> memref<1x1x125xi32, #tpu.memory_space<vmem>>
        %dma_start3A_1977 = tpu.memref_squeeze %dma_start3A_1976 : memref<1x1x125xi32, #tpu.memory_space<vmem>> -> memref<125xi32, #tpu.memory_space<vmem>>
        %dma_start3A_1978 = arith.constant 0 : i32
        %dma_start3A_1979 = arith.constant 0 : i32
        %dma_start3A_1980 = tpu.memref_slice %arg2[%arg0, %dma_start3A_1978, %dma_start3A_1979] : memref<2x50000x16xf32, #tpu.memory_space<hbm>> -> memref<1x50000x16xf32, #tpu.memory_space<hbm>>
        %dma_start3A_1981 = tpu.memref_squeeze %dma_start3A_1980 : memref<1x50000x16xf32, #tpu.memory_space<hbm>> -> memref<50000x16xf32, #tpu.memory_space<hbm>>
        %dma_start3A_1982 = arith.constant 0 : i32
        %dma_start3A_1983 = arith.constant 0 : i32
        %dma_start3A_1984 = tpu.memref_slice %dma_start3A_1981[%dma_start3A_1982, %dma_start3A_1983] : memref<50000x16xf32, #tpu.memory_space<hbm>> -> memref<50000x16xf32, #tpu.memory_space<hbm>>
        tpu.enqueue_indirect_dma source(%dma_start3A_1984 : memref<50000x16xf32, #tpu.memory_space<hbm>>) target(%dma_start3A_1974 : memref<125x16xf32, #tpu.memory_space<vmem>>) offsets(%dma_start3A_1977 : memref<125xi32, #tpu.memory_space<vmem>>) semaphore(%arg11 : memref<!tpu.dma_semaphore, #tpu.memory_space<semaphore_mem>>)
        %dma_start3A_1985 = arith.constant 1 : i32
        %dma_start3A_1986 = arith.constant 10 : i32
        %dma_start3A_1987 = arith.constant 1 : i32
        %dma_start3A_1988 = arith.constant 1250 : i32
        %dma_start3A_1989 = arith.constant 0 : i32
        %dma_start3A_1990 = tpu.memref_slice %arg9[%dma_start3A_1987, %dma_start3A_1988, %dma_start3A_1989] : memref<2x2000x16xf32, #tpu.memory_space<vmem>> -> memref<1x125x16xf32, #tpu.memory_space<vmem>>
        %dma_start3A_1991 = tpu.memref_squeeze %dma_start3A_1990 : memref<1x125x16xf32, #tpu.memory_space<vmem>> -> memref<125x16xf32, #tpu.memory_space<vmem>>
        %dma_start3A_1992 = arith.constant 0 : i32
        %dma_start3A_1993 = tpu.memref_slice %arg7[%dma_start3A_1985, %dma_start3A_1986, %dma_start3A_1992] : memref<2x16x125xi32, #tpu.memory_space<vmem>> -> memref<1x1x125xi32, #tpu.memory_space<vmem>>
        %dma_start3A_1994 = tpu.memref_squeeze %dma_start3A_1993 : memref<1x1x125xi32, #tpu.memory_space<vmem>> -> memref<125xi32, #tpu.memory_space<vmem>>
        %dma_start3A_1995 = arith.constant 0 : i32
        %dma_start3A_1996 = arith.constant 0 : i32
        %dma_start3A_1997 = tpu.memref_slice %arg2[%arg0, %dma_start3A_1995, %dma_start3A_1996] : memref<2x50000x16xf32, #tpu.memory_space<hbm>> -> memref<1x50000x16xf32, #tpu.memory_space<hbm>>
        %dma_start3A_1998 = tpu.memref_squeeze %dma_start3A_1997 : memref<1x50000x16xf32, #tpu.memory_space<hbm>> -> memref<50000x16xf32, #tpu.memory_space<hbm>>
        %dma_start3A_1999 = arith.constant 0 : i32
        %dma_start3A_2000 = arith.constant 0 : i32
        %dma_start3A_2001 = tpu.memref_slice %dma_start3A_1998[%dma_start3A_1999, %dma_start3A_2000] : memref<50000x16xf32, #tpu.memory_space<hbm>> -> memref<50000x16xf32, #tpu.memory_space<hbm>>
        tpu.enqueue_indirect_dma source(%dma_start3A_2001 : memref<50000x16xf32, #tpu.memory_space<hbm>>) target(%dma_start3A_1991 : memref<125x16xf32, #tpu.memory_space<vmem>>) offsets(%dma_start3A_1994 : memref<125xi32, #tpu.memory_space<vmem>>) semaphore(%arg11 : memref<!tpu.dma_semaphore, #tpu.memory_space<semaphore_mem>>)
        %dma_start3A_2002 = arith.constant 1 : i32
        %dma_start3A_2003 = arith.constant 11 : i32
        %dma_start3A_2004 = arith.constant 1 : i32
        %dma_start3A_2005 = arith.constant 1375 : i32
        %dma_start3A_2006 = arith.constant 0 : i32
        %dma_start3A_2007 = tpu.memref_slice %arg9[%dma_start3A_2004, %dma_start3A_2005, %dma_start3A_2006] : memref<2x2000x16xf32, #tpu.memory_space<vmem>> -> memref<1x125x16xf32, #tpu.memory_space<vmem>>
        %dma_start3A_2008 = tpu.memref_squeeze %dma_start3A_2007 : memref<1x125x16xf32, #tpu.memory_space<vmem>> -> memref<125x16xf32, #tpu.memory_space<vmem>>
        %dma_start3A_2009 = arith.constant 0 : i32
        %dma_start3A_2010 = tpu.memref_slice %arg7[%dma_start3A_2002, %dma_start3A_2003, %dma_start3A_2009] : memref<2x16x125xi32, #tpu.memory_space<vmem>> -> memref<1x1x125xi32, #tpu.memory_space<vmem>>
        %dma_start3A_2011 = tpu.memref_squeeze %dma_start3A_2010 : memref<1x1x125xi32, #tpu.memory_space<vmem>> -> memref<125xi32, #tpu.memory_space<vmem>>
        %dma_start3A_2012 = arith.constant 0 : i32
        %dma_start3A_2013 = arith.constant 0 : i32
        %dma_start3A_2014 = tpu.memref_slice %arg2[%arg0, %dma_start3A_2012, %dma_start3A_2013] : memref<2x50000x16xf32, #tpu.memory_space<hbm>> -> memref<1x50000x16xf32, #tpu.memory_space<hbm>>
        %dma_start3A_2015 = tpu.memref_squeeze %dma_start3A_2014 : memref<1x50000x16xf32, #tpu.memory_space<hbm>> -> memref<50000x16xf32, #tpu.memory_space<hbm>>
        %dma_start3A_2016 = arith.constant 0 : i32
        %dma_start3A_2017 = arith.constant 0 : i32
        %dma_start3A_2018 = tpu.memref_slice %dma_start3A_2015[%dma_start3A_2016, %dma_start3A_2017] : memref<50000x16xf32, #tpu.memory_space<hbm>> -> memref<50000x16xf32, #tpu.memory_space<hbm>>
        tpu.enqueue_indirect_dma source(%dma_start3A_2018 : memref<50000x16xf32, #tpu.memory_space<hbm>>) target(%dma_start3A_2008 : memref<125x16xf32, #tpu.memory_space<vmem>>) offsets(%dma_start3A_2011 : memref<125xi32, #tpu.memory_space<vmem>>) semaphore(%arg11 : memref<!tpu.dma_semaphore, #tpu.memory_space<semaphore_mem>>)
        %dma_start3A_2019 = arith.constant 1 : i32
        %dma_start3A_2020 = arith.constant 12 : i32
        %dma_start3A_2021 = arith.constant 1 : i32
        %dma_start3A_2022 = arith.constant 1500 : i32
        %dma_start3A_2023 = arith.constant 0 : i32
        %dma_start3A_2024 = tpu.memref_slice %arg9[%dma_start3A_2021, %dma_start3A_2022, %dma_start3A_2023] : memref<2x2000x16xf32, #tpu.memory_space<vmem>> -> memref<1x125x16xf32, #tpu.memory_space<vmem>>
        %dma_start3A_2025 = tpu.memref_squeeze %dma_start3A_2024 : memref<1x125x16xf32, #tpu.memory_space<vmem>> -> memref<125x16xf32, #tpu.memory_space<vmem>>
        %dma_start3A_2026 = arith.constant 0 : i32
        %dma_start3A_2027 = tpu.memref_slice %arg7[%dma_start3A_2019, %dma_start3A_2020, %dma_start3A_2026] : memref<2x16x125xi32, #tpu.memory_space<vmem>> -> memref<1x1x125xi32, #tpu.memory_space<vmem>>
        %dma_start3A_2028 = tpu.memref_squeeze %dma_start3A_2027 : memref<1x1x125xi32, #tpu.memory_space<vmem>> -> memref<125xi32, #tpu.memory_space<vmem>>
        %dma_start3A_2029 = arith.constant 0 : i32
        %dma_start3A_2030 = arith.constant 0 : i32
        %dma_start3A_2031 = tpu.memref_slice %arg2[%arg0, %dma_start3A_2029, %dma_start3A_2030] : memref<2x50000x16xf32, #tpu.memory_space<hbm>> -> memref<1x50000x16xf32, #tpu.memory_space<hbm>>
        %dma_start3A_2032 = tpu.memref_squeeze %dma_start3A_2031 : memref<1x50000x16xf32, #tpu.memory_space<hbm>> -> memref<50000x16xf32, #tpu.memory_space<hbm>>
        %dma_start3A_2033 = arith.constant 0 : i32
        %dma_start3A_2034 = arith.constant 0 : i32
        %dma_start3A_2035 = tpu.memref_slice %dma_start3A_2032[%dma_start3A_2033, %dma_start3A_2034] : memref<50000x16xf32, #tpu.memory_space<hbm>> -> memref<50000x16xf32, #tpu.memory_space<hbm>>
        tpu.enqueue_indirect_dma source(%dma_start3A_2035 : memref<50000x16xf32, #tpu.memory_space<hbm>>) target(%dma_start3A_2025 : memref<125x16xf32, #tpu.memory_space<vmem>>) offsets(%dma_start3A_2028 : memref<125xi32, #tpu.memory_space<vmem>>) semaphore(%arg11 : memref<!tpu.dma_semaphore, #tpu.memory_space<semaphore_mem>>)
        %dma_start3A_2036 = arith.constant 1 : i32
        %dma_start3A_2037 = arith.constant 13 : i32
        %dma_start3A_2038 = arith.constant 1 : i32
        %dma_start3A_2039 = arith.constant 1625 : i32
        %dma_start3A_2040 = arith.constant 0 : i32
        %dma_start3A_2041 = tpu.memref_slice %arg9[%dma_start3A_2038, %dma_start3A_2039, %dma_start3A_2040] : memref<2x2000x16xf32, #tpu.memory_space<vmem>> -> memref<1x125x16xf32, #tpu.memory_space<vmem>>
        %dma_start3A_2042 = tpu.memref_squeeze %dma_start3A_2041 : memref<1x125x16xf32, #tpu.memory_space<vmem>> -> memref<125x16xf32, #tpu.memory_space<vmem>>
        %dma_start3A_2043 = arith.constant 0 : i32
        %dma_start3A_2044 = tpu.memref_slice %arg7[%dma_start3A_2036, %dma_start3A_2037, %dma_start3A_2043] : memref<2x16x125xi32, #tpu.memory_space<vmem>> -> memref<1x1x125xi32, #tpu.memory_space<vmem>>
        %dma_start3A_2045 = tpu.memref_squeeze %dma_start3A_2044 : memref<1x1x125xi32, #tpu.memory_space<vmem>> -> memref<125xi32, #tpu.memory_space<vmem>>
        %dma_start3A_2046 = arith.constant 0 : i32
        %dma_start3A_2047 = arith.constant 0 : i32
        %dma_start3A_2048 = tpu.memref_slice %arg2[%arg0, %dma_start3A_2046, %dma_start3A_2047] : memref<2x50000x16xf32, #tpu.memory_space<hbm>> -> memref<1x50000x16xf32, #tpu.memory_space<hbm>>
        %dma_start3A_2049 = tpu.memref_squeeze %dma_start3A_2048 : memref<1x50000x16xf32, #tpu.memory_space<hbm>> -> memref<50000x16xf32, #tpu.memory_space<hbm>>
        %dma_start3A_2050 = arith.constant 0 : i32
        %dma_start3A_2051 = arith.constant 0 : i32
        %dma_start3A_2052 = tpu.memref_slice %dma_start3A_2049[%dma_start3A_2050, %dma_start3A_2051] : memref<50000x16xf32, #tpu.memory_space<hbm>> -> memref<50000x16xf32, #tpu.memory_space<hbm>>
        tpu.enqueue_indirect_dma source(%dma_start3A_2052 : memref<50000x16xf32, #tpu.memory_space<hbm>>) target(%dma_start3A_2042 : memref<125x16xf32, #tpu.memory_space<vmem>>) offsets(%dma_start3A_2045 : memref<125xi32, #tpu.memory_space<vmem>>) semaphore(%arg11 : memref<!tpu.dma_semaphore, #tpu.memory_space<semaphore_mem>>)
        %dma_start3A_2053 = arith.constant 1 : i32
        %dma_start3A_2054 = arith.constant 14 : i32
        %dma_start3A_2055 = arith.constant 1 : i32
        %dma_start3A_2056 = arith.constant 1750 : i32
        %dma_start3A_2057 = arith.constant 0 : i32
        %dma_start3A_2058 = tpu.memref_slice %arg9[%dma_start3A_2055, %dma_start3A_2056, %dma_start3A_2057] : memref<2x2000x16xf32, #tpu.memory_space<vmem>> -> memref<1x125x16xf32, #tpu.memory_space<vmem>>
        %dma_start3A_2059 = tpu.memref_squeeze %dma_start3A_2058 : memref<1x125x16xf32, #tpu.memory_space<vmem>> -> memref<125x16xf32, #tpu.memory_space<vmem>>
        %dma_start3A_2060 = arith.constant 0 : i32
        %dma_start3A_2061 = tpu.memref_slice %arg7[%dma_start3A_2053, %dma_start3A_2054, %dma_start3A_2060] : memref<2x16x125xi32, #tpu.memory_space<vmem>> -> memref<1x1x125xi32, #tpu.memory_space<vmem>>
        %dma_start3A_2062 = tpu.memref_squeeze %dma_start3A_2061 : memref<1x1x125xi32, #tpu.memory_space<vmem>> -> memref<125xi32, #tpu.memory_space<vmem>>
        %dma_start3A_2063 = arith.constant 0 : i32
        %dma_start3A_2064 = arith.constant 0 : i32
        %dma_start3A_2065 = tpu.memref_slice %arg2[%arg0, %dma_start3A_2063, %dma_start3A_2064] : memref<2x50000x16xf32, #tpu.memory_space<hbm>> -> memref<1x50000x16xf32, #tpu.memory_space<hbm>>
        %dma_start3A_2066 = tpu.memref_squeeze %dma_start3A_2065 : memref<1x50000x16xf32, #tpu.memory_space<hbm>> -> memref<50000x16xf32, #tpu.memory_space<hbm>>
        %dma_start3A_2067 = arith.constant 0 : i32
        %dma_start3A_2068 = arith.constant 0 : i32
        %dma_start3A_2069 = tpu.memref_slice %dma_start3A_2066[%dma_start3A_2067, %dma_start3A_2068] : memref<50000x16xf32, #tpu.memory_space<hbm>> -> memref<50000x16xf32, #tpu.memory_space<hbm>>
        tpu.enqueue_indirect_dma source(%dma_start3A_2069 : memref<50000x16xf32, #tpu.memory_space<hbm>>) target(%dma_start3A_2059 : memref<125x16xf32, #tpu.memory_space<vmem>>) offsets(%dma_start3A_2062 : memref<125xi32, #tpu.memory_space<vmem>>) semaphore(%arg11 : memref<!tpu.dma_semaphore, #tpu.memory_space<semaphore_mem>>)
        %dma_start3A_2070 = arith.constant 1 : i32
        %dma_start3A_2071 = arith.constant 15 : i32
        %dma_start3A_2072 = arith.constant 1 : i32
        %dma_start3A_2073 = arith.constant 1875 : i32
        %dma_start3A_2074 = arith.constant 0 : i32
        %dma_start3A_2075 = tpu.memref_slice %arg9[%dma_start3A_2072, %dma_start3A_2073, %dma_start3A_2074] : memref<2x2000x16xf32, #tpu.memory_space<vmem>> -> memref<1x125x16xf32, #tpu.memory_space<vmem>>
        %dma_start3A_2076 = tpu.memref_squeeze %dma_start3A_2075 : memref<1x125x16xf32, #tpu.memory_space<vmem>> -> memref<125x16xf32, #tpu.memory_space<vmem>>
        %dma_start3A_2077 = arith.constant 0 : i32
        %dma_start3A_2078 = tpu.memref_slice %arg7[%dma_start3A_2070, %dma_start3A_2071, %dma_start3A_2077] : memref<2x16x125xi32, #tpu.memory_space<vmem>> -> memref<1x1x125xi32, #tpu.memory_space<vmem>>
        %dma_start3A_2079 = tpu.memref_squeeze %dma_start3A_2078 : memref<1x1x125xi32, #tpu.memory_space<vmem>> -> memref<125xi32, #tpu.memory_space<vmem>>
        %dma_start3A_2080 = arith.constant 0 : i32
        %dma_start3A_2081 = arith.constant 0 : i32
        %dma_start3A_2082 = tpu.memref_slice %arg2[%arg0, %dma_start3A_2080, %dma_start3A_2081] : memref<2x50000x16xf32, #tpu.memory_space<hbm>> -> memref<1x50000x16xf32, #tpu.memory_space<hbm>>
        %dma_start3A_2083 = tpu.memref_squeeze %dma_start3A_2082 : memref<1x50000x16xf32, #tpu.memory_space<hbm>> -> memref<50000x16xf32, #tpu.memory_space<hbm>>
        %dma_start3A_2084 = arith.constant 0 : i32
        %dma_start3A_2085 = arith.constant 0 : i32
        %dma_start3A_2086 = tpu.memref_slice %dma_start3A_2083[%dma_start3A_2084, %dma_start3A_2085] : memref<50000x16xf32, #tpu.memory_space<hbm>> -> memref<50000x16xf32, #tpu.memory_space<hbm>>
        tpu.enqueue_indirect_dma source(%dma_start3A_2086 : memref<50000x16xf32, #tpu.memory_space<hbm>>) target(%dma_start3A_2076 : memref<125x16xf32, #tpu.memory_space<vmem>>) offsets(%dma_start3A_2079 : memref<125xi32, #tpu.memory_space<vmem>>) semaphore(%arg11 : memref<!tpu.dma_semaphore, #tpu.memory_space<semaphore_mem>>)
      } else {
      }
      %dma_wait3A_384 = arith.constant 0 : i32
      %dma_wait3A_385 = arith.constant 0 : i32
      %dma_wait3A_386 = arith.constant 0 : i32
      %dma_wait3A_387 = arith.constant 0 : i32
      %dma_wait3A_388 = arith.constant 0 : i32
      %dma_wait3A_389 = tpu.memref_slice %arg9[%dma_wait3A_386, %dma_wait3A_387, %dma_wait3A_388] : memref<2x2000x16xf32, #tpu.memory_space<vmem>> -> memref<1x125x16xf32, #tpu.memory_space<vmem>>
      %dma_wait3A_390 = tpu.memref_squeeze %dma_wait3A_389 : memref<1x125x16xf32, #tpu.memory_space<vmem>> -> memref<125x16xf32, #tpu.memory_space<vmem>>
      %dma_wait3A_391 = arith.constant 0 : i32
      %dma_wait3A_392 = tpu.memref_slice %arg7[%dma_wait3A_384, %dma_wait3A_385, %dma_wait3A_391] : memref<2x16x125xi32, #tpu.memory_space<vmem>> -> memref<1x1x125xi32, #tpu.memory_space<vmem>>
      %dma_wait3A_393 = tpu.memref_squeeze %dma_wait3A_392 : memref<1x1x125xi32, #tpu.memory_space<vmem>> -> memref<125xi32, #tpu.memory_space<vmem>>
      %dma_wait3A_394 = arith.constant 0 : i32
      %dma_wait3A_395 = arith.constant 0 : i32
      %dma_wait3A_396 = tpu.memref_slice %arg2[%arg0, %dma_wait3A_394, %dma_wait3A_395] : memref<2x50000x16xf32, #tpu.memory_space<hbm>> -> memref<1x50000x16xf32, #tpu.memory_space<hbm>>
      %dma_wait3A_397 = tpu.memref_squeeze %dma_wait3A_396 : memref<1x50000x16xf32, #tpu.memory_space<hbm>> -> memref<50000x16xf32, #tpu.memory_space<hbm>>
      %dma_wait3A_398 = arith.constant 0 : i32
      %dma_wait3A_399 = arith.constant 0 : i32
      %dma_wait3A_400 = tpu.memref_slice %dma_wait3A_397[%dma_wait3A_398, %dma_wait3A_399] : memref<50000x16xf32, #tpu.memory_space<hbm>> -> memref<50000x16xf32, #tpu.memory_space<hbm>>
      tpu.wait_indirect_dma semaphore(%arg11 : memref<!tpu.dma_semaphore, #tpu.memory_space<semaphore_mem>>) src(%dma_wait3A_400 : memref<50000x16xf32, #tpu.memory_space<hbm>>) dst(%dma_wait3A_390 : memref<125x16xf32, #tpu.memory_space<vmem>>)
      %dma_wait3A_401 = arith.constant 0 : i32
      %dma_wait3A_402 = arith.constant 1 : i32
      %dma_wait3A_403 = arith.constant 0 : i32
      %dma_wait3A_404 = arith.constant 125 : i32
      %dma_wait3A_405 = arith.constant 0 : i32
      %dma_wait3A_406 = tpu.memref_slice %arg9[%dma_wait3A_403, %dma_wait3A_404, %dma_wait3A_405] : memref<2x2000x16xf32, #tpu.memory_space<vmem>> -> memref<1x125x16xf32, #tpu.memory_space<vmem>>
      %dma_wait3A_407 = tpu.memref_squeeze %dma_wait3A_406 : memref<1x125x16xf32, #tpu.memory_space<vmem>> -> memref<125x16xf32, #tpu.memory_space<vmem>>
      %dma_wait3A_408 = arith.constant 0 : i32
      %dma_wait3A_409 = tpu.memref_slice %arg7[%dma_wait3A_401, %dma_wait3A_402, %dma_wait3A_408] : memref<2x16x125xi32, #tpu.memory_space<vmem>> -> memref<1x1x125xi32, #tpu.memory_space<vmem>>
      %dma_wait3A_410 = tpu.memref_squeeze %dma_wait3A_409 : memref<1x1x125xi32, #tpu.memory_space<vmem>> -> memref<125xi32, #tpu.memory_space<vmem>>
      %dma_wait3A_411 = arith.constant 0 : i32
      %dma_wait3A_412 = arith.constant 0 : i32
      %dma_wait3A_413 = tpu.memref_slice %arg2[%arg0, %dma_wait3A_411, %dma_wait3A_412] : memref<2x50000x16xf32, #tpu.memory_space<hbm>> -> memref<1x50000x16xf32, #tpu.memory_space<hbm>>
      %dma_wait3A_414 = tpu.memref_squeeze %dma_wait3A_413 : memref<1x50000x16xf32, #tpu.memory_space<hbm>> -> memref<50000x16xf32, #tpu.memory_space<hbm>>
      %dma_wait3A_415 = arith.constant 0 : i32
      %dma_wait3A_416 = arith.constant 0 : i32
      %dma_wait3A_417 = tpu.memref_slice %dma_wait3A_414[%dma_wait3A_415, %dma_wait3A_416] : memref<50000x16xf32, #tpu.memory_space<hbm>> -> memref<50000x16xf32, #tpu.memory_space<hbm>>
      tpu.wait_indirect_dma semaphore(%arg11 : memref<!tpu.dma_semaphore, #tpu.memory_space<semaphore_mem>>) src(%dma_wait3A_417 : memref<50000x16xf32, #tpu.memory_space<hbm>>) dst(%dma_wait3A_407 : memref<125x16xf32, #tpu.memory_space<vmem>>)
      %dma_wait3A_418 = arith.constant 0 : i32
      %dma_wait3A_419 = arith.constant 2 : i32
      %dma_wait3A_420 = arith.constant 0 : i32
      %dma_wait3A_421 = arith.constant 250 : i32
      %dma_wait3A_422 = arith.constant 0 : i32
      %dma_wait3A_423 = tpu.memref_slice %arg9[%dma_wait3A_420, %dma_wait3A_421, %dma_wait3A_422] : memref<2x2000x16xf32, #tpu.memory_space<vmem>> -> memref<1x125x16xf32, #tpu.memory_space<vmem>>
      %dma_wait3A_424 = tpu.memref_squeeze %dma_wait3A_423 : memref<1x125x16xf32, #tpu.memory_space<vmem>> -> memref<125x16xf32, #tpu.memory_space<vmem>>
      %dma_wait3A_425 = arith.constant 0 : i32
      %dma_wait3A_426 = tpu.memref_slice %arg7[%dma_wait3A_418, %dma_wait3A_419, %dma_wait3A_425] : memref<2x16x125xi32, #tpu.memory_space<vmem>> -> memref<1x1x125xi32, #tpu.memory_space<vmem>>
      %dma_wait3A_427 = tpu.memref_squeeze %dma_wait3A_426 : memref<1x1x125xi32, #tpu.memory_space<vmem>> -> memref<125xi32, #tpu.memory_space<vmem>>
      %dma_wait3A_428 = arith.constant 0 : i32
      %dma_wait3A_429 = arith.constant 0 : i32
      %dma_wait3A_430 = tpu.memref_slice %arg2[%arg0, %dma_wait3A_428, %dma_wait3A_429] : memref<2x50000x16xf32, #tpu.memory_space<hbm>> -> memref<1x50000x16xf32, #tpu.memory_space<hbm>>
      %dma_wait3A_431 = tpu.memref_squeeze %dma_wait3A_430 : memref<1x50000x16xf32, #tpu.memory_space<hbm>> -> memref<50000x16xf32, #tpu.memory_space<hbm>>
      %dma_wait3A_432 = arith.constant 0 : i32
      %dma_wait3A_433 = arith.constant 0 : i32
      %dma_wait3A_434 = tpu.memref_slice %dma_wait3A_431[%dma_wait3A_432, %dma_wait3A_433] : memref<50000x16xf32, #tpu.memory_space<hbm>> -> memref<50000x16xf32, #tpu.memory_space<hbm>>
      tpu.wait_indirect_dma semaphore(%arg11 : memref<!tpu.dma_semaphore, #tpu.memory_space<semaphore_mem>>) src(%dma_wait3A_434 : memref<50000x16xf32, #tpu.memory_space<hbm>>) dst(%dma_wait3A_424 : memref<125x16xf32, #tpu.memory_space<vmem>>)
      %dma_wait3A_435 = arith.constant 0 : i32
      %dma_wait3A_436 = arith.constant 3 : i32
      %dma_wait3A_437 = arith.constant 0 : i32
      %dma_wait3A_438 = arith.constant 375 : i32
      %dma_wait3A_439 = arith.constant 0 : i32
      %dma_wait3A_440 = tpu.memref_slice %arg9[%dma_wait3A_437, %dma_wait3A_438, %dma_wait3A_439] : memref<2x2000x16xf32, #tpu.memory_space<vmem>> -> memref<1x125x16xf32, #tpu.memory_space<vmem>>
      %dma_wait3A_441 = tpu.memref_squeeze %dma_wait3A_440 : memref<1x125x16xf32, #tpu.memory_space<vmem>> -> memref<125x16xf32, #tpu.memory_space<vmem>>
      %dma_wait3A_442 = arith.constant 0 : i32
      %dma_wait3A_443 = tpu.memref_slice %arg7[%dma_wait3A_435, %dma_wait3A_436, %dma_wait3A_442] : memref<2x16x125xi32, #tpu.memory_space<vmem>> -> memref<1x1x125xi32, #tpu.memory_space<vmem>>
      %dma_wait3A_444 = tpu.memref_squeeze %dma_wait3A_443 : memref<1x1x125xi32, #tpu.memory_space<vmem>> -> memref<125xi32, #tpu.memory_space<vmem>>
      %dma_wait3A_445 = arith.constant 0 : i32
      %dma_wait3A_446 = arith.constant 0 : i32
      %dma_wait3A_447 = tpu.memref_slice %arg2[%arg0, %dma_wait3A_445, %dma_wait3A_446] : memref<2x50000x16xf32, #tpu.memory_space<hbm>> -> memref<1x50000x16xf32, #tpu.memory_space<hbm>>
      %dma_wait3A_448 = tpu.memref_squeeze %dma_wait3A_447 : memref<1x50000x16xf32, #tpu.memory_space<hbm>> -> memref<50000x16xf32, #tpu.memory_space<hbm>>
      %dma_wait3A_449 = arith.constant 0 : i32
      %dma_wait3A_450 = arith.constant 0 : i32
      %dma_wait3A_451 = tpu.memref_slice %dma_wait3A_448[%dma_wait3A_449, %dma_wait3A_450] : memref<50000x16xf32, #tpu.memory_space<hbm>> -> memref<50000x16xf32, #tpu.memory_space<hbm>>
      tpu.wait_indirect_dma semaphore(%arg11 : memref<!tpu.dma_semaphore, #tpu.memory_space<semaphore_mem>>) src(%dma_wait3A_451 : memref<50000x16xf32, #tpu.memory_space<hbm>>) dst(%dma_wait3A_441 : memref<125x16xf32, #tpu.memory_space<vmem>>)
      %dma_wait3A_452 = arith.constant 0 : i32
      %dma_wait3A_453 = arith.constant 4 : i32
      %dma_wait3A_454 = arith.constant 0 : i32
      %dma_wait3A_455 = arith.constant 500 : i32
      %dma_wait3A_456 = arith.constant 0 : i32
      %dma_wait3A_457 = tpu.memref_slice %arg9[%dma_wait3A_454, %dma_wait3A_455, %dma_wait3A_456] : memref<2x2000x16xf32, #tpu.memory_space<vmem>> -> memref<1x125x16xf32, #tpu.memory_space<vmem>>
      %dma_wait3A_458 = tpu.memref_squeeze %dma_wait3A_457 : memref<1x125x16xf32, #tpu.memory_space<vmem>> -> memref<125x16xf32, #tpu.memory_space<vmem>>
      %dma_wait3A_459 = arith.constant 0 : i32
      %dma_wait3A_460 = tpu.memref_slice %arg7[%dma_wait3A_452, %dma_wait3A_453, %dma_wait3A_459] : memref<2x16x125xi32, #tpu.memory_space<vmem>> -> memref<1x1x125xi32, #tpu.memory_space<vmem>>
      %dma_wait3A_461 = tpu.memref_squeeze %dma_wait3A_460 : memref<1x1x125xi32, #tpu.memory_space<vmem>> -> memref<125xi32, #tpu.memory_space<vmem>>
      %dma_wait3A_462 = arith.constant 0 : i32
      %dma_wait3A_463 = arith.constant 0 : i32
      %dma_wait3A_464 = tpu.memref_slice %arg2[%arg0, %dma_wait3A_462, %dma_wait3A_463] : memref<2x50000x16xf32, #tpu.memory_space<hbm>> -> memref<1x50000x16xf32, #tpu.memory_space<hbm>>
      %dma_wait3A_465 = tpu.memref_squeeze %dma_wait3A_464 : memref<1x50000x16xf32, #tpu.memory_space<hbm>> -> memref<50000x16xf32, #tpu.memory_space<hbm>>
      %dma_wait3A_466 = arith.constant 0 : i32
      %dma_wait3A_467 = arith.constant 0 : i32
      %dma_wait3A_468 = tpu.memref_slice %dma_wait3A_465[%dma_wait3A_466, %dma_wait3A_467] : memref<50000x16xf32, #tpu.memory_space<hbm>> -> memref<50000x16xf32, #tpu.memory_space<hbm>>
      tpu.wait_indirect_dma semaphore(%arg11 : memref<!tpu.dma_semaphore, #tpu.memory_space<semaphore_mem>>) src(%dma_wait3A_468 : memref<50000x16xf32, #tpu.memory_space<hbm>>) dst(%dma_wait3A_458 : memref<125x16xf32, #tpu.memory_space<vmem>>)
      %dma_wait3A_469 = arith.constant 0 : i32
      %dma_wait3A_470 = arith.constant 5 : i32
      %dma_wait3A_471 = arith.constant 0 : i32
      %dma_wait3A_472 = arith.constant 625 : i32
      %dma_wait3A_473 = arith.constant 0 : i32
      %dma_wait3A_474 = tpu.memref_slice %arg9[%dma_wait3A_471, %dma_wait3A_472, %dma_wait3A_473] : memref<2x2000x16xf32, #tpu.memory_space<vmem>> -> memref<1x125x16xf32, #tpu.memory_space<vmem>>
      %dma_wait3A_475 = tpu.memref_squeeze %dma_wait3A_474 : memref<1x125x16xf32, #tpu.memory_space<vmem>> -> memref<125x16xf32, #tpu.memory_space<vmem>>
      %dma_wait3A_476 = arith.constant 0 : i32
      %dma_wait3A_477 = tpu.memref_slice %arg7[%dma_wait3A_469, %dma_wait3A_470, %dma_wait3A_476] : memref<2x16x125xi32, #tpu.memory_space<vmem>> -> memref<1x1x125xi32, #tpu.memory_space<vmem>>
      %dma_wait3A_478 = tpu.memref_squeeze %dma_wait3A_477 : memref<1x1x125xi32, #tpu.memory_space<vmem>> -> memref<125xi32, #tpu.memory_space<vmem>>
      %dma_wait3A_479 = arith.constant 0 : i32
      %dma_wait3A_480 = arith.constant 0 : i32
      %dma_wait3A_481 = tpu.memref_slice %arg2[%arg0, %dma_wait3A_479, %dma_wait3A_480] : memref<2x50000x16xf32, #tpu.memory_space<hbm>> -> memref<1x50000x16xf32, #tpu.memory_space<hbm>>
      %dma_wait3A_482 = tpu.memref_squeeze %dma_wait3A_481 : memref<1x50000x16xf32, #tpu.memory_space<hbm>> -> memref<50000x16xf32, #tpu.memory_space<hbm>>
      %dma_wait3A_483 = arith.constant 0 : i32
      %dma_wait3A_484 = arith.constant 0 : i32
      %dma_wait3A_485 = tpu.memref_slice %dma_wait3A_482[%dma_wait3A_483, %dma_wait3A_484] : memref<50000x16xf32, #tpu.memory_space<hbm>> -> memref<50000x16xf32, #tpu.memory_space<hbm>>
      tpu.wait_indirect_dma semaphore(%arg11 : memref<!tpu.dma_semaphore, #tpu.memory_space<semaphore_mem>>) src(%dma_wait3A_485 : memref<50000x16xf32, #tpu.memory_space<hbm>>) dst(%dma_wait3A_475 : memref<125x16xf32, #tpu.memory_space<vmem>>)
      %dma_wait3A_486 = arith.constant 0 : i32
      %dma_wait3A_487 = arith.constant 6 : i32
      %dma_wait3A_488 = arith.constant 0 : i32
      %dma_wait3A_489 = arith.constant 750 : i32
      %dma_wait3A_490 = arith.constant 0 : i32
      %dma_wait3A_491 = tpu.memref_slice %arg9[%dma_wait3A_488, %dma_wait3A_489, %dma_wait3A_490] : memref<2x2000x16xf32, #tpu.memory_space<vmem>> -> memref<1x125x16xf32, #tpu.memory_space<vmem>>
      %dma_wait3A_492 = tpu.memref_squeeze %dma_wait3A_491 : memref<1x125x16xf32, #tpu.memory_space<vmem>> -> memref<125x16xf32, #tpu.memory_space<vmem>>
      %dma_wait3A_493 = arith.constant 0 : i32
      %dma_wait3A_494 = tpu.memref_slice %arg7[%dma_wait3A_486, %dma_wait3A_487, %dma_wait3A_493] : memref<2x16x125xi32, #tpu.memory_space<vmem>> -> memref<1x1x125xi32, #tpu.memory_space<vmem>>
      %dma_wait3A_495 = tpu.memref_squeeze %dma_wait3A_494 : memref<1x1x125xi32, #tpu.memory_space<vmem>> -> memref<125xi32, #tpu.memory_space<vmem>>
      %dma_wait3A_496 = arith.constant 0 : i32
      %dma_wait3A_497 = arith.constant 0 : i32
      %dma_wait3A_498 = tpu.memref_slice %arg2[%arg0, %dma_wait3A_496, %dma_wait3A_497] : memref<2x50000x16xf32, #tpu.memory_space<hbm>> -> memref<1x50000x16xf32, #tpu.memory_space<hbm>>
      %dma_wait3A_499 = tpu.memref_squeeze %dma_wait3A_498 : memref<1x50000x16xf32, #tpu.memory_space<hbm>> -> memref<50000x16xf32, #tpu.memory_space<hbm>>
      %dma_wait3A_500 = arith.constant 0 : i32
      %dma_wait3A_501 = arith.constant 0 : i32
      %dma_wait3A_502 = tpu.memref_slice %dma_wait3A_499[%dma_wait3A_500, %dma_wait3A_501] : memref<50000x16xf32, #tpu.memory_space<hbm>> -> memref<50000x16xf32, #tpu.memory_space<hbm>>
      tpu.wait_indirect_dma semaphore(%arg11 : memref<!tpu.dma_semaphore, #tpu.memory_space<semaphore_mem>>) src(%dma_wait3A_502 : memref<50000x16xf32, #tpu.memory_space<hbm>>) dst(%dma_wait3A_492 : memref<125x16xf32, #tpu.memory_space<vmem>>)
      %dma_wait3A_503 = arith.constant 0 : i32
      %dma_wait3A_504 = arith.constant 7 : i32
      %dma_wait3A_505 = arith.constant 0 : i32
      %dma_wait3A_506 = arith.constant 875 : i32
      %dma_wait3A_507 = arith.constant 0 : i32
      %dma_wait3A_508 = tpu.memref_slice %arg9[%dma_wait3A_505, %dma_wait3A_506, %dma_wait3A_507] : memref<2x2000x16xf32, #tpu.memory_space<vmem>> -> memref<1x125x16xf32, #tpu.memory_space<vmem>>
      %dma_wait3A_509 = tpu.memref_squeeze %dma_wait3A_508 : memref<1x125x16xf32, #tpu.memory_space<vmem>> -> memref<125x16xf32, #tpu.memory_space<vmem>>
      %dma_wait3A_510 = arith.constant 0 : i32
      %dma_wait3A_511 = tpu.memref_slice %arg7[%dma_wait3A_503, %dma_wait3A_504, %dma_wait3A_510] : memref<2x16x125xi32, #tpu.memory_space<vmem>> -> memref<1x1x125xi32, #tpu.memory_space<vmem>>
      %dma_wait3A_512 = tpu.memref_squeeze %dma_wait3A_511 : memref<1x1x125xi32, #tpu.memory_space<vmem>> -> memref<125xi32, #tpu.memory_space<vmem>>
      %dma_wait3A_513 = arith.constant 0 : i32
      %dma_wait3A_514 = arith.constant 0 : i32
      %dma_wait3A_515 = tpu.memref_slice %arg2[%arg0, %dma_wait3A_513, %dma_wait3A_514] : memref<2x50000x16xf32, #tpu.memory_space<hbm>> -> memref<1x50000x16xf32, #tpu.memory_space<hbm>>
      %dma_wait3A_516 = tpu.memref_squeeze %dma_wait3A_515 : memref<1x50000x16xf32, #tpu.memory_space<hbm>> -> memref<50000x16xf32, #tpu.memory_space<hbm>>
      %dma_wait3A_517 = arith.constant 0 : i32
      %dma_wait3A_518 = arith.constant 0 : i32
      %dma_wait3A_519 = tpu.memref_slice %dma_wait3A_516[%dma_wait3A_517, %dma_wait3A_518] : memref<50000x16xf32, #tpu.memory_space<hbm>> -> memref<50000x16xf32, #tpu.memory_space<hbm>>
      tpu.wait_indirect_dma semaphore(%arg11 : memref<!tpu.dma_semaphore, #tpu.memory_space<semaphore_mem>>) src(%dma_wait3A_519 : memref<50000x16xf32, #tpu.memory_space<hbm>>) dst(%dma_wait3A_509 : memref<125x16xf32, #tpu.memory_space<vmem>>)
      %dma_wait3A_520 = arith.constant 0 : i32
      %dma_wait3A_521 = arith.constant 8 : i32
      %dma_wait3A_522 = arith.constant 0 : i32
      %dma_wait3A_523 = arith.constant 1000 : i32
      %dma_wait3A_524 = arith.constant 0 : i32
      %dma_wait3A_525 = tpu.memref_slice %arg9[%dma_wait3A_522, %dma_wait3A_523, %dma_wait3A_524] : memref<2x2000x16xf32, #tpu.memory_space<vmem>> -> memref<1x125x16xf32, #tpu.memory_space<vmem>>
      %dma_wait3A_526 = tpu.memref_squeeze %dma_wait3A_525 : memref<1x125x16xf32, #tpu.memory_space<vmem>> -> memref<125x16xf32, #tpu.memory_space<vmem>>
      %dma_wait3A_527 = arith.constant 0 : i32
      %dma_wait3A_528 = tpu.memref_slice %arg7[%dma_wait3A_520, %dma_wait3A_521, %dma_wait3A_527] : memref<2x16x125xi32, #tpu.memory_space<vmem>> -> memref<1x1x125xi32, #tpu.memory_space<vmem>>
      %dma_wait3A_529 = tpu.memref_squeeze %dma_wait3A_528 : memref<1x1x125xi32, #tpu.memory_space<vmem>> -> memref<125xi32, #tpu.memory_space<vmem>>
      %dma_wait3A_530 = arith.constant 0 : i32
      %dma_wait3A_531 = arith.constant 0 : i32
      %dma_wait3A_532 = tpu.memref_slice %arg2[%arg0, %dma_wait3A_530, %dma_wait3A_531] : memref<2x50000x16xf32, #tpu.memory_space<hbm>> -> memref<1x50000x16xf32, #tpu.memory_space<hbm>>
      %dma_wait3A_533 = tpu.memref_squeeze %dma_wait3A_532 : memref<1x50000x16xf32, #tpu.memory_space<hbm>> -> memref<50000x16xf32, #tpu.memory_space<hbm>>
      %dma_wait3A_534 = arith.constant 0 : i32
      %dma_wait3A_535 = arith.constant 0 : i32
      %dma_wait3A_536 = tpu.memref_slice %dma_wait3A_533[%dma_wait3A_534, %dma_wait3A_535] : memref<50000x16xf32, #tpu.memory_space<hbm>> -> memref<50000x16xf32, #tpu.memory_space<hbm>>
      tpu.wait_indirect_dma semaphore(%arg11 : memref<!tpu.dma_semaphore, #tpu.memory_space<semaphore_mem>>) src(%dma_wait3A_536 : memref<50000x16xf32, #tpu.memory_space<hbm>>) dst(%dma_wait3A_526 : memref<125x16xf32, #tpu.memory_space<vmem>>)
      %dma_wait3A_537 = arith.constant 0 : i32
      %dma_wait3A_538 = arith.constant 9 : i32
      %dma_wait3A_539 = arith.constant 0 : i32
      %dma_wait3A_540 = arith.constant 1125 : i32
      %dma_wait3A_541 = arith.constant 0 : i32
      %dma_wait3A_542 = tpu.memref_slice %arg9[%dma_wait3A_539, %dma_wait3A_540, %dma_wait3A_541] : memref<2x2000x16xf32, #tpu.memory_space<vmem>> -> memref<1x125x16xf32, #tpu.memory_space<vmem>>
      %dma_wait3A_543 = tpu.memref_squeeze %dma_wait3A_542 : memref<1x125x16xf32, #tpu.memory_space<vmem>> -> memref<125x16xf32, #tpu.memory_space<vmem>>
      %dma_wait3A_544 = arith.constant 0 : i32
      %dma_wait3A_545 = tpu.memref_slice %arg7[%dma_wait3A_537, %dma_wait3A_538, %dma_wait3A_544] : memref<2x16x125xi32, #tpu.memory_space<vmem>> -> memref<1x1x125xi32, #tpu.memory_space<vmem>>
      %dma_wait3A_546 = tpu.memref_squeeze %dma_wait3A_545 : memref<1x1x125xi32, #tpu.memory_space<vmem>> -> memref<125xi32, #tpu.memory_space<vmem>>
      %dma_wait3A_547 = arith.constant 0 : i32
      %dma_wait3A_548 = arith.constant 0 : i32
      %dma_wait3A_549 = tpu.memref_slice %arg2[%arg0, %dma_wait3A_547, %dma_wait3A_548] : memref<2x50000x16xf32, #tpu.memory_space<hbm>> -> memref<1x50000x16xf32, #tpu.memory_space<hbm>>
      %dma_wait3A_550 = tpu.memref_squeeze %dma_wait3A_549 : memref<1x50000x16xf32, #tpu.memory_space<hbm>> -> memref<50000x16xf32, #tpu.memory_space<hbm>>
      %dma_wait3A_551 = arith.constant 0 : i32
      %dma_wait3A_552 = arith.constant 0 : i32
      %dma_wait3A_553 = tpu.memref_slice %dma_wait3A_550[%dma_wait3A_551, %dma_wait3A_552] : memref<50000x16xf32, #tpu.memory_space<hbm>> -> memref<50000x16xf32, #tpu.memory_space<hbm>>
      tpu.wait_indirect_dma semaphore(%arg11 : memref<!tpu.dma_semaphore, #tpu.memory_space<semaphore_mem>>) src(%dma_wait3A_553 : memref<50000x16xf32, #tpu.memory_space<hbm>>) dst(%dma_wait3A_543 : memref<125x16xf32, #tpu.memory_space<vmem>>)
      %dma_wait3A_554 = arith.constant 0 : i32
      %dma_wait3A_555 = arith.constant 10 : i32
      %dma_wait3A_556 = arith.constant 0 : i32
      %dma_wait3A_557 = arith.constant 1250 : i32
      %dma_wait3A_558 = arith.constant 0 : i32
      %dma_wait3A_559 = tpu.memref_slice %arg9[%dma_wait3A_556, %dma_wait3A_557, %dma_wait3A_558] : memref<2x2000x16xf32, #tpu.memory_space<vmem>> -> memref<1x125x16xf32, #tpu.memory_space<vmem>>
      %dma_wait3A_560 = tpu.memref_squeeze %dma_wait3A_559 : memref<1x125x16xf32, #tpu.memory_space<vmem>> -> memref<125x16xf32, #tpu.memory_space<vmem>>
      %dma_wait3A_561 = arith.constant 0 : i32
      %dma_wait3A_562 = tpu.memref_slice %arg7[%dma_wait3A_554, %dma_wait3A_555, %dma_wait3A_561] : memref<2x16x125xi32, #tpu.memory_space<vmem>> -> memref<1x1x125xi32, #tpu.memory_space<vmem>>
      %dma_wait3A_563 = tpu.memref_squeeze %dma_wait3A_562 : memref<1x1x125xi32, #tpu.memory_space<vmem>> -> memref<125xi32, #tpu.memory_space<vmem>>
      %dma_wait3A_564 = arith.constant 0 : i32
      %dma_wait3A_565 = arith.constant 0 : i32
      %dma_wait3A_566 = tpu.memref_slice %arg2[%arg0, %dma_wait3A_564, %dma_wait3A_565] : memref<2x50000x16xf32, #tpu.memory_space<hbm>> -> memref<1x50000x16xf32, #tpu.memory_space<hbm>>
      %dma_wait3A_567 = tpu.memref_squeeze %dma_wait3A_566 : memref<1x50000x16xf32, #tpu.memory_space<hbm>> -> memref<50000x16xf32, #tpu.memory_space<hbm>>
      %dma_wait3A_568 = arith.constant 0 : i32
      %dma_wait3A_569 = arith.constant 0 : i32
      %dma_wait3A_570 = tpu.memref_slice %dma_wait3A_567[%dma_wait3A_568, %dma_wait3A_569] : memref<50000x16xf32, #tpu.memory_space<hbm>> -> memref<50000x16xf32, #tpu.memory_space<hbm>>
      tpu.wait_indirect_dma semaphore(%arg11 : memref<!tpu.dma_semaphore, #tpu.memory_space<semaphore_mem>>) src(%dma_wait3A_570 : memref<50000x16xf32, #tpu.memory_space<hbm>>) dst(%dma_wait3A_560 : memref<125x16xf32, #tpu.memory_space<vmem>>)
      %dma_wait3A_571 = arith.constant 0 : i32
      %dma_wait3A_572 = arith.constant 11 : i32
      %dma_wait3A_573 = arith.constant 0 : i32
      %dma_wait3A_574 = arith.constant 1375 : i32
      %dma_wait3A_575 = arith.constant 0 : i32
      %dma_wait3A_576 = tpu.memref_slice %arg9[%dma_wait3A_573, %dma_wait3A_574, %dma_wait3A_575] : memref<2x2000x16xf32, #tpu.memory_space<vmem>> -> memref<1x125x16xf32, #tpu.memory_space<vmem>>
      %dma_wait3A_577 = tpu.memref_squeeze %dma_wait3A_576 : memref<1x125x16xf32, #tpu.memory_space<vmem>> -> memref<125x16xf32, #tpu.memory_space<vmem>>
      %dma_wait3A_578 = arith.constant 0 : i32
      %dma_wait3A_579 = tpu.memref_slice %arg7[%dma_wait3A_571, %dma_wait3A_572, %dma_wait3A_578] : memref<2x16x125xi32, #tpu.memory_space<vmem>> -> memref<1x1x125xi32, #tpu.memory_space<vmem>>
      %dma_wait3A_580 = tpu.memref_squeeze %dma_wait3A_579 : memref<1x1x125xi32, #tpu.memory_space<vmem>> -> memref<125xi32, #tpu.memory_space<vmem>>
      %dma_wait3A_581 = arith.constant 0 : i32
      %dma_wait3A_582 = arith.constant 0 : i32
      %dma_wait3A_583 = tpu.memref_slice %arg2[%arg0, %dma_wait3A_581, %dma_wait3A_582] : memref<2x50000x16xf32, #tpu.memory_space<hbm>> -> memref<1x50000x16xf32, #tpu.memory_space<hbm>>
      %dma_wait3A_584 = tpu.memref_squeeze %dma_wait3A_583 : memref<1x50000x16xf32, #tpu.memory_space<hbm>> -> memref<50000x16xf32, #tpu.memory_space<hbm>>
      %dma_wait3A_585 = arith.constant 0 : i32
      %dma_wait3A_586 = arith.constant 0 : i32
      %dma_wait3A_587 = tpu.memref_slice %dma_wait3A_584[%dma_wait3A_585, %dma_wait3A_586] : memref<50000x16xf32, #tpu.memory_space<hbm>> -> memref<50000x16xf32, #tpu.memory_space<hbm>>
      tpu.wait_indirect_dma semaphore(%arg11 : memref<!tpu.dma_semaphore, #tpu.memory_space<semaphore_mem>>) src(%dma_wait3A_587 : memref<50000x16xf32, #tpu.memory_space<hbm>>) dst(%dma_wait3A_577 : memref<125x16xf32, #tpu.memory_space<vmem>>)
      %dma_wait3A_588 = arith.constant 0 : i32
      %dma_wait3A_589 = arith.constant 12 : i32
      %dma_wait3A_590 = arith.constant 0 : i32
      %dma_wait3A_591 = arith.constant 1500 : i32
      %dma_wait3A_592 = arith.constant 0 : i32
      %dma_wait3A_593 = tpu.memref_slice %arg9[%dma_wait3A_590, %dma_wait3A_591, %dma_wait3A_592] : memref<2x2000x16xf32, #tpu.memory_space<vmem>> -> memref<1x125x16xf32, #tpu.memory_space<vmem>>
      %dma_wait3A_594 = tpu.memref_squeeze %dma_wait3A_593 : memref<1x125x16xf32, #tpu.memory_space<vmem>> -> memref<125x16xf32, #tpu.memory_space<vmem>>
      %dma_wait3A_595 = arith.constant 0 : i32
      %dma_wait3A_596 = tpu.memref_slice %arg7[%dma_wait3A_588, %dma_wait3A_589, %dma_wait3A_595] : memref<2x16x125xi32, #tpu.memory_space<vmem>> -> memref<1x1x125xi32, #tpu.memory_space<vmem>>
      %dma_wait3A_597 = tpu.memref_squeeze %dma_wait3A_596 : memref<1x1x125xi32, #tpu.memory_space<vmem>> -> memref<125xi32, #tpu.memory_space<vmem>>
      %dma_wait3A_598 = arith.constant 0 : i32
      %dma_wait3A_599 = arith.constant 0 : i32
      %dma_wait3A_600 = tpu.memref_slice %arg2[%arg0, %dma_wait3A_598, %dma_wait3A_599] : memref<2x50000x16xf32, #tpu.memory_space<hbm>> -> memref<1x50000x16xf32, #tpu.memory_space<hbm>>
      %dma_wait3A_601 = tpu.memref_squeeze %dma_wait3A_600 : memref<1x50000x16xf32, #tpu.memory_space<hbm>> -> memref<50000x16xf32, #tpu.memory_space<hbm>>
      %dma_wait3A_602 = arith.constant 0 : i32
      %dma_wait3A_603 = arith.constant 0 : i32
      %dma_wait3A_604 = tpu.memref_slice %dma_wait3A_601[%dma_wait3A_602, %dma_wait3A_603] : memref<50000x16xf32, #tpu.memory_space<hbm>> -> memref<50000x16xf32, #tpu.memory_space<hbm>>
      tpu.wait_indirect_dma semaphore(%arg11 : memref<!tpu.dma_semaphore, #tpu.memory_space<semaphore_mem>>) src(%dma_wait3A_604 : memref<50000x16xf32, #tpu.memory_space<hbm>>) dst(%dma_wait3A_594 : memref<125x16xf32, #tpu.memory_space<vmem>>)
      %dma_wait3A_605 = arith.constant 0 : i32
      %dma_wait3A_606 = arith.constant 13 : i32
      %dma_wait3A_607 = arith.constant 0 : i32
      %dma_wait3A_608 = arith.constant 1625 : i32
      %dma_wait3A_609 = arith.constant 0 : i32
      %dma_wait3A_610 = tpu.memref_slice %arg9[%dma_wait3A_607, %dma_wait3A_608, %dma_wait3A_609] : memref<2x2000x16xf32, #tpu.memory_space<vmem>> -> memref<1x125x16xf32, #tpu.memory_space<vmem>>
      %dma_wait3A_611 = tpu.memref_squeeze %dma_wait3A_610 : memref<1x125x16xf32, #tpu.memory_space<vmem>> -> memref<125x16xf32, #tpu.memory_space<vmem>>
      %dma_wait3A_612 = arith.constant 0 : i32
      %dma_wait3A_613 = tpu.memref_slice %arg7[%dma_wait3A_605, %dma_wait3A_606, %dma_wait3A_612] : memref<2x16x125xi32, #tpu.memory_space<vmem>> -> memref<1x1x125xi32, #tpu.memory_space<vmem>>
      %dma_wait3A_614 = tpu.memref_squeeze %dma_wait3A_613 : memref<1x1x125xi32, #tpu.memory_space<vmem>> -> memref<125xi32, #tpu.memory_space<vmem>>
      %dma_wait3A_615 = arith.constant 0 : i32
      %dma_wait3A_616 = arith.constant 0 : i32
      %dma_wait3A_617 = tpu.memref_slice %arg2[%arg0, %dma_wait3A_615, %dma_wait3A_616] : memref<2x50000x16xf32, #tpu.memory_space<hbm>> -> memref<1x50000x16xf32, #tpu.memory_space<hbm>>
      %dma_wait3A_618 = tpu.memref_squeeze %dma_wait3A_617 : memref<1x50000x16xf32, #tpu.memory_space<hbm>> -> memref<50000x16xf32, #tpu.memory_space<hbm>>
      %dma_wait3A_619 = arith.constant 0 : i32
      %dma_wait3A_620 = arith.constant 0 : i32
      %dma_wait3A_621 = tpu.memref_slice %dma_wait3A_618[%dma_wait3A_619, %dma_wait3A_620] : memref<50000x16xf32, #tpu.memory_space<hbm>> -> memref<50000x16xf32, #tpu.memory_space<hbm>>
      tpu.wait_indirect_dma semaphore(%arg11 : memref<!tpu.dma_semaphore, #tpu.memory_space<semaphore_mem>>) src(%dma_wait3A_621 : memref<50000x16xf32, #tpu.memory_space<hbm>>) dst(%dma_wait3A_611 : memref<125x16xf32, #tpu.memory_space<vmem>>)
      %dma_wait3A_622 = arith.constant 0 : i32
      %dma_wait3A_623 = arith.constant 14 : i32
      %dma_wait3A_624 = arith.constant 0 : i32
      %dma_wait3A_625 = arith.constant 1750 : i32
      %dma_wait3A_626 = arith.constant 0 : i32
      %dma_wait3A_627 = tpu.memref_slice %arg9[%dma_wait3A_624, %dma_wait3A_625, %dma_wait3A_626] : memref<2x2000x16xf32, #tpu.memory_space<vmem>> -> memref<1x125x16xf32, #tpu.memory_space<vmem>>
      %dma_wait3A_628 = tpu.memref_squeeze %dma_wait3A_627 : memref<1x125x16xf32, #tpu.memory_space<vmem>> -> memref<125x16xf32, #tpu.memory_space<vmem>>
      %dma_wait3A_629 = arith.constant 0 : i32
      %dma_wait3A_630 = tpu.memref_slice %arg7[%dma_wait3A_622, %dma_wait3A_623, %dma_wait3A_629] : memref<2x16x125xi32, #tpu.memory_space<vmem>> -> memref<1x1x125xi32, #tpu.memory_space<vmem>>
      %dma_wait3A_631 = tpu.memref_squeeze %dma_wait3A_630 : memref<1x1x125xi32, #tpu.memory_space<vmem>> -> memref<125xi32, #tpu.memory_space<vmem>>
      %dma_wait3A_632 = arith.constant 0 : i32
      %dma_wait3A_633 = arith.constant 0 : i32
      %dma_wait3A_634 = tpu.memref_slice %arg2[%arg0, %dma_wait3A_632, %dma_wait3A_633] : memref<2x50000x16xf32, #tpu.memory_space<hbm>> -> memref<1x50000x16xf32, #tpu.memory_space<hbm>>
      %dma_wait3A_635 = tpu.memref_squeeze %dma_wait3A_634 : memref<1x50000x16xf32, #tpu.memory_space<hbm>> -> memref<50000x16xf32, #tpu.memory_space<hbm>>
      %dma_wait3A_636 = arith.constant 0 : i32
      %dma_wait3A_637 = arith.constant 0 : i32
      %dma_wait3A_638 = tpu.memref_slice %dma_wait3A_635[%dma_wait3A_636, %dma_wait3A_637] : memref<50000x16xf32, #tpu.memory_space<hbm>> -> memref<50000x16xf32, #tpu.memory_space<hbm>>
      tpu.wait_indirect_dma semaphore(%arg11 : memref<!tpu.dma_semaphore, #tpu.memory_space<semaphore_mem>>) src(%dma_wait3A_638 : memref<50000x16xf32, #tpu.memory_space<hbm>>) dst(%dma_wait3A_628 : memref<125x16xf32, #tpu.memory_space<vmem>>)
      %dma_wait3A_639 = arith.constant 0 : i32
      %dma_wait3A_640 = arith.constant 15 : i32
      %dma_wait3A_641 = arith.constant 0 : i32
      %dma_wait3A_642 = arith.constant 1875 : i32
      %dma_wait3A_643 = arith.constant 0 : i32
      %dma_wait3A_644 = tpu.memref_slice %arg9[%dma_wait3A_641, %dma_wait3A_642, %dma_wait3A_643] : memref<2x2000x16xf32, #tpu.memory_space<vmem>> -> memref<1x125x16xf32, #tpu.memory_space<vmem>>
      %dma_wait3A_645 = tpu.memref_squeeze %dma_wait3A_644 : memref<1x125x16xf32, #tpu.memory_space<vmem>> -> memref<125x16xf32, #tpu.memory_space<vmem>>
      %dma_wait3A_646 = arith.constant 0 : i32
      %dma_wait3A_647 = tpu.memref_slice %arg7[%dma_wait3A_639, %dma_wait3A_640, %dma_wait3A_646] : memref<2x16x125xi32, #tpu.memory_space<vmem>> -> memref<1x1x125xi32, #tpu.memory_space<vmem>>
      %dma_wait3A_648 = tpu.memref_squeeze %dma_wait3A_647 : memref<1x1x125xi32, #tpu.memory_space<vmem>> -> memref<125xi32, #tpu.memory_space<vmem>>
      %dma_wait3A_649 = arith.constant 0 : i32
      %dma_wait3A_650 = arith.constant 0 : i32
      %dma_wait3A_651 = tpu.memref_slice %arg2[%arg0, %dma_wait3A_649, %dma_wait3A_650] : memref<2x50000x16xf32, #tpu.memory_space<hbm>> -> memref<1x50000x16xf32, #tpu.memory_space<hbm>>
      %dma_wait3A_652 = tpu.memref_squeeze %dma_wait3A_651 : memref<1x50000x16xf32, #tpu.memory_space<hbm>> -> memref<50000x16xf32, #tpu.memory_space<hbm>>
      %dma_wait3A_653 = arith.constant 0 : i32
      %dma_wait3A_654 = arith.constant 0 : i32
      %dma_wait3A_655 = tpu.memref_slice %dma_wait3A_652[%dma_wait3A_653, %dma_wait3A_654] : memref<50000x16xf32, #tpu.memory_space<hbm>> -> memref<50000x16xf32, #tpu.memory_space<hbm>>
      tpu.wait_indirect_dma semaphore(%arg11 : memref<!tpu.dma_semaphore, #tpu.memory_space<semaphore_mem>>) src(%dma_wait3A_655 : memref<50000x16xf32, #tpu.memory_space<hbm>>) dst(%dma_wait3A_645 : memref<125x16xf32, #tpu.memory_space<vmem>>)
      %dma_start3A_656 = arith.constant 0 : i32
      %dma_start3A_657 = arith.constant 0 : i32
      %dma_start3A_658 = arith.constant 0 : i32
      %dma_start3A_659 = arith.constant 0 : i32
      %dma_start3A_660 = arith.constant 0 : i32
      %dma_start3A_661 = tpu.memref_slice %arg9[%dma_start3A_656, %dma_start3A_659, %dma_start3A_660] : memref<2x2000x16xf32, #tpu.memory_space<vmem>> -> memref<1x125x16xf32, #tpu.memory_space<vmem>>
      %dma_start3A_662 = tpu.memref_squeeze %dma_start3A_661 : memref<1x125x16xf32, #tpu.memory_space<vmem>> -> memref<125x16xf32, #tpu.memory_space<vmem>>
      %dma_start3A_663 = arith.constant 0 : i32
      %dma_start3A_664 = tpu.memref_slice %arg8[%dma_start3A_657, %dma_start3A_658, %dma_start3A_663] : memref<2x16x125xi32, #tpu.memory_space<vmem>> -> memref<1x1x125xi32, #tpu.memory_space<vmem>>
      %dma_start3A_665 = tpu.memref_squeeze %dma_start3A_664 : memref<1x1x125xi32, #tpu.memory_space<vmem>> -> memref<125xi32, #tpu.memory_space<vmem>>
      %dma_start3A_666 = arith.constant 0 : i32
      %dma_start3A_667 = arith.constant 0 : i32
      %dma_start3A_668 = tpu.memref_slice %arg10[%dma_start3A_666, %dma_start3A_667] : memref<50000x16xf32, #tpu.memory_space<vmem_shared>> -> memref<50000x16xf32, #tpu.memory_space<vmem_shared>>
      tpu.enqueue_indirect_dma source(%dma_start3A_662 : memref<125x16xf32, #tpu.memory_space<vmem>>) target(%dma_start3A_668 : memref<50000x16xf32, #tpu.memory_space<vmem_shared>>) offsets(%dma_start3A_665 : memref<125xi32, #tpu.memory_space<vmem>>) semaphore(%arg13 : memref<!tpu.dma_semaphore, #tpu.memory_space<semaphore_mem>>) {add = true}
      %dma_start3A_669 = arith.constant 0 : i32
      %dma_start3A_670 = arith.constant 0 : i32
      %dma_start3A_671 = arith.constant 1 : i32
      %dma_start3A_672 = arith.constant 125 : i32
      %dma_start3A_673 = arith.constant 0 : i32
      %dma_start3A_674 = tpu.memref_slice %arg9[%dma_start3A_669, %dma_start3A_672, %dma_start3A_673] : memref<2x2000x16xf32, #tpu.memory_space<vmem>> -> memref<1x125x16xf32, #tpu.memory_space<vmem>>
      %dma_start3A_675 = tpu.memref_squeeze %dma_start3A_674 : memref<1x125x16xf32, #tpu.memory_space<vmem>> -> memref<125x16xf32, #tpu.memory_space<vmem>>
      %dma_start3A_676 = arith.constant 0 : i32
      %dma_start3A_677 = tpu.memref_slice %arg8[%dma_start3A_670, %dma_start3A_671, %dma_start3A_676] : memref<2x16x125xi32, #tpu.memory_space<vmem>> -> memref<1x1x125xi32, #tpu.memory_space<vmem>>
      %dma_start3A_678 = tpu.memref_squeeze %dma_start3A_677 : memref<1x1x125xi32, #tpu.memory_space<vmem>> -> memref<125xi32, #tpu.memory_space<vmem>>
      %dma_start3A_679 = arith.constant 0 : i32
      %dma_start3A_680 = arith.constant 0 : i32
      %dma_start3A_681 = tpu.memref_slice %arg10[%dma_start3A_679, %dma_start3A_680] : memref<50000x16xf32, #tpu.memory_space<vmem_shared>> -> memref<50000x16xf32, #tpu.memory_space<vmem_shared>>
      tpu.enqueue_indirect_dma source(%dma_start3A_675 : memref<125x16xf32, #tpu.memory_space<vmem>>) target(%dma_start3A_681 : memref<50000x16xf32, #tpu.memory_space<vmem_shared>>) offsets(%dma_start3A_678 : memref<125xi32, #tpu.memory_space<vmem>>) semaphore(%arg13 : memref<!tpu.dma_semaphore, #tpu.memory_space<semaphore_mem>>) {add = true}
      %dma_start3A_682 = arith.constant 0 : i32
      %dma_start3A_683 = arith.constant 0 : i32
      %dma_start3A_684 = arith.constant 2 : i32
      %dma_start3A_685 = arith.constant 250 : i32
      %dma_start3A_686 = arith.constant 0 : i32
      %dma_start3A_687 = tpu.memref_slice %arg9[%dma_start3A_682, %dma_start3A_685, %dma_start3A_686] : memref<2x2000x16xf32, #tpu.memory_space<vmem>> -> memref<1x125x16xf32, #tpu.memory_space<vmem>>
      %dma_start3A_688 = tpu.memref_squeeze %dma_start3A_687 : memref<1x125x16xf32, #tpu.memory_space<vmem>> -> memref<125x16xf32, #tpu.memory_space<vmem>>
      %dma_start3A_689 = arith.constant 0 : i32
      %dma_start3A_690 = tpu.memref_slice %arg8[%dma_start3A_683, %dma_start3A_684, %dma_start3A_689] : memref<2x16x125xi32, #tpu.memory_space<vmem>> -> memref<1x1x125xi32, #tpu.memory_space<vmem>>
      %dma_start3A_691 = tpu.memref_squeeze %dma_start3A_690 : memref<1x1x125xi32, #tpu.memory_space<vmem>> -> memref<125xi32, #tpu.memory_space<vmem>>
      %dma_start3A_692 = arith.constant 0 : i32
      %dma_start3A_693 = arith.constant 0 : i32
      %dma_start3A_694 = tpu.memref_slice %arg10[%dma_start3A_692, %dma_start3A_693] : memref<50000x16xf32, #tpu.memory_space<vmem_shared>> -> memref<50000x16xf32, #tpu.memory_space<vmem_shared>>
      tpu.enqueue_indirect_dma source(%dma_start3A_688 : memref<125x16xf32, #tpu.memory_space<vmem>>) target(%dma_start3A_694 : memref<50000x16xf32, #tpu.memory_space<vmem_shared>>) offsets(%dma_start3A_691 : memref<125xi32, #tpu.memory_space<vmem>>) semaphore(%arg13 : memref<!tpu.dma_semaphore, #tpu.memory_space<semaphore_mem>>) {add = true}
      %dma_start3A_695 = arith.constant 0 : i32
      %dma_start3A_696 = arith.constant 0 : i32
      %dma_start3A_697 = arith.constant 3 : i32
      %dma_start3A_698 = arith.constant 375 : i32
      %dma_start3A_699 = arith.constant 0 : i32
      %dma_start3A_700 = tpu.memref_slice %arg9[%dma_start3A_695, %dma_start3A_698, %dma_start3A_699] : memref<2x2000x16xf32, #tpu.memory_space<vmem>> -> memref<1x125x16xf32, #tpu.memory_space<vmem>>
      %dma_start3A_701 = tpu.memref_squeeze %dma_start3A_700 : memref<1x125x16xf32, #tpu.memory_space<vmem>> -> memref<125x16xf32, #tpu.memory_space<vmem>>
      %dma_start3A_702 = arith.constant 0 : i32
      %dma_start3A_703 = tpu.memref_slice %arg8[%dma_start3A_696, %dma_start3A_697, %dma_start3A_702] : memref<2x16x125xi32, #tpu.memory_space<vmem>> -> memref<1x1x125xi32, #tpu.memory_space<vmem>>
      %dma_start3A_704 = tpu.memref_squeeze %dma_start3A_703 : memref<1x1x125xi32, #tpu.memory_space<vmem>> -> memref<125xi32, #tpu.memory_space<vmem>>
      %dma_start3A_705 = arith.constant 0 : i32
      %dma_start3A_706 = arith.constant 0 : i32
      %dma_start3A_707 = tpu.memref_slice %arg10[%dma_start3A_705, %dma_start3A_706] : memref<50000x16xf32, #tpu.memory_space<vmem_shared>> -> memref<50000x16xf32, #tpu.memory_space<vmem_shared>>
      tpu.enqueue_indirect_dma source(%dma_start3A_701 : memref<125x16xf32, #tpu.memory_space<vmem>>) target(%dma_start3A_707 : memref<50000x16xf32, #tpu.memory_space<vmem_shared>>) offsets(%dma_start3A_704 : memref<125xi32, #tpu.memory_space<vmem>>) semaphore(%arg13 : memref<!tpu.dma_semaphore, #tpu.memory_space<semaphore_mem>>) {add = true}
      %dma_start3A_708 = arith.constant 0 : i32
      %dma_start3A_709 = arith.constant 0 : i32
      %dma_start3A_710 = arith.constant 4 : i32
      %dma_start3A_711 = arith.constant 500 : i32
      %dma_start3A_712 = arith.constant 0 : i32
      %dma_start3A_713 = tpu.memref_slice %arg9[%dma_start3A_708, %dma_start3A_711, %dma_start3A_712] : memref<2x2000x16xf32, #tpu.memory_space<vmem>> -> memref<1x125x16xf32, #tpu.memory_space<vmem>>
      %dma_start3A_714 = tpu.memref_squeeze %dma_start3A_713 : memref<1x125x16xf32, #tpu.memory_space<vmem>> -> memref<125x16xf32, #tpu.memory_space<vmem>>
      %dma_start3A_715 = arith.constant 0 : i32
      %dma_start3A_716 = tpu.memref_slice %arg8[%dma_start3A_709, %dma_start3A_710, %dma_start3A_715] : memref<2x16x125xi32, #tpu.memory_space<vmem>> -> memref<1x1x125xi32, #tpu.memory_space<vmem>>
      %dma_start3A_717 = tpu.memref_squeeze %dma_start3A_716 : memref<1x1x125xi32, #tpu.memory_space<vmem>> -> memref<125xi32, #tpu.memory_space<vmem>>
      %dma_start3A_718 = arith.constant 0 : i32
      %dma_start3A_719 = arith.constant 0 : i32
      %dma_start3A_720 = tpu.memref_slice %arg10[%dma_start3A_718, %dma_start3A_719] : memref<50000x16xf32, #tpu.memory_space<vmem_shared>> -> memref<50000x16xf32, #tpu.memory_space<vmem_shared>>
      tpu.enqueue_indirect_dma source(%dma_start3A_714 : memref<125x16xf32, #tpu.memory_space<vmem>>) target(%dma_start3A_720 : memref<50000x16xf32, #tpu.memory_space<vmem_shared>>) offsets(%dma_start3A_717 : memref<125xi32, #tpu.memory_space<vmem>>) semaphore(%arg13 : memref<!tpu.dma_semaphore, #tpu.memory_space<semaphore_mem>>) {add = true}
      %dma_start3A_721 = arith.constant 0 : i32
      %dma_start3A_722 = arith.constant 0 : i32
      %dma_start3A_723 = arith.constant 5 : i32
      %dma_start3A_724 = arith.constant 625 : i32
      %dma_start3A_725 = arith.constant 0 : i32
      %dma_start3A_726 = tpu.memref_slice %arg9[%dma_start3A_721, %dma_start3A_724, %dma_start3A_725] : memref<2x2000x16xf32, #tpu.memory_space<vmem>> -> memref<1x125x16xf32, #tpu.memory_space<vmem>>
      %dma_start3A_727 = tpu.memref_squeeze %dma_start3A_726 : memref<1x125x16xf32, #tpu.memory_space<vmem>> -> memref<125x16xf32, #tpu.memory_space<vmem>>
      %dma_start3A_728 = arith.constant 0 : i32
      %dma_start3A_729 = tpu.memref_slice %arg8[%dma_start3A_722, %dma_start3A_723, %dma_start3A_728] : memref<2x16x125xi32, #tpu.memory_space<vmem>> -> memref<1x1x125xi32, #tpu.memory_space<vmem>>
      %dma_start3A_730 = tpu.memref_squeeze %dma_start3A_729 : memref<1x1x125xi32, #tpu.memory_space<vmem>> -> memref<125xi32, #tpu.memory_space<vmem>>
      %dma_start3A_731 = arith.constant 0 : i32
      %dma_start3A_732 = arith.constant 0 : i32
      %dma_start3A_733 = tpu.memref_slice %arg10[%dma_start3A_731, %dma_start3A_732] : memref<50000x16xf32, #tpu.memory_space<vmem_shared>> -> memref<50000x16xf32, #tpu.memory_space<vmem_shared>>
      tpu.enqueue_indirect_dma source(%dma_start3A_727 : memref<125x16xf32, #tpu.memory_space<vmem>>) target(%dma_start3A_733 : memref<50000x16xf32, #tpu.memory_space<vmem_shared>>) offsets(%dma_start3A_730 : memref<125xi32, #tpu.memory_space<vmem>>) semaphore(%arg13 : memref<!tpu.dma_semaphore, #tpu.memory_space<semaphore_mem>>) {add = true}
      %dma_start3A_734 = arith.constant 0 : i32
      %dma_start3A_735 = arith.constant 0 : i32
      %dma_start3A_736 = arith.constant 6 : i32
      %dma_start3A_737 = arith.constant 750 : i32
      %dma_start3A_738 = arith.constant 0 : i32
      %dma_start3A_739 = tpu.memref_slice %arg9[%dma_start3A_734, %dma_start3A_737, %dma_start3A_738] : memref<2x2000x16xf32, #tpu.memory_space<vmem>> -> memref<1x125x16xf32, #tpu.memory_space<vmem>>
      %dma_start3A_740 = tpu.memref_squeeze %dma_start3A_739 : memref<1x125x16xf32, #tpu.memory_space<vmem>> -> memref<125x16xf32, #tpu.memory_space<vmem>>
      %dma_start3A_741 = arith.constant 0 : i32
      %dma_start3A_742 = tpu.memref_slice %arg8[%dma_start3A_735, %dma_start3A_736, %dma_start3A_741] : memref<2x16x125xi32, #tpu.memory_space<vmem>> -> memref<1x1x125xi32, #tpu.memory_space<vmem>>
      %dma_start3A_743 = tpu.memref_squeeze %dma_start3A_742 : memref<1x1x125xi32, #tpu.memory_space<vmem>> -> memref<125xi32, #tpu.memory_space<vmem>>
      %dma_start3A_744 = arith.constant 0 : i32
      %dma_start3A_745 = arith.constant 0 : i32
      %dma_start3A_746 = tpu.memref_slice %arg10[%dma_start3A_744, %dma_start3A_745] : memref<50000x16xf32, #tpu.memory_space<vmem_shared>> -> memref<50000x16xf32, #tpu.memory_space<vmem_shared>>
      tpu.enqueue_indirect_dma source(%dma_start3A_740 : memref<125x16xf32, #tpu.memory_space<vmem>>) target(%dma_start3A_746 : memref<50000x16xf32, #tpu.memory_space<vmem_shared>>) offsets(%dma_start3A_743 : memref<125xi32, #tpu.memory_space<vmem>>) semaphore(%arg13 : memref<!tpu.dma_semaphore, #tpu.memory_space<semaphore_mem>>) {add = true}
      %dma_start3A_747 = arith.constant 0 : i32
      %dma_start3A_748 = arith.constant 0 : i32
      %dma_start3A_749 = arith.constant 7 : i32
      %dma_start3A_750 = arith.constant 875 : i32
      %dma_start3A_751 = arith.constant 0 : i32
      %dma_start3A_752 = tpu.memref_slice %arg9[%dma_start3A_747, %dma_start3A_750, %dma_start3A_751] : memref<2x2000x16xf32, #tpu.memory_space<vmem>> -> memref<1x125x16xf32, #tpu.memory_space<vmem>>
      %dma_start3A_753 = tpu.memref_squeeze %dma_start3A_752 : memref<1x125x16xf32, #tpu.memory_space<vmem>> -> memref<125x16xf32, #tpu.memory_space<vmem>>
      %dma_start3A_754 = arith.constant 0 : i32
      %dma_start3A_755 = tpu.memref_slice %arg8[%dma_start3A_748, %dma_start3A_749, %dma_start3A_754] : memref<2x16x125xi32, #tpu.memory_space<vmem>> -> memref<1x1x125xi32, #tpu.memory_space<vmem>>
      %dma_start3A_756 = tpu.memref_squeeze %dma_start3A_755 : memref<1x1x125xi32, #tpu.memory_space<vmem>> -> memref<125xi32, #tpu.memory_space<vmem>>
      %dma_start3A_757 = arith.constant 0 : i32
      %dma_start3A_758 = arith.constant 0 : i32
      %dma_start3A_759 = tpu.memref_slice %arg10[%dma_start3A_757, %dma_start3A_758] : memref<50000x16xf32, #tpu.memory_space<vmem_shared>> -> memref<50000x16xf32, #tpu.memory_space<vmem_shared>>
      tpu.enqueue_indirect_dma source(%dma_start3A_753 : memref<125x16xf32, #tpu.memory_space<vmem>>) target(%dma_start3A_759 : memref<50000x16xf32, #tpu.memory_space<vmem_shared>>) offsets(%dma_start3A_756 : memref<125xi32, #tpu.memory_space<vmem>>) semaphore(%arg13 : memref<!tpu.dma_semaphore, #tpu.memory_space<semaphore_mem>>) {add = true}
      %dma_start3A_760 = arith.constant 0 : i32
      %dma_start3A_761 = arith.constant 0 : i32
      %dma_start3A_762 = arith.constant 8 : i32
      %dma_start3A_763 = arith.constant 1000 : i32
      %dma_start3A_764 = arith.constant 0 : i32
      %dma_start3A_765 = tpu.memref_slice %arg9[%dma_start3A_760, %dma_start3A_763, %dma_start3A_764] : memref<2x2000x16xf32, #tpu.memory_space<vmem>> -> memref<1x125x16xf32, #tpu.memory_space<vmem>>
      %dma_start3A_766 = tpu.memref_squeeze %dma_start3A_765 : memref<1x125x16xf32, #tpu.memory_space<vmem>> -> memref<125x16xf32, #tpu.memory_space<vmem>>
      %dma_start3A_767 = arith.constant 0 : i32
      %dma_start3A_768 = tpu.memref_slice %arg8[%dma_start3A_761, %dma_start3A_762, %dma_start3A_767] : memref<2x16x125xi32, #tpu.memory_space<vmem>> -> memref<1x1x125xi32, #tpu.memory_space<vmem>>
      %dma_start3A_769 = tpu.memref_squeeze %dma_start3A_768 : memref<1x1x125xi32, #tpu.memory_space<vmem>> -> memref<125xi32, #tpu.memory_space<vmem>>
      %dma_start3A_770 = arith.constant 0 : i32
      %dma_start3A_771 = arith.constant 0 : i32
      %dma_start3A_772 = tpu.memref_slice %arg10[%dma_start3A_770, %dma_start3A_771] : memref<50000x16xf32, #tpu.memory_space<vmem_shared>> -> memref<50000x16xf32, #tpu.memory_space<vmem_shared>>
      tpu.enqueue_indirect_dma source(%dma_start3A_766 : memref<125x16xf32, #tpu.memory_space<vmem>>) target(%dma_start3A_772 : memref<50000x16xf32, #tpu.memory_space<vmem_shared>>) offsets(%dma_start3A_769 : memref<125xi32, #tpu.memory_space<vmem>>) semaphore(%arg13 : memref<!tpu.dma_semaphore, #tpu.memory_space<semaphore_mem>>) {add = true}
      %dma_start3A_773 = arith.constant 0 : i32
      %dma_start3A_774 = arith.constant 0 : i32
      %dma_start3A_775 = arith.constant 9 : i32
      %dma_start3A_776 = arith.constant 1125 : i32
      %dma_start3A_777 = arith.constant 0 : i32
      %dma_start3A_778 = tpu.memref_slice %arg9[%dma_start3A_773, %dma_start3A_776, %dma_start3A_777] : memref<2x2000x16xf32, #tpu.memory_space<vmem>> -> memref<1x125x16xf32, #tpu.memory_space<vmem>>
      %dma_start3A_779 = tpu.memref_squeeze %dma_start3A_778 : memref<1x125x16xf32, #tpu.memory_space<vmem>> -> memref<125x16xf32, #tpu.memory_space<vmem>>
      %dma_start3A_780 = arith.constant 0 : i32
      %dma_start3A_781 = tpu.memref_slice %arg8[%dma_start3A_774, %dma_start3A_775, %dma_start3A_780] : memref<2x16x125xi32, #tpu.memory_space<vmem>> -> memref<1x1x125xi32, #tpu.memory_space<vmem>>
      %dma_start3A_782 = tpu.memref_squeeze %dma_start3A_781 : memref<1x1x125xi32, #tpu.memory_space<vmem>> -> memref<125xi32, #tpu.memory_space<vmem>>
      %dma_start3A_783 = arith.constant 0 : i32
      %dma_start3A_784 = arith.constant 0 : i32
      %dma_start3A_785 = tpu.memref_slice %arg10[%dma_start3A_783, %dma_start3A_784] : memref<50000x16xf32, #tpu.memory_space<vmem_shared>> -> memref<50000x16xf32, #tpu.memory_space<vmem_shared>>
      tpu.enqueue_indirect_dma source(%dma_start3A_779 : memref<125x16xf32, #tpu.memory_space<vmem>>) target(%dma_start3A_785 : memref<50000x16xf32, #tpu.memory_space<vmem_shared>>) offsets(%dma_start3A_782 : memref<125xi32, #tpu.memory_space<vmem>>) semaphore(%arg13 : memref<!tpu.dma_semaphore, #tpu.memory_space<semaphore_mem>>) {add = true}
      %dma_start3A_786 = arith.constant 0 : i32
      %dma_start3A_787 = arith.constant 0 : i32
      %dma_start3A_788 = arith.constant 10 : i32
      %dma_start3A_789 = arith.constant 1250 : i32
      %dma_start3A_790 = arith.constant 0 : i32
      %dma_start3A_791 = tpu.memref_slice %arg9[%dma_start3A_786, %dma_start3A_789, %dma_start3A_790] : memref<2x2000x16xf32, #tpu.memory_space<vmem>> -> memref<1x125x16xf32, #tpu.memory_space<vmem>>
      %dma_start3A_792 = tpu.memref_squeeze %dma_start3A_791 : memref<1x125x16xf32, #tpu.memory_space<vmem>> -> memref<125x16xf32, #tpu.memory_space<vmem>>
      %dma_start3A_793 = arith.constant 0 : i32
      %dma_start3A_794 = tpu.memref_slice %arg8[%dma_start3A_787, %dma_start3A_788, %dma_start3A_793] : memref<2x16x125xi32, #tpu.memory_space<vmem>> -> memref<1x1x125xi32, #tpu.memory_space<vmem>>
      %dma_start3A_795 = tpu.memref_squeeze %dma_start3A_794 : memref<1x1x125xi32, #tpu.memory_space<vmem>> -> memref<125xi32, #tpu.memory_space<vmem>>
      %dma_start3A_796 = arith.constant 0 : i32
      %dma_start3A_797 = arith.constant 0 : i32
      %dma_start3A_798 = tpu.memref_slice %arg10[%dma_start3A_796, %dma_start3A_797] : memref<50000x16xf32, #tpu.memory_space<vmem_shared>> -> memref<50000x16xf32, #tpu.memory_space<vmem_shared>>
      tpu.enqueue_indirect_dma source(%dma_start3A_792 : memref<125x16xf32, #tpu.memory_space<vmem>>) target(%dma_start3A_798 : memref<50000x16xf32, #tpu.memory_space<vmem_shared>>) offsets(%dma_start3A_795 : memref<125xi32, #tpu.memory_space<vmem>>) semaphore(%arg13 : memref<!tpu.dma_semaphore, #tpu.memory_space<semaphore_mem>>) {add = true}
      %dma_start3A_799 = arith.constant 0 : i32
      %dma_start3A_800 = arith.constant 0 : i32
      %dma_start3A_801 = arith.constant 11 : i32
      %dma_start3A_802 = arith.constant 1375 : i32
      %dma_start3A_803 = arith.constant 0 : i32
      %dma_start3A_804 = tpu.memref_slice %arg9[%dma_start3A_799, %dma_start3A_802, %dma_start3A_803] : memref<2x2000x16xf32, #tpu.memory_space<vmem>> -> memref<1x125x16xf32, #tpu.memory_space<vmem>>
      %dma_start3A_805 = tpu.memref_squeeze %dma_start3A_804 : memref<1x125x16xf32, #tpu.memory_space<vmem>> -> memref<125x16xf32, #tpu.memory_space<vmem>>
      %dma_start3A_806 = arith.constant 0 : i32
      %dma_start3A_807 = tpu.memref_slice %arg8[%dma_start3A_800, %dma_start3A_801, %dma_start3A_806] : memref<2x16x125xi32, #tpu.memory_space<vmem>> -> memref<1x1x125xi32, #tpu.memory_space<vmem>>
      %dma_start3A_808 = tpu.memref_squeeze %dma_start3A_807 : memref<1x1x125xi32, #tpu.memory_space<vmem>> -> memref<125xi32, #tpu.memory_space<vmem>>
      %dma_start3A_809 = arith.constant 0 : i32
      %dma_start3A_810 = arith.constant 0 : i32
      %dma_start3A_811 = tpu.memref_slice %arg10[%dma_start3A_809, %dma_start3A_810] : memref<50000x16xf32, #tpu.memory_space<vmem_shared>> -> memref<50000x16xf32, #tpu.memory_space<vmem_shared>>
      tpu.enqueue_indirect_dma source(%dma_start3A_805 : memref<125x16xf32, #tpu.memory_space<vmem>>) target(%dma_start3A_811 : memref<50000x16xf32, #tpu.memory_space<vmem_shared>>) offsets(%dma_start3A_808 : memref<125xi32, #tpu.memory_space<vmem>>) semaphore(%arg13 : memref<!tpu.dma_semaphore, #tpu.memory_space<semaphore_mem>>) {add = true}
      %dma_start3A_812 = arith.constant 0 : i32
      %dma_start3A_813 = arith.constant 0 : i32
      %dma_start3A_814 = arith.constant 12 : i32
      %dma_start3A_815 = arith.constant 1500 : i32
      %dma_start3A_816 = arith.constant 0 : i32
      %dma_start3A_817 = tpu.memref_slice %arg9[%dma_start3A_812, %dma_start3A_815, %dma_start3A_816] : memref<2x2000x16xf32, #tpu.memory_space<vmem>> -> memref<1x125x16xf32, #tpu.memory_space<vmem>>
      %dma_start3A_818 = tpu.memref_squeeze %dma_start3A_817 : memref<1x125x16xf32, #tpu.memory_space<vmem>> -> memref<125x16xf32, #tpu.memory_space<vmem>>
      %dma_start3A_819 = arith.constant 0 : i32
      %dma_start3A_820 = tpu.memref_slice %arg8[%dma_start3A_813, %dma_start3A_814, %dma_start3A_819] : memref<2x16x125xi32, #tpu.memory_space<vmem>> -> memref<1x1x125xi32, #tpu.memory_space<vmem>>
      %dma_start3A_821 = tpu.memref_squeeze %dma_start3A_820 : memref<1x1x125xi32, #tpu.memory_space<vmem>> -> memref<125xi32, #tpu.memory_space<vmem>>
      %dma_start3A_822 = arith.constant 0 : i32
      %dma_start3A_823 = arith.constant 0 : i32
      %dma_start3A_824 = tpu.memref_slice %arg10[%dma_start3A_822, %dma_start3A_823] : memref<50000x16xf32, #tpu.memory_space<vmem_shared>> -> memref<50000x16xf32, #tpu.memory_space<vmem_shared>>
      tpu.enqueue_indirect_dma source(%dma_start3A_818 : memref<125x16xf32, #tpu.memory_space<vmem>>) target(%dma_start3A_824 : memref<50000x16xf32, #tpu.memory_space<vmem_shared>>) offsets(%dma_start3A_821 : memref<125xi32, #tpu.memory_space<vmem>>) semaphore(%arg13 : memref<!tpu.dma_semaphore, #tpu.memory_space<semaphore_mem>>) {add = true}
      %dma_start3A_825 = arith.constant 0 : i32
      %dma_start3A_826 = arith.constant 0 : i32
      %dma_start3A_827 = arith.constant 13 : i32
      %dma_start3A_828 = arith.constant 1625 : i32
      %dma_start3A_829 = arith.constant 0 : i32
      %dma_start3A_830 = tpu.memref_slice %arg9[%dma_start3A_825, %dma_start3A_828, %dma_start3A_829] : memref<2x2000x16xf32, #tpu.memory_space<vmem>> -> memref<1x125x16xf32, #tpu.memory_space<vmem>>
      %dma_start3A_831 = tpu.memref_squeeze %dma_start3A_830 : memref<1x125x16xf32, #tpu.memory_space<vmem>> -> memref<125x16xf32, #tpu.memory_space<vmem>>
      %dma_start3A_832 = arith.constant 0 : i32
      %dma_start3A_833 = tpu.memref_slice %arg8[%dma_start3A_826, %dma_start3A_827, %dma_start3A_832] : memref<2x16x125xi32, #tpu.memory_space<vmem>> -> memref<1x1x125xi32, #tpu.memory_space<vmem>>
      %dma_start3A_834 = tpu.memref_squeeze %dma_start3A_833 : memref<1x1x125xi32, #tpu.memory_space<vmem>> -> memref<125xi32, #tpu.memory_space<vmem>>
      %dma_start3A_835 = arith.constant 0 : i32
      %dma_start3A_836 = arith.constant 0 : i32
      %dma_start3A_837 = tpu.memref_slice %arg10[%dma_start3A_835, %dma_start3A_836] : memref<50000x16xf32, #tpu.memory_space<vmem_shared>> -> memref<50000x16xf32, #tpu.memory_space<vmem_shared>>
      tpu.enqueue_indirect_dma source(%dma_start3A_831 : memref<125x16xf32, #tpu.memory_space<vmem>>) target(%dma_start3A_837 : memref<50000x16xf32, #tpu.memory_space<vmem_shared>>) offsets(%dma_start3A_834 : memref<125xi32, #tpu.memory_space<vmem>>) semaphore(%arg13 : memref<!tpu.dma_semaphore, #tpu.memory_space<semaphore_mem>>) {add = true}
      %dma_start3A_838 = arith.constant 0 : i32
      %dma_start3A_839 = arith.constant 0 : i32
      %dma_start3A_840 = arith.constant 14 : i32
      %dma_start3A_841 = arith.constant 1750 : i32
      %dma_start3A_842 = arith.constant 0 : i32
      %dma_start3A_843 = tpu.memref_slice %arg9[%dma_start3A_838, %dma_start3A_841, %dma_start3A_842] : memref<2x2000x16xf32, #tpu.memory_space<vmem>> -> memref<1x125x16xf32, #tpu.memory_space<vmem>>
      %dma_start3A_844 = tpu.memref_squeeze %dma_start3A_843 : memref<1x125x16xf32, #tpu.memory_space<vmem>> -> memref<125x16xf32, #tpu.memory_space<vmem>>
      %dma_start3A_845 = arith.constant 0 : i32
      %dma_start3A_846 = tpu.memref_slice %arg8[%dma_start3A_839, %dma_start3A_840, %dma_start3A_845] : memref<2x16x125xi32, #tpu.memory_space<vmem>> -> memref<1x1x125xi32, #tpu.memory_space<vmem>>
      %dma_start3A_847 = tpu.memref_squeeze %dma_start3A_846 : memref<1x1x125xi32, #tpu.memory_space<vmem>> -> memref<125xi32, #tpu.memory_space<vmem>>
      %dma_start3A_848 = arith.constant 0 : i32
      %dma_start3A_849 = arith.constant 0 : i32
      %dma_start3A_850 = tpu.memref_slice %arg10[%dma_start3A_848, %dma_start3A_849] : memref<50000x16xf32, #tpu.memory_space<vmem_shared>> -> memref<50000x16xf32, #tpu.memory_space<vmem_shared>>
      tpu.enqueue_indirect_dma source(%dma_start3A_844 : memref<125x16xf32, #tpu.memory_space<vmem>>) target(%dma_start3A_850 : memref<50000x16xf32, #tpu.memory_space<vmem_shared>>) offsets(%dma_start3A_847 : memref<125xi32, #tpu.memory_space<vmem>>) semaphore(%arg13 : memref<!tpu.dma_semaphore, #tpu.memory_space<semaphore_mem>>) {add = true}
      %dma_start3A_851 = arith.constant 0 : i32
      %dma_start3A_852 = arith.constant 0 : i32
      %dma_start3A_853 = arith.constant 15 : i32
      %dma_start3A_854 = arith.constant 1875 : i32
      %dma_start3A_855 = arith.constant 0 : i32
      %dma_start3A_856 = tpu.memref_slice %arg9[%dma_start3A_851, %dma_start3A_854, %dma_start3A_855] : memref<2x2000x16xf32, #tpu.memory_space<vmem>> -> memref<1x125x16xf32, #tpu.memory_space<vmem>>
      %dma_start3A_857 = tpu.memref_squeeze %dma_start3A_856 : memref<1x125x16xf32, #tpu.memory_space<vmem>> -> memref<125x16xf32, #tpu.memory_space<vmem>>
      %dma_start3A_858 = arith.constant 0 : i32
      %dma_start3A_859 = tpu.memref_slice %arg8[%dma_start3A_852, %dma_start3A_853, %dma_start3A_858] : memref<2x16x125xi32, #tpu.memory_space<vmem>> -> memref<1x1x125xi32, #tpu.memory_space<vmem>>
      %dma_start3A_860 = tpu.memref_squeeze %dma_start3A_859 : memref<1x1x125xi32, #tpu.memory_space<vmem>> -> memref<125xi32, #tpu.memory_space<vmem>>
      %dma_start3A_861 = arith.constant 0 : i32
      %dma_start3A_862 = arith.constant 0 : i32
      %dma_start3A_863 = tpu.memref_slice %arg10[%dma_start3A_861, %dma_start3A_862] : memref<50000x16xf32, #tpu.memory_space<vmem_shared>> -> memref<50000x16xf32, #tpu.memory_space<vmem_shared>>
      tpu.enqueue_indirect_dma source(%dma_start3A_857 : memref<125x16xf32, #tpu.memory_space<vmem>>) target(%dma_start3A_863 : memref<50000x16xf32, #tpu.memory_space<vmem_shared>>) offsets(%dma_start3A_860 : memref<125xi32, #tpu.memory_space<vmem>>) semaphore(%arg13 : memref<!tpu.dma_semaphore, #tpu.memory_space<semaphore_mem>>) {add = true}
      %dma_wait3A_864 = arith.constant 0 : i32
      %dma_wait3A_865 = arith.constant 0 : i32
      %dma_wait3A_866 = arith.constant 0 : i32
      %dma_wait3A_867 = arith.constant 0 : i32
      %dma_wait3A_868 = arith.constant 0 : i32
      %dma_wait3A_869 = tpu.memref_slice %arg9[%dma_wait3A_864, %dma_wait3A_867, %dma_wait3A_868] : memref<2x2000x16xf32, #tpu.memory_space<vmem>> -> memref<1x125x16xf32, #tpu.memory_space<vmem>>
      %dma_wait3A_870 = tpu.memref_squeeze %dma_wait3A_869 : memref<1x125x16xf32, #tpu.memory_space<vmem>> -> memref<125x16xf32, #tpu.memory_space<vmem>>
      %dma_wait3A_871 = arith.constant 0 : i32
      %dma_wait3A_872 = tpu.memref_slice %arg8[%dma_wait3A_865, %dma_wait3A_866, %dma_wait3A_871] : memref<2x16x125xi32, #tpu.memory_space<vmem>> -> memref<1x1x125xi32, #tpu.memory_space<vmem>>
      %dma_wait3A_873 = tpu.memref_squeeze %dma_wait3A_872 : memref<1x1x125xi32, #tpu.memory_space<vmem>> -> memref<125xi32, #tpu.memory_space<vmem>>
      %dma_wait3A_874 = arith.constant 0 : i32
      %dma_wait3A_875 = arith.constant 0 : i32
      %dma_wait3A_876 = tpu.memref_slice %arg10[%dma_wait3A_874, %dma_wait3A_875] : memref<50000x16xf32, #tpu.memory_space<vmem_shared>> -> memref<50000x16xf32, #tpu.memory_space<vmem_shared>>
      tpu.wait_indirect_dma semaphore(%arg13 : memref<!tpu.dma_semaphore, #tpu.memory_space<semaphore_mem>>) src(%dma_wait3A_870 : memref<125x16xf32, #tpu.memory_space<vmem>>) dst(%dma_wait3A_876 : memref<50000x16xf32, #tpu.memory_space<vmem_shared>>)
      %dma_wait3A_877 = arith.constant 0 : i32
      %dma_wait3A_878 = arith.constant 0 : i32
      %dma_wait3A_879 = arith.constant 1 : i32
      %dma_wait3A_880 = arith.constant 125 : i32
      %dma_wait3A_881 = arith.constant 0 : i32
      %dma_wait3A_882 = tpu.memref_slice %arg9[%dma_wait3A_877, %dma_wait3A_880, %dma_wait3A_881] : memref<2x2000x16xf32, #tpu.memory_space<vmem>> -> memref<1x125x16xf32, #tpu.memory_space<vmem>>
      %dma_wait3A_883 = tpu.memref_squeeze %dma_wait3A_882 : memref<1x125x16xf32, #tpu.memory_space<vmem>> -> memref<125x16xf32, #tpu.memory_space<vmem>>
      %dma_wait3A_884 = arith.constant 0 : i32
      %dma_wait3A_885 = tpu.memref_slice %arg8[%dma_wait3A_878, %dma_wait3A_879, %dma_wait3A_884] : memref<2x16x125xi32, #tpu.memory_space<vmem>> -> memref<1x1x125xi32, #tpu.memory_space<vmem>>
      %dma_wait3A_886 = tpu.memref_squeeze %dma_wait3A_885 : memref<1x1x125xi32, #tpu.memory_space<vmem>> -> memref<125xi32, #tpu.memory_space<vmem>>
      %dma_wait3A_887 = arith.constant 0 : i32
      %dma_wait3A_888 = arith.constant 0 : i32
      %dma_wait3A_889 = tpu.memref_slice %arg10[%dma_wait3A_887, %dma_wait3A_888] : memref<50000x16xf32, #tpu.memory_space<vmem_shared>> -> memref<50000x16xf32, #tpu.memory_space<vmem_shared>>
      tpu.wait_indirect_dma semaphore(%arg13 : memref<!tpu.dma_semaphore, #tpu.memory_space<semaphore_mem>>) src(%dma_wait3A_883 : memref<125x16xf32, #tpu.memory_space<vmem>>) dst(%dma_wait3A_889 : memref<50000x16xf32, #tpu.memory_space<vmem_shared>>)
      %dma_wait3A_890 = arith.constant 0 : i32
      %dma_wait3A_891 = arith.constant 0 : i32
      %dma_wait3A_892 = arith.constant 2 : i32
      %dma_wait3A_893 = arith.constant 250 : i32
      %dma_wait3A_894 = arith.constant 0 : i32
      %dma_wait3A_895 = tpu.memref_slice %arg9[%dma_wait3A_890, %dma_wait3A_893, %dma_wait3A_894] : memref<2x2000x16xf32, #tpu.memory_space<vmem>> -> memref<1x125x16xf32, #tpu.memory_space<vmem>>
      %dma_wait3A_896 = tpu.memref_squeeze %dma_wait3A_895 : memref<1x125x16xf32, #tpu.memory_space<vmem>> -> memref<125x16xf32, #tpu.memory_space<vmem>>
      %dma_wait3A_897 = arith.constant 0 : i32
      %dma_wait3A_898 = tpu.memref_slice %arg8[%dma_wait3A_891, %dma_wait3A_892, %dma_wait3A_897] : memref<2x16x125xi32, #tpu.memory_space<vmem>> -> memref<1x1x125xi32, #tpu.memory_space<vmem>>
      %dma_wait3A_899 = tpu.memref_squeeze %dma_wait3A_898 : memref<1x1x125xi32, #tpu.memory_space<vmem>> -> memref<125xi32, #tpu.memory_space<vmem>>
      %dma_wait3A_900 = arith.constant 0 : i32
      %dma_wait3A_901 = arith.constant 0 : i32
      %dma_wait3A_902 = tpu.memref_slice %arg10[%dma_wait3A_900, %dma_wait3A_901] : memref<50000x16xf32, #tpu.memory_space<vmem_shared>> -> memref<50000x16xf32, #tpu.memory_space<vmem_shared>>
      tpu.wait_indirect_dma semaphore(%arg13 : memref<!tpu.dma_semaphore, #tpu.memory_space<semaphore_mem>>) src(%dma_wait3A_896 : memref<125x16xf32, #tpu.memory_space<vmem>>) dst(%dma_wait3A_902 : memref<50000x16xf32, #tpu.memory_space<vmem_shared>>)
      %dma_wait3A_903 = arith.constant 0 : i32
      %dma_wait3A_904 = arith.constant 0 : i32
      %dma_wait3A_905 = arith.constant 3 : i32
      %dma_wait3A_906 = arith.constant 375 : i32
      %dma_wait3A_907 = arith.constant 0 : i32
      %dma_wait3A_908 = tpu.memref_slice %arg9[%dma_wait3A_903, %dma_wait3A_906, %dma_wait3A_907] : memref<2x2000x16xf32, #tpu.memory_space<vmem>> -> memref<1x125x16xf32, #tpu.memory_space<vmem>>
      %dma_wait3A_909 = tpu.memref_squeeze %dma_wait3A_908 : memref<1x125x16xf32, #tpu.memory_space<vmem>> -> memref<125x16xf32, #tpu.memory_space<vmem>>
      %dma_wait3A_910 = arith.constant 0 : i32
      %dma_wait3A_911 = tpu.memref_slice %arg8[%dma_wait3A_904, %dma_wait3A_905, %dma_wait3A_910] : memref<2x16x125xi32, #tpu.memory_space<vmem>> -> memref<1x1x125xi32, #tpu.memory_space<vmem>>
      %dma_wait3A_912 = tpu.memref_squeeze %dma_wait3A_911 : memref<1x1x125xi32, #tpu.memory_space<vmem>> -> memref<125xi32, #tpu.memory_space<vmem>>
      %dma_wait3A_913 = arith.constant 0 : i32
      %dma_wait3A_914 = arith.constant 0 : i32
      %dma_wait3A_915 = tpu.memref_slice %arg10[%dma_wait3A_913, %dma_wait3A_914] : memref<50000x16xf32, #tpu.memory_space<vmem_shared>> -> memref<50000x16xf32, #tpu.memory_space<vmem_shared>>
      tpu.wait_indirect_dma semaphore(%arg13 : memref<!tpu.dma_semaphore, #tpu.memory_space<semaphore_mem>>) src(%dma_wait3A_909 : memref<125x16xf32, #tpu.memory_space<vmem>>) dst(%dma_wait3A_915 : memref<50000x16xf32, #tpu.memory_space<vmem_shared>>)
      %dma_wait3A_916 = arith.constant 0 : i32
      %dma_wait3A_917 = arith.constant 0 : i32
      %dma_wait3A_918 = arith.constant 4 : i32
      %dma_wait3A_919 = arith.constant 500 : i32
      %dma_wait3A_920 = arith.constant 0 : i32
      %dma_wait3A_921 = tpu.memref_slice %arg9[%dma_wait3A_916, %dma_wait3A_919, %dma_wait3A_920] : memref<2x2000x16xf32, #tpu.memory_space<vmem>> -> memref<1x125x16xf32, #tpu.memory_space<vmem>>
      %dma_wait3A_922 = tpu.memref_squeeze %dma_wait3A_921 : memref<1x125x16xf32, #tpu.memory_space<vmem>> -> memref<125x16xf32, #tpu.memory_space<vmem>>
      %dma_wait3A_923 = arith.constant 0 : i32
      %dma_wait3A_924 = tpu.memref_slice %arg8[%dma_wait3A_917, %dma_wait3A_918, %dma_wait3A_923] : memref<2x16x125xi32, #tpu.memory_space<vmem>> -> memref<1x1x125xi32, #tpu.memory_space<vmem>>
      %dma_wait3A_925 = tpu.memref_squeeze %dma_wait3A_924 : memref<1x1x125xi32, #tpu.memory_space<vmem>> -> memref<125xi32, #tpu.memory_space<vmem>>
      %dma_wait3A_926 = arith.constant 0 : i32
      %dma_wait3A_927 = arith.constant 0 : i32
      %dma_wait3A_928 = tpu.memref_slice %arg10[%dma_wait3A_926, %dma_wait3A_927] : memref<50000x16xf32, #tpu.memory_space<vmem_shared>> -> memref<50000x16xf32, #tpu.memory_space<vmem_shared>>
      tpu.wait_indirect_dma semaphore(%arg13 : memref<!tpu.dma_semaphore, #tpu.memory_space<semaphore_mem>>) src(%dma_wait3A_922 : memref<125x16xf32, #tpu.memory_space<vmem>>) dst(%dma_wait3A_928 : memref<50000x16xf32, #tpu.memory_space<vmem_shared>>)
      %dma_wait3A_929 = arith.constant 0 : i32
      %dma_wait3A_930 = arith.constant 0 : i32
      %dma_wait3A_931 = arith.constant 5 : i32
      %dma_wait3A_932 = arith.constant 625 : i32
      %dma_wait3A_933 = arith.constant 0 : i32
      %dma_wait3A_934 = tpu.memref_slice %arg9[%dma_wait3A_929, %dma_wait3A_932, %dma_wait3A_933] : memref<2x2000x16xf32, #tpu.memory_space<vmem>> -> memref<1x125x16xf32, #tpu.memory_space<vmem>>
      %dma_wait3A_935 = tpu.memref_squeeze %dma_wait3A_934 : memref<1x125x16xf32, #tpu.memory_space<vmem>> -> memref<125x16xf32, #tpu.memory_space<vmem>>
      %dma_wait3A_936 = arith.constant 0 : i32
      %dma_wait3A_937 = tpu.memref_slice %arg8[%dma_wait3A_930, %dma_wait3A_931, %dma_wait3A_936] : memref<2x16x125xi32, #tpu.memory_space<vmem>> -> memref<1x1x125xi32, #tpu.memory_space<vmem>>
      %dma_wait3A_938 = tpu.memref_squeeze %dma_wait3A_937 : memref<1x1x125xi32, #tpu.memory_space<vmem>> -> memref<125xi32, #tpu.memory_space<vmem>>
      %dma_wait3A_939 = arith.constant 0 : i32
      %dma_wait3A_940 = arith.constant 0 : i32
      %dma_wait3A_941 = tpu.memref_slice %arg10[%dma_wait3A_939, %dma_wait3A_940] : memref<50000x16xf32, #tpu.memory_space<vmem_shared>> -> memref<50000x16xf32, #tpu.memory_space<vmem_shared>>
      tpu.wait_indirect_dma semaphore(%arg13 : memref<!tpu.dma_semaphore, #tpu.memory_space<semaphore_mem>>) src(%dma_wait3A_935 : memref<125x16xf32, #tpu.memory_space<vmem>>) dst(%dma_wait3A_941 : memref<50000x16xf32, #tpu.memory_space<vmem_shared>>)
      %dma_wait3A_942 = arith.constant 0 : i32
      %dma_wait3A_943 = arith.constant 0 : i32
      %dma_wait3A_944 = arith.constant 6 : i32
      %dma_wait3A_945 = arith.constant 750 : i32
      %dma_wait3A_946 = arith.constant 0 : i32
      %dma_wait3A_947 = tpu.memref_slice %arg9[%dma_wait3A_942, %dma_wait3A_945, %dma_wait3A_946] : memref<2x2000x16xf32, #tpu.memory_space<vmem>> -> memref<1x125x16xf32, #tpu.memory_space<vmem>>
      %dma_wait3A_948 = tpu.memref_squeeze %dma_wait3A_947 : memref<1x125x16xf32, #tpu.memory_space<vmem>> -> memref<125x16xf32, #tpu.memory_space<vmem>>
      %dma_wait3A_949 = arith.constant 0 : i32
      %dma_wait3A_950 = tpu.memref_slice %arg8[%dma_wait3A_943, %dma_wait3A_944, %dma_wait3A_949] : memref<2x16x125xi32, #tpu.memory_space<vmem>> -> memref<1x1x125xi32, #tpu.memory_space<vmem>>
      %dma_wait3A_951 = tpu.memref_squeeze %dma_wait3A_950 : memref<1x1x125xi32, #tpu.memory_space<vmem>> -> memref<125xi32, #tpu.memory_space<vmem>>
      %dma_wait3A_952 = arith.constant 0 : i32
      %dma_wait3A_953 = arith.constant 0 : i32
      %dma_wait3A_954 = tpu.memref_slice %arg10[%dma_wait3A_952, %dma_wait3A_953] : memref<50000x16xf32, #tpu.memory_space<vmem_shared>> -> memref<50000x16xf32, #tpu.memory_space<vmem_shared>>
      tpu.wait_indirect_dma semaphore(%arg13 : memref<!tpu.dma_semaphore, #tpu.memory_space<semaphore_mem>>) src(%dma_wait3A_948 : memref<125x16xf32, #tpu.memory_space<vmem>>) dst(%dma_wait3A_954 : memref<50000x16xf32, #tpu.memory_space<vmem_shared>>)
      %dma_wait3A_955 = arith.constant 0 : i32
      %dma_wait3A_956 = arith.constant 0 : i32
      %dma_wait3A_957 = arith.constant 7 : i32
      %dma_wait3A_958 = arith.constant 875 : i32
      %dma_wait3A_959 = arith.constant 0 : i32
      %dma_wait3A_960 = tpu.memref_slice %arg9[%dma_wait3A_955, %dma_wait3A_958, %dma_wait3A_959] : memref<2x2000x16xf32, #tpu.memory_space<vmem>> -> memref<1x125x16xf32, #tpu.memory_space<vmem>>
      %dma_wait3A_961 = tpu.memref_squeeze %dma_wait3A_960 : memref<1x125x16xf32, #tpu.memory_space<vmem>> -> memref<125x16xf32, #tpu.memory_space<vmem>>
      %dma_wait3A_962 = arith.constant 0 : i32
      %dma_wait3A_963 = tpu.memref_slice %arg8[%dma_wait3A_956, %dma_wait3A_957, %dma_wait3A_962] : memref<2x16x125xi32, #tpu.memory_space<vmem>> -> memref<1x1x125xi32, #tpu.memory_space<vmem>>
      %dma_wait3A_964 = tpu.memref_squeeze %dma_wait3A_963 : memref<1x1x125xi32, #tpu.memory_space<vmem>> -> memref<125xi32, #tpu.memory_space<vmem>>
      %dma_wait3A_965 = arith.constant 0 : i32
      %dma_wait3A_966 = arith.constant 0 : i32
      %dma_wait3A_967 = tpu.memref_slice %arg10[%dma_wait3A_965, %dma_wait3A_966] : memref<50000x16xf32, #tpu.memory_space<vmem_shared>> -> memref<50000x16xf32, #tpu.memory_space<vmem_shared>>
      tpu.wait_indirect_dma semaphore(%arg13 : memref<!tpu.dma_semaphore, #tpu.memory_space<semaphore_mem>>) src(%dma_wait3A_961 : memref<125x16xf32, #tpu.memory_space<vmem>>) dst(%dma_wait3A_967 : memref<50000x16xf32, #tpu.memory_space<vmem_shared>>)
      %dma_wait3A_968 = arith.constant 0 : i32
      %dma_wait3A_969 = arith.constant 0 : i32
      %dma_wait3A_970 = arith.constant 8 : i32
      %dma_wait3A_971 = arith.constant 1000 : i32
      %dma_wait3A_972 = arith.constant 0 : i32
      %dma_wait3A_973 = tpu.memref_slice %arg9[%dma_wait3A_968, %dma_wait3A_971, %dma_wait3A_972] : memref<2x2000x16xf32, #tpu.memory_space<vmem>> -> memref<1x125x16xf32, #tpu.memory_space<vmem>>
      %dma_wait3A_974 = tpu.memref_squeeze %dma_wait3A_973 : memref<1x125x16xf32, #tpu.memory_space<vmem>> -> memref<125x16xf32, #tpu.memory_space<vmem>>
      %dma_wait3A_975 = arith.constant 0 : i32
      %dma_wait3A_976 = tpu.memref_slice %arg8[%dma_wait3A_969, %dma_wait3A_970, %dma_wait3A_975] : memref<2x16x125xi32, #tpu.memory_space<vmem>> -> memref<1x1x125xi32, #tpu.memory_space<vmem>>
      %dma_wait3A_977 = tpu.memref_squeeze %dma_wait3A_976 : memref<1x1x125xi32, #tpu.memory_space<vmem>> -> memref<125xi32, #tpu.memory_space<vmem>>
      %dma_wait3A_978 = arith.constant 0 : i32
      %dma_wait3A_979 = arith.constant 0 : i32
      %dma_wait3A_980 = tpu.memref_slice %arg10[%dma_wait3A_978, %dma_wait3A_979] : memref<50000x16xf32, #tpu.memory_space<vmem_shared>> -> memref<50000x16xf32, #tpu.memory_space<vmem_shared>>
      tpu.wait_indirect_dma semaphore(%arg13 : memref<!tpu.dma_semaphore, #tpu.memory_space<semaphore_mem>>) src(%dma_wait3A_974 : memref<125x16xf32, #tpu.memory_space<vmem>>) dst(%dma_wait3A_980 : memref<50000x16xf32, #tpu.memory_space<vmem_shared>>)
      %dma_wait3A_981 = arith.constant 0 : i32
      %dma_wait3A_982 = arith.constant 0 : i32
      %dma_wait3A_983 = arith.constant 9 : i32
      %dma_wait3A_984 = arith.constant 1125 : i32
      %dma_wait3A_985 = arith.constant 0 : i32
      %dma_wait3A_986 = tpu.memref_slice %arg9[%dma_wait3A_981, %dma_wait3A_984, %dma_wait3A_985] : memref<2x2000x16xf32, #tpu.memory_space<vmem>> -> memref<1x125x16xf32, #tpu.memory_space<vmem>>
      %dma_wait3A_987 = tpu.memref_squeeze %dma_wait3A_986 : memref<1x125x16xf32, #tpu.memory_space<vmem>> -> memref<125x16xf32, #tpu.memory_space<vmem>>
      %dma_wait3A_988 = arith.constant 0 : i32
      %dma_wait3A_989 = tpu.memref_slice %arg8[%dma_wait3A_982, %dma_wait3A_983, %dma_wait3A_988] : memref<2x16x125xi32, #tpu.memory_space<vmem>> -> memref<1x1x125xi32, #tpu.memory_space<vmem>>
      %dma_wait3A_990 = tpu.memref_squeeze %dma_wait3A_989 : memref<1x1x125xi32, #tpu.memory_space<vmem>> -> memref<125xi32, #tpu.memory_space<vmem>>
      %dma_wait3A_991 = arith.constant 0 : i32
      %dma_wait3A_992 = arith.constant 0 : i32
      %dma_wait3A_993 = tpu.memref_slice %arg10[%dma_wait3A_991, %dma_wait3A_992] : memref<50000x16xf32, #tpu.memory_space<vmem_shared>> -> memref<50000x16xf32, #tpu.memory_space<vmem_shared>>
      tpu.wait_indirect_dma semaphore(%arg13 : memref<!tpu.dma_semaphore, #tpu.memory_space<semaphore_mem>>) src(%dma_wait3A_987 : memref<125x16xf32, #tpu.memory_space<vmem>>) dst(%dma_wait3A_993 : memref<50000x16xf32, #tpu.memory_space<vmem_shared>>)
      %dma_wait3A_994 = arith.constant 0 : i32
      %dma_wait3A_995 = arith.constant 0 : i32
      %dma_wait3A_996 = arith.constant 10 : i32
      %dma_wait3A_997 = arith.constant 1250 : i32
      %dma_wait3A_998 = arith.constant 0 : i32
      %dma_wait3A_999 = tpu.memref_slice %arg9[%dma_wait3A_994, %dma_wait3A_997, %dma_wait3A_998] : memref<2x2000x16xf32, #tpu.memory_space<vmem>> -> memref<1x125x16xf32, #tpu.memory_space<vmem>>
      %dma_wait3A_1000 = tpu.memref_squeeze %dma_wait3A_999 : memref<1x125x16xf32, #tpu.memory_space<vmem>> -> memref<125x16xf32, #tpu.memory_space<vmem>>
      %dma_wait3A_1001 = arith.constant 0 : i32
      %dma_wait3A_1002 = tpu.memref_slice %arg8[%dma_wait3A_995, %dma_wait3A_996, %dma_wait3A_1001] : memref<2x16x125xi32, #tpu.memory_space<vmem>> -> memref<1x1x125xi32, #tpu.memory_space<vmem>>
      %dma_wait3A_1003 = tpu.memref_squeeze %dma_wait3A_1002 : memref<1x1x125xi32, #tpu.memory_space<vmem>> -> memref<125xi32, #tpu.memory_space<vmem>>
      %dma_wait3A_1004 = arith.constant 0 : i32
      %dma_wait3A_1005 = arith.constant 0 : i32
      %dma_wait3A_1006 = tpu.memref_slice %arg10[%dma_wait3A_1004, %dma_wait3A_1005] : memref<50000x16xf32, #tpu.memory_space<vmem_shared>> -> memref<50000x16xf32, #tpu.memory_space<vmem_shared>>
      tpu.wait_indirect_dma semaphore(%arg13 : memref<!tpu.dma_semaphore, #tpu.memory_space<semaphore_mem>>) src(%dma_wait3A_1000 : memref<125x16xf32, #tpu.memory_space<vmem>>) dst(%dma_wait3A_1006 : memref<50000x16xf32, #tpu.memory_space<vmem_shared>>)
      %dma_wait3A_1007 = arith.constant 0 : i32
      %dma_wait3A_1008 = arith.constant 0 : i32
      %dma_wait3A_1009 = arith.constant 11 : i32
      %dma_wait3A_1010 = arith.constant 1375 : i32
      %dma_wait3A_1011 = arith.constant 0 : i32
      %dma_wait3A_1012 = tpu.memref_slice %arg9[%dma_wait3A_1007, %dma_wait3A_1010, %dma_wait3A_1011] : memref<2x2000x16xf32, #tpu.memory_space<vmem>> -> memref<1x125x16xf32, #tpu.memory_space<vmem>>
      %dma_wait3A_1013 = tpu.memref_squeeze %dma_wait3A_1012 : memref<1x125x16xf32, #tpu.memory_space<vmem>> -> memref<125x16xf32, #tpu.memory_space<vmem>>
      %dma_wait3A_1014 = arith.constant 0 : i32
      %dma_wait3A_1015 = tpu.memref_slice %arg8[%dma_wait3A_1008, %dma_wait3A_1009, %dma_wait3A_1014] : memref<2x16x125xi32, #tpu.memory_space<vmem>> -> memref<1x1x125xi32, #tpu.memory_space<vmem>>
      %dma_wait3A_1016 = tpu.memref_squeeze %dma_wait3A_1015 : memref<1x1x125xi32, #tpu.memory_space<vmem>> -> memref<125xi32, #tpu.memory_space<vmem>>
      %dma_wait3A_1017 = arith.constant 0 : i32
      %dma_wait3A_1018 = arith.constant 0 : i32
      %dma_wait3A_1019 = tpu.memref_slice %arg10[%dma_wait3A_1017, %dma_wait3A_1018] : memref<50000x16xf32, #tpu.memory_space<vmem_shared>> -> memref<50000x16xf32, #tpu.memory_space<vmem_shared>>
      tpu.wait_indirect_dma semaphore(%arg13 : memref<!tpu.dma_semaphore, #tpu.memory_space<semaphore_mem>>) src(%dma_wait3A_1013 : memref<125x16xf32, #tpu.memory_space<vmem>>) dst(%dma_wait3A_1019 : memref<50000x16xf32, #tpu.memory_space<vmem_shared>>)
      %dma_wait3A_1020 = arith.constant 0 : i32
      %dma_wait3A_1021 = arith.constant 0 : i32
      %dma_wait3A_1022 = arith.constant 12 : i32
      %dma_wait3A_1023 = arith.constant 1500 : i32
      %dma_wait3A_1024 = arith.constant 0 : i32
      %dma_wait3A_1025 = tpu.memref_slice %arg9[%dma_wait3A_1020, %dma_wait3A_1023, %dma_wait3A_1024] : memref<2x2000x16xf32, #tpu.memory_space<vmem>> -> memref<1x125x16xf32, #tpu.memory_space<vmem>>
      %dma_wait3A_1026 = tpu.memref_squeeze %dma_wait3A_1025 : memref<1x125x16xf32, #tpu.memory_space<vmem>> -> memref<125x16xf32, #tpu.memory_space<vmem>>
      %dma_wait3A_1027 = arith.constant 0 : i32
      %dma_wait3A_1028 = tpu.memref_slice %arg8[%dma_wait3A_1021, %dma_wait3A_1022, %dma_wait3A_1027] : memref<2x16x125xi32, #tpu.memory_space<vmem>> -> memref<1x1x125xi32, #tpu.memory_space<vmem>>
      %dma_wait3A_1029 = tpu.memref_squeeze %dma_wait3A_1028 : memref<1x1x125xi32, #tpu.memory_space<vmem>> -> memref<125xi32, #tpu.memory_space<vmem>>
      %dma_wait3A_1030 = arith.constant 0 : i32
      %dma_wait3A_1031 = arith.constant 0 : i32
      %dma_wait3A_1032 = tpu.memref_slice %arg10[%dma_wait3A_1030, %dma_wait3A_1031] : memref<50000x16xf32, #tpu.memory_space<vmem_shared>> -> memref<50000x16xf32, #tpu.memory_space<vmem_shared>>
      tpu.wait_indirect_dma semaphore(%arg13 : memref<!tpu.dma_semaphore, #tpu.memory_space<semaphore_mem>>) src(%dma_wait3A_1026 : memref<125x16xf32, #tpu.memory_space<vmem>>) dst(%dma_wait3A_1032 : memref<50000x16xf32, #tpu.memory_space<vmem_shared>>)
      %dma_wait3A_1033 = arith.constant 0 : i32
      %dma_wait3A_1034 = arith.constant 0 : i32
      %dma_wait3A_1035 = arith.constant 13 : i32
      %dma_wait3A_1036 = arith.constant 1625 : i32
      %dma_wait3A_1037 = arith.constant 0 : i32
      %dma_wait3A_1038 = tpu.memref_slice %arg9[%dma_wait3A_1033, %dma_wait3A_1036, %dma_wait3A_1037] : memref<2x2000x16xf32, #tpu.memory_space<vmem>> -> memref<1x125x16xf32, #tpu.memory_space<vmem>>
      %dma_wait3A_1039 = tpu.memref_squeeze %dma_wait3A_1038 : memref<1x125x16xf32, #tpu.memory_space<vmem>> -> memref<125x16xf32, #tpu.memory_space<vmem>>
      %dma_wait3A_1040 = arith.constant 0 : i32
      %dma_wait3A_1041 = tpu.memref_slice %arg8[%dma_wait3A_1034, %dma_wait3A_1035, %dma_wait3A_1040] : memref<2x16x125xi32, #tpu.memory_space<vmem>> -> memref<1x1x125xi32, #tpu.memory_space<vmem>>
      %dma_wait3A_1042 = tpu.memref_squeeze %dma_wait3A_1041 : memref<1x1x125xi32, #tpu.memory_space<vmem>> -> memref<125xi32, #tpu.memory_space<vmem>>
      %dma_wait3A_1043 = arith.constant 0 : i32
      %dma_wait3A_1044 = arith.constant 0 : i32
      %dma_wait3A_1045 = tpu.memref_slice %arg10[%dma_wait3A_1043, %dma_wait3A_1044] : memref<50000x16xf32, #tpu.memory_space<vmem_shared>> -> memref<50000x16xf32, #tpu.memory_space<vmem_shared>>
      tpu.wait_indirect_dma semaphore(%arg13 : memref<!tpu.dma_semaphore, #tpu.memory_space<semaphore_mem>>) src(%dma_wait3A_1039 : memref<125x16xf32, #tpu.memory_space<vmem>>) dst(%dma_wait3A_1045 : memref<50000x16xf32, #tpu.memory_space<vmem_shared>>)
      %dma_wait3A_1046 = arith.constant 0 : i32
      %dma_wait3A_1047 = arith.constant 0 : i32
      %dma_wait3A_1048 = arith.constant 14 : i32
      %dma_wait3A_1049 = arith.constant 1750 : i32
      %dma_wait3A_1050 = arith.constant 0 : i32
      %dma_wait3A_1051 = tpu.memref_slice %arg9[%dma_wait3A_1046, %dma_wait3A_1049, %dma_wait3A_1050] : memref<2x2000x16xf32, #tpu.memory_space<vmem>> -> memref<1x125x16xf32, #tpu.memory_space<vmem>>
      %dma_wait3A_1052 = tpu.memref_squeeze %dma_wait3A_1051 : memref<1x125x16xf32, #tpu.memory_space<vmem>> -> memref<125x16xf32, #tpu.memory_space<vmem>>
      %dma_wait3A_1053 = arith.constant 0 : i32
      %dma_wait3A_1054 = tpu.memref_slice %arg8[%dma_wait3A_1047, %dma_wait3A_1048, %dma_wait3A_1053] : memref<2x16x125xi32, #tpu.memory_space<vmem>> -> memref<1x1x125xi32, #tpu.memory_space<vmem>>
      %dma_wait3A_1055 = tpu.memref_squeeze %dma_wait3A_1054 : memref<1x1x125xi32, #tpu.memory_space<vmem>> -> memref<125xi32, #tpu.memory_space<vmem>>
      %dma_wait3A_1056 = arith.constant 0 : i32
      %dma_wait3A_1057 = arith.constant 0 : i32
      %dma_wait3A_1058 = tpu.memref_slice %arg10[%dma_wait3A_1056, %dma_wait3A_1057] : memref<50000x16xf32, #tpu.memory_space<vmem_shared>> -> memref<50000x16xf32, #tpu.memory_space<vmem_shared>>
      tpu.wait_indirect_dma semaphore(%arg13 : memref<!tpu.dma_semaphore, #tpu.memory_space<semaphore_mem>>) src(%dma_wait3A_1052 : memref<125x16xf32, #tpu.memory_space<vmem>>) dst(%dma_wait3A_1058 : memref<50000x16xf32, #tpu.memory_space<vmem_shared>>)
      %dma_wait3A_1059 = arith.constant 0 : i32
      %dma_wait3A_1060 = arith.constant 0 : i32
      %dma_wait3A_1061 = arith.constant 15 : i32
      %dma_wait3A_1062 = arith.constant 1875 : i32
      %dma_wait3A_1063 = arith.constant 0 : i32
      %dma_wait3A_1064 = tpu.memref_slice %arg9[%dma_wait3A_1059, %dma_wait3A_1062, %dma_wait3A_1063] : memref<2x2000x16xf32, #tpu.memory_space<vmem>> -> memref<1x125x16xf32, #tpu.memory_space<vmem>>
      %dma_wait3A_1065 = tpu.memref_squeeze %dma_wait3A_1064 : memref<1x125x16xf32, #tpu.memory_space<vmem>> -> memref<125x16xf32, #tpu.memory_space<vmem>>
      %dma_wait3A_1066 = arith.constant 0 : i32
      %dma_wait3A_1067 = tpu.memref_slice %arg8[%dma_wait3A_1060, %dma_wait3A_1061, %dma_wait3A_1066] : memref<2x16x125xi32, #tpu.memory_space<vmem>> -> memref<1x1x125xi32, #tpu.memory_space<vmem>>
      %dma_wait3A_1068 = tpu.memref_squeeze %dma_wait3A_1067 : memref<1x1x125xi32, #tpu.memory_space<vmem>> -> memref<125xi32, #tpu.memory_space<vmem>>
      %dma_wait3A_1069 = arith.constant 0 : i32
      %dma_wait3A_1070 = arith.constant 0 : i32
      %dma_wait3A_1071 = tpu.memref_slice %arg10[%dma_wait3A_1069, %dma_wait3A_1070] : memref<50000x16xf32, #tpu.memory_space<vmem_shared>> -> memref<50000x16xf32, #tpu.memory_space<vmem_shared>>
      tpu.wait_indirect_dma semaphore(%arg13 : memref<!tpu.dma_semaphore, #tpu.memory_space<semaphore_mem>>) src(%dma_wait3A_1065 : memref<125x16xf32, #tpu.memory_space<vmem>>) dst(%dma_wait3A_1071 : memref<50000x16xf32, #tpu.memory_space<vmem_shared>>)
      %add3A_1072 = arith.constant 2 : i32
      %add3A_1073 = arith.addi %add3A_376, %add3A_1072 : i32
      %lt3A_1074 = arith.constant 50 : i32
      %lt3A_1075 = arith.cmpi slt, %add3A_1073, %lt3A_1074 : i32
      %convert_element_type3A_1076 = arith.extui %lt3A_1075 : i1 to i32
      %cond3A_1077 = arith.constant 0 : i32
      %cond3A_1078 = arith.cmpi ne, %convert_element_type3A_1076, %cond3A_1077 : i32
      scf.if %cond3A_1078 {
        %add3A_1785 = arith.constant 2 : i32
        %add3A_1786 = arith.addi %add3A_376, %add3A_1785 : i32
        %mul3A_1787 = arith.constant 16 : i32
        %mul3A_1788 = arith.muli %add3A_1786, %mul3A_1787 : i32
        %add3A_1789 = arith.addi %mul3A_2, %mul3A_1788 : i32
        %dma_start3A_1790 = arith.constant 0 : i32
        %dma_start3A_1791 = arith.constant 0 : i32
        %dma_start3A_1792 = arith.constant 0 : i32
        %dma_start3A_1793 = tpu.memref_slice %arg7[%dma_start3A_1790, %dma_start3A_1791, %dma_start3A_1792] : memref<2x16x125xi32, #tpu.memory_space<vmem>> -> memref<1x16x125xi32, #tpu.memory_space<vmem>>
        %dma_start3A_1794 = tpu.memref_squeeze %dma_start3A_1793 : memref<1x16x125xi32, #tpu.memory_space<vmem>> -> memref<16x125xi32, #tpu.memory_space<vmem>>
        %dma_start3A_1795 = arith.constant 0 : i32
        %dma_start3A_1796 = tpu.memref_slice %arg3[%add3A_1789, %dma_start3A_1795] : memref<12800x125xi32, #tpu.memory_space<hbm>> -> memref<16x125xi32, #tpu.memory_space<hbm>>
        %dma_start3A_1797 = arith.constant 0 : i32
        %dma_start3A_1798 = arith.constant 0 : i32
        %dma_start3A_1799 = tpu.memref_slice %arg7[%dma_start3A_1790, %dma_start3A_1797, %dma_start3A_1798] : memref<2x16x125xi32, #tpu.memory_space<vmem>> -> memref<1x16x125xi32, #tpu.memory_space<vmem>>
        %dma_start3A_1800 = tpu.memref_squeeze %dma_start3A_1799 : memref<1x16x125xi32, #tpu.memory_space<vmem>> -> memref<16x125xi32, #tpu.memory_space<vmem>>
        %dma_start3A_1801 = arith.constant 0 : i32
        %dma_start3A_1802 = tpu.memref_slice %arg3[%add3A_1789, %dma_start3A_1801] : memref<12800x125xi32, #tpu.memory_space<hbm>> -> memref<16x125xi32, #tpu.memory_space<hbm>>
        tpu.enqueue_dma source(%dma_start3A_1802 : memref<16x125xi32, #tpu.memory_space<hbm>>) target(%dma_start3A_1800 : memref<16x125xi32, #tpu.memory_space<vmem>>) target_semaphore(%arg12 : memref<!tpu.dma_semaphore, #tpu.memory_space<semaphore_mem>>)
        %dma_start3A_1803 = arith.constant 0 : i32
        %dma_start3A_1804 = arith.constant 0 : i32
        %dma_start3A_1805 = arith.constant 0 : i32
        %dma_start3A_1806 = tpu.memref_slice %arg8[%dma_start3A_1803, %dma_start3A_1804, %dma_start3A_1805] : memref<2x16x125xi32, #tpu.memory_space<vmem>> -> memref<1x16x125xi32, #tpu.memory_space<vmem>>
        %dma_start3A_1807 = tpu.memref_squeeze %dma_start3A_1806 : memref<1x16x125xi32, #tpu.memory_space<vmem>> -> memref<16x125xi32, #tpu.memory_space<vmem>>
        %dma_start3A_1808 = arith.constant 0 : i32
        %dma_start3A_1809 = tpu.memref_slice %arg4[%add3A_1789, %dma_start3A_1808] : memref<12800x125xi32, #tpu.memory_space<hbm>> -> memref<16x125xi32, #tpu.memory_space<hbm>>
        %dma_start3A_1810 = arith.constant 0 : i32
        %dma_start3A_1811 = arith.constant 0 : i32
        %dma_start3A_1812 = tpu.memref_slice %arg8[%dma_start3A_1803, %dma_start3A_1810, %dma_start3A_1811] : memref<2x16x125xi32, #tpu.memory_space<vmem>> -> memref<1x16x125xi32, #tpu.memory_space<vmem>>
        %dma_start3A_1813 = tpu.memref_squeeze %dma_start3A_1812 : memref<1x16x125xi32, #tpu.memory_space<vmem>> -> memref<16x125xi32, #tpu.memory_space<vmem>>
        %dma_start3A_1814 = arith.constant 0 : i32
        %dma_start3A_1815 = tpu.memref_slice %arg4[%add3A_1789, %dma_start3A_1814] : memref<12800x125xi32, #tpu.memory_space<hbm>> -> memref<16x125xi32, #tpu.memory_space<hbm>>
        tpu.enqueue_dma source(%dma_start3A_1815 : memref<16x125xi32, #tpu.memory_space<hbm>>) target(%dma_start3A_1813 : memref<16x125xi32, #tpu.memory_space<vmem>>) target_semaphore(%arg12 : memref<!tpu.dma_semaphore, #tpu.memory_space<semaphore_mem>>)
      } else {
      }
      %mul3A_1079 = arith.constant 2 : i32
      %mul3A_1080 = arith.muli %add3A_372, %mul3A_1079 : i32
      %add3A_1081 = arith.constant 1 : i32
      %add3A_1082 = arith.addi %mul3A_1080, %add3A_1081 : i32
      %add3A_1083 = arith.constant 1 : i32
      %add3A_1084 = arith.addi %add3A_1082, %add3A_1083 : i32
      %lt3A_1085 = arith.constant 50 : i32
      %lt3A_1086 = arith.cmpi slt, %add3A_1084, %lt3A_1085 : i32
      %convert_element_type3A_1087 = arith.extui %lt3A_1086 : i1 to i32
      %cond3A_1088 = arith.constant 0 : i32
      %cond3A_1089 = arith.cmpi ne, %convert_element_type3A_1087, %cond3A_1088 : i32
      scf.if %cond3A_1089 {
        %dma_wait3A_1785 = arith.constant 0 : i32
        %dma_wait3A_1786 = arith.constant 0 : i32
        %dma_wait3A_1787 = arith.constant 0 : i32
        %dma_wait3A_1788 = tpu.memref_slice %arg7[%dma_wait3A_1785, %dma_wait3A_1786, %dma_wait3A_1787] : memref<2x16x125xi32, #tpu.memory_space<vmem>> -> memref<1x16x125xi32, #tpu.memory_space<vmem>>
        %dma_wait3A_1789 = tpu.memref_squeeze %dma_wait3A_1788 : memref<1x16x125xi32, #tpu.memory_space<vmem>> -> memref<16x125xi32, #tpu.memory_space<vmem>>
        %dma_wait3A_1790 = arith.constant 0 : i32
        %dma_wait3A_1791 = arith.constant 0 : i32
        %dma_wait3A_1792 = tpu.memref_slice %arg3[%dma_wait3A_1790, %dma_wait3A_1791] : memref<12800x125xi32, #tpu.memory_space<hbm>> -> memref<16x125xi32, #tpu.memory_space<hbm>>
        %dma_wait3A_1793 = arith.constant 0 : i32
        %dma_wait3A_1794 = arith.constant 0 : i32
        %dma_wait3A_1795 = tpu.memref_slice %arg7[%dma_wait3A_1785, %dma_wait3A_1793, %dma_wait3A_1794] : memref<2x16x125xi32, #tpu.memory_space<vmem>> -> memref<1x16x125xi32, #tpu.memory_space<vmem>>
        %dma_wait3A_1796 = tpu.memref_squeeze %dma_wait3A_1795 : memref<1x16x125xi32, #tpu.memory_space<vmem>> -> memref<16x125xi32, #tpu.memory_space<vmem>>
        %dma_wait3A_1797 = arith.constant 0 : i32
        %dma_wait3A_1798 = arith.constant 0 : i32
        %dma_wait3A_1799 = tpu.memref_slice %arg3[%dma_wait3A_1797, %dma_wait3A_1798] : memref<12800x125xi32, #tpu.memory_space<hbm>> -> memref<16x125xi32, #tpu.memory_space<hbm>>
        tpu.wait_dma2 semaphore(%arg12 : memref<!tpu.dma_semaphore, #tpu.memory_space<semaphore_mem>>) src(%dma_wait3A_1799 : memref<16x125xi32, #tpu.memory_space<hbm>>) dst(%dma_wait3A_1796 : memref<16x125xi32, #tpu.memory_space<vmem>>)
        %dma_wait3A_1800 = arith.constant 0 : i32
        %dma_wait3A_1801 = arith.constant 0 : i32
        %dma_wait3A_1802 = arith.constant 0 : i32
        %dma_wait3A_1803 = tpu.memref_slice %arg8[%dma_wait3A_1800, %dma_wait3A_1801, %dma_wait3A_1802] : memref<2x16x125xi32, #tpu.memory_space<vmem>> -> memref<1x16x125xi32, #tpu.memory_space<vmem>>
        %dma_wait3A_1804 = tpu.memref_squeeze %dma_wait3A_1803 : memref<1x16x125xi32, #tpu.memory_space<vmem>> -> memref<16x125xi32, #tpu.memory_space<vmem>>
        %dma_wait3A_1805 = arith.constant 0 : i32
        %dma_wait3A_1806 = arith.constant 0 : i32
        %dma_wait3A_1807 = tpu.memref_slice %arg4[%dma_wait3A_1805, %dma_wait3A_1806] : memref<12800x125xi32, #tpu.memory_space<hbm>> -> memref<16x125xi32, #tpu.memory_space<hbm>>
        %dma_wait3A_1808 = arith.constant 0 : i32
        %dma_wait3A_1809 = arith.constant 0 : i32
        %dma_wait3A_1810 = tpu.memref_slice %arg8[%dma_wait3A_1800, %dma_wait3A_1808, %dma_wait3A_1809] : memref<2x16x125xi32, #tpu.memory_space<vmem>> -> memref<1x16x125xi32, #tpu.memory_space<vmem>>
        %dma_wait3A_1811 = tpu.memref_squeeze %dma_wait3A_1810 : memref<1x16x125xi32, #tpu.memory_space<vmem>> -> memref<16x125xi32, #tpu.memory_space<vmem>>
        %dma_wait3A_1812 = arith.constant 0 : i32
        %dma_wait3A_1813 = arith.constant 0 : i32
        %dma_wait3A_1814 = tpu.memref_slice %arg4[%dma_wait3A_1812, %dma_wait3A_1813] : memref<12800x125xi32, #tpu.memory_space<hbm>> -> memref<16x125xi32, #tpu.memory_space<hbm>>
        tpu.wait_dma2 semaphore(%arg12 : memref<!tpu.dma_semaphore, #tpu.memory_space<semaphore_mem>>) src(%dma_wait3A_1814 : memref<16x125xi32, #tpu.memory_space<hbm>>) dst(%dma_wait3A_1811 : memref<16x125xi32, #tpu.memory_space<vmem>>)
        %dma_start3A_1815 = arith.constant 0 : i32
        %dma_start3A_1816 = arith.constant 0 : i32
        %dma_start3A_1817 = arith.constant 0 : i32
        %dma_start3A_1818 = arith.constant 0 : i32
        %dma_start3A_1819 = arith.constant 0 : i32
        %dma_start3A_1820 = tpu.memref_slice %arg9[%dma_start3A_1817, %dma_start3A_1818, %dma_start3A_1819] : memref<2x2000x16xf32, #tpu.memory_space<vmem>> -> memref<1x125x16xf32, #tpu.memory_space<vmem>>
        %dma_start3A_1821 = tpu.memref_squeeze %dma_start3A_1820 : memref<1x125x16xf32, #tpu.memory_space<vmem>> -> memref<125x16xf32, #tpu.memory_space<vmem>>
        %dma_start3A_1822 = arith.constant 0 : i32
        %dma_start3A_1823 = tpu.memref_slice %arg7[%dma_start3A_1815, %dma_start3A_1816, %dma_start3A_1822] : memref<2x16x125xi32, #tpu.memory_space<vmem>> -> memref<1x1x125xi32, #tpu.memory_space<vmem>>
        %dma_start3A_1824 = tpu.memref_squeeze %dma_start3A_1823 : memref<1x1x125xi32, #tpu.memory_space<vmem>> -> memref<125xi32, #tpu.memory_space<vmem>>
        %dma_start3A_1825 = arith.constant 0 : i32
        %dma_start3A_1826 = arith.constant 0 : i32
        %dma_start3A_1827 = tpu.memref_slice %arg2[%arg0, %dma_start3A_1825, %dma_start3A_1826] : memref<2x50000x16xf32, #tpu.memory_space<hbm>> -> memref<1x50000x16xf32, #tpu.memory_space<hbm>>
        %dma_start3A_1828 = tpu.memref_squeeze %dma_start3A_1827 : memref<1x50000x16xf32, #tpu.memory_space<hbm>> -> memref<50000x16xf32, #tpu.memory_space<hbm>>
        %dma_start3A_1829 = arith.constant 0 : i32
        %dma_start3A_1830 = arith.constant 0 : i32
        %dma_start3A_1831 = tpu.memref_slice %dma_start3A_1828[%dma_start3A_1829, %dma_start3A_1830] : memref<50000x16xf32, #tpu.memory_space<hbm>> -> memref<50000x16xf32, #tpu.memory_space<hbm>>
        tpu.enqueue_indirect_dma source(%dma_start3A_1831 : memref<50000x16xf32, #tpu.memory_space<hbm>>) target(%dma_start3A_1821 : memref<125x16xf32, #tpu.memory_space<vmem>>) offsets(%dma_start3A_1824 : memref<125xi32, #tpu.memory_space<vmem>>) semaphore(%arg11 : memref<!tpu.dma_semaphore, #tpu.memory_space<semaphore_mem>>)
        %dma_start3A_1832 = arith.constant 0 : i32
        %dma_start3A_1833 = arith.constant 1 : i32
        %dma_start3A_1834 = arith.constant 0 : i32
        %dma_start3A_1835 = arith.constant 125 : i32
        %dma_start3A_1836 = arith.constant 0 : i32
        %dma_start3A_1837 = tpu.memref_slice %arg9[%dma_start3A_1834, %dma_start3A_1835, %dma_start3A_1836] : memref<2x2000x16xf32, #tpu.memory_space<vmem>> -> memref<1x125x16xf32, #tpu.memory_space<vmem>>
        %dma_start3A_1838 = tpu.memref_squeeze %dma_start3A_1837 : memref<1x125x16xf32, #tpu.memory_space<vmem>> -> memref<125x16xf32, #tpu.memory_space<vmem>>
        %dma_start3A_1839 = arith.constant 0 : i32
        %dma_start3A_1840 = tpu.memref_slice %arg7[%dma_start3A_1832, %dma_start3A_1833, %dma_start3A_1839] : memref<2x16x125xi32, #tpu.memory_space<vmem>> -> memref<1x1x125xi32, #tpu.memory_space<vmem>>
        %dma_start3A_1841 = tpu.memref_squeeze %dma_start3A_1840 : memref<1x1x125xi32, #tpu.memory_space<vmem>> -> memref<125xi32, #tpu.memory_space<vmem>>
        %dma_start3A_1842 = arith.constant 0 : i32
        %dma_start3A_1843 = arith.constant 0 : i32
        %dma_start3A_1844 = tpu.memref_slice %arg2[%arg0, %dma_start3A_1842, %dma_start3A_1843] : memref<2x50000x16xf32, #tpu.memory_space<hbm>> -> memref<1x50000x16xf32, #tpu.memory_space<hbm>>
        %dma_start3A_1845 = tpu.memref_squeeze %dma_start3A_1844 : memref<1x50000x16xf32, #tpu.memory_space<hbm>> -> memref<50000x16xf32, #tpu.memory_space<hbm>>
        %dma_start3A_1846 = arith.constant 0 : i32
        %dma_start3A_1847 = arith.constant 0 : i32
        %dma_start3A_1848 = tpu.memref_slice %dma_start3A_1845[%dma_start3A_1846, %dma_start3A_1847] : memref<50000x16xf32, #tpu.memory_space<hbm>> -> memref<50000x16xf32, #tpu.memory_space<hbm>>
        tpu.enqueue_indirect_dma source(%dma_start3A_1848 : memref<50000x16xf32, #tpu.memory_space<hbm>>) target(%dma_start3A_1838 : memref<125x16xf32, #tpu.memory_space<vmem>>) offsets(%dma_start3A_1841 : memref<125xi32, #tpu.memory_space<vmem>>) semaphore(%arg11 : memref<!tpu.dma_semaphore, #tpu.memory_space<semaphore_mem>>)
        %dma_start3A_1849 = arith.constant 0 : i32
        %dma_start3A_1850 = arith.constant 2 : i32
        %dma_start3A_1851 = arith.constant 0 : i32
        %dma_start3A_1852 = arith.constant 250 : i32
        %dma_start3A_1853 = arith.constant 0 : i32
        %dma_start3A_1854 = tpu.memref_slice %arg9[%dma_start3A_1851, %dma_start3A_1852, %dma_start3A_1853] : memref<2x2000x16xf32, #tpu.memory_space<vmem>> -> memref<1x125x16xf32, #tpu.memory_space<vmem>>
        %dma_start3A_1855 = tpu.memref_squeeze %dma_start3A_1854 : memref<1x125x16xf32, #tpu.memory_space<vmem>> -> memref<125x16xf32, #tpu.memory_space<vmem>>
        %dma_start3A_1856 = arith.constant 0 : i32
        %dma_start3A_1857 = tpu.memref_slice %arg7[%dma_start3A_1849, %dma_start3A_1850, %dma_start3A_1856] : memref<2x16x125xi32, #tpu.memory_space<vmem>> -> memref<1x1x125xi32, #tpu.memory_space<vmem>>
        %dma_start3A_1858 = tpu.memref_squeeze %dma_start3A_1857 : memref<1x1x125xi32, #tpu.memory_space<vmem>> -> memref<125xi32, #tpu.memory_space<vmem>>
        %dma_start3A_1859 = arith.constant 0 : i32
        %dma_start3A_1860 = arith.constant 0 : i32
        %dma_start3A_1861 = tpu.memref_slice %arg2[%arg0, %dma_start3A_1859, %dma_start3A_1860] : memref<2x50000x16xf32, #tpu.memory_space<hbm>> -> memref<1x50000x16xf32, #tpu.memory_space<hbm>>
        %dma_start3A_1862 = tpu.memref_squeeze %dma_start3A_1861 : memref<1x50000x16xf32, #tpu.memory_space<hbm>> -> memref<50000x16xf32, #tpu.memory_space<hbm>>
        %dma_start3A_1863 = arith.constant 0 : i32
        %dma_start3A_1864 = arith.constant 0 : i32
        %dma_start3A_1865 = tpu.memref_slice %dma_start3A_1862[%dma_start3A_1863, %dma_start3A_1864] : memref<50000x16xf32, #tpu.memory_space<hbm>> -> memref<50000x16xf32, #tpu.memory_space<hbm>>
        tpu.enqueue_indirect_dma source(%dma_start3A_1865 : memref<50000x16xf32, #tpu.memory_space<hbm>>) target(%dma_start3A_1855 : memref<125x16xf32, #tpu.memory_space<vmem>>) offsets(%dma_start3A_1858 : memref<125xi32, #tpu.memory_space<vmem>>) semaphore(%arg11 : memref<!tpu.dma_semaphore, #tpu.memory_space<semaphore_mem>>)
        %dma_start3A_1866 = arith.constant 0 : i32
        %dma_start3A_1867 = arith.constant 3 : i32
        %dma_start3A_1868 = arith.constant 0 : i32
        %dma_start3A_1869 = arith.constant 375 : i32
        %dma_start3A_1870 = arith.constant 0 : i32
        %dma_start3A_1871 = tpu.memref_slice %arg9[%dma_start3A_1868, %dma_start3A_1869, %dma_start3A_1870] : memref<2x2000x16xf32, #tpu.memory_space<vmem>> -> memref<1x125x16xf32, #tpu.memory_space<vmem>>
        %dma_start3A_1872 = tpu.memref_squeeze %dma_start3A_1871 : memref<1x125x16xf32, #tpu.memory_space<vmem>> -> memref<125x16xf32, #tpu.memory_space<vmem>>
        %dma_start3A_1873 = arith.constant 0 : i32
        %dma_start3A_1874 = tpu.memref_slice %arg7[%dma_start3A_1866, %dma_start3A_1867, %dma_start3A_1873] : memref<2x16x125xi32, #tpu.memory_space<vmem>> -> memref<1x1x125xi32, #tpu.memory_space<vmem>>
        %dma_start3A_1875 = tpu.memref_squeeze %dma_start3A_1874 : memref<1x1x125xi32, #tpu.memory_space<vmem>> -> memref<125xi32, #tpu.memory_space<vmem>>
        %dma_start3A_1876 = arith.constant 0 : i32
        %dma_start3A_1877 = arith.constant 0 : i32
        %dma_start3A_1878 = tpu.memref_slice %arg2[%arg0, %dma_start3A_1876, %dma_start3A_1877] : memref<2x50000x16xf32, #tpu.memory_space<hbm>> -> memref<1x50000x16xf32, #tpu.memory_space<hbm>>
        %dma_start3A_1879 = tpu.memref_squeeze %dma_start3A_1878 : memref<1x50000x16xf32, #tpu.memory_space<hbm>> -> memref<50000x16xf32, #tpu.memory_space<hbm>>
        %dma_start3A_1880 = arith.constant 0 : i32
        %dma_start3A_1881 = arith.constant 0 : i32
        %dma_start3A_1882 = tpu.memref_slice %dma_start3A_1879[%dma_start3A_1880, %dma_start3A_1881] : memref<50000x16xf32, #tpu.memory_space<hbm>> -> memref<50000x16xf32, #tpu.memory_space<hbm>>
        tpu.enqueue_indirect_dma source(%dma_start3A_1882 : memref<50000x16xf32, #tpu.memory_space<hbm>>) target(%dma_start3A_1872 : memref<125x16xf32, #tpu.memory_space<vmem>>) offsets(%dma_start3A_1875 : memref<125xi32, #tpu.memory_space<vmem>>) semaphore(%arg11 : memref<!tpu.dma_semaphore, #tpu.memory_space<semaphore_mem>>)
        %dma_start3A_1883 = arith.constant 0 : i32
        %dma_start3A_1884 = arith.constant 4 : i32
        %dma_start3A_1885 = arith.constant 0 : i32
        %dma_start3A_1886 = arith.constant 500 : i32
        %dma_start3A_1887 = arith.constant 0 : i32
        %dma_start3A_1888 = tpu.memref_slice %arg9[%dma_start3A_1885, %dma_start3A_1886, %dma_start3A_1887] : memref<2x2000x16xf32, #tpu.memory_space<vmem>> -> memref<1x125x16xf32, #tpu.memory_space<vmem>>
        %dma_start3A_1889 = tpu.memref_squeeze %dma_start3A_1888 : memref<1x125x16xf32, #tpu.memory_space<vmem>> -> memref<125x16xf32, #tpu.memory_space<vmem>>
        %dma_start3A_1890 = arith.constant 0 : i32
        %dma_start3A_1891 = tpu.memref_slice %arg7[%dma_start3A_1883, %dma_start3A_1884, %dma_start3A_1890] : memref<2x16x125xi32, #tpu.memory_space<vmem>> -> memref<1x1x125xi32, #tpu.memory_space<vmem>>
        %dma_start3A_1892 = tpu.memref_squeeze %dma_start3A_1891 : memref<1x1x125xi32, #tpu.memory_space<vmem>> -> memref<125xi32, #tpu.memory_space<vmem>>
        %dma_start3A_1893 = arith.constant 0 : i32
        %dma_start3A_1894 = arith.constant 0 : i32
        %dma_start3A_1895 = tpu.memref_slice %arg2[%arg0, %dma_start3A_1893, %dma_start3A_1894] : memref<2x50000x16xf32, #tpu.memory_space<hbm>> -> memref<1x50000x16xf32, #tpu.memory_space<hbm>>
        %dma_start3A_1896 = tpu.memref_squeeze %dma_start3A_1895 : memref<1x50000x16xf32, #tpu.memory_space<hbm>> -> memref<50000x16xf32, #tpu.memory_space<hbm>>
        %dma_start3A_1897 = arith.constant 0 : i32
        %dma_start3A_1898 = arith.constant 0 : i32
        %dma_start3A_1899 = tpu.memref_slice %dma_start3A_1896[%dma_start3A_1897, %dma_start3A_1898] : memref<50000x16xf32, #tpu.memory_space<hbm>> -> memref<50000x16xf32, #tpu.memory_space<hbm>>
        tpu.enqueue_indirect_dma source(%dma_start3A_1899 : memref<50000x16xf32, #tpu.memory_space<hbm>>) target(%dma_start3A_1889 : memref<125x16xf32, #tpu.memory_space<vmem>>) offsets(%dma_start3A_1892 : memref<125xi32, #tpu.memory_space<vmem>>) semaphore(%arg11 : memref<!tpu.dma_semaphore, #tpu.memory_space<semaphore_mem>>)
        %dma_start3A_1900 = arith.constant 0 : i32
        %dma_start3A_1901 = arith.constant 5 : i32
        %dma_start3A_1902 = arith.constant 0 : i32
        %dma_start3A_1903 = arith.constant 625 : i32
        %dma_start3A_1904 = arith.constant 0 : i32
        %dma_start3A_1905 = tpu.memref_slice %arg9[%dma_start3A_1902, %dma_start3A_1903, %dma_start3A_1904] : memref<2x2000x16xf32, #tpu.memory_space<vmem>> -> memref<1x125x16xf32, #tpu.memory_space<vmem>>
        %dma_start3A_1906 = tpu.memref_squeeze %dma_start3A_1905 : memref<1x125x16xf32, #tpu.memory_space<vmem>> -> memref<125x16xf32, #tpu.memory_space<vmem>>
        %dma_start3A_1907 = arith.constant 0 : i32
        %dma_start3A_1908 = tpu.memref_slice %arg7[%dma_start3A_1900, %dma_start3A_1901, %dma_start3A_1907] : memref<2x16x125xi32, #tpu.memory_space<vmem>> -> memref<1x1x125xi32, #tpu.memory_space<vmem>>
        %dma_start3A_1909 = tpu.memref_squeeze %dma_start3A_1908 : memref<1x1x125xi32, #tpu.memory_space<vmem>> -> memref<125xi32, #tpu.memory_space<vmem>>
        %dma_start3A_1910 = arith.constant 0 : i32
        %dma_start3A_1911 = arith.constant 0 : i32
        %dma_start3A_1912 = tpu.memref_slice %arg2[%arg0, %dma_start3A_1910, %dma_start3A_1911] : memref<2x50000x16xf32, #tpu.memory_space<hbm>> -> memref<1x50000x16xf32, #tpu.memory_space<hbm>>
        %dma_start3A_1913 = tpu.memref_squeeze %dma_start3A_1912 : memref<1x50000x16xf32, #tpu.memory_space<hbm>> -> memref<50000x16xf32, #tpu.memory_space<hbm>>
        %dma_start3A_1914 = arith.constant 0 : i32
        %dma_start3A_1915 = arith.constant 0 : i32
        %dma_start3A_1916 = tpu.memref_slice %dma_start3A_1913[%dma_start3A_1914, %dma_start3A_1915] : memref<50000x16xf32, #tpu.memory_space<hbm>> -> memref<50000x16xf32, #tpu.memory_space<hbm>>
        tpu.enqueue_indirect_dma source(%dma_start3A_1916 : memref<50000x16xf32, #tpu.memory_space<hbm>>) target(%dma_start3A_1906 : memref<125x16xf32, #tpu.memory_space<vmem>>) offsets(%dma_start3A_1909 : memref<125xi32, #tpu.memory_space<vmem>>) semaphore(%arg11 : memref<!tpu.dma_semaphore, #tpu.memory_space<semaphore_mem>>)
        %dma_start3A_1917 = arith.constant 0 : i32
        %dma_start3A_1918 = arith.constant 6 : i32
        %dma_start3A_1919 = arith.constant 0 : i32
        %dma_start3A_1920 = arith.constant 750 : i32
        %dma_start3A_1921 = arith.constant 0 : i32
        %dma_start3A_1922 = tpu.memref_slice %arg9[%dma_start3A_1919, %dma_start3A_1920, %dma_start3A_1921] : memref<2x2000x16xf32, #tpu.memory_space<vmem>> -> memref<1x125x16xf32, #tpu.memory_space<vmem>>
        %dma_start3A_1923 = tpu.memref_squeeze %dma_start3A_1922 : memref<1x125x16xf32, #tpu.memory_space<vmem>> -> memref<125x16xf32, #tpu.memory_space<vmem>>
        %dma_start3A_1924 = arith.constant 0 : i32
        %dma_start3A_1925 = tpu.memref_slice %arg7[%dma_start3A_1917, %dma_start3A_1918, %dma_start3A_1924] : memref<2x16x125xi32, #tpu.memory_space<vmem>> -> memref<1x1x125xi32, #tpu.memory_space<vmem>>
        %dma_start3A_1926 = tpu.memref_squeeze %dma_start3A_1925 : memref<1x1x125xi32, #tpu.memory_space<vmem>> -> memref<125xi32, #tpu.memory_space<vmem>>
        %dma_start3A_1927 = arith.constant 0 : i32
        %dma_start3A_1928 = arith.constant 0 : i32
        %dma_start3A_1929 = tpu.memref_slice %arg2[%arg0, %dma_start3A_1927, %dma_start3A_1928] : memref<2x50000x16xf32, #tpu.memory_space<hbm>> -> memref<1x50000x16xf32, #tpu.memory_space<hbm>>
        %dma_start3A_1930 = tpu.memref_squeeze %dma_start3A_1929 : memref<1x50000x16xf32, #tpu.memory_space<hbm>> -> memref<50000x16xf32, #tpu.memory_space<hbm>>
        %dma_start3A_1931 = arith.constant 0 : i32
        %dma_start3A_1932 = arith.constant 0 : i32
        %dma_start3A_1933 = tpu.memref_slice %dma_start3A_1930[%dma_start3A_1931, %dma_start3A_1932] : memref<50000x16xf32, #tpu.memory_space<hbm>> -> memref<50000x16xf32, #tpu.memory_space<hbm>>
        tpu.enqueue_indirect_dma source(%dma_start3A_1933 : memref<50000x16xf32, #tpu.memory_space<hbm>>) target(%dma_start3A_1923 : memref<125x16xf32, #tpu.memory_space<vmem>>) offsets(%dma_start3A_1926 : memref<125xi32, #tpu.memory_space<vmem>>) semaphore(%arg11 : memref<!tpu.dma_semaphore, #tpu.memory_space<semaphore_mem>>)
        %dma_start3A_1934 = arith.constant 0 : i32
        %dma_start3A_1935 = arith.constant 7 : i32
        %dma_start3A_1936 = arith.constant 0 : i32
        %dma_start3A_1937 = arith.constant 875 : i32
        %dma_start3A_1938 = arith.constant 0 : i32
        %dma_start3A_1939 = tpu.memref_slice %arg9[%dma_start3A_1936, %dma_start3A_1937, %dma_start3A_1938] : memref<2x2000x16xf32, #tpu.memory_space<vmem>> -> memref<1x125x16xf32, #tpu.memory_space<vmem>>
        %dma_start3A_1940 = tpu.memref_squeeze %dma_start3A_1939 : memref<1x125x16xf32, #tpu.memory_space<vmem>> -> memref<125x16xf32, #tpu.memory_space<vmem>>
        %dma_start3A_1941 = arith.constant 0 : i32
        %dma_start3A_1942 = tpu.memref_slice %arg7[%dma_start3A_1934, %dma_start3A_1935, %dma_start3A_1941] : memref<2x16x125xi32, #tpu.memory_space<vmem>> -> memref<1x1x125xi32, #tpu.memory_space<vmem>>
        %dma_start3A_1943 = tpu.memref_squeeze %dma_start3A_1942 : memref<1x1x125xi32, #tpu.memory_space<vmem>> -> memref<125xi32, #tpu.memory_space<vmem>>
        %dma_start3A_1944 = arith.constant 0 : i32
        %dma_start3A_1945 = arith.constant 0 : i32
        %dma_start3A_1946 = tpu.memref_slice %arg2[%arg0, %dma_start3A_1944, %dma_start3A_1945] : memref<2x50000x16xf32, #tpu.memory_space<hbm>> -> memref<1x50000x16xf32, #tpu.memory_space<hbm>>
        %dma_start3A_1947 = tpu.memref_squeeze %dma_start3A_1946 : memref<1x50000x16xf32, #tpu.memory_space<hbm>> -> memref<50000x16xf32, #tpu.memory_space<hbm>>
        %dma_start3A_1948 = arith.constant 0 : i32
        %dma_start3A_1949 = arith.constant 0 : i32
        %dma_start3A_1950 = tpu.memref_slice %dma_start3A_1947[%dma_start3A_1948, %dma_start3A_1949] : memref<50000x16xf32, #tpu.memory_space<hbm>> -> memref<50000x16xf32, #tpu.memory_space<hbm>>
        tpu.enqueue_indirect_dma source(%dma_start3A_1950 : memref<50000x16xf32, #tpu.memory_space<hbm>>) target(%dma_start3A_1940 : memref<125x16xf32, #tpu.memory_space<vmem>>) offsets(%dma_start3A_1943 : memref<125xi32, #tpu.memory_space<vmem>>) semaphore(%arg11 : memref<!tpu.dma_semaphore, #tpu.memory_space<semaphore_mem>>)
        %dma_start3A_1951 = arith.constant 0 : i32
        %dma_start3A_1952 = arith.constant 8 : i32
        %dma_start3A_1953 = arith.constant 0 : i32
        %dma_start3A_1954 = arith.constant 1000 : i32
        %dma_start3A_1955 = arith.constant 0 : i32
        %dma_start3A_1956 = tpu.memref_slice %arg9[%dma_start3A_1953, %dma_start3A_1954, %dma_start3A_1955] : memref<2x2000x16xf32, #tpu.memory_space<vmem>> -> memref<1x125x16xf32, #tpu.memory_space<vmem>>
        %dma_start3A_1957 = tpu.memref_squeeze %dma_start3A_1956 : memref<1x125x16xf32, #tpu.memory_space<vmem>> -> memref<125x16xf32, #tpu.memory_space<vmem>>
        %dma_start3A_1958 = arith.constant 0 : i32
        %dma_start3A_1959 = tpu.memref_slice %arg7[%dma_start3A_1951, %dma_start3A_1952, %dma_start3A_1958] : memref<2x16x125xi32, #tpu.memory_space<vmem>> -> memref<1x1x125xi32, #tpu.memory_space<vmem>>
        %dma_start3A_1960 = tpu.memref_squeeze %dma_start3A_1959 : memref<1x1x125xi32, #tpu.memory_space<vmem>> -> memref<125xi32, #tpu.memory_space<vmem>>
        %dma_start3A_1961 = arith.constant 0 : i32
        %dma_start3A_1962 = arith.constant 0 : i32
        %dma_start3A_1963 = tpu.memref_slice %arg2[%arg0, %dma_start3A_1961, %dma_start3A_1962] : memref<2x50000x16xf32, #tpu.memory_space<hbm>> -> memref<1x50000x16xf32, #tpu.memory_space<hbm>>
        %dma_start3A_1964 = tpu.memref_squeeze %dma_start3A_1963 : memref<1x50000x16xf32, #tpu.memory_space<hbm>> -> memref<50000x16xf32, #tpu.memory_space<hbm>>
        %dma_start3A_1965 = arith.constant 0 : i32
        %dma_start3A_1966 = arith.constant 0 : i32
        %dma_start3A_1967 = tpu.memref_slice %dma_start3A_1964[%dma_start3A_1965, %dma_start3A_1966] : memref<50000x16xf32, #tpu.memory_space<hbm>> -> memref<50000x16xf32, #tpu.memory_space<hbm>>
        tpu.enqueue_indirect_dma source(%dma_start3A_1967 : memref<50000x16xf32, #tpu.memory_space<hbm>>) target(%dma_start3A_1957 : memref<125x16xf32, #tpu.memory_space<vmem>>) offsets(%dma_start3A_1960 : memref<125xi32, #tpu.memory_space<vmem>>) semaphore(%arg11 : memref<!tpu.dma_semaphore, #tpu.memory_space<semaphore_mem>>)
        %dma_start3A_1968 = arith.constant 0 : i32
        %dma_start3A_1969 = arith.constant 9 : i32
        %dma_start3A_1970 = arith.constant 0 : i32
        %dma_start3A_1971 = arith.constant 1125 : i32
        %dma_start3A_1972 = arith.constant 0 : i32
        %dma_start3A_1973 = tpu.memref_slice %arg9[%dma_start3A_1970, %dma_start3A_1971, %dma_start3A_1972] : memref<2x2000x16xf32, #tpu.memory_space<vmem>> -> memref<1x125x16xf32, #tpu.memory_space<vmem>>
        %dma_start3A_1974 = tpu.memref_squeeze %dma_start3A_1973 : memref<1x125x16xf32, #tpu.memory_space<vmem>> -> memref<125x16xf32, #tpu.memory_space<vmem>>
        %dma_start3A_1975 = arith.constant 0 : i32
        %dma_start3A_1976 = tpu.memref_slice %arg7[%dma_start3A_1968, %dma_start3A_1969, %dma_start3A_1975] : memref<2x16x125xi32, #tpu.memory_space<vmem>> -> memref<1x1x125xi32, #tpu.memory_space<vmem>>
        %dma_start3A_1977 = tpu.memref_squeeze %dma_start3A_1976 : memref<1x1x125xi32, #tpu.memory_space<vmem>> -> memref<125xi32, #tpu.memory_space<vmem>>
        %dma_start3A_1978 = arith.constant 0 : i32
        %dma_start3A_1979 = arith.constant 0 : i32
        %dma_start3A_1980 = tpu.memref_slice %arg2[%arg0, %dma_start3A_1978, %dma_start3A_1979] : memref<2x50000x16xf32, #tpu.memory_space<hbm>> -> memref<1x50000x16xf32, #tpu.memory_space<hbm>>
        %dma_start3A_1981 = tpu.memref_squeeze %dma_start3A_1980 : memref<1x50000x16xf32, #tpu.memory_space<hbm>> -> memref<50000x16xf32, #tpu.memory_space<hbm>>
        %dma_start3A_1982 = arith.constant 0 : i32
        %dma_start3A_1983 = arith.constant 0 : i32
        %dma_start3A_1984 = tpu.memref_slice %dma_start3A_1981[%dma_start3A_1982, %dma_start3A_1983] : memref<50000x16xf32, #tpu.memory_space<hbm>> -> memref<50000x16xf32, #tpu.memory_space<hbm>>
        tpu.enqueue_indirect_dma source(%dma_start3A_1984 : memref<50000x16xf32, #tpu.memory_space<hbm>>) target(%dma_start3A_1974 : memref<125x16xf32, #tpu.memory_space<vmem>>) offsets(%dma_start3A_1977 : memref<125xi32, #tpu.memory_space<vmem>>) semaphore(%arg11 : memref<!tpu.dma_semaphore, #tpu.memory_space<semaphore_mem>>)
        %dma_start3A_1985 = arith.constant 0 : i32
        %dma_start3A_1986 = arith.constant 10 : i32
        %dma_start3A_1987 = arith.constant 0 : i32
        %dma_start3A_1988 = arith.constant 1250 : i32
        %dma_start3A_1989 = arith.constant 0 : i32
        %dma_start3A_1990 = tpu.memref_slice %arg9[%dma_start3A_1987, %dma_start3A_1988, %dma_start3A_1989] : memref<2x2000x16xf32, #tpu.memory_space<vmem>> -> memref<1x125x16xf32, #tpu.memory_space<vmem>>
        %dma_start3A_1991 = tpu.memref_squeeze %dma_start3A_1990 : memref<1x125x16xf32, #tpu.memory_space<vmem>> -> memref<125x16xf32, #tpu.memory_space<vmem>>
        %dma_start3A_1992 = arith.constant 0 : i32
        %dma_start3A_1993 = tpu.memref_slice %arg7[%dma_start3A_1985, %dma_start3A_1986, %dma_start3A_1992] : memref<2x16x125xi32, #tpu.memory_space<vmem>> -> memref<1x1x125xi32, #tpu.memory_space<vmem>>
        %dma_start3A_1994 = tpu.memref_squeeze %dma_start3A_1993 : memref<1x1x125xi32, #tpu.memory_space<vmem>> -> memref<125xi32, #tpu.memory_space<vmem>>
        %dma_start3A_1995 = arith.constant 0 : i32
        %dma_start3A_1996 = arith.constant 0 : i32
        %dma_start3A_1997 = tpu.memref_slice %arg2[%arg0, %dma_start3A_1995, %dma_start3A_1996] : memref<2x50000x16xf32, #tpu.memory_space<hbm>> -> memref<1x50000x16xf32, #tpu.memory_space<hbm>>
        %dma_start3A_1998 = tpu.memref_squeeze %dma_start3A_1997 : memref<1x50000x16xf32, #tpu.memory_space<hbm>> -> memref<50000x16xf32, #tpu.memory_space<hbm>>
        %dma_start3A_1999 = arith.constant 0 : i32
        %dma_start3A_2000 = arith.constant 0 : i32
        %dma_start3A_2001 = tpu.memref_slice %dma_start3A_1998[%dma_start3A_1999, %dma_start3A_2000] : memref<50000x16xf32, #tpu.memory_space<hbm>> -> memref<50000x16xf32, #tpu.memory_space<hbm>>
        tpu.enqueue_indirect_dma source(%dma_start3A_2001 : memref<50000x16xf32, #tpu.memory_space<hbm>>) target(%dma_start3A_1991 : memref<125x16xf32, #tpu.memory_space<vmem>>) offsets(%dma_start3A_1994 : memref<125xi32, #tpu.memory_space<vmem>>) semaphore(%arg11 : memref<!tpu.dma_semaphore, #tpu.memory_space<semaphore_mem>>)
        %dma_start3A_2002 = arith.constant 0 : i32
        %dma_start3A_2003 = arith.constant 11 : i32
        %dma_start3A_2004 = arith.constant 0 : i32
        %dma_start3A_2005 = arith.constant 1375 : i32
        %dma_start3A_2006 = arith.constant 0 : i32
        %dma_start3A_2007 = tpu.memref_slice %arg9[%dma_start3A_2004, %dma_start3A_2005, %dma_start3A_2006] : memref<2x2000x16xf32, #tpu.memory_space<vmem>> -> memref<1x125x16xf32, #tpu.memory_space<vmem>>
        %dma_start3A_2008 = tpu.memref_squeeze %dma_start3A_2007 : memref<1x125x16xf32, #tpu.memory_space<vmem>> -> memref<125x16xf32, #tpu.memory_space<vmem>>
        %dma_start3A_2009 = arith.constant 0 : i32
        %dma_start3A_2010 = tpu.memref_slice %arg7[%dma_start3A_2002, %dma_start3A_2003, %dma_start3A_2009] : memref<2x16x125xi32, #tpu.memory_space<vmem>> -> memref<1x1x125xi32, #tpu.memory_space<vmem>>
        %dma_start3A_2011 = tpu.memref_squeeze %dma_start3A_2010 : memref<1x1x125xi32, #tpu.memory_space<vmem>> -> memref<125xi32, #tpu.memory_space<vmem>>
        %dma_start3A_2012 = arith.constant 0 : i32
        %dma_start3A_2013 = arith.constant 0 : i32
        %dma_start3A_2014 = tpu.memref_slice %arg2[%arg0, %dma_start3A_2012, %dma_start3A_2013] : memref<2x50000x16xf32, #tpu.memory_space<hbm>> -> memref<1x50000x16xf32, #tpu.memory_space<hbm>>
        %dma_start3A_2015 = tpu.memref_squeeze %dma_start3A_2014 : memref<1x50000x16xf32, #tpu.memory_space<hbm>> -> memref<50000x16xf32, #tpu.memory_space<hbm>>
        %dma_start3A_2016 = arith.constant 0 : i32
        %dma_start3A_2017 = arith.constant 0 : i32
        %dma_start3A_2018 = tpu.memref_slice %dma_start3A_2015[%dma_start3A_2016, %dma_start3A_2017] : memref<50000x16xf32, #tpu.memory_space<hbm>> -> memref<50000x16xf32, #tpu.memory_space<hbm>>
        tpu.enqueue_indirect_dma source(%dma_start3A_2018 : memref<50000x16xf32, #tpu.memory_space<hbm>>) target(%dma_start3A_2008 : memref<125x16xf32, #tpu.memory_space<vmem>>) offsets(%dma_start3A_2011 : memref<125xi32, #tpu.memory_space<vmem>>) semaphore(%arg11 : memref<!tpu.dma_semaphore, #tpu.memory_space<semaphore_mem>>)
        %dma_start3A_2019 = arith.constant 0 : i32
        %dma_start3A_2020 = arith.constant 12 : i32
        %dma_start3A_2021 = arith.constant 0 : i32
        %dma_start3A_2022 = arith.constant 1500 : i32
        %dma_start3A_2023 = arith.constant 0 : i32
        %dma_start3A_2024 = tpu.memref_slice %arg9[%dma_start3A_2021, %dma_start3A_2022, %dma_start3A_2023] : memref<2x2000x16xf32, #tpu.memory_space<vmem>> -> memref<1x125x16xf32, #tpu.memory_space<vmem>>
        %dma_start3A_2025 = tpu.memref_squeeze %dma_start3A_2024 : memref<1x125x16xf32, #tpu.memory_space<vmem>> -> memref<125x16xf32, #tpu.memory_space<vmem>>
        %dma_start3A_2026 = arith.constant 0 : i32
        %dma_start3A_2027 = tpu.memref_slice %arg7[%dma_start3A_2019, %dma_start3A_2020, %dma_start3A_2026] : memref<2x16x125xi32, #tpu.memory_space<vmem>> -> memref<1x1x125xi32, #tpu.memory_space<vmem>>
        %dma_start3A_2028 = tpu.memref_squeeze %dma_start3A_2027 : memref<1x1x125xi32, #tpu.memory_space<vmem>> -> memref<125xi32, #tpu.memory_space<vmem>>
        %dma_start3A_2029 = arith.constant 0 : i32
        %dma_start3A_2030 = arith.constant 0 : i32
        %dma_start3A_2031 = tpu.memref_slice %arg2[%arg0, %dma_start3A_2029, %dma_start3A_2030] : memref<2x50000x16xf32, #tpu.memory_space<hbm>> -> memref<1x50000x16xf32, #tpu.memory_space<hbm>>
        %dma_start3A_2032 = tpu.memref_squeeze %dma_start3A_2031 : memref<1x50000x16xf32, #tpu.memory_space<hbm>> -> memref<50000x16xf32, #tpu.memory_space<hbm>>
        %dma_start3A_2033 = arith.constant 0 : i32
        %dma_start3A_2034 = arith.constant 0 : i32
        %dma_start3A_2035 = tpu.memref_slice %dma_start3A_2032[%dma_start3A_2033, %dma_start3A_2034] : memref<50000x16xf32, #tpu.memory_space<hbm>> -> memref<50000x16xf32, #tpu.memory_space<hbm>>
        tpu.enqueue_indirect_dma source(%dma_start3A_2035 : memref<50000x16xf32, #tpu.memory_space<hbm>>) target(%dma_start3A_2025 : memref<125x16xf32, #tpu.memory_space<vmem>>) offsets(%dma_start3A_2028 : memref<125xi32, #tpu.memory_space<vmem>>) semaphore(%arg11 : memref<!tpu.dma_semaphore, #tpu.memory_space<semaphore_mem>>)
        %dma_start3A_2036 = arith.constant 0 : i32
        %dma_start3A_2037 = arith.constant 13 : i32
        %dma_start3A_2038 = arith.constant 0 : i32
        %dma_start3A_2039 = arith.constant 1625 : i32
        %dma_start3A_2040 = arith.constant 0 : i32
        %dma_start3A_2041 = tpu.memref_slice %arg9[%dma_start3A_2038, %dma_start3A_2039, %dma_start3A_2040] : memref<2x2000x16xf32, #tpu.memory_space<vmem>> -> memref<1x125x16xf32, #tpu.memory_space<vmem>>
        %dma_start3A_2042 = tpu.memref_squeeze %dma_start3A_2041 : memref<1x125x16xf32, #tpu.memory_space<vmem>> -> memref<125x16xf32, #tpu.memory_space<vmem>>
        %dma_start3A_2043 = arith.constant 0 : i32
        %dma_start3A_2044 = tpu.memref_slice %arg7[%dma_start3A_2036, %dma_start3A_2037, %dma_start3A_2043] : memref<2x16x125xi32, #tpu.memory_space<vmem>> -> memref<1x1x125xi32, #tpu.memory_space<vmem>>
        %dma_start3A_2045 = tpu.memref_squeeze %dma_start3A_2044 : memref<1x1x125xi32, #tpu.memory_space<vmem>> -> memref<125xi32, #tpu.memory_space<vmem>>
        %dma_start3A_2046 = arith.constant 0 : i32
        %dma_start3A_2047 = arith.constant 0 : i32
        %dma_start3A_2048 = tpu.memref_slice %arg2[%arg0, %dma_start3A_2046, %dma_start3A_2047] : memref<2x50000x16xf32, #tpu.memory_space<hbm>> -> memref<1x50000x16xf32, #tpu.memory_space<hbm>>
        %dma_start3A_2049 = tpu.memref_squeeze %dma_start3A_2048 : memref<1x50000x16xf32, #tpu.memory_space<hbm>> -> memref<50000x16xf32, #tpu.memory_space<hbm>>
        %dma_start3A_2050 = arith.constant 0 : i32
        %dma_start3A_2051 = arith.constant 0 : i32
        %dma_start3A_2052 = tpu.memref_slice %dma_start3A_2049[%dma_start3A_2050, %dma_start3A_2051] : memref<50000x16xf32, #tpu.memory_space<hbm>> -> memref<50000x16xf32, #tpu.memory_space<hbm>>
        tpu.enqueue_indirect_dma source(%dma_start3A_2052 : memref<50000x16xf32, #tpu.memory_space<hbm>>) target(%dma_start3A_2042 : memref<125x16xf32, #tpu.memory_space<vmem>>) offsets(%dma_start3A_2045 : memref<125xi32, #tpu.memory_space<vmem>>) semaphore(%arg11 : memref<!tpu.dma_semaphore, #tpu.memory_space<semaphore_mem>>)
        %dma_start3A_2053 = arith.constant 0 : i32
        %dma_start3A_2054 = arith.constant 14 : i32
        %dma_start3A_2055 = arith.constant 0 : i32
        %dma_start3A_2056 = arith.constant 1750 : i32
        %dma_start3A_2057 = arith.constant 0 : i32
        %dma_start3A_2058 = tpu.memref_slice %arg9[%dma_start3A_2055, %dma_start3A_2056, %dma_start3A_2057] : memref<2x2000x16xf32, #tpu.memory_space<vmem>> -> memref<1x125x16xf32, #tpu.memory_space<vmem>>
        %dma_start3A_2059 = tpu.memref_squeeze %dma_start3A_2058 : memref<1x125x16xf32, #tpu.memory_space<vmem>> -> memref<125x16xf32, #tpu.memory_space<vmem>>
        %dma_start3A_2060 = arith.constant 0 : i32
        %dma_start3A_2061 = tpu.memref_slice %arg7[%dma_start3A_2053, %dma_start3A_2054, %dma_start3A_2060] : memref<2x16x125xi32, #tpu.memory_space<vmem>> -> memref<1x1x125xi32, #tpu.memory_space<vmem>>
        %dma_start3A_2062 = tpu.memref_squeeze %dma_start3A_2061 : memref<1x1x125xi32, #tpu.memory_space<vmem>> -> memref<125xi32, #tpu.memory_space<vmem>>
        %dma_start3A_2063 = arith.constant 0 : i32
        %dma_start3A_2064 = arith.constant 0 : i32
        %dma_start3A_2065 = tpu.memref_slice %arg2[%arg0, %dma_start3A_2063, %dma_start3A_2064] : memref<2x50000x16xf32, #tpu.memory_space<hbm>> -> memref<1x50000x16xf32, #tpu.memory_space<hbm>>
        %dma_start3A_2066 = tpu.memref_squeeze %dma_start3A_2065 : memref<1x50000x16xf32, #tpu.memory_space<hbm>> -> memref<50000x16xf32, #tpu.memory_space<hbm>>
        %dma_start3A_2067 = arith.constant 0 : i32
        %dma_start3A_2068 = arith.constant 0 : i32
        %dma_start3A_2069 = tpu.memref_slice %dma_start3A_2066[%dma_start3A_2067, %dma_start3A_2068] : memref<50000x16xf32, #tpu.memory_space<hbm>> -> memref<50000x16xf32, #tpu.memory_space<hbm>>
        tpu.enqueue_indirect_dma source(%dma_start3A_2069 : memref<50000x16xf32, #tpu.memory_space<hbm>>) target(%dma_start3A_2059 : memref<125x16xf32, #tpu.memory_space<vmem>>) offsets(%dma_start3A_2062 : memref<125xi32, #tpu.memory_space<vmem>>) semaphore(%arg11 : memref<!tpu.dma_semaphore, #tpu.memory_space<semaphore_mem>>)
        %dma_start3A_2070 = arith.constant 0 : i32
        %dma_start3A_2071 = arith.constant 15 : i32
        %dma_start3A_2072 = arith.constant 0 : i32
        %dma_start3A_2073 = arith.constant 1875 : i32
        %dma_start3A_2074 = arith.constant 0 : i32
        %dma_start3A_2075 = tpu.memref_slice %arg9[%dma_start3A_2072, %dma_start3A_2073, %dma_start3A_2074] : memref<2x2000x16xf32, #tpu.memory_space<vmem>> -> memref<1x125x16xf32, #tpu.memory_space<vmem>>
        %dma_start3A_2076 = tpu.memref_squeeze %dma_start3A_2075 : memref<1x125x16xf32, #tpu.memory_space<vmem>> -> memref<125x16xf32, #tpu.memory_space<vmem>>
        %dma_start3A_2077 = arith.constant 0 : i32
        %dma_start3A_2078 = tpu.memref_slice %arg7[%dma_start3A_2070, %dma_start3A_2071, %dma_start3A_2077] : memref<2x16x125xi32, #tpu.memory_space<vmem>> -> memref<1x1x125xi32, #tpu.memory_space<vmem>>
        %dma_start3A_2079 = tpu.memref_squeeze %dma_start3A_2078 : memref<1x1x125xi32, #tpu.memory_space<vmem>> -> memref<125xi32, #tpu.memory_space<vmem>>
        %dma_start3A_2080 = arith.constant 0 : i32
        %dma_start3A_2081 = arith.constant 0 : i32
        %dma_start3A_2082 = tpu.memref_slice %arg2[%arg0, %dma_start3A_2080, %dma_start3A_2081] : memref<2x50000x16xf32, #tpu.memory_space<hbm>> -> memref<1x50000x16xf32, #tpu.memory_space<hbm>>
        %dma_start3A_2083 = tpu.memref_squeeze %dma_start3A_2082 : memref<1x50000x16xf32, #tpu.memory_space<hbm>> -> memref<50000x16xf32, #tpu.memory_space<hbm>>
        %dma_start3A_2084 = arith.constant 0 : i32
        %dma_start3A_2085 = arith.constant 0 : i32
        %dma_start3A_2086 = tpu.memref_slice %dma_start3A_2083[%dma_start3A_2084, %dma_start3A_2085] : memref<50000x16xf32, #tpu.memory_space<hbm>> -> memref<50000x16xf32, #tpu.memory_space<hbm>>
        tpu.enqueue_indirect_dma source(%dma_start3A_2086 : memref<50000x16xf32, #tpu.memory_space<hbm>>) target(%dma_start3A_2076 : memref<125x16xf32, #tpu.memory_space<vmem>>) offsets(%dma_start3A_2079 : memref<125xi32, #tpu.memory_space<vmem>>) semaphore(%arg11 : memref<!tpu.dma_semaphore, #tpu.memory_space<semaphore_mem>>)
      } else {
      }
      %dma_wait3A_1090 = arith.constant 1 : i32
      %dma_wait3A_1091 = arith.constant 0 : i32
      %dma_wait3A_1092 = arith.constant 1 : i32
      %dma_wait3A_1093 = arith.constant 0 : i32
      %dma_wait3A_1094 = arith.constant 0 : i32
      %dma_wait3A_1095 = tpu.memref_slice %arg9[%dma_wait3A_1092, %dma_wait3A_1093, %dma_wait3A_1094] : memref<2x2000x16xf32, #tpu.memory_space<vmem>> -> memref<1x125x16xf32, #tpu.memory_space<vmem>>
      %dma_wait3A_1096 = tpu.memref_squeeze %dma_wait3A_1095 : memref<1x125x16xf32, #tpu.memory_space<vmem>> -> memref<125x16xf32, #tpu.memory_space<vmem>>
      %dma_wait3A_1097 = arith.constant 0 : i32
      %dma_wait3A_1098 = tpu.memref_slice %arg7[%dma_wait3A_1090, %dma_wait3A_1091, %dma_wait3A_1097] : memref<2x16x125xi32, #tpu.memory_space<vmem>> -> memref<1x1x125xi32, #tpu.memory_space<vmem>>
      %dma_wait3A_1099 = tpu.memref_squeeze %dma_wait3A_1098 : memref<1x1x125xi32, #tpu.memory_space<vmem>> -> memref<125xi32, #tpu.memory_space<vmem>>
      %dma_wait3A_1100 = arith.constant 0 : i32
      %dma_wait3A_1101 = arith.constant 0 : i32
      %dma_wait3A_1102 = tpu.memref_slice %arg2[%arg0, %dma_wait3A_1100, %dma_wait3A_1101] : memref<2x50000x16xf32, #tpu.memory_space<hbm>> -> memref<1x50000x16xf32, #tpu.memory_space<hbm>>
      %dma_wait3A_1103 = tpu.memref_squeeze %dma_wait3A_1102 : memref<1x50000x16xf32, #tpu.memory_space<hbm>> -> memref<50000x16xf32, #tpu.memory_space<hbm>>
      %dma_wait3A_1104 = arith.constant 0 : i32
      %dma_wait3A_1105 = arith.constant 0 : i32
      %dma_wait3A_1106 = tpu.memref_slice %dma_wait3A_1103[%dma_wait3A_1104, %dma_wait3A_1105] : memref<50000x16xf32, #tpu.memory_space<hbm>> -> memref<50000x16xf32, #tpu.memory_space<hbm>>
      tpu.wait_indirect_dma semaphore(%arg11 : memref<!tpu.dma_semaphore, #tpu.memory_space<semaphore_mem>>) src(%dma_wait3A_1106 : memref<50000x16xf32, #tpu.memory_space<hbm>>) dst(%dma_wait3A_1096 : memref<125x16xf32, #tpu.memory_space<vmem>>)
      %dma_wait3A_1107 = arith.constant 1 : i32
      %dma_wait3A_1108 = arith.constant 1 : i32
      %dma_wait3A_1109 = arith.constant 1 : i32
      %dma_wait3A_1110 = arith.constant 125 : i32
      %dma_wait3A_1111 = arith.constant 0 : i32
      %dma_wait3A_1112 = tpu.memref_slice %arg9[%dma_wait3A_1109, %dma_wait3A_1110, %dma_wait3A_1111] : memref<2x2000x16xf32, #tpu.memory_space<vmem>> -> memref<1x125x16xf32, #tpu.memory_space<vmem>>
      %dma_wait3A_1113 = tpu.memref_squeeze %dma_wait3A_1112 : memref<1x125x16xf32, #tpu.memory_space<vmem>> -> memref<125x16xf32, #tpu.memory_space<vmem>>
      %dma_wait3A_1114 = arith.constant 0 : i32
      %dma_wait3A_1115 = tpu.memref_slice %arg7[%dma_wait3A_1107, %dma_wait3A_1108, %dma_wait3A_1114] : memref<2x16x125xi32, #tpu.memory_space<vmem>> -> memref<1x1x125xi32, #tpu.memory_space<vmem>>
      %dma_wait3A_1116 = tpu.memref_squeeze %dma_wait3A_1115 : memref<1x1x125xi32, #tpu.memory_space<vmem>> -> memref<125xi32, #tpu.memory_space<vmem>>
      %dma_wait3A_1117 = arith.constant 0 : i32
      %dma_wait3A_1118 = arith.constant 0 : i32
      %dma_wait3A_1119 = tpu.memref_slice %arg2[%arg0, %dma_wait3A_1117, %dma_wait3A_1118] : memref<2x50000x16xf32, #tpu.memory_space<hbm>> -> memref<1x50000x16xf32, #tpu.memory_space<hbm>>
      %dma_wait3A_1120 = tpu.memref_squeeze %dma_wait3A_1119 : memref<1x50000x16xf32, #tpu.memory_space<hbm>> -> memref<50000x16xf32, #tpu.memory_space<hbm>>
      %dma_wait3A_1121 = arith.constant 0 : i32
      %dma_wait3A_1122 = arith.constant 0 : i32
      %dma_wait3A_1123 = tpu.memref_slice %dma_wait3A_1120[%dma_wait3A_1121, %dma_wait3A_1122] : memref<50000x16xf32, #tpu.memory_space<hbm>> -> memref<50000x16xf32, #tpu.memory_space<hbm>>
      tpu.wait_indirect_dma semaphore(%arg11 : memref<!tpu.dma_semaphore, #tpu.memory_space<semaphore_mem>>) src(%dma_wait3A_1123 : memref<50000x16xf32, #tpu.memory_space<hbm>>) dst(%dma_wait3A_1113 : memref<125x16xf32, #tpu.memory_space<vmem>>)
      %dma_wait3A_1124 = arith.constant 1 : i32
      %dma_wait3A_1125 = arith.constant 2 : i32
      %dma_wait3A_1126 = arith.constant 1 : i32
      %dma_wait3A_1127 = arith.constant 250 : i32
      %dma_wait3A_1128 = arith.constant 0 : i32
      %dma_wait3A_1129 = tpu.memref_slice %arg9[%dma_wait3A_1126, %dma_wait3A_1127, %dma_wait3A_1128] : memref<2x2000x16xf32, #tpu.memory_space<vmem>> -> memref<1x125x16xf32, #tpu.memory_space<vmem>>
      %dma_wait3A_1130 = tpu.memref_squeeze %dma_wait3A_1129 : memref<1x125x16xf32, #tpu.memory_space<vmem>> -> memref<125x16xf32, #tpu.memory_space<vmem>>
      %dma_wait3A_1131 = arith.constant 0 : i32
      %dma_wait3A_1132 = tpu.memref_slice %arg7[%dma_wait3A_1124, %dma_wait3A_1125, %dma_wait3A_1131] : memref<2x16x125xi32, #tpu.memory_space<vmem>> -> memref<1x1x125xi32, #tpu.memory_space<vmem>>
      %dma_wait3A_1133 = tpu.memref_squeeze %dma_wait3A_1132 : memref<1x1x125xi32, #tpu.memory_space<vmem>> -> memref<125xi32, #tpu.memory_space<vmem>>
      %dma_wait3A_1134 = arith.constant 0 : i32
      %dma_wait3A_1135 = arith.constant 0 : i32
      %dma_wait3A_1136 = tpu.memref_slice %arg2[%arg0, %dma_wait3A_1134, %dma_wait3A_1135] : memref<2x50000x16xf32, #tpu.memory_space<hbm>> -> memref<1x50000x16xf32, #tpu.memory_space<hbm>>
      %dma_wait3A_1137 = tpu.memref_squeeze %dma_wait3A_1136 : memref<1x50000x16xf32, #tpu.memory_space<hbm>> -> memref<50000x16xf32, #tpu.memory_space<hbm>>
      %dma_wait3A_1138 = arith.constant 0 : i32
      %dma_wait3A_1139 = arith.constant 0 : i32
      %dma_wait3A_1140 = tpu.memref_slice %dma_wait3A_1137[%dma_wait3A_1138, %dma_wait3A_1139] : memref<50000x16xf32, #tpu.memory_space<hbm>> -> memref<50000x16xf32, #tpu.memory_space<hbm>>
      tpu.wait_indirect_dma semaphore(%arg11 : memref<!tpu.dma_semaphore, #tpu.memory_space<semaphore_mem>>) src(%dma_wait3A_1140 : memref<50000x16xf32, #tpu.memory_space<hbm>>) dst(%dma_wait3A_1130 : memref<125x16xf32, #tpu.memory_space<vmem>>)
      %dma_wait3A_1141 = arith.constant 1 : i32
      %dma_wait3A_1142 = arith.constant 3 : i32
      %dma_wait3A_1143 = arith.constant 1 : i32
      %dma_wait3A_1144 = arith.constant 375 : i32
      %dma_wait3A_1145 = arith.constant 0 : i32
      %dma_wait3A_1146 = tpu.memref_slice %arg9[%dma_wait3A_1143, %dma_wait3A_1144, %dma_wait3A_1145] : memref<2x2000x16xf32, #tpu.memory_space<vmem>> -> memref<1x125x16xf32, #tpu.memory_space<vmem>>
      %dma_wait3A_1147 = tpu.memref_squeeze %dma_wait3A_1146 : memref<1x125x16xf32, #tpu.memory_space<vmem>> -> memref<125x16xf32, #tpu.memory_space<vmem>>
      %dma_wait3A_1148 = arith.constant 0 : i32
      %dma_wait3A_1149 = tpu.memref_slice %arg7[%dma_wait3A_1141, %dma_wait3A_1142, %dma_wait3A_1148] : memref<2x16x125xi32, #tpu.memory_space<vmem>> -> memref<1x1x125xi32, #tpu.memory_space<vmem>>
      %dma_wait3A_1150 = tpu.memref_squeeze %dma_wait3A_1149 : memref<1x1x125xi32, #tpu.memory_space<vmem>> -> memref<125xi32, #tpu.memory_space<vmem>>
      %dma_wait3A_1151 = arith.constant 0 : i32
      %dma_wait3A_1152 = arith.constant 0 : i32
      %dma_wait3A_1153 = tpu.memref_slice %arg2[%arg0, %dma_wait3A_1151, %dma_wait3A_1152] : memref<2x50000x16xf32, #tpu.memory_space<hbm>> -> memref<1x50000x16xf32, #tpu.memory_space<hbm>>
      %dma_wait3A_1154 = tpu.memref_squeeze %dma_wait3A_1153 : memref<1x50000x16xf32, #tpu.memory_space<hbm>> -> memref<50000x16xf32, #tpu.memory_space<hbm>>
      %dma_wait3A_1155 = arith.constant 0 : i32
      %dma_wait3A_1156 = arith.constant 0 : i32
      %dma_wait3A_1157 = tpu.memref_slice %dma_wait3A_1154[%dma_wait3A_1155, %dma_wait3A_1156] : memref<50000x16xf32, #tpu.memory_space<hbm>> -> memref<50000x16xf32, #tpu.memory_space<hbm>>
      tpu.wait_indirect_dma semaphore(%arg11 : memref<!tpu.dma_semaphore, #tpu.memory_space<semaphore_mem>>) src(%dma_wait3A_1157 : memref<50000x16xf32, #tpu.memory_space<hbm>>) dst(%dma_wait3A_1147 : memref<125x16xf32, #tpu.memory_space<vmem>>)
      %dma_wait3A_1158 = arith.constant 1 : i32
      %dma_wait3A_1159 = arith.constant 4 : i32
      %dma_wait3A_1160 = arith.constant 1 : i32
      %dma_wait3A_1161 = arith.constant 500 : i32
      %dma_wait3A_1162 = arith.constant 0 : i32
      %dma_wait3A_1163 = tpu.memref_slice %arg9[%dma_wait3A_1160, %dma_wait3A_1161, %dma_wait3A_1162] : memref<2x2000x16xf32, #tpu.memory_space<vmem>> -> memref<1x125x16xf32, #tpu.memory_space<vmem>>
      %dma_wait3A_1164 = tpu.memref_squeeze %dma_wait3A_1163 : memref<1x125x16xf32, #tpu.memory_space<vmem>> -> memref<125x16xf32, #tpu.memory_space<vmem>>
      %dma_wait3A_1165 = arith.constant 0 : i32
      %dma_wait3A_1166 = tpu.memref_slice %arg7[%dma_wait3A_1158, %dma_wait3A_1159, %dma_wait3A_1165] : memref<2x16x125xi32, #tpu.memory_space<vmem>> -> memref<1x1x125xi32, #tpu.memory_space<vmem>>
      %dma_wait3A_1167 = tpu.memref_squeeze %dma_wait3A_1166 : memref<1x1x125xi32, #tpu.memory_space<vmem>> -> memref<125xi32, #tpu.memory_space<vmem>>
      %dma_wait3A_1168 = arith.constant 0 : i32
      %dma_wait3A_1169 = arith.constant 0 : i32
      %dma_wait3A_1170 = tpu.memref_slice %arg2[%arg0, %dma_wait3A_1168, %dma_wait3A_1169] : memref<2x50000x16xf32, #tpu.memory_space<hbm>> -> memref<1x50000x16xf32, #tpu.memory_space<hbm>>
      %dma_wait3A_1171 = tpu.memref_squeeze %dma_wait3A_1170 : memref<1x50000x16xf32, #tpu.memory_space<hbm>> -> memref<50000x16xf32, #tpu.memory_space<hbm>>
      %dma_wait3A_1172 = arith.constant 0 : i32
      %dma_wait3A_1173 = arith.constant 0 : i32
      %dma_wait3A_1174 = tpu.memref_slice %dma_wait3A_1171[%dma_wait3A_1172, %dma_wait3A_1173] : memref<50000x16xf32, #tpu.memory_space<hbm>> -> memref<50000x16xf32, #tpu.memory_space<hbm>>
      tpu.wait_indirect_dma semaphore(%arg11 : memref<!tpu.dma_semaphore, #tpu.memory_space<semaphore_mem>>) src(%dma_wait3A_1174 : memref<50000x16xf32, #tpu.memory_space<hbm>>) dst(%dma_wait3A_1164 : memref<125x16xf32, #tpu.memory_space<vmem>>)
      %dma_wait3A_1175 = arith.constant 1 : i32
      %dma_wait3A_1176 = arith.constant 5 : i32
      %dma_wait3A_1177 = arith.constant 1 : i32
      %dma_wait3A_1178 = arith.constant 625 : i32
      %dma_wait3A_1179 = arith.constant 0 : i32
      %dma_wait3A_1180 = tpu.memref_slice %arg9[%dma_wait3A_1177, %dma_wait3A_1178, %dma_wait3A_1179] : memref<2x2000x16xf32, #tpu.memory_space<vmem>> -> memref<1x125x16xf32, #tpu.memory_space<vmem>>
      %dma_wait3A_1181 = tpu.memref_squeeze %dma_wait3A_1180 : memref<1x125x16xf32, #tpu.memory_space<vmem>> -> memref<125x16xf32, #tpu.memory_space<vmem>>
      %dma_wait3A_1182 = arith.constant 0 : i32
      %dma_wait3A_1183 = tpu.memref_slice %arg7[%dma_wait3A_1175, %dma_wait3A_1176, %dma_wait3A_1182] : memref<2x16x125xi32, #tpu.memory_space<vmem>> -> memref<1x1x125xi32, #tpu.memory_space<vmem>>
      %dma_wait3A_1184 = tpu.memref_squeeze %dma_wait3A_1183 : memref<1x1x125xi32, #tpu.memory_space<vmem>> -> memref<125xi32, #tpu.memory_space<vmem>>
      %dma_wait3A_1185 = arith.constant 0 : i32
      %dma_wait3A_1186 = arith.constant 0 : i32
      %dma_wait3A_1187 = tpu.memref_slice %arg2[%arg0, %dma_wait3A_1185, %dma_wait3A_1186] : memref<2x50000x16xf32, #tpu.memory_space<hbm>> -> memref<1x50000x16xf32, #tpu.memory_space<hbm>>
      %dma_wait3A_1188 = tpu.memref_squeeze %dma_wait3A_1187 : memref<1x50000x16xf32, #tpu.memory_space<hbm>> -> memref<50000x16xf32, #tpu.memory_space<hbm>>
      %dma_wait3A_1189 = arith.constant 0 : i32
      %dma_wait3A_1190 = arith.constant 0 : i32
      %dma_wait3A_1191 = tpu.memref_slice %dma_wait3A_1188[%dma_wait3A_1189, %dma_wait3A_1190] : memref<50000x16xf32, #tpu.memory_space<hbm>> -> memref<50000x16xf32, #tpu.memory_space<hbm>>
      tpu.wait_indirect_dma semaphore(%arg11 : memref<!tpu.dma_semaphore, #tpu.memory_space<semaphore_mem>>) src(%dma_wait3A_1191 : memref<50000x16xf32, #tpu.memory_space<hbm>>) dst(%dma_wait3A_1181 : memref<125x16xf32, #tpu.memory_space<vmem>>)
      %dma_wait3A_1192 = arith.constant 1 : i32
      %dma_wait3A_1193 = arith.constant 6 : i32
      %dma_wait3A_1194 = arith.constant 1 : i32
      %dma_wait3A_1195 = arith.constant 750 : i32
      %dma_wait3A_1196 = arith.constant 0 : i32
      %dma_wait3A_1197 = tpu.memref_slice %arg9[%dma_wait3A_1194, %dma_wait3A_1195, %dma_wait3A_1196] : memref<2x2000x16xf32, #tpu.memory_space<vmem>> -> memref<1x125x16xf32, #tpu.memory_space<vmem>>
      %dma_wait3A_1198 = tpu.memref_squeeze %dma_wait3A_1197 : memref<1x125x16xf32, #tpu.memory_space<vmem>> -> memref<125x16xf32, #tpu.memory_space<vmem>>
      %dma_wait3A_1199 = arith.constant 0 : i32
      %dma_wait3A_1200 = tpu.memref_slice %arg7[%dma_wait3A_1192, %dma_wait3A_1193, %dma_wait3A_1199] : memref<2x16x125xi32, #tpu.memory_space<vmem>> -> memref<1x1x125xi32, #tpu.memory_space<vmem>>
      %dma_wait3A_1201 = tpu.memref_squeeze %dma_wait3A_1200 : memref<1x1x125xi32, #tpu.memory_space<vmem>> -> memref<125xi32, #tpu.memory_space<vmem>>
      %dma_wait3A_1202 = arith.constant 0 : i32
      %dma_wait3A_1203 = arith.constant 0 : i32
      %dma_wait3A_1204 = tpu.memref_slice %arg2[%arg0, %dma_wait3A_1202, %dma_wait3A_1203] : memref<2x50000x16xf32, #tpu.memory_space<hbm>> -> memref<1x50000x16xf32, #tpu.memory_space<hbm>>
      %dma_wait3A_1205 = tpu.memref_squeeze %dma_wait3A_1204 : memref<1x50000x16xf32, #tpu.memory_space<hbm>> -> memref<50000x16xf32, #tpu.memory_space<hbm>>
      %dma_wait3A_1206 = arith.constant 0 : i32
      %dma_wait3A_1207 = arith.constant 0 : i32
      %dma_wait3A_1208 = tpu.memref_slice %dma_wait3A_1205[%dma_wait3A_1206, %dma_wait3A_1207] : memref<50000x16xf32, #tpu.memory_space<hbm>> -> memref<50000x16xf32, #tpu.memory_space<hbm>>
      tpu.wait_indirect_dma semaphore(%arg11 : memref<!tpu.dma_semaphore, #tpu.memory_space<semaphore_mem>>) src(%dma_wait3A_1208 : memref<50000x16xf32, #tpu.memory_space<hbm>>) dst(%dma_wait3A_1198 : memref<125x16xf32, #tpu.memory_space<vmem>>)
      %dma_wait3A_1209 = arith.constant 1 : i32
      %dma_wait3A_1210 = arith.constant 7 : i32
      %dma_wait3A_1211 = arith.constant 1 : i32
      %dma_wait3A_1212 = arith.constant 875 : i32
      %dma_wait3A_1213 = arith.constant 0 : i32
      %dma_wait3A_1214 = tpu.memref_slice %arg9[%dma_wait3A_1211, %dma_wait3A_1212, %dma_wait3A_1213] : memref<2x2000x16xf32, #tpu.memory_space<vmem>> -> memref<1x125x16xf32, #tpu.memory_space<vmem>>
      %dma_wait3A_1215 = tpu.memref_squeeze %dma_wait3A_1214 : memref<1x125x16xf32, #tpu.memory_space<vmem>> -> memref<125x16xf32, #tpu.memory_space<vmem>>
      %dma_wait3A_1216 = arith.constant 0 : i32
      %dma_wait3A_1217 = tpu.memref_slice %arg7[%dma_wait3A_1209, %dma_wait3A_1210, %dma_wait3A_1216] : memref<2x16x125xi32, #tpu.memory_space<vmem>> -> memref<1x1x125xi32, #tpu.memory_space<vmem>>
      %dma_wait3A_1218 = tpu.memref_squeeze %dma_wait3A_1217 : memref<1x1x125xi32, #tpu.memory_space<vmem>> -> memref<125xi32, #tpu.memory_space<vmem>>
      %dma_wait3A_1219 = arith.constant 0 : i32
      %dma_wait3A_1220 = arith.constant 0 : i32
      %dma_wait3A_1221 = tpu.memref_slice %arg2[%arg0, %dma_wait3A_1219, %dma_wait3A_1220] : memref<2x50000x16xf32, #tpu.memory_space<hbm>> -> memref<1x50000x16xf32, #tpu.memory_space<hbm>>
      %dma_wait3A_1222 = tpu.memref_squeeze %dma_wait3A_1221 : memref<1x50000x16xf32, #tpu.memory_space<hbm>> -> memref<50000x16xf32, #tpu.memory_space<hbm>>
      %dma_wait3A_1223 = arith.constant 0 : i32
      %dma_wait3A_1224 = arith.constant 0 : i32
      %dma_wait3A_1225 = tpu.memref_slice %dma_wait3A_1222[%dma_wait3A_1223, %dma_wait3A_1224] : memref<50000x16xf32, #tpu.memory_space<hbm>> -> memref<50000x16xf32, #tpu.memory_space<hbm>>
      tpu.wait_indirect_dma semaphore(%arg11 : memref<!tpu.dma_semaphore, #tpu.memory_space<semaphore_mem>>) src(%dma_wait3A_1225 : memref<50000x16xf32, #tpu.memory_space<hbm>>) dst(%dma_wait3A_1215 : memref<125x16xf32, #tpu.memory_space<vmem>>)
      %dma_wait3A_1226 = arith.constant 1 : i32
      %dma_wait3A_1227 = arith.constant 8 : i32
      %dma_wait3A_1228 = arith.constant 1 : i32
      %dma_wait3A_1229 = arith.constant 1000 : i32
      %dma_wait3A_1230 = arith.constant 0 : i32
      %dma_wait3A_1231 = tpu.memref_slice %arg9[%dma_wait3A_1228, %dma_wait3A_1229, %dma_wait3A_1230] : memref<2x2000x16xf32, #tpu.memory_space<vmem>> -> memref<1x125x16xf32, #tpu.memory_space<vmem>>
      %dma_wait3A_1232 = tpu.memref_squeeze %dma_wait3A_1231 : memref<1x125x16xf32, #tpu.memory_space<vmem>> -> memref<125x16xf32, #tpu.memory_space<vmem>>
      %dma_wait3A_1233 = arith.constant 0 : i32
      %dma_wait3A_1234 = tpu.memref_slice %arg7[%dma_wait3A_1226, %dma_wait3A_1227, %dma_wait3A_1233] : memref<2x16x125xi32, #tpu.memory_space<vmem>> -> memref<1x1x125xi32, #tpu.memory_space<vmem>>
      %dma_wait3A_1235 = tpu.memref_squeeze %dma_wait3A_1234 : memref<1x1x125xi32, #tpu.memory_space<vmem>> -> memref<125xi32, #tpu.memory_space<vmem>>
      %dma_wait3A_1236 = arith.constant 0 : i32
      %dma_wait3A_1237 = arith.constant 0 : i32
      %dma_wait3A_1238 = tpu.memref_slice %arg2[%arg0, %dma_wait3A_1236, %dma_wait3A_1237] : memref<2x50000x16xf32, #tpu.memory_space<hbm>> -> memref<1x50000x16xf32, #tpu.memory_space<hbm>>
      %dma_wait3A_1239 = tpu.memref_squeeze %dma_wait3A_1238 : memref<1x50000x16xf32, #tpu.memory_space<hbm>> -> memref<50000x16xf32, #tpu.memory_space<hbm>>
      %dma_wait3A_1240 = arith.constant 0 : i32
      %dma_wait3A_1241 = arith.constant 0 : i32
      %dma_wait3A_1242 = tpu.memref_slice %dma_wait3A_1239[%dma_wait3A_1240, %dma_wait3A_1241] : memref<50000x16xf32, #tpu.memory_space<hbm>> -> memref<50000x16xf32, #tpu.memory_space<hbm>>
      tpu.wait_indirect_dma semaphore(%arg11 : memref<!tpu.dma_semaphore, #tpu.memory_space<semaphore_mem>>) src(%dma_wait3A_1242 : memref<50000x16xf32, #tpu.memory_space<hbm>>) dst(%dma_wait3A_1232 : memref<125x16xf32, #tpu.memory_space<vmem>>)
      %dma_wait3A_1243 = arith.constant 1 : i32
      %dma_wait3A_1244 = arith.constant 9 : i32
      %dma_wait3A_1245 = arith.constant 1 : i32
      %dma_wait3A_1246 = arith.constant 1125 : i32
      %dma_wait3A_1247 = arith.constant 0 : i32
      %dma_wait3A_1248 = tpu.memref_slice %arg9[%dma_wait3A_1245, %dma_wait3A_1246, %dma_wait3A_1247] : memref<2x2000x16xf32, #tpu.memory_space<vmem>> -> memref<1x125x16xf32, #tpu.memory_space<vmem>>
      %dma_wait3A_1249 = tpu.memref_squeeze %dma_wait3A_1248 : memref<1x125x16xf32, #tpu.memory_space<vmem>> -> memref<125x16xf32, #tpu.memory_space<vmem>>
      %dma_wait3A_1250 = arith.constant 0 : i32
      %dma_wait3A_1251 = tpu.memref_slice %arg7[%dma_wait3A_1243, %dma_wait3A_1244, %dma_wait3A_1250] : memref<2x16x125xi32, #tpu.memory_space<vmem>> -> memref<1x1x125xi32, #tpu.memory_space<vmem>>
      %dma_wait3A_1252 = tpu.memref_squeeze %dma_wait3A_1251 : memref<1x1x125xi32, #tpu.memory_space<vmem>> -> memref<125xi32, #tpu.memory_space<vmem>>
      %dma_wait3A_1253 = arith.constant 0 : i32
      %dma_wait3A_1254 = arith.constant 0 : i32
      %dma_wait3A_1255 = tpu.memref_slice %arg2[%arg0, %dma_wait3A_1253, %dma_wait3A_1254] : memref<2x50000x16xf32, #tpu.memory_space<hbm>> -> memref<1x50000x16xf32, #tpu.memory_space<hbm>>
      %dma_wait3A_1256 = tpu.memref_squeeze %dma_wait3A_1255 : memref<1x50000x16xf32, #tpu.memory_space<hbm>> -> memref<50000x16xf32, #tpu.memory_space<hbm>>
      %dma_wait3A_1257 = arith.constant 0 : i32
      %dma_wait3A_1258 = arith.constant 0 : i32
      %dma_wait3A_1259 = tpu.memref_slice %dma_wait3A_1256[%dma_wait3A_1257, %dma_wait3A_1258] : memref<50000x16xf32, #tpu.memory_space<hbm>> -> memref<50000x16xf32, #tpu.memory_space<hbm>>
      tpu.wait_indirect_dma semaphore(%arg11 : memref<!tpu.dma_semaphore, #tpu.memory_space<semaphore_mem>>) src(%dma_wait3A_1259 : memref<50000x16xf32, #tpu.memory_space<hbm>>) dst(%dma_wait3A_1249 : memref<125x16xf32, #tpu.memory_space<vmem>>)
      %dma_wait3A_1260 = arith.constant 1 : i32
      %dma_wait3A_1261 = arith.constant 10 : i32
      %dma_wait3A_1262 = arith.constant 1 : i32
      %dma_wait3A_1263 = arith.constant 1250 : i32
      %dma_wait3A_1264 = arith.constant 0 : i32
      %dma_wait3A_1265 = tpu.memref_slice %arg9[%dma_wait3A_1262, %dma_wait3A_1263, %dma_wait3A_1264] : memref<2x2000x16xf32, #tpu.memory_space<vmem>> -> memref<1x125x16xf32, #tpu.memory_space<vmem>>
      %dma_wait3A_1266 = tpu.memref_squeeze %dma_wait3A_1265 : memref<1x125x16xf32, #tpu.memory_space<vmem>> -> memref<125x16xf32, #tpu.memory_space<vmem>>
      %dma_wait3A_1267 = arith.constant 0 : i32
      %dma_wait3A_1268 = tpu.memref_slice %arg7[%dma_wait3A_1260, %dma_wait3A_1261, %dma_wait3A_1267] : memref<2x16x125xi32, #tpu.memory_space<vmem>> -> memref<1x1x125xi32, #tpu.memory_space<vmem>>
      %dma_wait3A_1269 = tpu.memref_squeeze %dma_wait3A_1268 : memref<1x1x125xi32, #tpu.memory_space<vmem>> -> memref<125xi32, #tpu.memory_space<vmem>>
      %dma_wait3A_1270 = arith.constant 0 : i32
      %dma_wait3A_1271 = arith.constant 0 : i32
      %dma_wait3A_1272 = tpu.memref_slice %arg2[%arg0, %dma_wait3A_1270, %dma_wait3A_1271] : memref<2x50000x16xf32, #tpu.memory_space<hbm>> -> memref<1x50000x16xf32, #tpu.memory_space<hbm>>
      %dma_wait3A_1273 = tpu.memref_squeeze %dma_wait3A_1272 : memref<1x50000x16xf32, #tpu.memory_space<hbm>> -> memref<50000x16xf32, #tpu.memory_space<hbm>>
      %dma_wait3A_1274 = arith.constant 0 : i32
      %dma_wait3A_1275 = arith.constant 0 : i32
      %dma_wait3A_1276 = tpu.memref_slice %dma_wait3A_1273[%dma_wait3A_1274, %dma_wait3A_1275] : memref<50000x16xf32, #tpu.memory_space<hbm>> -> memref<50000x16xf32, #tpu.memory_space<hbm>>
      tpu.wait_indirect_dma semaphore(%arg11 : memref<!tpu.dma_semaphore, #tpu.memory_space<semaphore_mem>>) src(%dma_wait3A_1276 : memref<50000x16xf32, #tpu.memory_space<hbm>>) dst(%dma_wait3A_1266 : memref<125x16xf32, #tpu.memory_space<vmem>>)
      %dma_wait3A_1277 = arith.constant 1 : i32
      %dma_wait3A_1278 = arith.constant 11 : i32
      %dma_wait3A_1279 = arith.constant 1 : i32
      %dma_wait3A_1280 = arith.constant 1375 : i32
      %dma_wait3A_1281 = arith.constant 0 : i32
      %dma_wait3A_1282 = tpu.memref_slice %arg9[%dma_wait3A_1279, %dma_wait3A_1280, %dma_wait3A_1281] : memref<2x2000x16xf32, #tpu.memory_space<vmem>> -> memref<1x125x16xf32, #tpu.memory_space<vmem>>
      %dma_wait3A_1283 = tpu.memref_squeeze %dma_wait3A_1282 : memref<1x125x16xf32, #tpu.memory_space<vmem>> -> memref<125x16xf32, #tpu.memory_space<vmem>>
      %dma_wait3A_1284 = arith.constant 0 : i32
      %dma_wait3A_1285 = tpu.memref_slice %arg7[%dma_wait3A_1277, %dma_wait3A_1278, %dma_wait3A_1284] : memref<2x16x125xi32, #tpu.memory_space<vmem>> -> memref<1x1x125xi32, #tpu.memory_space<vmem>>
      %dma_wait3A_1286 = tpu.memref_squeeze %dma_wait3A_1285 : memref<1x1x125xi32, #tpu.memory_space<vmem>> -> memref<125xi32, #tpu.memory_space<vmem>>
      %dma_wait3A_1287 = arith.constant 0 : i32
      %dma_wait3A_1288 = arith.constant 0 : i32
      %dma_wait3A_1289 = tpu.memref_slice %arg2[%arg0, %dma_wait3A_1287, %dma_wait3A_1288] : memref<2x50000x16xf32, #tpu.memory_space<hbm>> -> memref<1x50000x16xf32, #tpu.memory_space<hbm>>
      %dma_wait3A_1290 = tpu.memref_squeeze %dma_wait3A_1289 : memref<1x50000x16xf32, #tpu.memory_space<hbm>> -> memref<50000x16xf32, #tpu.memory_space<hbm>>
      %dma_wait3A_1291 = arith.constant 0 : i32
      %dma_wait3A_1292 = arith.constant 0 : i32
      %dma_wait3A_1293 = tpu.memref_slice %dma_wait3A_1290[%dma_wait3A_1291, %dma_wait3A_1292] : memref<50000x16xf32, #tpu.memory_space<hbm>> -> memref<50000x16xf32, #tpu.memory_space<hbm>>
      tpu.wait_indirect_dma semaphore(%arg11 : memref<!tpu.dma_semaphore, #tpu.memory_space<semaphore_mem>>) src(%dma_wait3A_1293 : memref<50000x16xf32, #tpu.memory_space<hbm>>) dst(%dma_wait3A_1283 : memref<125x16xf32, #tpu.memory_space<vmem>>)
      %dma_wait3A_1294 = arith.constant 1 : i32
      %dma_wait3A_1295 = arith.constant 12 : i32
      %dma_wait3A_1296 = arith.constant 1 : i32
      %dma_wait3A_1297 = arith.constant 1500 : i32
      %dma_wait3A_1298 = arith.constant 0 : i32
      %dma_wait3A_1299 = tpu.memref_slice %arg9[%dma_wait3A_1296, %dma_wait3A_1297, %dma_wait3A_1298] : memref<2x2000x16xf32, #tpu.memory_space<vmem>> -> memref<1x125x16xf32, #tpu.memory_space<vmem>>
      %dma_wait3A_1300 = tpu.memref_squeeze %dma_wait3A_1299 : memref<1x125x16xf32, #tpu.memory_space<vmem>> -> memref<125x16xf32, #tpu.memory_space<vmem>>
      %dma_wait3A_1301 = arith.constant 0 : i32
      %dma_wait3A_1302 = tpu.memref_slice %arg7[%dma_wait3A_1294, %dma_wait3A_1295, %dma_wait3A_1301] : memref<2x16x125xi32, #tpu.memory_space<vmem>> -> memref<1x1x125xi32, #tpu.memory_space<vmem>>
      %dma_wait3A_1303 = tpu.memref_squeeze %dma_wait3A_1302 : memref<1x1x125xi32, #tpu.memory_space<vmem>> -> memref<125xi32, #tpu.memory_space<vmem>>
      %dma_wait3A_1304 = arith.constant 0 : i32
      %dma_wait3A_1305 = arith.constant 0 : i32
      %dma_wait3A_1306 = tpu.memref_slice %arg2[%arg0, %dma_wait3A_1304, %dma_wait3A_1305] : memref<2x50000x16xf32, #tpu.memory_space<hbm>> -> memref<1x50000x16xf32, #tpu.memory_space<hbm>>
      %dma_wait3A_1307 = tpu.memref_squeeze %dma_wait3A_1306 : memref<1x50000x16xf32, #tpu.memory_space<hbm>> -> memref<50000x16xf32, #tpu.memory_space<hbm>>
      %dma_wait3A_1308 = arith.constant 0 : i32
      %dma_wait3A_1309 = arith.constant 0 : i32
      %dma_wait3A_1310 = tpu.memref_slice %dma_wait3A_1307[%dma_wait3A_1308, %dma_wait3A_1309] : memref<50000x16xf32, #tpu.memory_space<hbm>> -> memref<50000x16xf32, #tpu.memory_space<hbm>>
      tpu.wait_indirect_dma semaphore(%arg11 : memref<!tpu.dma_semaphore, #tpu.memory_space<semaphore_mem>>) src(%dma_wait3A_1310 : memref<50000x16xf32, #tpu.memory_space<hbm>>) dst(%dma_wait3A_1300 : memref<125x16xf32, #tpu.memory_space<vmem>>)
      %dma_wait3A_1311 = arith.constant 1 : i32
      %dma_wait3A_1312 = arith.constant 13 : i32
      %dma_wait3A_1313 = arith.constant 1 : i32
      %dma_wait3A_1314 = arith.constant 1625 : i32
      %dma_wait3A_1315 = arith.constant 0 : i32
      %dma_wait3A_1316 = tpu.memref_slice %arg9[%dma_wait3A_1313, %dma_wait3A_1314, %dma_wait3A_1315] : memref<2x2000x16xf32, #tpu.memory_space<vmem>> -> memref<1x125x16xf32, #tpu.memory_space<vmem>>
      %dma_wait3A_1317 = tpu.memref_squeeze %dma_wait3A_1316 : memref<1x125x16xf32, #tpu.memory_space<vmem>> -> memref<125x16xf32, #tpu.memory_space<vmem>>
      %dma_wait3A_1318 = arith.constant 0 : i32
      %dma_wait3A_1319 = tpu.memref_slice %arg7[%dma_wait3A_1311, %dma_wait3A_1312, %dma_wait3A_1318] : memref<2x16x125xi32, #tpu.memory_space<vmem>> -> memref<1x1x125xi32, #tpu.memory_space<vmem>>
      %dma_wait3A_1320 = tpu.memref_squeeze %dma_wait3A_1319 : memref<1x1x125xi32, #tpu.memory_space<vmem>> -> memref<125xi32, #tpu.memory_space<vmem>>
      %dma_wait3A_1321 = arith.constant 0 : i32
      %dma_wait3A_1322 = arith.constant 0 : i32
      %dma_wait3A_1323 = tpu.memref_slice %arg2[%arg0, %dma_wait3A_1321, %dma_wait3A_1322] : memref<2x50000x16xf32, #tpu.memory_space<hbm>> -> memref<1x50000x16xf32, #tpu.memory_space<hbm>>
      %dma_wait3A_1324 = tpu.memref_squeeze %dma_wait3A_1323 : memref<1x50000x16xf32, #tpu.memory_space<hbm>> -> memref<50000x16xf32, #tpu.memory_space<hbm>>
      %dma_wait3A_1325 = arith.constant 0 : i32
      %dma_wait3A_1326 = arith.constant 0 : i32
      %dma_wait3A_1327 = tpu.memref_slice %dma_wait3A_1324[%dma_wait3A_1325, %dma_wait3A_1326] : memref<50000x16xf32, #tpu.memory_space<hbm>> -> memref<50000x16xf32, #tpu.memory_space<hbm>>
      tpu.wait_indirect_dma semaphore(%arg11 : memref<!tpu.dma_semaphore, #tpu.memory_space<semaphore_mem>>) src(%dma_wait3A_1327 : memref<50000x16xf32, #tpu.memory_space<hbm>>) dst(%dma_wait3A_1317 : memref<125x16xf32, #tpu.memory_space<vmem>>)
      %dma_wait3A_1328 = arith.constant 1 : i32
      %dma_wait3A_1329 = arith.constant 14 : i32
      %dma_wait3A_1330 = arith.constant 1 : i32
      %dma_wait3A_1331 = arith.constant 1750 : i32
      %dma_wait3A_1332 = arith.constant 0 : i32
      %dma_wait3A_1333 = tpu.memref_slice %arg9[%dma_wait3A_1330, %dma_wait3A_1331, %dma_wait3A_1332] : memref<2x2000x16xf32, #tpu.memory_space<vmem>> -> memref<1x125x16xf32, #tpu.memory_space<vmem>>
      %dma_wait3A_1334 = tpu.memref_squeeze %dma_wait3A_1333 : memref<1x125x16xf32, #tpu.memory_space<vmem>> -> memref<125x16xf32, #tpu.memory_space<vmem>>
      %dma_wait3A_1335 = arith.constant 0 : i32
      %dma_wait3A_1336 = tpu.memref_slice %arg7[%dma_wait3A_1328, %dma_wait3A_1329, %dma_wait3A_1335] : memref<2x16x125xi32, #tpu.memory_space<vmem>> -> memref<1x1x125xi32, #tpu.memory_space<vmem>>
      %dma_wait3A_1337 = tpu.memref_squeeze %dma_wait3A_1336 : memref<1x1x125xi32, #tpu.memory_space<vmem>> -> memref<125xi32, #tpu.memory_space<vmem>>
      %dma_wait3A_1338 = arith.constant 0 : i32
      %dma_wait3A_1339 = arith.constant 0 : i32
      %dma_wait3A_1340 = tpu.memref_slice %arg2[%arg0, %dma_wait3A_1338, %dma_wait3A_1339] : memref<2x50000x16xf32, #tpu.memory_space<hbm>> -> memref<1x50000x16xf32, #tpu.memory_space<hbm>>
      %dma_wait3A_1341 = tpu.memref_squeeze %dma_wait3A_1340 : memref<1x50000x16xf32, #tpu.memory_space<hbm>> -> memref<50000x16xf32, #tpu.memory_space<hbm>>
      %dma_wait3A_1342 = arith.constant 0 : i32
      %dma_wait3A_1343 = arith.constant 0 : i32
      %dma_wait3A_1344 = tpu.memref_slice %dma_wait3A_1341[%dma_wait3A_1342, %dma_wait3A_1343] : memref<50000x16xf32, #tpu.memory_space<hbm>> -> memref<50000x16xf32, #tpu.memory_space<hbm>>
      tpu.wait_indirect_dma semaphore(%arg11 : memref<!tpu.dma_semaphore, #tpu.memory_space<semaphore_mem>>) src(%dma_wait3A_1344 : memref<50000x16xf32, #tpu.memory_space<hbm>>) dst(%dma_wait3A_1334 : memref<125x16xf32, #tpu.memory_space<vmem>>)
      %dma_wait3A_1345 = arith.constant 1 : i32
      %dma_wait3A_1346 = arith.constant 15 : i32
      %dma_wait3A_1347 = arith.constant 1 : i32
      %dma_wait3A_1348 = arith.constant 1875 : i32
      %dma_wait3A_1349 = arith.constant 0 : i32
      %dma_wait3A_1350 = tpu.memref_slice %arg9[%dma_wait3A_1347, %dma_wait3A_1348, %dma_wait3A_1349] : memref<2x2000x16xf32, #tpu.memory_space<vmem>> -> memref<1x125x16xf32, #tpu.memory_space<vmem>>
      %dma_wait3A_1351 = tpu.memref_squeeze %dma_wait3A_1350 : memref<1x125x16xf32, #tpu.memory_space<vmem>> -> memref<125x16xf32, #tpu.memory_space<vmem>>
      %dma_wait3A_1352 = arith.constant 0 : i32
      %dma_wait3A_1353 = tpu.memref_slice %arg7[%dma_wait3A_1345, %dma_wait3A_1346, %dma_wait3A_1352] : memref<2x16x125xi32, #tpu.memory_space<vmem>> -> memref<1x1x125xi32, #tpu.memory_space<vmem>>
      %dma_wait3A_1354 = tpu.memref_squeeze %dma_wait3A_1353 : memref<1x1x125xi32, #tpu.memory_space<vmem>> -> memref<125xi32, #tpu.memory_space<vmem>>
      %dma_wait3A_1355 = arith.constant 0 : i32
      %dma_wait3A_1356 = arith.constant 0 : i32
      %dma_wait3A_1357 = tpu.memref_slice %arg2[%arg0, %dma_wait3A_1355, %dma_wait3A_1356] : memref<2x50000x16xf32, #tpu.memory_space<hbm>> -> memref<1x50000x16xf32, #tpu.memory_space<hbm>>
      %dma_wait3A_1358 = tpu.memref_squeeze %dma_wait3A_1357 : memref<1x50000x16xf32, #tpu.memory_space<hbm>> -> memref<50000x16xf32, #tpu.memory_space<hbm>>
      %dma_wait3A_1359 = arith.constant 0 : i32
      %dma_wait3A_1360 = arith.constant 0 : i32
      %dma_wait3A_1361 = tpu.memref_slice %dma_wait3A_1358[%dma_wait3A_1359, %dma_wait3A_1360] : memref<50000x16xf32, #tpu.memory_space<hbm>> -> memref<50000x16xf32, #tpu.memory_space<hbm>>
      tpu.wait_indirect_dma semaphore(%arg11 : memref<!tpu.dma_semaphore, #tpu.memory_space<semaphore_mem>>) src(%dma_wait3A_1361 : memref<50000x16xf32, #tpu.memory_space<hbm>>) dst(%dma_wait3A_1351 : memref<125x16xf32, #tpu.memory_space<vmem>>)
      %dma_start3A_1362 = arith.constant 1 : i32
      %dma_start3A_1363 = arith.constant 1 : i32
      %dma_start3A_1364 = arith.constant 0 : i32
      %dma_start3A_1365 = arith.constant 0 : i32
      %dma_start3A_1366 = arith.constant 0 : i32
      %dma_start3A_1367 = tpu.memref_slice %arg9[%dma_start3A_1362, %dma_start3A_1365, %dma_start3A_1366] : memref<2x2000x16xf32, #tpu.memory_space<vmem>> -> memref<1x125x16xf32, #tpu.memory_space<vmem>>
      %dma_start3A_1368 = tpu.memref_squeeze %dma_start3A_1367 : memref<1x125x16xf32, #tpu.memory_space<vmem>> -> memref<125x16xf32, #tpu.memory_space<vmem>>
      %dma_start3A_1369 = arith.constant 0 : i32
      %dma_start3A_1370 = tpu.memref_slice %arg8[%dma_start3A_1363, %dma_start3A_1364, %dma_start3A_1369] : memref<2x16x125xi32, #tpu.memory_space<vmem>> -> memref<1x1x125xi32, #tpu.memory_space<vmem>>
      %dma_start3A_1371 = tpu.memref_squeeze %dma_start3A_1370 : memref<1x1x125xi32, #tpu.memory_space<vmem>> -> memref<125xi32, #tpu.memory_space<vmem>>
      %dma_start3A_1372 = arith.constant 0 : i32
      %dma_start3A_1373 = arith.constant 0 : i32
      %dma_start3A_1374 = tpu.memref_slice %arg10[%dma_start3A_1372, %dma_start3A_1373] : memref<50000x16xf32, #tpu.memory_space<vmem_shared>> -> memref<50000x16xf32, #tpu.memory_space<vmem_shared>>
      tpu.enqueue_indirect_dma source(%dma_start3A_1368 : memref<125x16xf32, #tpu.memory_space<vmem>>) target(%dma_start3A_1374 : memref<50000x16xf32, #tpu.memory_space<vmem_shared>>) offsets(%dma_start3A_1371 : memref<125xi32, #tpu.memory_space<vmem>>) semaphore(%arg13 : memref<!tpu.dma_semaphore, #tpu.memory_space<semaphore_mem>>) {add = true}
      %dma_start3A_1375 = arith.constant 1 : i32
      %dma_start3A_1376 = arith.constant 1 : i32
      %dma_start3A_1377 = arith.constant 1 : i32
      %dma_start3A_1378 = arith.constant 125 : i32
      %dma_start3A_1379 = arith.constant 0 : i32
      %dma_start3A_1380 = tpu.memref_slice %arg9[%dma_start3A_1375, %dma_start3A_1378, %dma_start3A_1379] : memref<2x2000x16xf32, #tpu.memory_space<vmem>> -> memref<1x125x16xf32, #tpu.memory_space<vmem>>
      %dma_start3A_1381 = tpu.memref_squeeze %dma_start3A_1380 : memref<1x125x16xf32, #tpu.memory_space<vmem>> -> memref<125x16xf32, #tpu.memory_space<vmem>>
      %dma_start3A_1382 = arith.constant 0 : i32
      %dma_start3A_1383 = tpu.memref_slice %arg8[%dma_start3A_1376, %dma_start3A_1377, %dma_start3A_1382] : memref<2x16x125xi32, #tpu.memory_space<vmem>> -> memref<1x1x125xi32, #tpu.memory_space<vmem>>
      %dma_start3A_1384 = tpu.memref_squeeze %dma_start3A_1383 : memref<1x1x125xi32, #tpu.memory_space<vmem>> -> memref<125xi32, #tpu.memory_space<vmem>>
      %dma_start3A_1385 = arith.constant 0 : i32
      %dma_start3A_1386 = arith.constant 0 : i32
      %dma_start3A_1387 = tpu.memref_slice %arg10[%dma_start3A_1385, %dma_start3A_1386] : memref<50000x16xf32, #tpu.memory_space<vmem_shared>> -> memref<50000x16xf32, #tpu.memory_space<vmem_shared>>
      tpu.enqueue_indirect_dma source(%dma_start3A_1381 : memref<125x16xf32, #tpu.memory_space<vmem>>) target(%dma_start3A_1387 : memref<50000x16xf32, #tpu.memory_space<vmem_shared>>) offsets(%dma_start3A_1384 : memref<125xi32, #tpu.memory_space<vmem>>) semaphore(%arg13 : memref<!tpu.dma_semaphore, #tpu.memory_space<semaphore_mem>>) {add = true}
      %dma_start3A_1388 = arith.constant 1 : i32
      %dma_start3A_1389 = arith.constant 1 : i32
      %dma_start3A_1390 = arith.constant 2 : i32
      %dma_start3A_1391 = arith.constant 250 : i32
      %dma_start3A_1392 = arith.constant 0 : i32
      %dma_start3A_1393 = tpu.memref_slice %arg9[%dma_start3A_1388, %dma_start3A_1391, %dma_start3A_1392] : memref<2x2000x16xf32, #tpu.memory_space<vmem>> -> memref<1x125x16xf32, #tpu.memory_space<vmem>>
      %dma_start3A_1394 = tpu.memref_squeeze %dma_start3A_1393 : memref<1x125x16xf32, #tpu.memory_space<vmem>> -> memref<125x16xf32, #tpu.memory_space<vmem>>
      %dma_start3A_1395 = arith.constant 0 : i32
      %dma_start3A_1396 = tpu.memref_slice %arg8[%dma_start3A_1389, %dma_start3A_1390, %dma_start3A_1395] : memref<2x16x125xi32, #tpu.memory_space<vmem>> -> memref<1x1x125xi32, #tpu.memory_space<vmem>>
      %dma_start3A_1397 = tpu.memref_squeeze %dma_start3A_1396 : memref<1x1x125xi32, #tpu.memory_space<vmem>> -> memref<125xi32, #tpu.memory_space<vmem>>
      %dma_start3A_1398 = arith.constant 0 : i32
      %dma_start3A_1399 = arith.constant 0 : i32
      %dma_start3A_1400 = tpu.memref_slice %arg10[%dma_start3A_1398, %dma_start3A_1399] : memref<50000x16xf32, #tpu.memory_space<vmem_shared>> -> memref<50000x16xf32, #tpu.memory_space<vmem_shared>>
      tpu.enqueue_indirect_dma source(%dma_start3A_1394 : memref<125x16xf32, #tpu.memory_space<vmem>>) target(%dma_start3A_1400 : memref<50000x16xf32, #tpu.memory_space<vmem_shared>>) offsets(%dma_start3A_1397 : memref<125xi32, #tpu.memory_space<vmem>>) semaphore(%arg13 : memref<!tpu.dma_semaphore, #tpu.memory_space<semaphore_mem>>) {add = true}
      %dma_start3A_1401 = arith.constant 1 : i32
      %dma_start3A_1402 = arith.constant 1 : i32
      %dma_start3A_1403 = arith.constant 3 : i32
      %dma_start3A_1404 = arith.constant 375 : i32
      %dma_start3A_1405 = arith.constant 0 : i32
      %dma_start3A_1406 = tpu.memref_slice %arg9[%dma_start3A_1401, %dma_start3A_1404, %dma_start3A_1405] : memref<2x2000x16xf32, #tpu.memory_space<vmem>> -> memref<1x125x16xf32, #tpu.memory_space<vmem>>
      %dma_start3A_1407 = tpu.memref_squeeze %dma_start3A_1406 : memref<1x125x16xf32, #tpu.memory_space<vmem>> -> memref<125x16xf32, #tpu.memory_space<vmem>>
      %dma_start3A_1408 = arith.constant 0 : i32
      %dma_start3A_1409 = tpu.memref_slice %arg8[%dma_start3A_1402, %dma_start3A_1403, %dma_start3A_1408] : memref<2x16x125xi32, #tpu.memory_space<vmem>> -> memref<1x1x125xi32, #tpu.memory_space<vmem>>
      %dma_start3A_1410 = tpu.memref_squeeze %dma_start3A_1409 : memref<1x1x125xi32, #tpu.memory_space<vmem>> -> memref<125xi32, #tpu.memory_space<vmem>>
      %dma_start3A_1411 = arith.constant 0 : i32
      %dma_start3A_1412 = arith.constant 0 : i32
      %dma_start3A_1413 = tpu.memref_slice %arg10[%dma_start3A_1411, %dma_start3A_1412] : memref<50000x16xf32, #tpu.memory_space<vmem_shared>> -> memref<50000x16xf32, #tpu.memory_space<vmem_shared>>
      tpu.enqueue_indirect_dma source(%dma_start3A_1407 : memref<125x16xf32, #tpu.memory_space<vmem>>) target(%dma_start3A_1413 : memref<50000x16xf32, #tpu.memory_space<vmem_shared>>) offsets(%dma_start3A_1410 : memref<125xi32, #tpu.memory_space<vmem>>) semaphore(%arg13 : memref<!tpu.dma_semaphore, #tpu.memory_space<semaphore_mem>>) {add = true}
      %dma_start3A_1414 = arith.constant 1 : i32
      %dma_start3A_1415 = arith.constant 1 : i32
      %dma_start3A_1416 = arith.constant 4 : i32
      %dma_start3A_1417 = arith.constant 500 : i32
      %dma_start3A_1418 = arith.constant 0 : i32
      %dma_start3A_1419 = tpu.memref_slice %arg9[%dma_start3A_1414, %dma_start3A_1417, %dma_start3A_1418] : memref<2x2000x16xf32, #tpu.memory_space<vmem>> -> memref<1x125x16xf32, #tpu.memory_space<vmem>>
      %dma_start3A_1420 = tpu.memref_squeeze %dma_start3A_1419 : memref<1x125x16xf32, #tpu.memory_space<vmem>> -> memref<125x16xf32, #tpu.memory_space<vmem>>
      %dma_start3A_1421 = arith.constant 0 : i32
      %dma_start3A_1422 = tpu.memref_slice %arg8[%dma_start3A_1415, %dma_start3A_1416, %dma_start3A_1421] : memref<2x16x125xi32, #tpu.memory_space<vmem>> -> memref<1x1x125xi32, #tpu.memory_space<vmem>>
      %dma_start3A_1423 = tpu.memref_squeeze %dma_start3A_1422 : memref<1x1x125xi32, #tpu.memory_space<vmem>> -> memref<125xi32, #tpu.memory_space<vmem>>
      %dma_start3A_1424 = arith.constant 0 : i32
      %dma_start3A_1425 = arith.constant 0 : i32
      %dma_start3A_1426 = tpu.memref_slice %arg10[%dma_start3A_1424, %dma_start3A_1425] : memref<50000x16xf32, #tpu.memory_space<vmem_shared>> -> memref<50000x16xf32, #tpu.memory_space<vmem_shared>>
      tpu.enqueue_indirect_dma source(%dma_start3A_1420 : memref<125x16xf32, #tpu.memory_space<vmem>>) target(%dma_start3A_1426 : memref<50000x16xf32, #tpu.memory_space<vmem_shared>>) offsets(%dma_start3A_1423 : memref<125xi32, #tpu.memory_space<vmem>>) semaphore(%arg13 : memref<!tpu.dma_semaphore, #tpu.memory_space<semaphore_mem>>) {add = true}
      %dma_start3A_1427 = arith.constant 1 : i32
      %dma_start3A_1428 = arith.constant 1 : i32
      %dma_start3A_1429 = arith.constant 5 : i32
      %dma_start3A_1430 = arith.constant 625 : i32
      %dma_start3A_1431 = arith.constant 0 : i32
      %dma_start3A_1432 = tpu.memref_slice %arg9[%dma_start3A_1427, %dma_start3A_1430, %dma_start3A_1431] : memref<2x2000x16xf32, #tpu.memory_space<vmem>> -> memref<1x125x16xf32, #tpu.memory_space<vmem>>
      %dma_start3A_1433 = tpu.memref_squeeze %dma_start3A_1432 : memref<1x125x16xf32, #tpu.memory_space<vmem>> -> memref<125x16xf32, #tpu.memory_space<vmem>>
      %dma_start3A_1434 = arith.constant 0 : i32
      %dma_start3A_1435 = tpu.memref_slice %arg8[%dma_start3A_1428, %dma_start3A_1429, %dma_start3A_1434] : memref<2x16x125xi32, #tpu.memory_space<vmem>> -> memref<1x1x125xi32, #tpu.memory_space<vmem>>
      %dma_start3A_1436 = tpu.memref_squeeze %dma_start3A_1435 : memref<1x1x125xi32, #tpu.memory_space<vmem>> -> memref<125xi32, #tpu.memory_space<vmem>>
      %dma_start3A_1437 = arith.constant 0 : i32
      %dma_start3A_1438 = arith.constant 0 : i32
      %dma_start3A_1439 = tpu.memref_slice %arg10[%dma_start3A_1437, %dma_start3A_1438] : memref<50000x16xf32, #tpu.memory_space<vmem_shared>> -> memref<50000x16xf32, #tpu.memory_space<vmem_shared>>
      tpu.enqueue_indirect_dma source(%dma_start3A_1433 : memref<125x16xf32, #tpu.memory_space<vmem>>) target(%dma_start3A_1439 : memref<50000x16xf32, #tpu.memory_space<vmem_shared>>) offsets(%dma_start3A_1436 : memref<125xi32, #tpu.memory_space<vmem>>) semaphore(%arg13 : memref<!tpu.dma_semaphore, #tpu.memory_space<semaphore_mem>>) {add = true}
      %dma_start3A_1440 = arith.constant 1 : i32
      %dma_start3A_1441 = arith.constant 1 : i32
      %dma_start3A_1442 = arith.constant 6 : i32
      %dma_start3A_1443 = arith.constant 750 : i32
      %dma_start3A_1444 = arith.constant 0 : i32
      %dma_start3A_1445 = tpu.memref_slice %arg9[%dma_start3A_1440, %dma_start3A_1443, %dma_start3A_1444] : memref<2x2000x16xf32, #tpu.memory_space<vmem>> -> memref<1x125x16xf32, #tpu.memory_space<vmem>>
      %dma_start3A_1446 = tpu.memref_squeeze %dma_start3A_1445 : memref<1x125x16xf32, #tpu.memory_space<vmem>> -> memref<125x16xf32, #tpu.memory_space<vmem>>
      %dma_start3A_1447 = arith.constant 0 : i32
      %dma_start3A_1448 = tpu.memref_slice %arg8[%dma_start3A_1441, %dma_start3A_1442, %dma_start3A_1447] : memref<2x16x125xi32, #tpu.memory_space<vmem>> -> memref<1x1x125xi32, #tpu.memory_space<vmem>>
      %dma_start3A_1449 = tpu.memref_squeeze %dma_start3A_1448 : memref<1x1x125xi32, #tpu.memory_space<vmem>> -> memref<125xi32, #tpu.memory_space<vmem>>
      %dma_start3A_1450 = arith.constant 0 : i32
      %dma_start3A_1451 = arith.constant 0 : i32
      %dma_start3A_1452 = tpu.memref_slice %arg10[%dma_start3A_1450, %dma_start3A_1451] : memref<50000x16xf32, #tpu.memory_space<vmem_shared>> -> memref<50000x16xf32, #tpu.memory_space<vmem_shared>>
      tpu.enqueue_indirect_dma source(%dma_start3A_1446 : memref<125x16xf32, #tpu.memory_space<vmem>>) target(%dma_start3A_1452 : memref<50000x16xf32, #tpu.memory_space<vmem_shared>>) offsets(%dma_start3A_1449 : memref<125xi32, #tpu.memory_space<vmem>>) semaphore(%arg13 : memref<!tpu.dma_semaphore, #tpu.memory_space<semaphore_mem>>) {add = true}
      %dma_start3A_1453 = arith.constant 1 : i32
      %dma_start3A_1454 = arith.constant 1 : i32
      %dma_start3A_1455 = arith.constant 7 : i32
      %dma_start3A_1456 = arith.constant 875 : i32
      %dma_start3A_1457 = arith.constant 0 : i32
      %dma_start3A_1458 = tpu.memref_slice %arg9[%dma_start3A_1453, %dma_start3A_1456, %dma_start3A_1457] : memref<2x2000x16xf32, #tpu.memory_space<vmem>> -> memref<1x125x16xf32, #tpu.memory_space<vmem>>
      %dma_start3A_1459 = tpu.memref_squeeze %dma_start3A_1458 : memref<1x125x16xf32, #tpu.memory_space<vmem>> -> memref<125x16xf32, #tpu.memory_space<vmem>>
      %dma_start3A_1460 = arith.constant 0 : i32
      %dma_start3A_1461 = tpu.memref_slice %arg8[%dma_start3A_1454, %dma_start3A_1455, %dma_start3A_1460] : memref<2x16x125xi32, #tpu.memory_space<vmem>> -> memref<1x1x125xi32, #tpu.memory_space<vmem>>
      %dma_start3A_1462 = tpu.memref_squeeze %dma_start3A_1461 : memref<1x1x125xi32, #tpu.memory_space<vmem>> -> memref<125xi32, #tpu.memory_space<vmem>>
      %dma_start3A_1463 = arith.constant 0 : i32
      %dma_start3A_1464 = arith.constant 0 : i32
      %dma_start3A_1465 = tpu.memref_slice %arg10[%dma_start3A_1463, %dma_start3A_1464] : memref<50000x16xf32, #tpu.memory_space<vmem_shared>> -> memref<50000x16xf32, #tpu.memory_space<vmem_shared>>
      tpu.enqueue_indirect_dma source(%dma_start3A_1459 : memref<125x16xf32, #tpu.memory_space<vmem>>) target(%dma_start3A_1465 : memref<50000x16xf32, #tpu.memory_space<vmem_shared>>) offsets(%dma_start3A_1462 : memref<125xi32, #tpu.memory_space<vmem>>) semaphore(%arg13 : memref<!tpu.dma_semaphore, #tpu.memory_space<semaphore_mem>>) {add = true}
      %dma_start3A_1466 = arith.constant 1 : i32
      %dma_start3A_1467 = arith.constant 1 : i32
      %dma_start3A_1468 = arith.constant 8 : i32
      %dma_start3A_1469 = arith.constant 1000 : i32
      %dma_start3A_1470 = arith.constant 0 : i32
      %dma_start3A_1471 = tpu.memref_slice %arg9[%dma_start3A_1466, %dma_start3A_1469, %dma_start3A_1470] : memref<2x2000x16xf32, #tpu.memory_space<vmem>> -> memref<1x125x16xf32, #tpu.memory_space<vmem>>
      %dma_start3A_1472 = tpu.memref_squeeze %dma_start3A_1471 : memref<1x125x16xf32, #tpu.memory_space<vmem>> -> memref<125x16xf32, #tpu.memory_space<vmem>>
      %dma_start3A_1473 = arith.constant 0 : i32
      %dma_start3A_1474 = tpu.memref_slice %arg8[%dma_start3A_1467, %dma_start3A_1468, %dma_start3A_1473] : memref<2x16x125xi32, #tpu.memory_space<vmem>> -> memref<1x1x125xi32, #tpu.memory_space<vmem>>
      %dma_start3A_1475 = tpu.memref_squeeze %dma_start3A_1474 : memref<1x1x125xi32, #tpu.memory_space<vmem>> -> memref<125xi32, #tpu.memory_space<vmem>>
      %dma_start3A_1476 = arith.constant 0 : i32
      %dma_start3A_1477 = arith.constant 0 : i32
      %dma_start3A_1478 = tpu.memref_slice %arg10[%dma_start3A_1476, %dma_start3A_1477] : memref<50000x16xf32, #tpu.memory_space<vmem_shared>> -> memref<50000x16xf32, #tpu.memory_space<vmem_shared>>
      tpu.enqueue_indirect_dma source(%dma_start3A_1472 : memref<125x16xf32, #tpu.memory_space<vmem>>) target(%dma_start3A_1478 : memref<50000x16xf32, #tpu.memory_space<vmem_shared>>) offsets(%dma_start3A_1475 : memref<125xi32, #tpu.memory_space<vmem>>) semaphore(%arg13 : memref<!tpu.dma_semaphore, #tpu.memory_space<semaphore_mem>>) {add = true}
      %dma_start3A_1479 = arith.constant 1 : i32
      %dma_start3A_1480 = arith.constant 1 : i32
      %dma_start3A_1481 = arith.constant 9 : i32
      %dma_start3A_1482 = arith.constant 1125 : i32
      %dma_start3A_1483 = arith.constant 0 : i32
      %dma_start3A_1484 = tpu.memref_slice %arg9[%dma_start3A_1479, %dma_start3A_1482, %dma_start3A_1483] : memref<2x2000x16xf32, #tpu.memory_space<vmem>> -> memref<1x125x16xf32, #tpu.memory_space<vmem>>
      %dma_start3A_1485 = tpu.memref_squeeze %dma_start3A_1484 : memref<1x125x16xf32, #tpu.memory_space<vmem>> -> memref<125x16xf32, #tpu.memory_space<vmem>>
      %dma_start3A_1486 = arith.constant 0 : i32
      %dma_start3A_1487 = tpu.memref_slice %arg8[%dma_start3A_1480, %dma_start3A_1481, %dma_start3A_1486] : memref<2x16x125xi32, #tpu.memory_space<vmem>> -> memref<1x1x125xi32, #tpu.memory_space<vmem>>
      %dma_start3A_1488 = tpu.memref_squeeze %dma_start3A_1487 : memref<1x1x125xi32, #tpu.memory_space<vmem>> -> memref<125xi32, #tpu.memory_space<vmem>>
      %dma_start3A_1489 = arith.constant 0 : i32
      %dma_start3A_1490 = arith.constant 0 : i32
      %dma_start3A_1491 = tpu.memref_slice %arg10[%dma_start3A_1489, %dma_start3A_1490] : memref<50000x16xf32, #tpu.memory_space<vmem_shared>> -> memref<50000x16xf32, #tpu.memory_space<vmem_shared>>
      tpu.enqueue_indirect_dma source(%dma_start3A_1485 : memref<125x16xf32, #tpu.memory_space<vmem>>) target(%dma_start3A_1491 : memref<50000x16xf32, #tpu.memory_space<vmem_shared>>) offsets(%dma_start3A_1488 : memref<125xi32, #tpu.memory_space<vmem>>) semaphore(%arg13 : memref<!tpu.dma_semaphore, #tpu.memory_space<semaphore_mem>>) {add = true}
      %dma_start3A_1492 = arith.constant 1 : i32
      %dma_start3A_1493 = arith.constant 1 : i32
      %dma_start3A_1494 = arith.constant 10 : i32
      %dma_start3A_1495 = arith.constant 1250 : i32
      %dma_start3A_1496 = arith.constant 0 : i32
      %dma_start3A_1497 = tpu.memref_slice %arg9[%dma_start3A_1492, %dma_start3A_1495, %dma_start3A_1496] : memref<2x2000x16xf32, #tpu.memory_space<vmem>> -> memref<1x125x16xf32, #tpu.memory_space<vmem>>
      %dma_start3A_1498 = tpu.memref_squeeze %dma_start3A_1497 : memref<1x125x16xf32, #tpu.memory_space<vmem>> -> memref<125x16xf32, #tpu.memory_space<vmem>>
      %dma_start3A_1499 = arith.constant 0 : i32
      %dma_start3A_1500 = tpu.memref_slice %arg8[%dma_start3A_1493, %dma_start3A_1494, %dma_start3A_1499] : memref<2x16x125xi32, #tpu.memory_space<vmem>> -> memref<1x1x125xi32, #tpu.memory_space<vmem>>
      %dma_start3A_1501 = tpu.memref_squeeze %dma_start3A_1500 : memref<1x1x125xi32, #tpu.memory_space<vmem>> -> memref<125xi32, #tpu.memory_space<vmem>>
      %dma_start3A_1502 = arith.constant 0 : i32
      %dma_start3A_1503 = arith.constant 0 : i32
      %dma_start3A_1504 = tpu.memref_slice %arg10[%dma_start3A_1502, %dma_start3A_1503] : memref<50000x16xf32, #tpu.memory_space<vmem_shared>> -> memref<50000x16xf32, #tpu.memory_space<vmem_shared>>
      tpu.enqueue_indirect_dma source(%dma_start3A_1498 : memref<125x16xf32, #tpu.memory_space<vmem>>) target(%dma_start3A_1504 : memref<50000x16xf32, #tpu.memory_space<vmem_shared>>) offsets(%dma_start3A_1501 : memref<125xi32, #tpu.memory_space<vmem>>) semaphore(%arg13 : memref<!tpu.dma_semaphore, #tpu.memory_space<semaphore_mem>>) {add = true}
      %dma_start3A_1505 = arith.constant 1 : i32
      %dma_start3A_1506 = arith.constant 1 : i32
      %dma_start3A_1507 = arith.constant 11 : i32
      %dma_start3A_1508 = arith.constant 1375 : i32
      %dma_start3A_1509 = arith.constant 0 : i32
      %dma_start3A_1510 = tpu.memref_slice %arg9[%dma_start3A_1505, %dma_start3A_1508, %dma_start3A_1509] : memref<2x2000x16xf32, #tpu.memory_space<vmem>> -> memref<1x125x16xf32, #tpu.memory_space<vmem>>
      %dma_start3A_1511 = tpu.memref_squeeze %dma_start3A_1510 : memref<1x125x16xf32, #tpu.memory_space<vmem>> -> memref<125x16xf32, #tpu.memory_space<vmem>>
      %dma_start3A_1512 = arith.constant 0 : i32
      %dma_start3A_1513 = tpu.memref_slice %arg8[%dma_start3A_1506, %dma_start3A_1507, %dma_start3A_1512] : memref<2x16x125xi32, #tpu.memory_space<vmem>> -> memref<1x1x125xi32, #tpu.memory_space<vmem>>
      %dma_start3A_1514 = tpu.memref_squeeze %dma_start3A_1513 : memref<1x1x125xi32, #tpu.memory_space<vmem>> -> memref<125xi32, #tpu.memory_space<vmem>>
      %dma_start3A_1515 = arith.constant 0 : i32
      %dma_start3A_1516 = arith.constant 0 : i32
      %dma_start3A_1517 = tpu.memref_slice %arg10[%dma_start3A_1515, %dma_start3A_1516] : memref<50000x16xf32, #tpu.memory_space<vmem_shared>> -> memref<50000x16xf32, #tpu.memory_space<vmem_shared>>
      tpu.enqueue_indirect_dma source(%dma_start3A_1511 : memref<125x16xf32, #tpu.memory_space<vmem>>) target(%dma_start3A_1517 : memref<50000x16xf32, #tpu.memory_space<vmem_shared>>) offsets(%dma_start3A_1514 : memref<125xi32, #tpu.memory_space<vmem>>) semaphore(%arg13 : memref<!tpu.dma_semaphore, #tpu.memory_space<semaphore_mem>>) {add = true}
      %dma_start3A_1518 = arith.constant 1 : i32
      %dma_start3A_1519 = arith.constant 1 : i32
      %dma_start3A_1520 = arith.constant 12 : i32
      %dma_start3A_1521 = arith.constant 1500 : i32
      %dma_start3A_1522 = arith.constant 0 : i32
      %dma_start3A_1523 = tpu.memref_slice %arg9[%dma_start3A_1518, %dma_start3A_1521, %dma_start3A_1522] : memref<2x2000x16xf32, #tpu.memory_space<vmem>> -> memref<1x125x16xf32, #tpu.memory_space<vmem>>
      %dma_start3A_1524 = tpu.memref_squeeze %dma_start3A_1523 : memref<1x125x16xf32, #tpu.memory_space<vmem>> -> memref<125x16xf32, #tpu.memory_space<vmem>>
      %dma_start3A_1525 = arith.constant 0 : i32
      %dma_start3A_1526 = tpu.memref_slice %arg8[%dma_start3A_1519, %dma_start3A_1520, %dma_start3A_1525] : memref<2x16x125xi32, #tpu.memory_space<vmem>> -> memref<1x1x125xi32, #tpu.memory_space<vmem>>
      %dma_start3A_1527 = tpu.memref_squeeze %dma_start3A_1526 : memref<1x1x125xi32, #tpu.memory_space<vmem>> -> memref<125xi32, #tpu.memory_space<vmem>>
      %dma_start3A_1528 = arith.constant 0 : i32
      %dma_start3A_1529 = arith.constant 0 : i32
      %dma_start3A_1530 = tpu.memref_slice %arg10[%dma_start3A_1528, %dma_start3A_1529] : memref<50000x16xf32, #tpu.memory_space<vmem_shared>> -> memref<50000x16xf32, #tpu.memory_space<vmem_shared>>
      tpu.enqueue_indirect_dma source(%dma_start3A_1524 : memref<125x16xf32, #tpu.memory_space<vmem>>) target(%dma_start3A_1530 : memref<50000x16xf32, #tpu.memory_space<vmem_shared>>) offsets(%dma_start3A_1527 : memref<125xi32, #tpu.memory_space<vmem>>) semaphore(%arg13 : memref<!tpu.dma_semaphore, #tpu.memory_space<semaphore_mem>>) {add = true}
      %dma_start3A_1531 = arith.constant 1 : i32
      %dma_start3A_1532 = arith.constant 1 : i32
      %dma_start3A_1533 = arith.constant 13 : i32
      %dma_start3A_1534 = arith.constant 1625 : i32
      %dma_start3A_1535 = arith.constant 0 : i32
      %dma_start3A_1536 = tpu.memref_slice %arg9[%dma_start3A_1531, %dma_start3A_1534, %dma_start3A_1535] : memref<2x2000x16xf32, #tpu.memory_space<vmem>> -> memref<1x125x16xf32, #tpu.memory_space<vmem>>
      %dma_start3A_1537 = tpu.memref_squeeze %dma_start3A_1536 : memref<1x125x16xf32, #tpu.memory_space<vmem>> -> memref<125x16xf32, #tpu.memory_space<vmem>>
      %dma_start3A_1538 = arith.constant 0 : i32
      %dma_start3A_1539 = tpu.memref_slice %arg8[%dma_start3A_1532, %dma_start3A_1533, %dma_start3A_1538] : memref<2x16x125xi32, #tpu.memory_space<vmem>> -> memref<1x1x125xi32, #tpu.memory_space<vmem>>
      %dma_start3A_1540 = tpu.memref_squeeze %dma_start3A_1539 : memref<1x1x125xi32, #tpu.memory_space<vmem>> -> memref<125xi32, #tpu.memory_space<vmem>>
      %dma_start3A_1541 = arith.constant 0 : i32
      %dma_start3A_1542 = arith.constant 0 : i32
      %dma_start3A_1543 = tpu.memref_slice %arg10[%dma_start3A_1541, %dma_start3A_1542] : memref<50000x16xf32, #tpu.memory_space<vmem_shared>> -> memref<50000x16xf32, #tpu.memory_space<vmem_shared>>
      tpu.enqueue_indirect_dma source(%dma_start3A_1537 : memref<125x16xf32, #tpu.memory_space<vmem>>) target(%dma_start3A_1543 : memref<50000x16xf32, #tpu.memory_space<vmem_shared>>) offsets(%dma_start3A_1540 : memref<125xi32, #tpu.memory_space<vmem>>) semaphore(%arg13 : memref<!tpu.dma_semaphore, #tpu.memory_space<semaphore_mem>>) {add = true}
      %dma_start3A_1544 = arith.constant 1 : i32
      %dma_start3A_1545 = arith.constant 1 : i32
      %dma_start3A_1546 = arith.constant 14 : i32
      %dma_start3A_1547 = arith.constant 1750 : i32
      %dma_start3A_1548 = arith.constant 0 : i32
      %dma_start3A_1549 = tpu.memref_slice %arg9[%dma_start3A_1544, %dma_start3A_1547, %dma_start3A_1548] : memref<2x2000x16xf32, #tpu.memory_space<vmem>> -> memref<1x125x16xf32, #tpu.memory_space<vmem>>
      %dma_start3A_1550 = tpu.memref_squeeze %dma_start3A_1549 : memref<1x125x16xf32, #tpu.memory_space<vmem>> -> memref<125x16xf32, #tpu.memory_space<vmem>>
      %dma_start3A_1551 = arith.constant 0 : i32
      %dma_start3A_1552 = tpu.memref_slice %arg8[%dma_start3A_1545, %dma_start3A_1546, %dma_start3A_1551] : memref<2x16x125xi32, #tpu.memory_space<vmem>> -> memref<1x1x125xi32, #tpu.memory_space<vmem>>
      %dma_start3A_1553 = tpu.memref_squeeze %dma_start3A_1552 : memref<1x1x125xi32, #tpu.memory_space<vmem>> -> memref<125xi32, #tpu.memory_space<vmem>>
      %dma_start3A_1554 = arith.constant 0 : i32
      %dma_start3A_1555 = arith.constant 0 : i32
      %dma_start3A_1556 = tpu.memref_slice %arg10[%dma_start3A_1554, %dma_start3A_1555] : memref<50000x16xf32, #tpu.memory_space<vmem_shared>> -> memref<50000x16xf32, #tpu.memory_space<vmem_shared>>
      tpu.enqueue_indirect_dma source(%dma_start3A_1550 : memref<125x16xf32, #tpu.memory_space<vmem>>) target(%dma_start3A_1556 : memref<50000x16xf32, #tpu.memory_space<vmem_shared>>) offsets(%dma_start3A_1553 : memref<125xi32, #tpu.memory_space<vmem>>) semaphore(%arg13 : memref<!tpu.dma_semaphore, #tpu.memory_space<semaphore_mem>>) {add = true}
      %dma_start3A_1557 = arith.constant 1 : i32
      %dma_start3A_1558 = arith.constant 1 : i32
      %dma_start3A_1559 = arith.constant 15 : i32
      %dma_start3A_1560 = arith.constant 1875 : i32
      %dma_start3A_1561 = arith.constant 0 : i32
      %dma_start3A_1562 = tpu.memref_slice %arg9[%dma_start3A_1557, %dma_start3A_1560, %dma_start3A_1561] : memref<2x2000x16xf32, #tpu.memory_space<vmem>> -> memref<1x125x16xf32, #tpu.memory_space<vmem>>
      %dma_start3A_1563 = tpu.memref_squeeze %dma_start3A_1562 : memref<1x125x16xf32, #tpu.memory_space<vmem>> -> memref<125x16xf32, #tpu.memory_space<vmem>>
      %dma_start3A_1564 = arith.constant 0 : i32
      %dma_start3A_1565 = tpu.memref_slice %arg8[%dma_start3A_1558, %dma_start3A_1559, %dma_start3A_1564] : memref<2x16x125xi32, #tpu.memory_space<vmem>> -> memref<1x1x125xi32, #tpu.memory_space<vmem>>
      %dma_start3A_1566 = tpu.memref_squeeze %dma_start3A_1565 : memref<1x1x125xi32, #tpu.memory_space<vmem>> -> memref<125xi32, #tpu.memory_space<vmem>>
      %dma_start3A_1567 = arith.constant 0 : i32
      %dma_start3A_1568 = arith.constant 0 : i32
      %dma_start3A_1569 = tpu.memref_slice %arg10[%dma_start3A_1567, %dma_start3A_1568] : memref<50000x16xf32, #tpu.memory_space<vmem_shared>> -> memref<50000x16xf32, #tpu.memory_space<vmem_shared>>
      tpu.enqueue_indirect_dma source(%dma_start3A_1563 : memref<125x16xf32, #tpu.memory_space<vmem>>) target(%dma_start3A_1569 : memref<50000x16xf32, #tpu.memory_space<vmem_shared>>) offsets(%dma_start3A_1566 : memref<125xi32, #tpu.memory_space<vmem>>) semaphore(%arg13 : memref<!tpu.dma_semaphore, #tpu.memory_space<semaphore_mem>>) {add = true}
      %dma_wait3A_1570 = arith.constant 1 : i32
      %dma_wait3A_1571 = arith.constant 1 : i32
      %dma_wait3A_1572 = arith.constant 0 : i32
      %dma_wait3A_1573 = arith.constant 0 : i32
      %dma_wait3A_1574 = arith.constant 0 : i32
      %dma_wait3A_1575 = tpu.memref_slice %arg9[%dma_wait3A_1570, %dma_wait3A_1573, %dma_wait3A_1574] : memref<2x2000x16xf32, #tpu.memory_space<vmem>> -> memref<1x125x16xf32, #tpu.memory_space<vmem>>
      %dma_wait3A_1576 = tpu.memref_squeeze %dma_wait3A_1575 : memref<1x125x16xf32, #tpu.memory_space<vmem>> -> memref<125x16xf32, #tpu.memory_space<vmem>>
      %dma_wait3A_1577 = arith.constant 0 : i32
      %dma_wait3A_1578 = tpu.memref_slice %arg8[%dma_wait3A_1571, %dma_wait3A_1572, %dma_wait3A_1577] : memref<2x16x125xi32, #tpu.memory_space<vmem>> -> memref<1x1x125xi32, #tpu.memory_space<vmem>>
      %dma_wait3A_1579 = tpu.memref_squeeze %dma_wait3A_1578 : memref<1x1x125xi32, #tpu.memory_space<vmem>> -> memref<125xi32, #tpu.memory_space<vmem>>
      %dma_wait3A_1580 = arith.constant 0 : i32
      %dma_wait3A_1581 = arith.constant 0 : i32
      %dma_wait3A_1582 = tpu.memref_slice %arg10[%dma_wait3A_1580, %dma_wait3A_1581] : memref<50000x16xf32, #tpu.memory_space<vmem_shared>> -> memref<50000x16xf32, #tpu.memory_space<vmem_shared>>
      tpu.wait_indirect_dma semaphore(%arg13 : memref<!tpu.dma_semaphore, #tpu.memory_space<semaphore_mem>>) src(%dma_wait3A_1576 : memref<125x16xf32, #tpu.memory_space<vmem>>) dst(%dma_wait3A_1582 : memref<50000x16xf32, #tpu.memory_space<vmem_shared>>)
      %dma_wait3A_1583 = arith.constant 1 : i32
      %dma_wait3A_1584 = arith.constant 1 : i32
      %dma_wait3A_1585 = arith.constant 1 : i32
      %dma_wait3A_1586 = arith.constant 125 : i32
      %dma_wait3A_1587 = arith.constant 0 : i32
      %dma_wait3A_1588 = tpu.memref_slice %arg9[%dma_wait3A_1583, %dma_wait3A_1586, %dma_wait3A_1587] : memref<2x2000x16xf32, #tpu.memory_space<vmem>> -> memref<1x125x16xf32, #tpu.memory_space<vmem>>
      %dma_wait3A_1589 = tpu.memref_squeeze %dma_wait3A_1588 : memref<1x125x16xf32, #tpu.memory_space<vmem>> -> memref<125x16xf32, #tpu.memory_space<vmem>>
      %dma_wait3A_1590 = arith.constant 0 : i32
      %dma_wait3A_1591 = tpu.memref_slice %arg8[%dma_wait3A_1584, %dma_wait3A_1585, %dma_wait3A_1590] : memref<2x16x125xi32, #tpu.memory_space<vmem>> -> memref<1x1x125xi32, #tpu.memory_space<vmem>>
      %dma_wait3A_1592 = tpu.memref_squeeze %dma_wait3A_1591 : memref<1x1x125xi32, #tpu.memory_space<vmem>> -> memref<125xi32, #tpu.memory_space<vmem>>
      %dma_wait3A_1593 = arith.constant 0 : i32
      %dma_wait3A_1594 = arith.constant 0 : i32
      %dma_wait3A_1595 = tpu.memref_slice %arg10[%dma_wait3A_1593, %dma_wait3A_1594] : memref<50000x16xf32, #tpu.memory_space<vmem_shared>> -> memref<50000x16xf32, #tpu.memory_space<vmem_shared>>
      tpu.wait_indirect_dma semaphore(%arg13 : memref<!tpu.dma_semaphore, #tpu.memory_space<semaphore_mem>>) src(%dma_wait3A_1589 : memref<125x16xf32, #tpu.memory_space<vmem>>) dst(%dma_wait3A_1595 : memref<50000x16xf32, #tpu.memory_space<vmem_shared>>)
      %dma_wait3A_1596 = arith.constant 1 : i32
      %dma_wait3A_1597 = arith.constant 1 : i32
      %dma_wait3A_1598 = arith.constant 2 : i32
      %dma_wait3A_1599 = arith.constant 250 : i32
      %dma_wait3A_1600 = arith.constant 0 : i32
      %dma_wait3A_1601 = tpu.memref_slice %arg9[%dma_wait3A_1596, %dma_wait3A_1599, %dma_wait3A_1600] : memref<2x2000x16xf32, #tpu.memory_space<vmem>> -> memref<1x125x16xf32, #tpu.memory_space<vmem>>
      %dma_wait3A_1602 = tpu.memref_squeeze %dma_wait3A_1601 : memref<1x125x16xf32, #tpu.memory_space<vmem>> -> memref<125x16xf32, #tpu.memory_space<vmem>>
      %dma_wait3A_1603 = arith.constant 0 : i32
      %dma_wait3A_1604 = tpu.memref_slice %arg8[%dma_wait3A_1597, %dma_wait3A_1598, %dma_wait3A_1603] : memref<2x16x125xi32, #tpu.memory_space<vmem>> -> memref<1x1x125xi32, #tpu.memory_space<vmem>>
      %dma_wait3A_1605 = tpu.memref_squeeze %dma_wait3A_1604 : memref<1x1x125xi32, #tpu.memory_space<vmem>> -> memref<125xi32, #tpu.memory_space<vmem>>
      %dma_wait3A_1606 = arith.constant 0 : i32
      %dma_wait3A_1607 = arith.constant 0 : i32
      %dma_wait3A_1608 = tpu.memref_slice %arg10[%dma_wait3A_1606, %dma_wait3A_1607] : memref<50000x16xf32, #tpu.memory_space<vmem_shared>> -> memref<50000x16xf32, #tpu.memory_space<vmem_shared>>
      tpu.wait_indirect_dma semaphore(%arg13 : memref<!tpu.dma_semaphore, #tpu.memory_space<semaphore_mem>>) src(%dma_wait3A_1602 : memref<125x16xf32, #tpu.memory_space<vmem>>) dst(%dma_wait3A_1608 : memref<50000x16xf32, #tpu.memory_space<vmem_shared>>)
      %dma_wait3A_1609 = arith.constant 1 : i32
      %dma_wait3A_1610 = arith.constant 1 : i32
      %dma_wait3A_1611 = arith.constant 3 : i32
      %dma_wait3A_1612 = arith.constant 375 : i32
      %dma_wait3A_1613 = arith.constant 0 : i32
      %dma_wait3A_1614 = tpu.memref_slice %arg9[%dma_wait3A_1609, %dma_wait3A_1612, %dma_wait3A_1613] : memref<2x2000x16xf32, #tpu.memory_space<vmem>> -> memref<1x125x16xf32, #tpu.memory_space<vmem>>
      %dma_wait3A_1615 = tpu.memref_squeeze %dma_wait3A_1614 : memref<1x125x16xf32, #tpu.memory_space<vmem>> -> memref<125x16xf32, #tpu.memory_space<vmem>>
      %dma_wait3A_1616 = arith.constant 0 : i32
      %dma_wait3A_1617 = tpu.memref_slice %arg8[%dma_wait3A_1610, %dma_wait3A_1611, %dma_wait3A_1616] : memref<2x16x125xi32, #tpu.memory_space<vmem>> -> memref<1x1x125xi32, #tpu.memory_space<vmem>>
      %dma_wait3A_1618 = tpu.memref_squeeze %dma_wait3A_1617 : memref<1x1x125xi32, #tpu.memory_space<vmem>> -> memref<125xi32, #tpu.memory_space<vmem>>
      %dma_wait3A_1619 = arith.constant 0 : i32
      %dma_wait3A_1620 = arith.constant 0 : i32
      %dma_wait3A_1621 = tpu.memref_slice %arg10[%dma_wait3A_1619, %dma_wait3A_1620] : memref<50000x16xf32, #tpu.memory_space<vmem_shared>> -> memref<50000x16xf32, #tpu.memory_space<vmem_shared>>
      tpu.wait_indirect_dma semaphore(%arg13 : memref<!tpu.dma_semaphore, #tpu.memory_space<semaphore_mem>>) src(%dma_wait3A_1615 : memref<125x16xf32, #tpu.memory_space<vmem>>) dst(%dma_wait3A_1621 : memref<50000x16xf32, #tpu.memory_space<vmem_shared>>)
      %dma_wait3A_1622 = arith.constant 1 : i32
      %dma_wait3A_1623 = arith.constant 1 : i32
      %dma_wait3A_1624 = arith.constant 4 : i32
      %dma_wait3A_1625 = arith.constant 500 : i32
      %dma_wait3A_1626 = arith.constant 0 : i32
      %dma_wait3A_1627 = tpu.memref_slice %arg9[%dma_wait3A_1622, %dma_wait3A_1625, %dma_wait3A_1626] : memref<2x2000x16xf32, #tpu.memory_space<vmem>> -> memref<1x125x16xf32, #tpu.memory_space<vmem>>
      %dma_wait3A_1628 = tpu.memref_squeeze %dma_wait3A_1627 : memref<1x125x16xf32, #tpu.memory_space<vmem>> -> memref<125x16xf32, #tpu.memory_space<vmem>>
      %dma_wait3A_1629 = arith.constant 0 : i32
      %dma_wait3A_1630 = tpu.memref_slice %arg8[%dma_wait3A_1623, %dma_wait3A_1624, %dma_wait3A_1629] : memref<2x16x125xi32, #tpu.memory_space<vmem>> -> memref<1x1x125xi32, #tpu.memory_space<vmem>>
      %dma_wait3A_1631 = tpu.memref_squeeze %dma_wait3A_1630 : memref<1x1x125xi32, #tpu.memory_space<vmem>> -> memref<125xi32, #tpu.memory_space<vmem>>
      %dma_wait3A_1632 = arith.constant 0 : i32
      %dma_wait3A_1633 = arith.constant 0 : i32
      %dma_wait3A_1634 = tpu.memref_slice %arg10[%dma_wait3A_1632, %dma_wait3A_1633] : memref<50000x16xf32, #tpu.memory_space<vmem_shared>> -> memref<50000x16xf32, #tpu.memory_space<vmem_shared>>
      tpu.wait_indirect_dma semaphore(%arg13 : memref<!tpu.dma_semaphore, #tpu.memory_space<semaphore_mem>>) src(%dma_wait3A_1628 : memref<125x16xf32, #tpu.memory_space<vmem>>) dst(%dma_wait3A_1634 : memref<50000x16xf32, #tpu.memory_space<vmem_shared>>)
      %dma_wait3A_1635 = arith.constant 1 : i32
      %dma_wait3A_1636 = arith.constant 1 : i32
      %dma_wait3A_1637 = arith.constant 5 : i32
      %dma_wait3A_1638 = arith.constant 625 : i32
      %dma_wait3A_1639 = arith.constant 0 : i32
      %dma_wait3A_1640 = tpu.memref_slice %arg9[%dma_wait3A_1635, %dma_wait3A_1638, %dma_wait3A_1639] : memref<2x2000x16xf32, #tpu.memory_space<vmem>> -> memref<1x125x16xf32, #tpu.memory_space<vmem>>
      %dma_wait3A_1641 = tpu.memref_squeeze %dma_wait3A_1640 : memref<1x125x16xf32, #tpu.memory_space<vmem>> -> memref<125x16xf32, #tpu.memory_space<vmem>>
      %dma_wait3A_1642 = arith.constant 0 : i32
      %dma_wait3A_1643 = tpu.memref_slice %arg8[%dma_wait3A_1636, %dma_wait3A_1637, %dma_wait3A_1642] : memref<2x16x125xi32, #tpu.memory_space<vmem>> -> memref<1x1x125xi32, #tpu.memory_space<vmem>>
      %dma_wait3A_1644 = tpu.memref_squeeze %dma_wait3A_1643 : memref<1x1x125xi32, #tpu.memory_space<vmem>> -> memref<125xi32, #tpu.memory_space<vmem>>
      %dma_wait3A_1645 = arith.constant 0 : i32
      %dma_wait3A_1646 = arith.constant 0 : i32
      %dma_wait3A_1647 = tpu.memref_slice %arg10[%dma_wait3A_1645, %dma_wait3A_1646] : memref<50000x16xf32, #tpu.memory_space<vmem_shared>> -> memref<50000x16xf32, #tpu.memory_space<vmem_shared>>
      tpu.wait_indirect_dma semaphore(%arg13 : memref<!tpu.dma_semaphore, #tpu.memory_space<semaphore_mem>>) src(%dma_wait3A_1641 : memref<125x16xf32, #tpu.memory_space<vmem>>) dst(%dma_wait3A_1647 : memref<50000x16xf32, #tpu.memory_space<vmem_shared>>)
      %dma_wait3A_1648 = arith.constant 1 : i32
      %dma_wait3A_1649 = arith.constant 1 : i32
      %dma_wait3A_1650 = arith.constant 6 : i32
      %dma_wait3A_1651 = arith.constant 750 : i32
      %dma_wait3A_1652 = arith.constant 0 : i32
      %dma_wait3A_1653 = tpu.memref_slice %arg9[%dma_wait3A_1648, %dma_wait3A_1651, %dma_wait3A_1652] : memref<2x2000x16xf32, #tpu.memory_space<vmem>> -> memref<1x125x16xf32, #tpu.memory_space<vmem>>
      %dma_wait3A_1654 = tpu.memref_squeeze %dma_wait3A_1653 : memref<1x125x16xf32, #tpu.memory_space<vmem>> -> memref<125x16xf32, #tpu.memory_space<vmem>>
      %dma_wait3A_1655 = arith.constant 0 : i32
      %dma_wait3A_1656 = tpu.memref_slice %arg8[%dma_wait3A_1649, %dma_wait3A_1650, %dma_wait3A_1655] : memref<2x16x125xi32, #tpu.memory_space<vmem>> -> memref<1x1x125xi32, #tpu.memory_space<vmem>>
      %dma_wait3A_1657 = tpu.memref_squeeze %dma_wait3A_1656 : memref<1x1x125xi32, #tpu.memory_space<vmem>> -> memref<125xi32, #tpu.memory_space<vmem>>
      %dma_wait3A_1658 = arith.constant 0 : i32
      %dma_wait3A_1659 = arith.constant 0 : i32
      %dma_wait3A_1660 = tpu.memref_slice %arg10[%dma_wait3A_1658, %dma_wait3A_1659] : memref<50000x16xf32, #tpu.memory_space<vmem_shared>> -> memref<50000x16xf32, #tpu.memory_space<vmem_shared>>
      tpu.wait_indirect_dma semaphore(%arg13 : memref<!tpu.dma_semaphore, #tpu.memory_space<semaphore_mem>>) src(%dma_wait3A_1654 : memref<125x16xf32, #tpu.memory_space<vmem>>) dst(%dma_wait3A_1660 : memref<50000x16xf32, #tpu.memory_space<vmem_shared>>)
      %dma_wait3A_1661 = arith.constant 1 : i32
      %dma_wait3A_1662 = arith.constant 1 : i32
      %dma_wait3A_1663 = arith.constant 7 : i32
      %dma_wait3A_1664 = arith.constant 875 : i32
      %dma_wait3A_1665 = arith.constant 0 : i32
      %dma_wait3A_1666 = tpu.memref_slice %arg9[%dma_wait3A_1661, %dma_wait3A_1664, %dma_wait3A_1665] : memref<2x2000x16xf32, #tpu.memory_space<vmem>> -> memref<1x125x16xf32, #tpu.memory_space<vmem>>
      %dma_wait3A_1667 = tpu.memref_squeeze %dma_wait3A_1666 : memref<1x125x16xf32, #tpu.memory_space<vmem>> -> memref<125x16xf32, #tpu.memory_space<vmem>>
      %dma_wait3A_1668 = arith.constant 0 : i32
      %dma_wait3A_1669 = tpu.memref_slice %arg8[%dma_wait3A_1662, %dma_wait3A_1663, %dma_wait3A_1668] : memref<2x16x125xi32, #tpu.memory_space<vmem>> -> memref<1x1x125xi32, #tpu.memory_space<vmem>>
      %dma_wait3A_1670 = tpu.memref_squeeze %dma_wait3A_1669 : memref<1x1x125xi32, #tpu.memory_space<vmem>> -> memref<125xi32, #tpu.memory_space<vmem>>
      %dma_wait3A_1671 = arith.constant 0 : i32
      %dma_wait3A_1672 = arith.constant 0 : i32
      %dma_wait3A_1673 = tpu.memref_slice %arg10[%dma_wait3A_1671, %dma_wait3A_1672] : memref<50000x16xf32, #tpu.memory_space<vmem_shared>> -> memref<50000x16xf32, #tpu.memory_space<vmem_shared>>
      tpu.wait_indirect_dma semaphore(%arg13 : memref<!tpu.dma_semaphore, #tpu.memory_space<semaphore_mem>>) src(%dma_wait3A_1667 : memref<125x16xf32, #tpu.memory_space<vmem>>) dst(%dma_wait3A_1673 : memref<50000x16xf32, #tpu.memory_space<vmem_shared>>)
      %dma_wait3A_1674 = arith.constant 1 : i32
      %dma_wait3A_1675 = arith.constant 1 : i32
      %dma_wait3A_1676 = arith.constant 8 : i32
      %dma_wait3A_1677 = arith.constant 1000 : i32
      %dma_wait3A_1678 = arith.constant 0 : i32
      %dma_wait3A_1679 = tpu.memref_slice %arg9[%dma_wait3A_1674, %dma_wait3A_1677, %dma_wait3A_1678] : memref<2x2000x16xf32, #tpu.memory_space<vmem>> -> memref<1x125x16xf32, #tpu.memory_space<vmem>>
      %dma_wait3A_1680 = tpu.memref_squeeze %dma_wait3A_1679 : memref<1x125x16xf32, #tpu.memory_space<vmem>> -> memref<125x16xf32, #tpu.memory_space<vmem>>
      %dma_wait3A_1681 = arith.constant 0 : i32
      %dma_wait3A_1682 = tpu.memref_slice %arg8[%dma_wait3A_1675, %dma_wait3A_1676, %dma_wait3A_1681] : memref<2x16x125xi32, #tpu.memory_space<vmem>> -> memref<1x1x125xi32, #tpu.memory_space<vmem>>
      %dma_wait3A_1683 = tpu.memref_squeeze %dma_wait3A_1682 : memref<1x1x125xi32, #tpu.memory_space<vmem>> -> memref<125xi32, #tpu.memory_space<vmem>>
      %dma_wait3A_1684 = arith.constant 0 : i32
      %dma_wait3A_1685 = arith.constant 0 : i32
      %dma_wait3A_1686 = tpu.memref_slice %arg10[%dma_wait3A_1684, %dma_wait3A_1685] : memref<50000x16xf32, #tpu.memory_space<vmem_shared>> -> memref<50000x16xf32, #tpu.memory_space<vmem_shared>>
      tpu.wait_indirect_dma semaphore(%arg13 : memref<!tpu.dma_semaphore, #tpu.memory_space<semaphore_mem>>) src(%dma_wait3A_1680 : memref<125x16xf32, #tpu.memory_space<vmem>>) dst(%dma_wait3A_1686 : memref<50000x16xf32, #tpu.memory_space<vmem_shared>>)
      %dma_wait3A_1687 = arith.constant 1 : i32
      %dma_wait3A_1688 = arith.constant 1 : i32
      %dma_wait3A_1689 = arith.constant 9 : i32
      %dma_wait3A_1690 = arith.constant 1125 : i32
      %dma_wait3A_1691 = arith.constant 0 : i32
      %dma_wait3A_1692 = tpu.memref_slice %arg9[%dma_wait3A_1687, %dma_wait3A_1690, %dma_wait3A_1691] : memref<2x2000x16xf32, #tpu.memory_space<vmem>> -> memref<1x125x16xf32, #tpu.memory_space<vmem>>
      %dma_wait3A_1693 = tpu.memref_squeeze %dma_wait3A_1692 : memref<1x125x16xf32, #tpu.memory_space<vmem>> -> memref<125x16xf32, #tpu.memory_space<vmem>>
      %dma_wait3A_1694 = arith.constant 0 : i32
      %dma_wait3A_1695 = tpu.memref_slice %arg8[%dma_wait3A_1688, %dma_wait3A_1689, %dma_wait3A_1694] : memref<2x16x125xi32, #tpu.memory_space<vmem>> -> memref<1x1x125xi32, #tpu.memory_space<vmem>>
      %dma_wait3A_1696 = tpu.memref_squeeze %dma_wait3A_1695 : memref<1x1x125xi32, #tpu.memory_space<vmem>> -> memref<125xi32, #tpu.memory_space<vmem>>
      %dma_wait3A_1697 = arith.constant 0 : i32
      %dma_wait3A_1698 = arith.constant 0 : i32
      %dma_wait3A_1699 = tpu.memref_slice %arg10[%dma_wait3A_1697, %dma_wait3A_1698] : memref<50000x16xf32, #tpu.memory_space<vmem_shared>> -> memref<50000x16xf32, #tpu.memory_space<vmem_shared>>
      tpu.wait_indirect_dma semaphore(%arg13 : memref<!tpu.dma_semaphore, #tpu.memory_space<semaphore_mem>>) src(%dma_wait3A_1693 : memref<125x16xf32, #tpu.memory_space<vmem>>) dst(%dma_wait3A_1699 : memref<50000x16xf32, #tpu.memory_space<vmem_shared>>)
      %dma_wait3A_1700 = arith.constant 1 : i32
      %dma_wait3A_1701 = arith.constant 1 : i32
      %dma_wait3A_1702 = arith.constant 10 : i32
      %dma_wait3A_1703 = arith.constant 1250 : i32
      %dma_wait3A_1704 = arith.constant 0 : i32
      %dma_wait3A_1705 = tpu.memref_slice %arg9[%dma_wait3A_1700, %dma_wait3A_1703, %dma_wait3A_1704] : memref<2x2000x16xf32, #tpu.memory_space<vmem>> -> memref<1x125x16xf32, #tpu.memory_space<vmem>>
      %dma_wait3A_1706 = tpu.memref_squeeze %dma_wait3A_1705 : memref<1x125x16xf32, #tpu.memory_space<vmem>> -> memref<125x16xf32, #tpu.memory_space<vmem>>
      %dma_wait3A_1707 = arith.constant 0 : i32
      %dma_wait3A_1708 = tpu.memref_slice %arg8[%dma_wait3A_1701, %dma_wait3A_1702, %dma_wait3A_1707] : memref<2x16x125xi32, #tpu.memory_space<vmem>> -> memref<1x1x125xi32, #tpu.memory_space<vmem>>
      %dma_wait3A_1709 = tpu.memref_squeeze %dma_wait3A_1708 : memref<1x1x125xi32, #tpu.memory_space<vmem>> -> memref<125xi32, #tpu.memory_space<vmem>>
      %dma_wait3A_1710 = arith.constant 0 : i32
      %dma_wait3A_1711 = arith.constant 0 : i32
      %dma_wait3A_1712 = tpu.memref_slice %arg10[%dma_wait3A_1710, %dma_wait3A_1711] : memref<50000x16xf32, #tpu.memory_space<vmem_shared>> -> memref<50000x16xf32, #tpu.memory_space<vmem_shared>>
      tpu.wait_indirect_dma semaphore(%arg13 : memref<!tpu.dma_semaphore, #tpu.memory_space<semaphore_mem>>) src(%dma_wait3A_1706 : memref<125x16xf32, #tpu.memory_space<vmem>>) dst(%dma_wait3A_1712 : memref<50000x16xf32, #tpu.memory_space<vmem_shared>>)
      %dma_wait3A_1713 = arith.constant 1 : i32
      %dma_wait3A_1714 = arith.constant 1 : i32
      %dma_wait3A_1715 = arith.constant 11 : i32
      %dma_wait3A_1716 = arith.constant 1375 : i32
      %dma_wait3A_1717 = arith.constant 0 : i32
      %dma_wait3A_1718 = tpu.memref_slice %arg9[%dma_wait3A_1713, %dma_wait3A_1716, %dma_wait3A_1717] : memref<2x2000x16xf32, #tpu.memory_space<vmem>> -> memref<1x125x16xf32, #tpu.memory_space<vmem>>
      %dma_wait3A_1719 = tpu.memref_squeeze %dma_wait3A_1718 : memref<1x125x16xf32, #tpu.memory_space<vmem>> -> memref<125x16xf32, #tpu.memory_space<vmem>>
      %dma_wait3A_1720 = arith.constant 0 : i32
      %dma_wait3A_1721 = tpu.memref_slice %arg8[%dma_wait3A_1714, %dma_wait3A_1715, %dma_wait3A_1720] : memref<2x16x125xi32, #tpu.memory_space<vmem>> -> memref<1x1x125xi32, #tpu.memory_space<vmem>>
      %dma_wait3A_1722 = tpu.memref_squeeze %dma_wait3A_1721 : memref<1x1x125xi32, #tpu.memory_space<vmem>> -> memref<125xi32, #tpu.memory_space<vmem>>
      %dma_wait3A_1723 = arith.constant 0 : i32
      %dma_wait3A_1724 = arith.constant 0 : i32
      %dma_wait3A_1725 = tpu.memref_slice %arg10[%dma_wait3A_1723, %dma_wait3A_1724] : memref<50000x16xf32, #tpu.memory_space<vmem_shared>> -> memref<50000x16xf32, #tpu.memory_space<vmem_shared>>
      tpu.wait_indirect_dma semaphore(%arg13 : memref<!tpu.dma_semaphore, #tpu.memory_space<semaphore_mem>>) src(%dma_wait3A_1719 : memref<125x16xf32, #tpu.memory_space<vmem>>) dst(%dma_wait3A_1725 : memref<50000x16xf32, #tpu.memory_space<vmem_shared>>)
      %dma_wait3A_1726 = arith.constant 1 : i32
      %dma_wait3A_1727 = arith.constant 1 : i32
      %dma_wait3A_1728 = arith.constant 12 : i32
      %dma_wait3A_1729 = arith.constant 1500 : i32
      %dma_wait3A_1730 = arith.constant 0 : i32
      %dma_wait3A_1731 = tpu.memref_slice %arg9[%dma_wait3A_1726, %dma_wait3A_1729, %dma_wait3A_1730] : memref<2x2000x16xf32, #tpu.memory_space<vmem>> -> memref<1x125x16xf32, #tpu.memory_space<vmem>>
      %dma_wait3A_1732 = tpu.memref_squeeze %dma_wait3A_1731 : memref<1x125x16xf32, #tpu.memory_space<vmem>> -> memref<125x16xf32, #tpu.memory_space<vmem>>
      %dma_wait3A_1733 = arith.constant 0 : i32
      %dma_wait3A_1734 = tpu.memref_slice %arg8[%dma_wait3A_1727, %dma_wait3A_1728, %dma_wait3A_1733] : memref<2x16x125xi32, #tpu.memory_space<vmem>> -> memref<1x1x125xi32, #tpu.memory_space<vmem>>
      %dma_wait3A_1735 = tpu.memref_squeeze %dma_wait3A_1734 : memref<1x1x125xi32, #tpu.memory_space<vmem>> -> memref<125xi32, #tpu.memory_space<vmem>>
      %dma_wait3A_1736 = arith.constant 0 : i32
      %dma_wait3A_1737 = arith.constant 0 : i32
      %dma_wait3A_1738 = tpu.memref_slice %arg10[%dma_wait3A_1736, %dma_wait3A_1737] : memref<50000x16xf32, #tpu.memory_space<vmem_shared>> -> memref<50000x16xf32, #tpu.memory_space<vmem_shared>>
      tpu.wait_indirect_dma semaphore(%arg13 : memref<!tpu.dma_semaphore, #tpu.memory_space<semaphore_mem>>) src(%dma_wait3A_1732 : memref<125x16xf32, #tpu.memory_space<vmem>>) dst(%dma_wait3A_1738 : memref<50000x16xf32, #tpu.memory_space<vmem_shared>>)
      %dma_wait3A_1739 = arith.constant 1 : i32
      %dma_wait3A_1740 = arith.constant 1 : i32
      %dma_wait3A_1741 = arith.constant 13 : i32
      %dma_wait3A_1742 = arith.constant 1625 : i32
      %dma_wait3A_1743 = arith.constant 0 : i32
      %dma_wait3A_1744 = tpu.memref_slice %arg9[%dma_wait3A_1739, %dma_wait3A_1742, %dma_wait3A_1743] : memref<2x2000x16xf32, #tpu.memory_space<vmem>> -> memref<1x125x16xf32, #tpu.memory_space<vmem>>
      %dma_wait3A_1745 = tpu.memref_squeeze %dma_wait3A_1744 : memref<1x125x16xf32, #tpu.memory_space<vmem>> -> memref<125x16xf32, #tpu.memory_space<vmem>>
      %dma_wait3A_1746 = arith.constant 0 : i32
      %dma_wait3A_1747 = tpu.memref_slice %arg8[%dma_wait3A_1740, %dma_wait3A_1741, %dma_wait3A_1746] : memref<2x16x125xi32, #tpu.memory_space<vmem>> -> memref<1x1x125xi32, #tpu.memory_space<vmem>>
      %dma_wait3A_1748 = tpu.memref_squeeze %dma_wait3A_1747 : memref<1x1x125xi32, #tpu.memory_space<vmem>> -> memref<125xi32, #tpu.memory_space<vmem>>
      %dma_wait3A_1749 = arith.constant 0 : i32
      %dma_wait3A_1750 = arith.constant 0 : i32
      %dma_wait3A_1751 = tpu.memref_slice %arg10[%dma_wait3A_1749, %dma_wait3A_1750] : memref<50000x16xf32, #tpu.memory_space<vmem_shared>> -> memref<50000x16xf32, #tpu.memory_space<vmem_shared>>
      tpu.wait_indirect_dma semaphore(%arg13 : memref<!tpu.dma_semaphore, #tpu.memory_space<semaphore_mem>>) src(%dma_wait3A_1745 : memref<125x16xf32, #tpu.memory_space<vmem>>) dst(%dma_wait3A_1751 : memref<50000x16xf32, #tpu.memory_space<vmem_shared>>)
      %dma_wait3A_1752 = arith.constant 1 : i32
      %dma_wait3A_1753 = arith.constant 1 : i32
      %dma_wait3A_1754 = arith.constant 14 : i32
      %dma_wait3A_1755 = arith.constant 1750 : i32
      %dma_wait3A_1756 = arith.constant 0 : i32
      %dma_wait3A_1757 = tpu.memref_slice %arg9[%dma_wait3A_1752, %dma_wait3A_1755, %dma_wait3A_1756] : memref<2x2000x16xf32, #tpu.memory_space<vmem>> -> memref<1x125x16xf32, #tpu.memory_space<vmem>>
      %dma_wait3A_1758 = tpu.memref_squeeze %dma_wait3A_1757 : memref<1x125x16xf32, #tpu.memory_space<vmem>> -> memref<125x16xf32, #tpu.memory_space<vmem>>
      %dma_wait3A_1759 = arith.constant 0 : i32
      %dma_wait3A_1760 = tpu.memref_slice %arg8[%dma_wait3A_1753, %dma_wait3A_1754, %dma_wait3A_1759] : memref<2x16x125xi32, #tpu.memory_space<vmem>> -> memref<1x1x125xi32, #tpu.memory_space<vmem>>
      %dma_wait3A_1761 = tpu.memref_squeeze %dma_wait3A_1760 : memref<1x1x125xi32, #tpu.memory_space<vmem>> -> memref<125xi32, #tpu.memory_space<vmem>>
      %dma_wait3A_1762 = arith.constant 0 : i32
      %dma_wait3A_1763 = arith.constant 0 : i32
      %dma_wait3A_1764 = tpu.memref_slice %arg10[%dma_wait3A_1762, %dma_wait3A_1763] : memref<50000x16xf32, #tpu.memory_space<vmem_shared>> -> memref<50000x16xf32, #tpu.memory_space<vmem_shared>>
      tpu.wait_indirect_dma semaphore(%arg13 : memref<!tpu.dma_semaphore, #tpu.memory_space<semaphore_mem>>) src(%dma_wait3A_1758 : memref<125x16xf32, #tpu.memory_space<vmem>>) dst(%dma_wait3A_1764 : memref<50000x16xf32, #tpu.memory_space<vmem_shared>>)
      %dma_wait3A_1765 = arith.constant 1 : i32
      %dma_wait3A_1766 = arith.constant 1 : i32
      %dma_wait3A_1767 = arith.constant 15 : i32
      %dma_wait3A_1768 = arith.constant 1875 : i32
      %dma_wait3A_1769 = arith.constant 0 : i32
      %dma_wait3A_1770 = tpu.memref_slice %arg9[%dma_wait3A_1765, %dma_wait3A_1768, %dma_wait3A_1769] : memref<2x2000x16xf32, #tpu.memory_space<vmem>> -> memref<1x125x16xf32, #tpu.memory_space<vmem>>
      %dma_wait3A_1771 = tpu.memref_squeeze %dma_wait3A_1770 : memref<1x125x16xf32, #tpu.memory_space<vmem>> -> memref<125x16xf32, #tpu.memory_space<vmem>>
      %dma_wait3A_1772 = arith.constant 0 : i32
      %dma_wait3A_1773 = tpu.memref_slice %arg8[%dma_wait3A_1766, %dma_wait3A_1767, %dma_wait3A_1772] : memref<2x16x125xi32, #tpu.memory_space<vmem>> -> memref<1x1x125xi32, #tpu.memory_space<vmem>>
      %dma_wait3A_1774 = tpu.memref_squeeze %dma_wait3A_1773 : memref<1x1x125xi32, #tpu.memory_space<vmem>> -> memref<125xi32, #tpu.memory_space<vmem>>
      %dma_wait3A_1775 = arith.constant 0 : i32
      %dma_wait3A_1776 = arith.constant 0 : i32
      %dma_wait3A_1777 = tpu.memref_slice %arg10[%dma_wait3A_1775, %dma_wait3A_1776] : memref<50000x16xf32, #tpu.memory_space<vmem_shared>> -> memref<50000x16xf32, #tpu.memory_space<vmem_shared>>
      tpu.wait_indirect_dma semaphore(%arg13 : memref<!tpu.dma_semaphore, #tpu.memory_space<semaphore_mem>>) src(%dma_wait3A_1771 : memref<125x16xf32, #tpu.memory_space<vmem>>) dst(%dma_wait3A_1777 : memref<50000x16xf32, #tpu.memory_space<vmem_shared>>)
      %add3A_1778 = arith.constant 2 : i32
      %add3A_1779 = arith.addi %add3A_1082, %add3A_1778 : i32
      %lt3A_1780 = arith.constant 50 : i32
      %lt3A_1781 = arith.cmpi slt, %add3A_1779, %lt3A_1780 : i32
      %convert_element_type3A_1782 = arith.extui %lt3A_1781 : i1 to i32
      %cond3A_1783 = arith.constant 0 : i32
      %cond3A_1784 = arith.cmpi ne, %convert_element_type3A_1782, %cond3A_1783 : i32
      scf.if %cond3A_1784 {
        %add3A_1785 = arith.constant 2 : i32
        %add3A_1786 = arith.addi %add3A_1082, %add3A_1785 : i32
        %mul3A_1787 = arith.constant 16 : i32
        %mul3A_1788 = arith.muli %add3A_1786, %mul3A_1787 : i32
        %add3A_1789 = arith.addi %mul3A_2, %mul3A_1788 : i32
        %dma_start3A_1790 = arith.constant 1 : i32
        %dma_start3A_1791 = arith.constant 0 : i32
        %dma_start3A_1792 = arith.constant 0 : i32
        %dma_start3A_1793 = tpu.memref_slice %arg7[%dma_start3A_1790, %dma_start3A_1791, %dma_start3A_1792] : memref<2x16x125xi32, #tpu.memory_space<vmem>> -> memref<1x16x125xi32, #tpu.memory_space<vmem>>
        %dma_start3A_1794 = tpu.memref_squeeze %dma_start3A_1793 : memref<1x16x125xi32, #tpu.memory_space<vmem>> -> memref<16x125xi32, #tpu.memory_space<vmem>>
        %dma_start3A_1795 = arith.constant 0 : i32
        %dma_start3A_1796 = tpu.memref_slice %arg3[%add3A_1789, %dma_start3A_1795] : memref<12800x125xi32, #tpu.memory_space<hbm>> -> memref<16x125xi32, #tpu.memory_space<hbm>>
        %dma_start3A_1797 = arith.constant 0 : i32
        %dma_start3A_1798 = arith.constant 0 : i32
        %dma_start3A_1799 = tpu.memref_slice %arg7[%dma_start3A_1790, %dma_start3A_1797, %dma_start3A_1798] : memref<2x16x125xi32, #tpu.memory_space<vmem>> -> memref<1x16x125xi32, #tpu.memory_space<vmem>>
        %dma_start3A_1800 = tpu.memref_squeeze %dma_start3A_1799 : memref<1x16x125xi32, #tpu.memory_space<vmem>> -> memref<16x125xi32, #tpu.memory_space<vmem>>
        %dma_start3A_1801 = arith.constant 0 : i32
        %dma_start3A_1802 = tpu.memref_slice %arg3[%add3A_1789, %dma_start3A_1801] : memref<12800x125xi32, #tpu.memory_space<hbm>> -> memref<16x125xi32, #tpu.memory_space<hbm>>
        tpu.enqueue_dma source(%dma_start3A_1802 : memref<16x125xi32, #tpu.memory_space<hbm>>) target(%dma_start3A_1800 : memref<16x125xi32, #tpu.memory_space<vmem>>) target_semaphore(%arg12 : memref<!tpu.dma_semaphore, #tpu.memory_space<semaphore_mem>>)
        %dma_start3A_1803 = arith.constant 1 : i32
        %dma_start3A_1804 = arith.constant 0 : i32
        %dma_start3A_1805 = arith.constant 0 : i32
        %dma_start3A_1806 = tpu.memref_slice %arg8[%dma_start3A_1803, %dma_start3A_1804, %dma_start3A_1805] : memref<2x16x125xi32, #tpu.memory_space<vmem>> -> memref<1x16x125xi32, #tpu.memory_space<vmem>>
        %dma_start3A_1807 = tpu.memref_squeeze %dma_start3A_1806 : memref<1x16x125xi32, #tpu.memory_space<vmem>> -> memref<16x125xi32, #tpu.memory_space<vmem>>
        %dma_start3A_1808 = arith.constant 0 : i32
        %dma_start3A_1809 = tpu.memref_slice %arg4[%add3A_1789, %dma_start3A_1808] : memref<12800x125xi32, #tpu.memory_space<hbm>> -> memref<16x125xi32, #tpu.memory_space<hbm>>
        %dma_start3A_1810 = arith.constant 0 : i32
        %dma_start3A_1811 = arith.constant 0 : i32
        %dma_start3A_1812 = tpu.memref_slice %arg8[%dma_start3A_1803, %dma_start3A_1810, %dma_start3A_1811] : memref<2x16x125xi32, #tpu.memory_space<vmem>> -> memref<1x16x125xi32, #tpu.memory_space<vmem>>
        %dma_start3A_1813 = tpu.memref_squeeze %dma_start3A_1812 : memref<1x16x125xi32, #tpu.memory_space<vmem>> -> memref<16x125xi32, #tpu.memory_space<vmem>>
        %dma_start3A_1814 = arith.constant 0 : i32
        %dma_start3A_1815 = tpu.memref_slice %arg4[%add3A_1789, %dma_start3A_1814] : memref<12800x125xi32, #tpu.memory_space<hbm>> -> memref<16x125xi32, #tpu.memory_space<hbm>>
        tpu.enqueue_dma source(%dma_start3A_1815 : memref<16x125xi32, #tpu.memory_space<hbm>>) target(%dma_start3A_1813 : memref<16x125xi32, #tpu.memory_space<vmem>>) target_semaphore(%arg12 : memref<!tpu.dma_semaphore, #tpu.memory_space<semaphore_mem>>)
      } else {
      }
    }
    %scan3A_361 = arith.constant 25 : i32
    %barrier3A_362 = arith.constant 0 : index
    tpu.barrier barrier_id(%barrier3A_362)
    %lt3A_363 = arith.constant 10 : i32
    %lt3A_364 = arith.cmpi slt, %arg1, %lt3A_363 : i32
    %convert_element_type3A_365 = arith.extui %lt3A_364 : i1 to i32
    %cond3A_366 = arith.constant 0 : i32
    %cond3A_367 = arith.cmpi ne, %convert_element_type3A_365, %cond3A_366 : i32
    scf.if %cond3A_367 {
      %mul3A_368 = arith.constant 5000 : i32
      %mul3A_369 = arith.muli %arg1, %mul3A_368 : i32
      %mul3A_370 = arith.constant 5000 : i32
      %mul3A_371 = arith.muli %arg1, %mul3A_370 : i32
      %mul3A_372 = arith.constant 16 : i32
      %mul3A_373 = arith.muli %arg0, %mul3A_372 : i32
      "tpu.region"() ({
        %run_scoped3A = tpu.sem_alloc : memref<!tpu.dma_semaphore, #tpu.memory_space<semaphore_mem>>
        %dma_start3A_374 = tpu.memref_slice %arg6[%mul3A_371, %mul3A_373] : memref<50000x32xf32, #tpu.memory_space<hbm>> -> memref<5000x16xf32, #tpu.memory_space<hbm>>
        %dma_start3A_375 = arith.constant 0 : i32
        %dma_start3A_376 = tpu.memref_slice %arg10[%mul3A_369, %dma_start3A_375] : memref<50000x16xf32, #tpu.memory_space<vmem_shared>> -> memref<5000x16xf32, #tpu.memory_space<vmem_shared>>
        tpu.enqueue_dma source(%dma_start3A_376 : memref<5000x16xf32, #tpu.memory_space<vmem_shared>>) target(%dma_start3A_374 : memref<5000x16xf32, #tpu.memory_space<hbm>>) target_semaphore(%run_scoped3A : memref<!tpu.dma_semaphore, #tpu.memory_space<semaphore_mem>>)
        %dma_wait3A_377 = tpu.memref_slice %arg6[%mul3A_371, %mul3A_373] : memref<50000x32xf32, #tpu.memory_space<hbm>> -> memref<5000x16xf32, #tpu.memory_space<hbm>>
        %dma_wait3A_378 = arith.constant 0 : i32
        %dma_wait3A_379 = tpu.memref_slice %arg10[%mul3A_369, %dma_wait3A_378] : memref<50000x16xf32, #tpu.memory_space<vmem_shared>> -> memref<5000x16xf32, #tpu.memory_space<vmem_shared>>
        tpu.wait_dma2 semaphore(%run_scoped3A : memref<!tpu.dma_semaphore, #tpu.memory_space<semaphore_mem>>) src(%dma_wait3A_379 : memref<5000x16xf32, #tpu.memory_space<vmem_shared>>) dst(%dma_wait3A_377 : memref<5000x16xf32, #tpu.memory_space<hbm>>)
        tpu.yield
      }) : () -> ()
    } else {
    }
    return
  }
}

module attributes {stable_mosaic.version = 14 : i64} {
  func.func @_routing_body(%arg0: i32, %arg1: memref<1024x32xf32, #tpu.memory_space<vmem>>, %arg2: memref<64x8xf32, #tpu.memory_space<vmem>>, %arg3: memref<16x2xf32, #tpu.memory_space<vmem>>, %arg4: memref<1024x64xf32, #tpu.memory_space<vmem>>) attributes {dimension_semantics = [#tpu.dimension_semantics<arbitrary>], iteration_bounds = array<i64: 49>, scalar_prefetch = 0 : i64, scratch_operands = 0 : i64, tpu.core_type = #tpu.core_type<tc>, window_params = [{transform_indices = @transform_0, window_bounds = array<i64: 1024, 32>}, {pipeline_mode = #tpu.pipeline_mode<synchronous>, transform_indices = @transform_1, window_bounds = array<i64: 64, 8>}, {pipeline_mode = #tpu.pipeline_mode<synchronous>, transform_indices = @transform_2, window_bounds = array<i64: 16, 2>}, {transform_indices = @transform_3, window_bounds = array<i64: 1024, 64>}]} {
    %get3A = arith.constant 0 : index
    %get3A_0 = arith.constant 0 : index
    %get3A_1 = vector.load %arg1[%get3A, %get3A_0] : memref<1024x32xf32, #tpu.memory_space<vmem>>, vector<1024x32xf32>
    %transpose3A = tpu.transpose %get3A_1, [1, 0] : vector<1024x32xf32> -> vector<32x1024xf32>
    %reshape3A = vector.shape_cast %transpose3A : vector<32x1024xf32> to vector<8x4x1024xf32>
    %slice3A = vector.extract_strided_slice %reshape3A {offsets = [0, 0, 0], sizes = [8, 1, 1024], strides = [1, 1, 1]} : vector<8x4x1024xf32> to vector<8x1x1024xf32>
    %squeeze3A = vector.shape_cast %slice3A : vector<8x1x1024xf32> to vector<8x1024xf32>
    %slice3A_2 = vector.extract_strided_slice %reshape3A {offsets = [0, 1, 0], sizes = [8, 1, 1024], strides = [1, 1, 1]} : vector<8x4x1024xf32> to vector<8x1x1024xf32>
    %squeeze3A_3 = vector.shape_cast %slice3A_2 : vector<8x1x1024xf32> to vector<8x1024xf32>
    %slice3A_4 = vector.extract_strided_slice %reshape3A {offsets = [0, 2, 0], sizes = [8, 1, 1024], strides = [1, 1, 1]} : vector<8x4x1024xf32> to vector<8x1x1024xf32>
    %squeeze3A_5 = vector.shape_cast %slice3A_4 : vector<8x1x1024xf32> to vector<8x1024xf32>
    %slice3A_6 = vector.extract_strided_slice %reshape3A {offsets = [0, 3, 0], sizes = [8, 1, 1024], strides = [1, 1, 1]} : vector<8x4x1024xf32> to vector<8x1x1024xf32>
    %squeeze3A_7 = vector.shape_cast %slice3A_6 : vector<8x1x1024xf32> to vector<8x1024xf32>
    %mul3A = arith.mulf %squeeze3A, %squeeze3A : vector<8x1024xf32>
    %mul3A_8 = arith.mulf %squeeze3A_3, %squeeze3A_3 : vector<8x1024xf32>
    %add3A = arith.addf %mul3A, %mul3A_8 : vector<8x1024xf32>
    %mul3A_9 = arith.mulf %squeeze3A_5, %squeeze3A_5 : vector<8x1024xf32>
    %add3A_10 = arith.addf %add3A, %mul3A_9 : vector<8x1024xf32>
    %mul3A_11 = arith.mulf %squeeze3A_7, %squeeze3A_7 : vector<8x1024xf32>
    %add3A_12 = arith.addf %add3A_10, %mul3A_11 : vector<8x1024xf32>
    %sqrt3A = math.sqrt %add3A_12 : vector<8x1024xf32>
    %add3A_13 = arith.constant 9.99999993E-9 : f32
    %add3A_14 = vector.broadcast %add3A_13 : f32 to vector<8x1024xf32>
    %add3A_15 = arith.addf %sqrt3A, %add3A_14 : vector<8x1024xf32>
    %div3A = arith.constant 1.000000e+00 : f32
    %div3A_16 = vector.broadcast %div3A : f32 to vector<8x1024xf32>
    %div3A_17 = arith.divf %div3A_16, %add3A_15 : vector<8x1024xf32>
    %mul3A_18 = arith.mulf %squeeze3A, %div3A_17 : vector<8x1024xf32>
    %mul3A_19 = arith.mulf %squeeze3A_3, %div3A_17 : vector<8x1024xf32>
    %mul3A_20 = arith.mulf %squeeze3A_5, %div3A_17 : vector<8x1024xf32>
    %mul3A_21 = arith.mulf %squeeze3A_7, %div3A_17 : vector<8x1024xf32>
    %get3A_22 = arith.constant 0 : index
    %get3A_23 = arith.constant 0 : index
    %get3A_24 = vector.load %arg2[%get3A_22, %get3A_23] : memref<64x8xf32, #tpu.memory_space<vmem>>, vector<16x8xf32>
    %broadcast_in_dim3A = vector.shape_cast %get3A_24 : vector<16x8xf32> to vector<16x8x1xf32>
    %get3A_25 = arith.constant 16 : index
    %get3A_26 = arith.constant 0 : index
    %get3A_27 = vector.load %arg2[%get3A_25, %get3A_26] : memref<64x8xf32, #tpu.memory_space<vmem>>, vector<16x8xf32>
    %broadcast_in_dim3A_28 = vector.shape_cast %get3A_27 : vector<16x8xf32> to vector<16x8x1xf32>
    %get3A_29 = arith.constant 32 : index
    %get3A_30 = arith.constant 0 : index
    %get3A_31 = vector.load %arg2[%get3A_29, %get3A_30] : memref<64x8xf32, #tpu.memory_space<vmem>>, vector<16x8xf32>
    %broadcast_in_dim3A_32 = vector.shape_cast %get3A_31 : vector<16x8xf32> to vector<16x8x1xf32>
    %get3A_33 = arith.constant 48 : index
    %get3A_34 = arith.constant 0 : index
    %get3A_35 = vector.load %arg2[%get3A_33, %get3A_34] : memref<64x8xf32, #tpu.memory_space<vmem>>, vector<16x8xf32>
    %broadcast_in_dim3A_36 = vector.shape_cast %get3A_35 : vector<16x8xf32> to vector<16x8x1xf32>
    %broadcast_in_dim3A_37 = vector.shape_cast %mul3A_18 : vector<8x1024xf32> to vector<1x8x1024xf32>
    %broadcast_in_dim3A_38 = vector.shape_cast %mul3A_19 : vector<8x1024xf32> to vector<1x8x1024xf32>
    %broadcast_in_dim3A_39 = vector.shape_cast %mul3A_20 : vector<8x1024xf32> to vector<1x8x1024xf32>
    %broadcast_in_dim3A_40 = vector.shape_cast %mul3A_21 : vector<8x1024xf32> to vector<1x8x1024xf32>
    %mul3A_41 = vector.broadcast %broadcast_in_dim3A : vector<16x8x1xf32> to vector<16x8x1024xf32>
    %mul3A_42 = vector.broadcast %broadcast_in_dim3A_37 : vector<1x8x1024xf32> to vector<16x8x1024xf32>
    %mul3A_43 = arith.mulf %mul3A_41, %mul3A_42 : vector<16x8x1024xf32>
    %mul3A_44 = vector.broadcast %broadcast_in_dim3A_28 : vector<16x8x1xf32> to vector<16x8x1024xf32>
    %mul3A_45 = vector.broadcast %broadcast_in_dim3A_38 : vector<1x8x1024xf32> to vector<16x8x1024xf32>
    %mul3A_46 = arith.mulf %mul3A_44, %mul3A_45 : vector<16x8x1024xf32>
    %sub3A = arith.subf %mul3A_43, %mul3A_46 : vector<16x8x1024xf32>
    %mul3A_47 = vector.broadcast %broadcast_in_dim3A_32 : vector<16x8x1xf32> to vector<16x8x1024xf32>
    %mul3A_48 = vector.broadcast %broadcast_in_dim3A_39 : vector<1x8x1024xf32> to vector<16x8x1024xf32>
    %mul3A_49 = arith.mulf %mul3A_47, %mul3A_48 : vector<16x8x1024xf32>
    %sub3A_50 = arith.subf %sub3A, %mul3A_49 : vector<16x8x1024xf32>
    %mul3A_51 = vector.broadcast %broadcast_in_dim3A_36 : vector<16x8x1xf32> to vector<16x8x1024xf32>
    %mul3A_52 = vector.broadcast %broadcast_in_dim3A_40 : vector<1x8x1024xf32> to vector<16x8x1024xf32>
    %mul3A_53 = arith.mulf %mul3A_51, %mul3A_52 : vector<16x8x1024xf32>
    %sub3A_54 = arith.subf %sub3A_50, %mul3A_53 : vector<16x8x1024xf32>
    %mul3A_55 = vector.broadcast %broadcast_in_dim3A : vector<16x8x1xf32> to vector<16x8x1024xf32>
    %mul3A_56 = vector.broadcast %broadcast_in_dim3A_38 : vector<1x8x1024xf32> to vector<16x8x1024xf32>
    %mul3A_57 = arith.mulf %mul3A_55, %mul3A_56 : vector<16x8x1024xf32>
    %mul3A_58 = vector.broadcast %broadcast_in_dim3A_28 : vector<16x8x1xf32> to vector<16x8x1024xf32>
    %mul3A_59 = vector.broadcast %broadcast_in_dim3A_37 : vector<1x8x1024xf32> to vector<16x8x1024xf32>
    %mul3A_60 = arith.mulf %mul3A_58, %mul3A_59 : vector<16x8x1024xf32>
    %add3A_61 = arith.addf %mul3A_57, %mul3A_60 : vector<16x8x1024xf32>
    %mul3A_62 = vector.broadcast %broadcast_in_dim3A_32 : vector<16x8x1xf32> to vector<16x8x1024xf32>
    %mul3A_63 = vector.broadcast %broadcast_in_dim3A_40 : vector<1x8x1024xf32> to vector<16x8x1024xf32>
    %mul3A_64 = arith.mulf %mul3A_62, %mul3A_63 : vector<16x8x1024xf32>
    %add3A_65 = arith.addf %add3A_61, %mul3A_64 : vector<16x8x1024xf32>
    %mul3A_66 = vector.broadcast %broadcast_in_dim3A_36 : vector<16x8x1xf32> to vector<16x8x1024xf32>
    %mul3A_67 = vector.broadcast %broadcast_in_dim3A_39 : vector<1x8x1024xf32> to vector<16x8x1024xf32>
    %mul3A_68 = arith.mulf %mul3A_66, %mul3A_67 : vector<16x8x1024xf32>
    %sub3A_69 = arith.subf %add3A_65, %mul3A_68 : vector<16x8x1024xf32>
    %mul3A_70 = vector.broadcast %broadcast_in_dim3A : vector<16x8x1xf32> to vector<16x8x1024xf32>
    %mul3A_71 = vector.broadcast %broadcast_in_dim3A_39 : vector<1x8x1024xf32> to vector<16x8x1024xf32>
    %mul3A_72 = arith.mulf %mul3A_70, %mul3A_71 : vector<16x8x1024xf32>
    %mul3A_73 = vector.broadcast %broadcast_in_dim3A_28 : vector<16x8x1xf32> to vector<16x8x1024xf32>
    %mul3A_74 = vector.broadcast %broadcast_in_dim3A_40 : vector<1x8x1024xf32> to vector<16x8x1024xf32>
    %mul3A_75 = arith.mulf %mul3A_73, %mul3A_74 : vector<16x8x1024xf32>
    %sub3A_76 = arith.subf %mul3A_72, %mul3A_75 : vector<16x8x1024xf32>
    %mul3A_77 = vector.broadcast %broadcast_in_dim3A_32 : vector<16x8x1xf32> to vector<16x8x1024xf32>
    %mul3A_78 = vector.broadcast %broadcast_in_dim3A_37 : vector<1x8x1024xf32> to vector<16x8x1024xf32>
    %mul3A_79 = arith.mulf %mul3A_77, %mul3A_78 : vector<16x8x1024xf32>
    %add3A_80 = arith.addf %sub3A_76, %mul3A_79 : vector<16x8x1024xf32>
    %mul3A_81 = vector.broadcast %broadcast_in_dim3A_36 : vector<16x8x1xf32> to vector<16x8x1024xf32>
    %mul3A_82 = vector.broadcast %broadcast_in_dim3A_38 : vector<1x8x1024xf32> to vector<16x8x1024xf32>
    %mul3A_83 = arith.mulf %mul3A_81, %mul3A_82 : vector<16x8x1024xf32>
    %add3A_84 = arith.addf %add3A_80, %mul3A_83 : vector<16x8x1024xf32>
    %mul3A_85 = vector.broadcast %broadcast_in_dim3A : vector<16x8x1xf32> to vector<16x8x1024xf32>
    %mul3A_86 = vector.broadcast %broadcast_in_dim3A_40 : vector<1x8x1024xf32> to vector<16x8x1024xf32>
    %mul3A_87 = arith.mulf %mul3A_85, %mul3A_86 : vector<16x8x1024xf32>
    %mul3A_88 = vector.broadcast %broadcast_in_dim3A_28 : vector<16x8x1xf32> to vector<16x8x1024xf32>
    %mul3A_89 = vector.broadcast %broadcast_in_dim3A_39 : vector<1x8x1024xf32> to vector<16x8x1024xf32>
    %mul3A_90 = arith.mulf %mul3A_88, %mul3A_89 : vector<16x8x1024xf32>
    %add3A_91 = arith.addf %mul3A_87, %mul3A_90 : vector<16x8x1024xf32>
    %mul3A_92 = vector.broadcast %broadcast_in_dim3A_32 : vector<16x8x1xf32> to vector<16x8x1024xf32>
    %mul3A_93 = vector.broadcast %broadcast_in_dim3A_38 : vector<1x8x1024xf32> to vector<16x8x1024xf32>
    %mul3A_94 = arith.mulf %mul3A_92, %mul3A_93 : vector<16x8x1024xf32>
    %sub3A_95 = arith.subf %add3A_91, %mul3A_94 : vector<16x8x1024xf32>
    %mul3A_96 = vector.broadcast %broadcast_in_dim3A_36 : vector<16x8x1xf32> to vector<16x8x1024xf32>
    %mul3A_97 = vector.broadcast %broadcast_in_dim3A_37 : vector<1x8x1024xf32> to vector<16x8x1024xf32>
    %mul3A_98 = arith.mulf %mul3A_96, %mul3A_97 : vector<16x8x1024xf32>
    %add3A_99 = arith.addf %sub3A_95, %mul3A_98 : vector<16x8x1024xf32>
    %reduce_sum3A = arith.constant dense<0.000000e+00> : vector<16x1024xf32>
    %reduce_sum3A_100 = vector.multi_reduction <add>, %sub3A_54, %reduce_sum3A [1] : vector<16x8x1024xf32> to vector<16x1024xf32>
    %mul3A_101 = arith.constant 6.250000e-02 : f32
    %mul3A_102 = vector.broadcast %mul3A_101 : f32 to vector<16x1024xf32>
    %mul3A_103 = arith.mulf %reduce_sum3A_100, %mul3A_102 : vector<16x1024xf32>
    %reduce_sum3A_104 = arith.constant dense<0.000000e+00> : vector<16x1024xf32>
    %reduce_sum3A_105 = vector.multi_reduction <add>, %sub3A_69, %reduce_sum3A_104 [1] : vector<16x8x1024xf32> to vector<16x1024xf32>
    %mul3A_106 = arith.constant 6.250000e-02 : f32
    %mul3A_107 = vector.broadcast %mul3A_106 : f32 to vector<16x1024xf32>
    %mul3A_108 = arith.mulf %reduce_sum3A_105, %mul3A_107 : vector<16x1024xf32>
    %reduce_sum3A_109 = arith.constant dense<0.000000e+00> : vector<16x1024xf32>
    %reduce_sum3A_110 = vector.multi_reduction <add>, %add3A_84, %reduce_sum3A_109 [1] : vector<16x8x1024xf32> to vector<16x1024xf32>
    %mul3A_111 = arith.constant 6.250000e-02 : f32
    %mul3A_112 = vector.broadcast %mul3A_111 : f32 to vector<16x1024xf32>
    %mul3A_113 = arith.mulf %reduce_sum3A_110, %mul3A_112 : vector<16x1024xf32>
    %reduce_sum3A_114 = arith.constant dense<0.000000e+00> : vector<16x1024xf32>
    %reduce_sum3A_115 = vector.multi_reduction <add>, %add3A_99, %reduce_sum3A_114 [1] : vector<16x8x1024xf32> to vector<16x1024xf32>
    %mul3A_116 = arith.constant 6.250000e-02 : f32
    %mul3A_117 = vector.broadcast %mul3A_116 : f32 to vector<16x1024xf32>
    %mul3A_118 = arith.mulf %reduce_sum3A_115, %mul3A_117 : vector<16x1024xf32>
    %mul3A_119 = arith.mulf %mul3A_103, %mul3A_103 : vector<16x1024xf32>
    %mul3A_120 = arith.mulf %mul3A_108, %mul3A_108 : vector<16x1024xf32>
    %add3A_121 = arith.addf %mul3A_119, %mul3A_120 : vector<16x1024xf32>
    %mul3A_122 = arith.mulf %mul3A_113, %mul3A_113 : vector<16x1024xf32>
    %add3A_123 = arith.addf %add3A_121, %mul3A_122 : vector<16x1024xf32>
    %mul3A_124 = arith.mulf %mul3A_118, %mul3A_118 : vector<16x1024xf32>
    %add3A_125 = arith.addf %add3A_123, %mul3A_124 : vector<16x1024xf32>
    %sqrt3A_126 = math.sqrt %add3A_125 : vector<16x1024xf32>
    %add3A_127 = arith.constant 9.99999993E-9 : f32
    %add3A_128 = vector.broadcast %add3A_127 : f32 to vector<16x1024xf32>
    %add3A_129 = arith.addf %sqrt3A_126, %add3A_128 : vector<16x1024xf32>
    %div3A_130 = arith.constant 1.000000e+00 : f32
    %div3A_131 = vector.broadcast %div3A_130 : f32 to vector<16x1024xf32>
    %div3A_132 = arith.divf %div3A_131, %add3A_129 : vector<16x1024xf32>
    %mul3A_133 = arith.mulf %mul3A_103, %div3A_132 : vector<16x1024xf32>
    %mul3A_134 = arith.mulf %mul3A_108, %div3A_132 : vector<16x1024xf32>
    %mul3A_135 = arith.mulf %mul3A_113, %div3A_132 : vector<16x1024xf32>
    %mul3A_136 = arith.mulf %mul3A_118, %div3A_132 : vector<16x1024xf32>
    %broadcast_in_dim3A_137 = vector.shape_cast %mul3A_133 : vector<16x1024xf32> to vector<16x1x1024xf32>
    %mul3A_138 = vector.broadcast %broadcast_in_dim3A_137 : vector<16x1x1024xf32> to vector<16x8x1024xf32>
    %mul3A_139 = arith.mulf %sub3A_54, %mul3A_138 : vector<16x8x1024xf32>
    %broadcast_in_dim3A_140 = vector.shape_cast %mul3A_134 : vector<16x1024xf32> to vector<16x1x1024xf32>
    %mul3A_141 = vector.broadcast %broadcast_in_dim3A_140 : vector<16x1x1024xf32> to vector<16x8x1024xf32>
    %mul3A_142 = arith.mulf %sub3A_69, %mul3A_141 : vector<16x8x1024xf32>
    %add3A_143 = arith.addf %mul3A_139, %mul3A_142 : vector<16x8x1024xf32>
    %broadcast_in_dim3A_144 = vector.shape_cast %mul3A_135 : vector<16x1024xf32> to vector<16x1x1024xf32>
    %mul3A_145 = vector.broadcast %broadcast_in_dim3A_144 : vector<16x1x1024xf32> to vector<16x8x1024xf32>
    %mul3A_146 = arith.mulf %add3A_84, %mul3A_145 : vector<16x8x1024xf32>
    %add3A_147 = arith.addf %add3A_143, %mul3A_146 : vector<16x8x1024xf32>
    %broadcast_in_dim3A_148 = vector.shape_cast %mul3A_136 : vector<16x1024xf32> to vector<16x1x1024xf32>
    %mul3A_149 = vector.broadcast %broadcast_in_dim3A_148 : vector<16x1x1024xf32> to vector<16x8x1024xf32>
    %mul3A_150 = arith.mulf %add3A_99, %mul3A_149 : vector<16x8x1024xf32>
    %add3A_151 = arith.addf %add3A_147, %mul3A_150 : vector<16x8x1024xf32>
    %exp3A = math.exp %add3A_151 : vector<16x8x1024xf32>
    %reduce_sum3A_152 = arith.constant dense<0.000000e+00> : vector<8x1024xf32>
    %reduce_sum3A_153 = vector.multi_reduction <add>, %exp3A, %reduce_sum3A_152 [0] : vector<16x8x1024xf32> to vector<8x1024xf32>
    %div3A_154 = arith.constant 1.000000e+00 : f32
    %div3A_155 = vector.broadcast %div3A_154 : f32 to vector<8x1024xf32>
    %div3A_156 = arith.divf %div3A_155, %reduce_sum3A_153 : vector<8x1024xf32>
    %broadcast_in_dim3A_157 = vector.shape_cast %div3A_156 : vector<8x1024xf32> to vector<1x8x1024xf32>
    %mul3A_158 = vector.broadcast %broadcast_in_dim3A_157 : vector<1x8x1024xf32> to vector<16x8x1024xf32>
    %mul3A_159 = arith.mulf %exp3A, %mul3A_158 : vector<16x8x1024xf32>
    %mul3A_160 = arith.mulf %mul3A_159, %sub3A_54 : vector<16x8x1024xf32>
    %reduce_sum3A_161 = arith.constant dense<0.000000e+00> : vector<16x1024xf32>
    %reduce_sum3A_162 = vector.multi_reduction <add>, %mul3A_160, %reduce_sum3A_161 [1] : vector<16x8x1024xf32> to vector<16x1024xf32>
    %mul3A_163 = arith.mulf %mul3A_159, %sub3A_69 : vector<16x8x1024xf32>
    %reduce_sum3A_164 = arith.constant dense<0.000000e+00> : vector<16x1024xf32>
    %reduce_sum3A_165 = vector.multi_reduction <add>, %mul3A_163, %reduce_sum3A_164 [1] : vector<16x8x1024xf32> to vector<16x1024xf32>
    %mul3A_166 = arith.mulf %mul3A_159, %add3A_84 : vector<16x8x1024xf32>
    %reduce_sum3A_167 = arith.constant dense<0.000000e+00> : vector<16x1024xf32>
    %reduce_sum3A_168 = vector.multi_reduction <add>, %mul3A_166, %reduce_sum3A_167 [1] : vector<16x8x1024xf32> to vector<16x1024xf32>
    %mul3A_169 = arith.mulf %mul3A_159, %add3A_99 : vector<16x8x1024xf32>
    %reduce_sum3A_170 = arith.constant dense<0.000000e+00> : vector<16x1024xf32>
    %reduce_sum3A_171 = vector.multi_reduction <add>, %mul3A_169, %reduce_sum3A_170 [1] : vector<16x8x1024xf32> to vector<16x1024xf32>
    %mul3A_172 = arith.mulf %reduce_sum3A_162, %reduce_sum3A_162 : vector<16x1024xf32>
    %mul3A_173 = arith.mulf %reduce_sum3A_165, %reduce_sum3A_165 : vector<16x1024xf32>
    %add3A_174 = arith.addf %mul3A_172, %mul3A_173 : vector<16x1024xf32>
    %mul3A_175 = arith.mulf %reduce_sum3A_168, %reduce_sum3A_168 : vector<16x1024xf32>
    %add3A_176 = arith.addf %add3A_174, %mul3A_175 : vector<16x1024xf32>
    %mul3A_177 = arith.mulf %reduce_sum3A_171, %reduce_sum3A_171 : vector<16x1024xf32>
    %add3A_178 = arith.addf %add3A_176, %mul3A_177 : vector<16x1024xf32>
    %sqrt3A_179 = math.sqrt %add3A_178 : vector<16x1024xf32>
    %add3A_180 = arith.constant 9.99999993E-9 : f32
    %add3A_181 = vector.broadcast %add3A_180 : f32 to vector<16x1024xf32>
    %add3A_182 = arith.addf %sqrt3A_179, %add3A_181 : vector<16x1024xf32>
    %div3A_183 = arith.constant 1.000000e+00 : f32
    %div3A_184 = vector.broadcast %div3A_183 : f32 to vector<16x1024xf32>
    %div3A_185 = arith.divf %div3A_184, %add3A_182 : vector<16x1024xf32>
    %mul3A_186 = arith.mulf %reduce_sum3A_162, %div3A_185 : vector<16x1024xf32>
    %mul3A_187 = arith.mulf %reduce_sum3A_165, %div3A_185 : vector<16x1024xf32>
    %mul3A_188 = arith.mulf %reduce_sum3A_168, %div3A_185 : vector<16x1024xf32>
    %mul3A_189 = arith.mulf %reduce_sum3A_171, %div3A_185 : vector<16x1024xf32>
    %broadcast_in_dim3A_190 = vector.shape_cast %mul3A_186 : vector<16x1024xf32> to vector<16x1x1024xf32>
    %mul3A_191 = vector.broadcast %broadcast_in_dim3A_190 : vector<16x1x1024xf32> to vector<16x8x1024xf32>
    %mul3A_192 = arith.mulf %sub3A_54, %mul3A_191 : vector<16x8x1024xf32>
    %broadcast_in_dim3A_193 = vector.shape_cast %mul3A_187 : vector<16x1024xf32> to vector<16x1x1024xf32>
    %mul3A_194 = vector.broadcast %broadcast_in_dim3A_193 : vector<16x1x1024xf32> to vector<16x8x1024xf32>
    %mul3A_195 = arith.mulf %sub3A_69, %mul3A_194 : vector<16x8x1024xf32>
    %add3A_196 = arith.addf %mul3A_192, %mul3A_195 : vector<16x8x1024xf32>
    %broadcast_in_dim3A_197 = vector.shape_cast %mul3A_188 : vector<16x1024xf32> to vector<16x1x1024xf32>
    %mul3A_198 = vector.broadcast %broadcast_in_dim3A_197 : vector<16x1x1024xf32> to vector<16x8x1024xf32>
    %mul3A_199 = arith.mulf %add3A_84, %mul3A_198 : vector<16x8x1024xf32>
    %add3A_200 = arith.addf %add3A_196, %mul3A_199 : vector<16x8x1024xf32>
    %broadcast_in_dim3A_201 = vector.shape_cast %mul3A_189 : vector<16x1024xf32> to vector<16x1x1024xf32>
    %mul3A_202 = vector.broadcast %broadcast_in_dim3A_201 : vector<16x1x1024xf32> to vector<16x8x1024xf32>
    %mul3A_203 = arith.mulf %add3A_99, %mul3A_202 : vector<16x8x1024xf32>
    %add3A_204 = arith.addf %add3A_200, %mul3A_203 : vector<16x8x1024xf32>
    %add3A_205 = arith.addf %add3A_151, %add3A_204 : vector<16x8x1024xf32>
    %exp3A_206 = math.exp %add3A_205 : vector<16x8x1024xf32>
    %reduce_sum3A_207 = arith.constant dense<0.000000e+00> : vector<8x1024xf32>
    %reduce_sum3A_208 = vector.multi_reduction <add>, %exp3A_206, %reduce_sum3A_207 [0] : vector<16x8x1024xf32> to vector<8x1024xf32>
    %div3A_209 = arith.constant 1.000000e+00 : f32
    %div3A_210 = vector.broadcast %div3A_209 : f32 to vector<8x1024xf32>
    %div3A_211 = arith.divf %div3A_210, %reduce_sum3A_208 : vector<8x1024xf32>
    %broadcast_in_dim3A_212 = vector.shape_cast %div3A_211 : vector<8x1024xf32> to vector<1x8x1024xf32>
    %mul3A_213 = vector.broadcast %broadcast_in_dim3A_212 : vector<1x8x1024xf32> to vector<16x8x1024xf32>
    %mul3A_214 = arith.mulf %exp3A_206, %mul3A_213 : vector<16x8x1024xf32>
    %mul3A_215 = arith.mulf %mul3A_214, %sub3A_54 : vector<16x8x1024xf32>
    %reduce_sum3A_216 = arith.constant dense<0.000000e+00> : vector<16x1024xf32>
    %reduce_sum3A_217 = vector.multi_reduction <add>, %mul3A_215, %reduce_sum3A_216 [1] : vector<16x8x1024xf32> to vector<16x1024xf32>
    %mul3A_218 = arith.mulf %mul3A_214, %sub3A_69 : vector<16x8x1024xf32>
    %reduce_sum3A_219 = arith.constant dense<0.000000e+00> : vector<16x1024xf32>
    %reduce_sum3A_220 = vector.multi_reduction <add>, %mul3A_218, %reduce_sum3A_219 [1] : vector<16x8x1024xf32> to vector<16x1024xf32>
    %mul3A_221 = arith.mulf %mul3A_214, %add3A_84 : vector<16x8x1024xf32>
    %reduce_sum3A_222 = arith.constant dense<0.000000e+00> : vector<16x1024xf32>
    %reduce_sum3A_223 = vector.multi_reduction <add>, %mul3A_221, %reduce_sum3A_222 [1] : vector<16x8x1024xf32> to vector<16x1024xf32>
    %mul3A_224 = arith.mulf %mul3A_214, %add3A_99 : vector<16x8x1024xf32>
    %reduce_sum3A_225 = arith.constant dense<0.000000e+00> : vector<16x1024xf32>
    %reduce_sum3A_226 = vector.multi_reduction <add>, %mul3A_224, %reduce_sum3A_225 [1] : vector<16x8x1024xf32> to vector<16x1024xf32>
    %mul3A_227 = arith.mulf %reduce_sum3A_217, %reduce_sum3A_217 : vector<16x1024xf32>
    %mul3A_228 = arith.mulf %reduce_sum3A_220, %reduce_sum3A_220 : vector<16x1024xf32>
    %add3A_229 = arith.addf %mul3A_227, %mul3A_228 : vector<16x1024xf32>
    %mul3A_230 = arith.mulf %reduce_sum3A_223, %reduce_sum3A_223 : vector<16x1024xf32>
    %add3A_231 = arith.addf %add3A_229, %mul3A_230 : vector<16x1024xf32>
    %mul3A_232 = arith.mulf %reduce_sum3A_226, %reduce_sum3A_226 : vector<16x1024xf32>
    %add3A_233 = arith.addf %add3A_231, %mul3A_232 : vector<16x1024xf32>
    %sqrt3A_234 = math.sqrt %add3A_233 : vector<16x1024xf32>
    %add3A_235 = arith.constant 9.99999993E-9 : f32
    %add3A_236 = vector.broadcast %add3A_235 : f32 to vector<16x1024xf32>
    %add3A_237 = arith.addf %sqrt3A_234, %add3A_236 : vector<16x1024xf32>
    %div3A_238 = arith.constant 1.000000e+00 : f32
    %div3A_239 = vector.broadcast %div3A_238 : f32 to vector<16x1024xf32>
    %div3A_240 = arith.divf %div3A_239, %add3A_237 : vector<16x1024xf32>
    %mul3A_241 = arith.mulf %reduce_sum3A_217, %div3A_240 : vector<16x1024xf32>
    %mul3A_242 = arith.mulf %reduce_sum3A_220, %div3A_240 : vector<16x1024xf32>
    %mul3A_243 = arith.mulf %reduce_sum3A_223, %div3A_240 : vector<16x1024xf32>
    %mul3A_244 = arith.mulf %reduce_sum3A_226, %div3A_240 : vector<16x1024xf32>
    %broadcast_in_dim3A_245 = vector.shape_cast %mul3A_241 : vector<16x1024xf32> to vector<16x1x1024xf32>
    %mul3A_246 = vector.broadcast %broadcast_in_dim3A_245 : vector<16x1x1024xf32> to vector<16x8x1024xf32>
    %mul3A_247 = arith.mulf %sub3A_54, %mul3A_246 : vector<16x8x1024xf32>
    %broadcast_in_dim3A_248 = vector.shape_cast %mul3A_242 : vector<16x1024xf32> to vector<16x1x1024xf32>
    %mul3A_249 = vector.broadcast %broadcast_in_dim3A_248 : vector<16x1x1024xf32> to vector<16x8x1024xf32>
    %mul3A_250 = arith.mulf %sub3A_69, %mul3A_249 : vector<16x8x1024xf32>
    %add3A_251 = arith.addf %mul3A_247, %mul3A_250 : vector<16x8x1024xf32>
    %broadcast_in_dim3A_252 = vector.shape_cast %mul3A_243 : vector<16x1024xf32> to vector<16x1x1024xf32>
    %mul3A_253 = vector.broadcast %broadcast_in_dim3A_252 : vector<16x1x1024xf32> to vector<16x8x1024xf32>
    %mul3A_254 = arith.mulf %add3A_84, %mul3A_253 : vector<16x8x1024xf32>
    %add3A_255 = arith.addf %add3A_251, %mul3A_254 : vector<16x8x1024xf32>
    %broadcast_in_dim3A_256 = vector.shape_cast %mul3A_244 : vector<16x1024xf32> to vector<16x1x1024xf32>
    %mul3A_257 = vector.broadcast %broadcast_in_dim3A_256 : vector<16x1x1024xf32> to vector<16x8x1024xf32>
    %mul3A_258 = arith.mulf %add3A_99, %mul3A_257 : vector<16x8x1024xf32>
    %add3A_259 = arith.addf %add3A_255, %mul3A_258 : vector<16x8x1024xf32>
    %get3A_260 = arith.constant 0 : index
    %get3A_261 = arith.constant 0 : index
    %get3A_262 = vector.load %arg3[%get3A_260, %get3A_261] : memref<16x2xf32, #tpu.memory_space<vmem>>, vector<16x1xf32>
    %get3A_263 = arith.constant 0 : index
    %get3A_264 = arith.constant 1 : index
    %get3A_265 = vector.load %arg3[%get3A_263, %get3A_264] : memref<16x2xf32, #tpu.memory_space<vmem>>, vector<16x1xf32>
    %reduce_sum3A_266 = arith.constant dense<0.000000e+00> : vector<16x1024xf32>
    %reduce_sum3A_267 = vector.multi_reduction <add>, %add3A_259, %reduce_sum3A_266 [1] : vector<16x8x1024xf32> to vector<16x1024xf32>
    %mul3A_268 = arith.constant 1.250000e-01 : f32
    %mul3A_269 = vector.broadcast %mul3A_268 : f32 to vector<16x1024xf32>
    %mul3A_270 = arith.mulf %reduce_sum3A_267, %mul3A_269 : vector<16x1024xf32>
    %mul3A_271 = vector.broadcast %get3A_262 : vector<16x1xf32> to vector<16x1024xf32>
    %mul3A_272 = arith.mulf %mul3A_271, %mul3A_270 : vector<16x1024xf32>
    %add3A_273 = vector.broadcast %get3A_265 : vector<16x1xf32> to vector<16x1024xf32>
    %add3A_274 = arith.addf %mul3A_272, %add3A_273 : vector<16x1024xf32>
    %logistic3A = arith.negf %add3A_274 : vector<16x1024xf32>
    %logistic3A_275 = math.exp %logistic3A : vector<16x1024xf32>
    %logistic3A_276 = arith.constant 1.000000e+00 : f32
    %logistic3A_277 = vector.broadcast %logistic3A_276 : f32 to vector<16x1024xf32>
    %logistic3A_278 = arith.addf %logistic3A_277, %logistic3A_275 : vector<16x1024xf32>
    %logistic3A_279 = arith.divf %logistic3A_277, %logistic3A_278 : vector<16x1024xf32>
    %mul3A_280 = arith.mulf %mul3A_241, %logistic3A_279 : vector<16x1024xf32>
    %mul3A_281 = arith.mulf %mul3A_242, %logistic3A_279 : vector<16x1024xf32>
    %mul3A_282 = arith.mulf %mul3A_243, %logistic3A_279 : vector<16x1024xf32>
    %mul3A_283 = arith.mulf %mul3A_244, %logistic3A_279 : vector<16x1024xf32>
    %stack3A = vector.shape_cast %mul3A_280 : vector<16x1024xf32> to vector<16x1x1024xf32>
    %stack3A_284 = vector.shape_cast %mul3A_281 : vector<16x1024xf32> to vector<16x1x1024xf32>
    %stack3A_285 = vector.shape_cast %mul3A_282 : vector<16x1024xf32> to vector<16x1x1024xf32>
    %stack3A_286 = vector.shape_cast %mul3A_283 : vector<16x1024xf32> to vector<16x1x1024xf32>
    %stack3A_287 = tpu.concatenate %stack3A, %stack3A_284, %stack3A_285, %stack3A_286 in 1 : vector<16x1x1024xf32>, vector<16x1x1024xf32>, vector<16x1x1024xf32>, vector<16x1x1024xf32> -> vector<16x4x1024xf32>
    %reshape3A_288 = vector.shape_cast %stack3A_287 : vector<16x4x1024xf32> to vector<64x1024xf32>
    %transpose3A_289 = tpu.transpose %reshape3A_288, [1, 0] : vector<64x1024xf32> -> vector<1024x64xf32>
    %swap3A = arith.constant 0 : index
    %swap3A_290 = arith.constant 0 : index
    %swap3A_291 = vector.load %arg4[%swap3A, %swap3A_290] : memref<1024x64xf32, #tpu.memory_space<vmem>>, vector<1024x64xf32>
    tpu.vector_store %arg4[%swap3A, %swap3A_290], %transpose3A_289 {strides = array<i32>} : memref<1024x64xf32, #tpu.memory_space<vmem>>, vector<1024x64xf32>,
    return
  }
  func.func @transform_0(%arg0: i32) -> (i32, i32) {
    %c0_i32 = arith.constant 0 : i32
    %c0_i32_0 = arith.constant 0 : i32
    return %arg0, %c0_i32 : i32, i32
  }
  func.func @transform_1(%arg0: i32) -> (i32, i32) {
    %c0_i32 = arith.constant 0 : i32
    %c0_i32_0 = arith.constant 0 : i32
    %c0_i32_1 = arith.constant 0 : i32
    return %c0_i32, %c0_i32_0 : i32, i32
  }
  func.func @transform_2(%arg0: i32) -> (i32, i32) {
    %c0_i32 = arith.constant 0 : i32
    %c0_i32_0 = arith.constant 0 : i32
    %c0_i32_1 = arith.constant 0 : i32
    return %c0_i32, %c0_i32_0 : i32, i32
  }
  func.func @transform_3(%arg0: i32) -> (i32, i32) {
    %c0_i32 = arith.constant 0 : i32
    %c0_i32_0 = arith.constant 0 : i32
    return %arg0, %c0_i32 : i32, i32
  }
}

</mosaic_0001>

<sc_bundles>
// kernel: kernel.4.cloned.1.call-start
scs
__scs_entry_jumppad:
0x0: {  	(pc) =	sbr.rel $0x88, $3  }
0x1: {  	(tag) =	ssettag $0x0;
	lr =	simm.s32 $0x1  }
0x2: {  	[smem:$0x3F9C] =	sst lr;
	_ =	strace $0xD0000000  }
0x3: {  	_ = 	snop  }
0x4: {  	_ = 	snop  }
0x5: {  	_ = 	snop  }
0x6: {  	_ = 	snop  }
0x7: {  	_ = 	snop  }
__scs_overlays_trampoline_lowered:
0x8: {  	[smem:$0x3FAB] =	sst s0  }
0x9: {  	[smem:$0x3FAC] =	sst s1  }
0xa: {  	[smem:$0x3FAD] =	sst s2  }
0xb: {  	[smem:$0x3FAE] =	sst s3  }
0xc: {  	[smem:$0x3FAF] =	sst s4  }
0xd: {  	[smem:$0x3FB0] =	sst s5  }
0xe: {  	[smem:$0x3FB1] =	sst s6  }
0xf: {  	[smem:$0x3FB2] =	sst s7  }
0x10: {  	[smem:$0x3FB3] =	sst s8  }
0x11: {  	[smem:$0x3FB4] =	sst s9;
	s0 =	simm.s32 @!p0 $0x0  }
0x12: {  	s1 =	sld [smem:$0x3F9A];
	s0 =	simm.s32 @p0 $0x1  }
0x13: {  	[smem:$0x3FB5] =	sst s0;
	s0 =	simm.s32 @!p1 $0x0  }
0x14: {  	s2 =	sld [smem:$0x3F99];
	s0 =	simm.s32 @p1 $0x1  }
0x15: {  	[smem:$0x3FB6] =	sst s0;
	s0 =	simm.s32 @!p2 $0x0  }
0x16: {  	s3 =	sld [smem:$0x3FDB];
	s0 =	simm.s32 @p2 $0x1  }
0x17: {  	s4 =	simm.s32 $0x1BF5;
	[smem:$0x3FB8] =	sst s0  }
0x18: {  	s0 =	sld [smem:$0x3F9B];
	_ =	swait.ge [sflag:s4], $0x0  }
0x19: {  	s7 =	sld [smem:$0x3F9C]  }
0x1a: {  	s8 =	sadd.s32 $0xFFFFE003, lr  }
0x1b: {  	s9 =	sadd.s32 $0xFFFFFEF7, lr;
	s5 =	simm.s32 $0xFFFFFFFF;
	p2 =	slt.u32 s8, $0xFFFFF086  }
0x1c: {  	p1 =	slt.u32 s9, $0xF7A;
	s5 =	simm.s32 @!p2 $0x0  }
0x1d: {  	s5 =	simm.s32 @p1 $0x1;
	p0 =	seq.s32 s7, s2  }
0x1e: {  	s7 =	smul.u32 @!p0 $0xF7A, s2;
	p2 =	seq.s32 @!p0 s5, $0x0  }
0x1f: {  	s9 =	smul.u32 $0xF7A, s1;
	s8 =	simm.s32 @!p0 $0x1BF5;
	p2 =	por !p2, p0  }
0x20: {  	[sflag:s8] =	ssyncset.s32 @!p0 $0xFFFFF086;
	s6 =	sadd.s32 @!p0 s3, s7;
	s7 =	simm.s32 @!p0 $0x108  }
0x21: {  	s3 =	sadd.s32 s3, s9;
	s6 =	sadd.s32 @!p0 $0x88, s6;
	s7 =	simm.s32 @p2 $0x1082  }
0x22: {  	[simem:s7], [sflag:s8] =	dma.local @!p0 [hbm:s6], $0xF7A  }
0x23: {  	s9 =	sor.u32 $0xD0000000, s2;
	s6 =	simm.s32 $0x108;
	_ =	swait.ge @!p0 [sflag:s8], $0x0  }
0x24: {  	s3 =	sadd.s32 $0x88, s3;
	s6 =	simm.s32 @!p1 $0x1082;
	[sflag:s4] =	ssyncset.s32 $0xFFFFF086  }
0x25: {  	[simem:s6], [sflag:s4] =	dma.local [hbm:s3], $0xF7A  }
0x26: {  	[smem:$0x3F9C] =	sst s1;
	(tag) =	ssettag s2;
	_ =	strace s9  }
0x27: {  	s1 =	sld [smem:$0x3FAC]  }
0x28: {  	s2 =	sld [smem:$0x3FAD]  }
0x29: {  	s4 =	sld [smem:$0x3FAF]  }
0x2a: {  	p0 =	seq.s32 s5, $0x0;
	s5 =	sld [smem:$0x3FB0]  }
0x2b: {  	s6 =	sld [smem:$0x3FB1]  }
0x2c: {  	s7 =	sld [smem:$0x3FB2]  }
0x2d: {  	s3 =	simm.s32 $0x108;
	s8 =	sld [smem:$0x3FB3]  }
0x2e: {  	s3 =	simm.s32 @!p0 $0x1082;
	s9 =	sld [smem:$0x3FB4]  }
0x2f: {  	lr =	sadd.s32 s0, s3;
	s0 =	sld [smem:$0x3FAB]  }
0x30: {  	s3 =	sld [smem:$0x3FAE]  }
0x31: {  	[smem:$0x3FB7] =	sst s10  }
0x32: {  	s10 =	sld [smem:$0x3FB5];
	_ =	sdelay $0x3  }
0x33: {  	p0 =	seq.s32 s10, $0x1;
	s10 =	sld [smem:$0x3FB7];
	_ =	sdelay $0x3  }
0x34: {  	[smem:$0x3FB7] =	sst s10  }
0x35: {  	s10 =	sld [smem:$0x3FB6];
	_ =	sdelay $0x3  }
0x36: {  	p1 =	seq.s32 s10, $0x1;
	s10 =	sld [smem:$0x3FB7];
	_ =	sdelay $0x3  }
0x37: {  	[smem:$0x3FB7] =	sst s10  }
0x38: {  	s10 =	sld [smem:$0x3FB8]  }
0x39: {  	_ = 	snop;
	(pc) =	sbr.ind lr, $3  }
0x3a: {  	_ = 	snop  }
0x3b: {  	_ = 	snop  }
0x3c: {  	p2 =	seq.s32 s10, $0x1;
	s10 =	sld [smem:$0x3FB7]  }
0x3d: {  	_ =	shalt  }
0x3e: {  	_ =	shalt  }
0x3f: {  	_ =	shalt  }
0x40: {  	_ =	shalt  }
0x41: {  	_ =	shalt  }
0x42: {  	_ =	shalt  }
0x43: {  	_ =	shalt  }
0x44: {  	_ =	shalt  }
0x45: {  	_ =	shalt  }
0x46: {  	_ =	shalt  }
0x47: {  	_ =	shalt  }
0x48: {  	_ =	shalt  }
0x49: {  	_ =	shalt  }
0x4a: {  	_ =	shalt  }
0x4b: {  	_ =	shalt  }
0x4c: {  	_ =	shalt  }
0x4d: {  	_ =	shalt  }
0x4e: {  	_ =	shalt  }
0x4f: {  	_ =	shalt  }
0x50: {  	_ =	shalt  }
0x51: {  	_ =	shalt  }
0x52: {  	_ =	shalt  }
0x53: {  	_ =	shalt  }
0x54: {  	_ =	shalt  }
0x55: {  	_ =	shalt  }
0x56: {  	_ =	shalt  }
0x57: {  	_ =	shalt  }
0x58: {  	_ =	shalt  }
0x59: {  	_ =	shalt  }
0x5a: {  	_ =	shalt  }
0x5b: {  	_ =	shalt  }
0x5c: {  	_ =	shalt  }
0x5d: {  	_ =	shalt  }
0x5e: {  	_ =	shalt  }
0x5f: {  	_ =	shalt  }
0x60: {  	_ =	shalt  }
0x61: {  	_ =	shalt  }
0x62: {  	_ =	shalt  }
0x63: {  	_ =	shalt  }
0x64: {  	_ =	shalt  }
0x65: {  	_ =	shalt  }
0x66: {  	_ =	shalt  }
0x67: {  	_ =	shalt  }
0x68: {  	_ =	shalt  }
0x69: {  	_ =	shalt  }
0x6a: {  	_ =	shalt  }
0x6b: {  	_ =	shalt  }
0x6c: {  	_ =	shalt  }
0x6d: {  	_ =	shalt  }
0x6e: {  	_ =	shalt  }
0x6f: {  	_ =	shalt  }
0x70: {  	_ =	shalt  }
0x71: {  	_ =	shalt  }
0x72: {  	_ =	shalt  }
0x73: {  	_ =	shalt  }
0x74: {  	_ =	shalt  }
0x75: {  	_ =	shalt  }
0x76: {  	_ =	shalt  }
0x77: {  	_ =	shalt  }
0x78: {  	_ =	shalt  }
0x79: {  	_ =	shalt  }
0x7a: {  	_ =	shalt  }
0x7b: {  	_ =	shalt  }
0x7c: {  	_ =	shalt  }
0x7d: {  	_ =	shalt  }
0x7e: {  	_ =	shalt  }
0x7f: {  	_ =	shalt  }
0x80: {  	_ =	shalt  }
0x81: {  	_ =	shalt  }
0x82: {  	_ =	shalt  }
0x83: {  	_ =	shalt  }
0x84: {  	_ =	shalt  }
0x85: {  	_ =	shalt  }
0x86: {  	_ =	shalt  }
0x87: {  	_ =	shalt  }
.Lfunc_end0:
.L_simem_size_0:
called_computation_lowered:
.L_overlay_start_0:
0x88: {  	s2 =	sld [smem:$0x3FD9]  }
0x89: {  	s3 =	sld [smem:$0x3FFE];
	_ =	sdelay $0x1  }
0x8a: {  	s1 =	srdreg.scid  }
0x8b: {  	s0 =	sand.u32 $0x1, s1  }
0x8c: {  	s17 =	sshll.u32 s0, $0xA;
	s2 =	sadd.s32 s3, s2  }
0x8d: {  	s2 =	sadd.s32 s2, s17  }
0x8e: {  	[smem:$0x3FC3] =	sst s2  }
0x8f: {  	_ = 	snop  }
0x90: {  	s2 =	sld [smem:$0x3FD0];
	(tm) =	ssettm $0x1  }
0x91: {  	s18 =	sld [smem:$0x3FFB];
	_ =	sdelay $0x3  }
0x92: {  	_ =	strace s18  }
0x93: {  	s3 =	sld [smem:$0x3FFC];
	_ =	sdelay $0x3  }
0x94: {  	_ =	strace s3  }
0x95: {  	s3 =	sld [smem:$0x3FFD];
	_ =	sdelay $0x3  }
0x96: {  	_ =	strace s3  }
0x97: {  	_ =	strace $0x8FFFFFFF  }
0x98: {  	s19 =	sld [smem:$0x3FDB];
	_ =	sdelay $0x1  }
0x99: {  	s4 =	simm.s32 $_scs_section_size  }
0x9a: {  	s5 =	simm.s32 $_size__tile_overlayer_lowered;
	s6 =	simm.s32 $_tile_overlayer_lowered  }
0x9b: {  	s22 =	simm.s32 $0x1BFF;
	s21 =	sshll.u32 s6, $0x1;
	s3 =	sadd.s32 s4, s19  }
0x9c: {  	s7 =	simm.s32 $0x0;
	s20 =	sshll.u32 s5, $0x1;
	s5 =	sadd.s32 s21, s3  }
0x9d: {  	[timem:s7], [sflag:s22] =	dma.local [hbm:s5], s20  }
0x9e: {  	_ =	swait.ge [sflag:s22], s20  }
0x9f: {  	s4 =	ssub.s32 $0x0, s20;
	[sflag:s22] =	ssyncset.done $0x0  }
0xa0: {  	[sflag:s22] =	ssyncadd.s32 s4;
	_ =	sdelay $0x1  }
0xa1: {  	s23 =	simm.s32 $0x1B8B  }
0xa2: {  	_ =	swait.ge [sflag:s23], $0x1  }
0xa3: {  	[sflag:s23] =	ssyncset.done $0x0  }
0xa4: {  	s25 =	simm.s32 $0x1B8E;
	s24 =	sld [smem:$0x3FFE];
	[sflag:s23] =	ssyncadd.s32 $0xFFFFFFFF  }
0xa5: {  	s26 =	simm.s32 $execute0_lowered;
	[smem:$0x3FD2] =	sst s25  }
0xa6: {  	s5 =	sshll.u32 s26, $0x1;
	_ =	strace $0x80000046;
	[dreg:$0x1] =	wrdreg $0xFFFFFFFF  }
0xa7: {  	s28 =	simm.s32 $_size_execute0_lowered;
	s3 =	sadd.s32 s3, s5;
	[dreg:$0x0] =	wrdreg $0x0  }
0xa8: {  	s5 =	sshll.u32 s28, $0x1;
	[dreg:$0x2] =	wrdreg s3  }
0xa9: {  	[dreg:$0x3] =	wrdreg s5  }
0xaa: {  	[dreg:$0x4] =	wrdreg $0xC0  }
0xab: {  	_ =	task [dreg:s7], $0x5FFFF  }
0xac: {  	[dreg:$0x1] =	wrdreg $0xFFFFFFFF  }
0xad: {  	[dreg:$0x0] =	wrdreg $0x60  }
0xae: {  	[dreg:$0x2] =	wrdreg s24  }
0xaf: {  	[dreg:$0x3] =	wrdreg s2  }
0xb0: {  	[dreg:$0x4] =	wrdreg $0x11A000  }
0xb1: {  	[dreg:$0x5] =	wrdreg $0x9  }
0xb2: {  	_ =	task.clear_ibuf [dreg:s7], $0x6FFFF;
	_ =	strace $0x90000046  }
0xb3: {  	s29 =	simm.s32 $0x9;
	_ =	strace $0x80000048  }
0xb4: {  	_ =	swait.ge [sflag:s29], $0x1  }
0xb5: {  	[sflag:s29] =	ssyncadd.s32 $0xFFFFFFFF  }
0xb6: {  	_ =	strace $0x90000048  }
0xb7: {  	_ =	sfence  }
0xb8: {  	s30 =	sld [smem:$0x0];
	_ =	sdelay $0x2  }
0xb9: {  	s31 =	sshll.u32 s1, $0xD;
	s1 =	sshrl.u32 s1, $0x2  }
0xba: {  	s3 =	sand.u32 $0x4000, s31;
	s1 =	sadd.s32 s1, s30  }
0xbb: {  	s0 =	sor.u32 s3, s0;
	s1 =	sshll.u32 s1, $0x11  }
0xbc: {  	s0 =	sor.u32 s1, s0  }
0xbd: {  	s0 =	sadd.s32 $0x8F2B, s0  }
0xbe: {  	[sflag:s0] =	ssyncadd.remote.s32 $0x1  }
0xbf: {  	_ =	sfence.sel $0xFFFF  }
0xc0: {  	[dreg:$0x0] =	wrdreg $0xFFFFFFFF;
	(pc) =	sbr.abs _section_cstart, $3  }
0xc1: {  	[dreg:$0x1] =	wrdreg $0xFFFFFFFF  }
0xc2: {  	_ =	task.clear_ibuf [dreg:s7], $0x2FFFF;
	_ =	strace $0x9FFFFFFF  }
0xc3: {  	(tm) =	ssettm $0x7FFFFFFF  }
tec
execute0_lowered:
.L_overlay_start_1:
0x0: {  	(tag) =	ssettag $0x1  }
0x1: {  	s0 =	rddreg [dreg:$0x0]  }
0x2: {  	s3 =	rddreg [dreg:$0x1]  }
0x3: {  	s1 =	rddreg [dreg:$0x2];
	s2 =	simm.s32 $0x0;
	s4 =	srdreg.scid  }
0x4: {  	s11 =	stileid.u32;
	s15 =	simm.s32 $0x2;
	s16 =	simm.s32 $0x7D  }
0x5: {  	s31 =	simm.s32 $0x1;
	s20 =	simm.s32 $0x3;
	s13 =	simm.s32 $0xA4D0  }
0x6: {  	s17 =	simm.s32 $0xACA0;
	s30 =	simm.s32 $0xC410;
	s18 =	simm.s32 $0xCBE0  }
0x7: {  	s12 =	simm.s32 $0xDB80;
	s14 =	simm.s32 $0xE350;
	s6 =	smul.u32 $0x27100, s11  }
0x8: {  	s19 =	simm.s32 $0xEB20;
	[smem:$0x7FF] =	sst s2;
	s22 =	smul.u32 $0x4E200, s11  }
0x9: {  	s4 =	sand.u32 $0x1, s4;
	s8 =	sadd.s32 $0xC00, s0;
	s23 =	smul.u32 $0x3200, s11  }
0xa: {  	s9 =	sadd.s32 $0x32C00, s0;
	p0 =	sgt.u32 s11, $0x9;
	s5 =	smul.u32 $0x186A0, s4  }
0xb: {  	_ =	strace $0x80000047;
	s21 =	sshll.u32 s4, $0x4;
	s4 =	ssub.s32 $0x2, s4  }
0xc: {  	[dreg:$0x4] =	wrdreg s9;
	s24 =	sshrl.u32 s4, $0x1;
	s9 =	sor.u32 $0x100, s23  }
0xd: {  	s7 =	sadd.s32 s5, s0;
	s5 =	sor.u32 s21, s6;
	s6 =	sshrl.u32 s22, $0x2  }
0xe: {  	s4 =	ssub.s32 s4, s24;
	s25 =	sadd.s32 s8, s9;
	s21 =	simm.s32 $0xB470  }
0xf: {  	s5 =	sshrl.u32 s5, $0x3;
	s10 =	sadd.s32 s6, s1;
	s6 =	sadd.s32 s8, s23  }
0x10: {  	s7 =	sadd.s32 $0x187600, s7;
	[dreg:$0x6] =	wrdreg s25;
	s26 =	smax.u32 s4, $0x1  }
0x11: {  	s4 =	simm.s32 $0x0;
	s25 =	simm.s32 $0xBC40;
	s0 =	sadd.s32 s5, s0  }
0x12: {  	s5 =	sadd.s32 s3, s23;
	s3 =	sadd.s32 s3, s9;
	[dreg:$0x8] =	wrdreg s26  }
.Ltmp0:
0x13: {  	s29 =	sshrl.u32 @!p0 s10, $0x3;
	s26 =	simm.s32 $0x11230;
	(pc) =	sbr.rel .LBB2_1-.Ltmp0, $4  }
0x14: {  	s10 =	simm.s32 $0xD3B0;
	[dreg:$0x5] =	wrdreg s3;
	s0 =	sadd.s32 $0x35400, s0  }
0x15: {  	s23 =	simm.s32 $0xF2F0;
	[dreg:$0x7] =	wrdreg s0;
	s0 =	sshll.u32 @!p0 s11, $0x6  }
0x16: {  	s3 =	simm.s32 $0x10290;
	[dreg:$0xa] =	wrdreg s29;
	s28 =	sor.u32 @!p0 $0x1C04, s0  }
0x17: {  	s11 =	simm.s32 $0x9D00;
	s0 =	simm.s32 $0x10A60;
	[dreg:$0x9] =	wrdreg s28  }
.LBB2_4:
0x18: {  	[bflag:$0x0] =	sbarrier.arrive $0xFFFF  }
0x19: {  	s29 =	rddreg [dreg:$0x7]  }
0x1a: {  	s22 =	simm.s32 @!p0 $0x1;
	s2 =	rddreg [dreg:$0x9]  }
0x1b: {  	s24 =	simm.s32 @!p0 $0x4;
	s28 =	simm.s32 @!p0 $0x2;
	s4 =	rddreg [dreg:$0xa]  }
0x1c: {  	[hbm:s29@s24], [sflag:s2] =	dma.strided @!p0 [spmem:s4@s28], $0x2710, s22, $0x2   }
0x1d: {  	_ =	swait.ge @!p0 [sflag:s24], $0x2710  }
0x1e: {  	s8 =	rddreg [dreg:$0xb]  }
0x1f: {  	s29 =	smov.u32 s4;
	s9 =	rddreg [dreg:$0x8];
	s4 =	sadd.s32 $0x1, s8  }
0x20: {  	p1 =	sne.s32 s4, s9  }
.Ltmp1:
0x21: {  	_ = 	snop;
	(pc) =	sbr.rel @!p1 .LBB2_5-.Ltmp1, $3  }
0x22: {  	_ =	sdelay $0x1  }
0x23: {  	[sflag:s24] =	ssyncset.done @!p0 $0x0  }
0x24: {  	s28 =	smov.u32 s2;
	s2 =	simm.s32 $0x0;
	[sflag:s24] =	ssyncadd.s32 @!p0 $0xFFFFD8F0  }
.LBB2_1:
0x25: {  	[dreg:$0xb] =	wrdreg s4  }
0x26: {  	s22 =	rddreg [dreg:$0x4]  }
0x27: {  	[spmem:s29], [sflag:s28] =	dma.local @!p0 [hbm:s22], $0x2710  }
0x28: {  	s22 =	simm.s32 @!p0 $0x4  }
0x29: {  	_ =	swait.ge @!p0 [sflag:s22], $0x2710  }
0x2a: {  	[sflag:s22] =	ssyncset.done @!p0 $0x0  }
0x2b: {  	[sflag:s22] =	ssyncadd.s32 @!p0 $0xFFFFD8F0  }
0x2c: {  	[bflag:$0x0] =	sbarrier.arrive $0xFFFF  }
0x2d: {  	[tilespmem:s2], [sflag:$0x2] =	stream.linear.gather [hbm4b:s5+s2], $0x800, $0x38;
	[tilespmem:$0x1DD50] =	vst v63  }
0x2e: {  	s22 =	simm.s32 $0x1000  }
0x2f: {  	[tilespmem:s22], [sflag:$0x2] =	stream.linear.gather [hbm4b:s6+s2], $0x800, $0x38;
	[tilespmem:$0x1DD50] =	vst v63  }
0x30: {  	_ =	swait.ge [sflag:s15], $0x800  }
0x31: {  	[sflag:s15] =	ssyncset.done $0x0  }
0x32: {  	[sflag:s15] =	ssyncadd.s32 $0xFFFFF800  }
0x33: {  	_ =	swait.ge [sflag:s15], $0x800  }
0x34: {  	[sflag:s15] =	ssyncset.done $0x0  }
0x35: {  	s24 =	simm.s32 $0x2000;
	[sflag:s15] =	ssyncadd.s32 $0xFFFFF800  }
0x36: {  	[tilespmem:s24], [sflag:$0x1] =	stream.indirect.gather [hbm4b:s7+s16], $0x10, s2, s16, $0xb8;
	[tilespmem:$0x1DD50] =	vst v63  }
0x37: {  	s28 =	simm.s32 $0x80;
	s24 =	simm.s32 $0x27D0  }
0x38: {  	[tilespmem:s24], [sflag:$0x1] =	stream.indirect.gather [hbm4b:s7+s16], $0x10, s28, s16, $0xb8;
	[tilespmem:$0x1DD50] =	vst v63  }
0x39: {  	s4 =	simm.s32 $0x2FA0;
	s29 =	simm.s32 $0x100  }
0x3a: {  	[tilespmem:s4], [sflag:$0x1] =	stream.indirect.gather [hbm4b:s7+s16], $0x10, s29, s16, $0xb8;
	[tilespmem:$0x1DD50] =	vst v63  }
0x3b: {  	s8 =	simm.s32 $0x180;
	s9 =	simm.s32 $0x3770  }
0x3c: {  	[tilespmem:s9], [sflag:$0x1] =	stream.indirect.gather [hbm4b:s7+s16], $0x10, s8, s16, $0xb8;
	[tilespmem:$0x1DD50] =	vst v63  }
0x3d: {  	s24 =	simm.s32 $0x200;
	s28 =	simm.s32 $0x3F40  }
0x3e: {  	[tilespmem:s28], [sflag:$0x1] =	stream.indirect.gather [hbm4b:s7+s16], $0x10, s24, s16, $0xb8;
	[tilespmem:$0x1DD50] =	vst v63  }
0x3f: {  	s29 =	simm.s32 $0x280;
	s4 =	simm.s32 $0x4710  }
0x40: {  	[tilespmem:s4], [sflag:$0x1] =	stream.indirect.gather [hbm4b:s7+s16], $0x10, s29, s16, $0xb8;
	[tilespmem:$0x1DD50] =	vst v63  }
0x41: {  	s8 =	simm.s32 $0x300;
	s9 =	simm.s32 $0x4EE0  }
0x42: {  	[tilespmem:s9], [sflag:$0x1] =	stream.indirect.gather [hbm4b:s7+s16], $0x10, s8, s16, $0xb8;
	[tilespmem:$0x1DD50] =	vst v63  }
0x43: {  	s24 =	simm.s32 $0x380;
	s28 =	simm.s32 $0x56B0  }
0x44: {  	[tilespmem:s28], [sflag:$0x1] =	stream.indirect.gather [hbm4b:s7+s16], $0x10, s24, s16, $0xb8;
	[tilespmem:$0x1DD50] =	vst v63  }
0x45: {  	s29 =	simm.s32 $0x400;
	s4 =	simm.s32 $0x5E80  }
0x46: {  	[tilespmem:s4], [sflag:$0x1] =	stream.indirect.gather [hbm4b:s7+s16], $0x10, s29, s16, $0xb8;
	[tilespmem:$0x1DD50] =	vst v63  }
0x47: {  	s8 =	simm.s32 $0x480;
	s9 =	simm.s32 $0x6650  }
0x48: {  	[tilespmem:s9], [sflag:$0x1] =	stream.indirect.gather [hbm4b:s7+s16], $0x10, s8, s16, $0xb8;
	[tilespmem:$0x1DD50] =	vst v63  }
0x49: {  	s24 =	simm.s32 $0x500;
	s28 =	simm.s32 $0x6E20  }
0x4a: {  	[tilespmem:s28], [sflag:$0x1] =	stream.indirect.gather [hbm4b:s7+s16], $0x10, s24, s16, $0xb8;
	[tilespmem:$0x1DD50] =	vst v63  }
0x4b: {  	s29 =	simm.s32 $0x580;
	s4 =	simm.s32 $0x75F0  }
0x4c: {  	[tilespmem:s4], [sflag:$0x1] =	stream.indirect.gather [hbm4b:s7+s16], $0x10, s29, s16, $0xb8;
	[tilespmem:$0x1DD50] =	vst v63  }
0x4d: {  	s8 =	simm.s32 $0x600;
	s9 =	simm.s32 $0x7DC0  }
0x4e: {  	[tilespmem:s9], [sflag:$0x1] =	stream.indirect.gather [hbm4b:s7+s16], $0x10, s8, s16, $0xb8;
	[tilespmem:$0x1DD50] =	vst v63  }
0x4f: {  	s24 =	simm.s32 $0x680;
	s28 =	simm.s32 $0x8590  }
0x50: {  	[tilespmem:s28], [sflag:$0x1] =	stream.indirect.gather [hbm4b:s7+s16], $0x10, s24, s16, $0xb8;
	[tilespmem:$0x1DD50] =	vst v63  }
0x51: {  	s29 =	simm.s32 $0x700;
	s4 =	simm.s32 $0x8D60  }
0x52: {  	[tilespmem:s4], [sflag:$0x1] =	stream.indirect.gather [hbm4b:s7+s16], $0x10, s29, s16, $0xb8;
	[tilespmem:$0x1DD50] =	vst v63  }
0x53: {  	s8 =	simm.s32 $0x780;
	s9 =	simm.s32 $0x9530  }
0x54: {  	[tilespmem:s9], [sflag:$0x1] =	stream.indirect.gather [hbm4b:s7+s16], $0x10, s8, s16, $0xb8;
	[tilespmem:$0x1DD50] =	vst v63  }
0x55: {  	s28 =	rddreg [dreg:$0x5];
	s8 =	simm.s32 $0x800  }
0x56: {  	[tilespmem:s8], [sflag:$0x2] =	stream.linear.gather [hbm4b:s28+s2], $0x800, $0x38;
	[tilespmem:$0x1DD50] =	vst v63  }
0x57: {  	s22 =	simm.s32 $0xFFFFD000;
	s29 =	rddreg [dreg:$0x6];
	s9 =	simm.s32 $0x1800  }
0x58: {  	[tilespmem:s9], [sflag:$0x2] =	stream.linear.gather [hbm4b:s29+s2], $0x800, $0x38;
	[tilespmem:$0x1DD50] =	vst v63  }
.LBB2_2:
0x59: {  	_ =	swait.ge [sflag:s15], $0x800  }
0x5a: {  	[sflag:s15] =	ssyncset.done $0x0  }
0x5b: {  	[sflag:s15] =	ssyncadd.s32 $0xFFFFF800  }
0x5c: {  	_ =	swait.ge [sflag:s15], $0x800  }
0x5d: {  	[sflag:s15] =	ssyncset.done $0x0  }
0x5e: {  	[sflag:s15] =	ssyncadd.s32 $0xFFFFF800  }
0x5f: {  	[tilespmem:s11], [sflag:$0x1] =	stream.indirect.gather [hbm4b:s7+s16], $0x10, s8, s16, $0xb8;
	[tilespmem:$0x1DD50] =	vst v63  }
0x60: {  	s29 =	simm.s32 $0x880  }
0x61: {  	[tilespmem:s13], [sflag:$0x1] =	stream.indirect.gather [hbm4b:s7+s16], $0x10, s29, s16, $0xb8;
	[tilespmem:$0x1DD50] =	vst v63  }
0x62: {  	s4 =	simm.s32 $0x900  }
0x63: {  	[tilespmem:s17], [sflag:$0x1] =	stream.indirect.gather [hbm4b:s7+s16], $0x10, s4, s16, $0xb8;
	[tilespmem:$0x1DD50] =	vst v63  }
0x64: {  	s24 =	simm.s32 $0x980  }
0x65: {  	[tilespmem:s21], [sflag:$0x1] =	stream.indirect.gather [hbm4b:s7+s16], $0x10, s24, s16, $0xb8;
	[tilespmem:$0x1DD50] =	vst v63  }
0x66: {  	s28 =	simm.s32 $0xA00  }
0x67: {  	[tilespmem:s25], [sflag:$0x1] =	stream.indirect.gather [hbm4b:s7+s16], $0x10, s28, s16, $0xb8;
	[tilespmem:$0x1DD50] =	vst v63  }
0x68: {  	s29 =	simm.s32 $0xA80  }
0x69: {  	[tilespmem:s30], [sflag:$0x1] =	stream.indirect.gather [hbm4b:s7+s16], $0x10, s29, s16, $0xb8;
	[tilespmem:$0x1DD50] =	vst v63  }
0x6a: {  	s4 =	simm.s32 $0xB00  }
0x6b: {  	[tilespmem:s18], [sflag:$0x1] =	stream.indirect.gather [hbm4b:s7+s16], $0x10, s4, s16, $0xb8;
	[tilespmem:$0x1DD50] =	vst v63  }
0x6c: {  	s24 =	simm.s32 $0xB80  }
0x6d: {  	[tilespmem:s10], [sflag:$0x1] =	stream.indirect.gather [hbm4b:s7+s16], $0x10, s24, s16, $0xb8;
	[tilespmem:$0x1DD50] =	vst v63  }
0x6e: {  	s28 =	simm.s32 $0xC00  }
0x6f: {  	[tilespmem:s12], [sflag:$0x1] =	stream.indirect.gather [hbm4b:s7+s16], $0x10, s28, s16, $0xb8;
	[tilespmem:$0x1DD50] =	vst v63  }
0x70: {  	s29 =	simm.s32 $0xC80  }
0x71: {  	[tilespmem:s14], [sflag:$0x1] =	stream.indirect.gather [hbm4b:s7+s16], $0x10, s29, s16, $0xb8;
	[tilespmem:$0x1DD50] =	vst v63  }
0x72: {  	s4 =	simm.s32 $0xD00  }
0x73: {  	[tilespmem:s19], [sflag:$0x1] =	stream.indirect.gather [hbm4b:s7+s16], $0x10, s4, s16, $0xb8;
	[tilespmem:$0x1DD50] =	vst v63  }
0x74: {  	s24 =	simm.s32 $0xD80  }
0x75: {  	[tilespmem:s23], [sflag:$0x1] =	stream.indirect.gather [hbm4b:s7+s16], $0x10, s24, s16, $0xb8;
	[tilespmem:$0x1DD50] =	vst v63  }
0x76: {  	s28 =	simm.s32 $0xE00;
	s4 =	simm.s32 $0xFAC0  }
0x77: {  	[tilespmem:s4], [sflag:$0x1] =	stream.indirect.gather [hbm4b:s7+s16], $0x10, s28, s16, $0xb8;
	[tilespmem:$0x1DD50] =	vst v63  }
0x78: {  	s29 =	simm.s32 $0xE80  }
0x79: {  	[tilespmem:s3], [sflag:$0x1] =	stream.indirect.gather [hbm4b:s7+s16], $0x10, s29, s16, $0xb8;
	[tilespmem:$0x1DD50] =	vst v63  }
0x7a: {  	s24 =	simm.s32 $0xF00  }
0x7b: {  	[tilespmem:s0], [sflag:$0x1] =	stream.indirect.gather [hbm4b:s7+s16], $0x10, s24, s16, $0xb8;
	[tilespmem:$0x1DD50] =	vst v63  }
0x7c: {  	s28 =	simm.s32 $0xF80  }
0x7d: {  	[tilespmem:s26], [sflag:$0x1] =	stream.indirect.gather [hbm4b:s7+s16], $0x10, s28, s16, $0xb8;
	[tilespmem:$0x1DD50] =	vst v63  }
0x7e: {  	_ =	swait.ge [sflag:s31], $0x7D0  }
0x7f: {  	[sflag:s31] =	ssyncset.done $0x0  }
0x80: {  	[sflag:s31] =	ssyncadd.s32 $0xFFFFF830  }
0x81: {  	_ =	swait.ge [sflag:s31], $0x7D0  }
0x82: {  	[sflag:s31] =	ssyncset.done $0x0  }
0x83: {  	[sflag:s31] =	ssyncadd.s32 $0xFFFFF830  }
0x84: {  	_ =	swait.ge [sflag:s31], $0x7D0  }
0x85: {  	[sflag:s31] =	ssyncset.done $0x0  }
0x86: {  	[sflag:s31] =	ssyncadd.s32 $0xFFFFF830  }
0x87: {  	_ =	swait.ge [sflag:s31], $0x7D0  }
0x88: {  	[sflag:s31] =	ssyncset.done $0x0  }
0x89: {  	[sflag:s31] =	ssyncadd.s32 $0xFFFFF830  }
0x8a: {  	_ =	swait.ge [sflag:s31], $0x7D0  }
0x8b: {  	[sflag:s31] =	ssyncset.done $0x0  }
0x8c: {  	[sflag:s31] =	ssyncadd.s32 $0xFFFFF830  }
0x8d: {  	_ =	swait.ge [sflag:s31], $0x7D0  }
0x8e: {  	[sflag:s31] =	ssyncset.done $0x0  }
0x8f: {  	[sflag:s31] =	ssyncadd.s32 $0xFFFFF830  }
0x90: {  	_ =	swait.ge [sflag:s31], $0x7D0  }
0x91: {  	[sflag:s31] =	ssyncset.done $0x0  }
0x92: {  	[sflag:s31] =	ssyncadd.s32 $0xFFFFF830  }
0x93: {  	_ =	swait.ge [sflag:s31], $0x7D0  }
0x94: {  	[sflag:s31] =	ssyncset.done $0x0  }
0x95: {  	[sflag:s31] =	ssyncadd.s32 $0xFFFFF830  }
0x96: {  	_ =	swait.ge [sflag:s31], $0x7D0  }
0x97: {  	[sflag:s31] =	ssyncset.done $0x0  }
0x98: {  	[sflag:s31] =	ssyncadd.s32 $0xFFFFF830  }
0x99: {  	_ =	swait.ge [sflag:s31], $0x7D0  }
0x9a: {  	[sflag:s31] =	ssyncset.done $0x0  }
0x9b: {  	[sflag:s31] =	ssyncadd.s32 $0xFFFFF830  }
0x9c: {  	_ =	swait.ge [sflag:s31], $0x7D0  }
0x9d: {  	[sflag:s31] =	ssyncset.done $0x0  }
0x9e: {  	[sflag:s31] =	ssyncadd.s32 $0xFFFFF830  }
0x9f: {  	_ =	swait.ge [sflag:s31], $0x7D0  }
0xa0: {  	[sflag:s31] =	ssyncset.done $0x0  }
0xa1: {  	[sflag:s31] =	ssyncadd.s32 $0xFFFFF830  }
0xa2: {  	_ =	swait.ge [sflag:s31], $0x7D0  }
0xa3: {  	[sflag:s31] =	ssyncset.done $0x0  }
0xa4: {  	[sflag:s31] =	ssyncadd.s32 $0xFFFFF830  }
0xa5: {  	_ =	swait.ge [sflag:s31], $0x7D0  }
0xa6: {  	[sflag:s31] =	ssyncset.done $0x0  }
0xa7: {  	[sflag:s31] =	ssyncadd.s32 $0xFFFFF830  }
0xa8: {  	_ =	swait.ge [sflag:s31], $0x7D0  }
0xa9: {  	[sflag:s31] =	ssyncset.done $0x0  }
0xaa: {  	[sflag:s31] =	ssyncadd.s32 $0xFFFFF830  }
0xab: {  	_ =	swait.ge [sflag:s31], $0x7D0  }
0xac: {  	[sflag:s31] =	ssyncset.done $0x0  }
0xad: {  	s29 =	simm.s32 $0x1000;
	s24 =	simm.s32 $0x2000;
	[sflag:s31] =	ssyncadd.s32 $0xFFFFF830  }
0xae: {  	[spmem:s1] =	stream.indirect.scatter.add.f32 [tilespmem:s24], [sflag:$0x3], $0x10, s29, s16, $0xb8;
	[tilespmem:$0x1DD50] =	vst v63  }
0xaf: {  	s28 =	simm.s32 $0x27D0;
	s29 =	simm.s32 $0x1080  }
0xb0: {  	[spmem:s1] =	stream.indirect.scatter.add.f32 [tilespmem:s28], [sflag:$0x3], $0x10, s29, s16, $0xb8;
	[tilespmem:$0x1DD50] =	vst v63  }
0xb1: {  	s28 =	simm.s32 $0x2FA0;
	s29 =	simm.s32 $0x1100  }
0xb2: {  	[spmem:s1] =	stream.indirect.scatter.add.f32 [tilespmem:s28], [sflag:$0x3], $0x10, s29, s16, $0xb8;
	[tilespmem:$0x1DD50] =	vst v63  }
0xb3: {  	s28 =	simm.s32 $0x3770;
	s29 =	simm.s32 $0x1180  }
0xb4: {  	[spmem:s1] =	stream.indirect.scatter.add.f32 [tilespmem:s28], [sflag:$0x3], $0x10, s29, s16, $0xb8;
	[tilespmem:$0x1DD50] =	vst v63  }
0xb5: {  	s28 =	simm.s32 $0x3F40;
	s29 =	simm.s32 $0x1200  }
0xb6: {  	[spmem:s1] =	stream.indirect.scatter.add.f32 [tilespmem:s28], [sflag:$0x3], $0x10, s29, s16, $0xb8;
	[tilespmem:$0x1DD50] =	vst v63  }
0xb7: {  	s28 =	simm.s32 $0x4710;
	s29 =	simm.s32 $0x1280  }
0xb8: {  	[spmem:s1] =	stream.indirect.scatter.add.f32 [tilespmem:s28], [sflag:$0x3], $0x10, s29, s16, $0xb8;
	[tilespmem:$0x1DD50] =	vst v63  }
0xb9: {  	s28 =	simm.s32 $0x4EE0;
	s29 =	simm.s32 $0x1300  }
0xba: {  	[spmem:s1] =	stream.indirect.scatter.add.f32 [tilespmem:s28], [sflag:$0x3], $0x10, s29, s16, $0xb8;
	[tilespmem:$0x1DD50] =	vst v63  }
0xbb: {  	s28 =	simm.s32 $0x56B0;
	s29 =	simm.s32 $0x1380  }
0xbc: {  	[spmem:s1] =	stream.indirect.scatter.add.f32 [tilespmem:s28], [sflag:$0x3], $0x10, s29, s16, $0xb8;
	[tilespmem:$0x1DD50] =	vst v63  }
0xbd: {  	s28 =	simm.s32 $0x5E80;
	s29 =	simm.s32 $0x1400  }
0xbe: {  	[spmem:s1] =	stream.indirect.scatter.add.f32 [tilespmem:s28], [sflag:$0x3], $0x10, s29, s16, $0xb8;
	[tilespmem:$0x1DD50] =	vst v63  }
0xbf: {  	s28 =	simm.s32 $0x6650;
	s29 =	simm.s32 $0x1480  }
0xc0: {  	[spmem:s1] =	stream.indirect.scatter.add.f32 [tilespmem:s28], [sflag:$0x3], $0x10, s29, s16, $0xb8;
	[tilespmem:$0x1DD50] =	vst v63  }
0xc1: {  	s28 =	simm.s32 $0x6E20;
	s29 =	simm.s32 $0x1500  }
0xc2: {  	[spmem:s1] =	stream.indirect.scatter.add.f32 [tilespmem:s28], [sflag:$0x3], $0x10, s29, s16, $0xb8;
	[tilespmem:$0x1DD50] =	vst v63  }
0xc3: {  	s28 =	simm.s32 $0x75F0;
	s29 =	simm.s32 $0x1580  }
0xc4: {  	[spmem:s1] =	stream.indirect.scatter.add.f32 [tilespmem:s28], [sflag:$0x3], $0x10, s29, s16, $0xb8;
	[tilespmem:$0x1DD50] =	vst v63  }
0xc5: {  	s28 =	simm.s32 $0x7DC0;
	s29 =	simm.s32 $0x1600  }
0xc6: {  	[spmem:s1] =	stream.indirect.scatter.add.f32 [tilespmem:s28], [sflag:$0x3], $0x10, s29, s16, $0xb8;
	[tilespmem:$0x1DD50] =	vst v63  }
0xc7: {  	s28 =	simm.s32 $0x8590;
	s29 =	simm.s32 $0x1680  }
0xc8: {  	[spmem:s1] =	stream.indirect.scatter.add.f32 [tilespmem:s28], [sflag:$0x3], $0x10, s29, s16, $0xb8;
	[tilespmem:$0x1DD50] =	vst v63  }
0xc9: {  	s28 =	simm.s32 $0x8D60;
	s29 =	simm.s32 $0x1700  }
0xca: {  	[spmem:s1] =	stream.indirect.scatter.add.f32 [tilespmem:s28], [sflag:$0x3], $0x10, s29, s16, $0xb8;
	[tilespmem:$0x1DD50] =	vst v63  }
0xcb: {  	s28 =	simm.s32 $0x9530;
	s29 =	simm.s32 $0x1780  }
0xcc: {  	[spmem:s1] =	stream.indirect.scatter.add.f32 [tilespmem:s28], [sflag:$0x3], $0x10, s29, s16, $0xb8;
	[tilespmem:$0x1DD50] =	vst v63  }
0xcd: {  	_ =	swait.ge [sflag:s20], $0x7D0  }
0xce: {  	[sflag:s20] =	ssyncset.done $0x0  }
0xcf: {  	[sflag:s20] =	ssyncadd.s32 $0xFFFFF830  }
0xd0: {  	_ =	swait.ge [sflag:s20], $0x7D0  }
0xd1: {  	[sflag:s20] =	ssyncset.done $0x0  }
0xd2: {  	[sflag:s20] =	ssyncadd.s32 $0xFFFFF830  }
0xd3: {  	_ =	swait.ge [sflag:s20], $0x7D0  }
0xd4: {  	[sflag:s20] =	ssyncset.done $0x0  }
0xd5: {  	[sflag:s20] =	ssyncadd.s32 $0xFFFFF830  }
0xd6: {  	_ =	swait.ge [sflag:s20], $0x7D0  }
0xd7: {  	[sflag:s20] =	ssyncset.done $0x0  }
0xd8: {  	[sflag:s20] =	ssyncadd.s32 $0xFFFFF830  }
0xd9: {  	_ =	swait.ge [sflag:s20], $0x7D0  }
0xda: {  	[sflag:s20] =	ssyncset.done $0x0  }
0xdb: {  	[sflag:s20] =	ssyncadd.s32 $0xFFFFF830  }
0xdc: {  	_ =	swait.ge [sflag:s20], $0x7D0  }
0xdd: {  	[sflag:s20] =	ssyncset.done $0x0  }
0xde: {  	[sflag:s20] =	ssyncadd.s32 $0xFFFFF830  }
0xdf: {  	_ =	swait.ge [sflag:s20], $0x7D0  }
0xe0: {  	[sflag:s20] =	ssyncset.done $0x0  }
0xe1: {  	[sflag:s20] =	ssyncadd.s32 $0xFFFFF830  }
0xe2: {  	_ =	swait.ge [sflag:s20], $0x7D0  }
0xe3: {  	[sflag:s20] =	ssyncset.done $0x0  }
0xe4: {  	[sflag:s20] =	ssyncadd.s32 $0xFFFFF830  }
0xe5: {  	_ =	swait.ge [sflag:s20], $0x7D0  }
0xe6: {  	[sflag:s20] =	ssyncset.done $0x0  }
0xe7: {  	[sflag:s20] =	ssyncadd.s32 $0xFFFFF830  }
0xe8: {  	_ =	swait.ge [sflag:s20], $0x7D0  }
0xe9: {  	[sflag:s20] =	ssyncset.done $0x0  }
0xea: {  	[sflag:s20] =	ssyncadd.s32 $0xFFFFF830  }
0xeb: {  	_ =	swait.ge [sflag:s20], $0x7D0  }
0xec: {  	[sflag:s20] =	ssyncset.done $0x0  }
0xed: {  	[sflag:s20] =	ssyncadd.s32 $0xFFFFF830  }
0xee: {  	_ =	swait.ge [sflag:s20], $0x7D0  }
0xef: {  	[sflag:s20] =	ssyncset.done $0x0  }
0xf0: {  	[sflag:s20] =	ssyncadd.s32 $0xFFFFF830  }
0xf1: {  	_ =	swait.ge [sflag:s20], $0x7D0  }
0xf2: {  	[sflag:s20] =	ssyncset.done $0x0  }
0xf3: {  	[sflag:s20] =	ssyncadd.s32 $0xFFFFF830  }
0xf4: {  	_ =	swait.ge [sflag:s20], $0x7D0  }
0xf5: {  	[sflag:s20] =	ssyncset.done $0x0  }
0xf6: {  	[sflag:s20] =	ssyncadd.s32 $0xFFFFF830  }
0xf7: {  	_ =	swait.ge [sflag:s20], $0x7D0  }
0xf8: {  	[sflag:s20] =	ssyncset.done $0x0  }
0xf9: {  	[sflag:s20] =	ssyncadd.s32 $0xFFFFF830  }
0xfa: {  	p1 =	seq.s32 s22, $0x0;
	_ =	swait.ge [sflag:s20], $0x7D0  }
0xfb: {  	s29 =	sadd.s32 @!p1 s22, s5;
	[sflag:s20] =	ssyncset.done $0x0  }
0xfc: {  	s24 =	simm.s32 @!p1 $0x0;
	s29 =	sadd.s32 @!p1 $0x3200, s29;
	[sflag:s20] =	ssyncadd.s32 $0xFFFFF830  }
0xfd: {  	[tilespmem:s24], [sflag:$0x2] =	stream.linear.gather @!p1 [hbm4b:s29+s24], $0x800, $0x38;
	[tilespmem:$0x1DD50] =	vst v63  }
0xfe: {  	s29 =	sadd.s32 @!p1 s22, s6  }
0xff: {  	s28 =	simm.s32 @!p1 $0x1000;
	s29 =	sadd.s32 @!p1 $0x3200, s29  }
0x100: {  	[tilespmem:s28], [sflag:$0x2] =	stream.linear.gather @!p1 [hbm4b:s29+s24], $0x800, $0x38;
	[tilespmem:$0x1DD50] =	vst v63  }
0x101: {  	s28 =	simm.s32 @!p1 $0x2  }
0x102: {  	_ =	swait.ge @!p1 [sflag:s28], $0x800  }
0x103: {  	[sflag:s28] =	ssyncset.done @!p1 $0x0  }
0x104: {  	[sflag:s28] =	ssyncadd.s32 @!p1 $0xFFFFF800  }
0x105: {  	_ =	swait.ge @!p1 [sflag:s28], $0x800  }
0x106: {  	[sflag:s28] =	ssyncset.done @!p1 $0x0  }
0x107: {  	s29 =	simm.s32 @!p1 $0x2000;
	[sflag:s28] =	ssyncadd.s32 @!p1 $0xFFFFF800;
	s28 =	simm.s32 @!p1 $0x7D  }
0x108: {  	[tilespmem:s29], [sflag:$0x1] =	stream.indirect.gather @!p1 [hbm4b:s7+s28], $0x10, s24, s28, $0xb8;
	[tilespmem:$0x1DD50] =	vst v63  }
0x109: {  	s24 =	simm.s32 @!p1 $0x80;
	s29 =	simm.s32 @!p1 $0x27D0  }
0x10a: {  	[tilespmem:s29], [sflag:$0x1] =	stream.indirect.gather @!p1 [hbm4b:s7+s28], $0x10, s24, s28, $0xb8;
	[tilespmem:$0x1DD50] =	vst v63  }
0x10b: {  	s24 =	simm.s32 @!p1 $0x100;
	s29 =	simm.s32 @!p1 $0x2FA0  }
0x10c: {  	[tilespmem:s29], [sflag:$0x1] =	stream.indirect.gather @!p1 [hbm4b:s7+s28], $0x10, s24, s28, $0xb8;
	[tilespmem:$0x1DD50] =	vst v63  }
0x10d: {  	s24 =	simm.s32 @!p1 $0x180;
	s29 =	simm.s32 @!p1 $0x3770  }
0x10e: {  	[tilespmem:s29], [sflag:$0x1] =	stream.indirect.gather @!p1 [hbm4b:s7+s28], $0x10, s24, s28, $0xb8;
	[tilespmem:$0x1DD50] =	vst v63  }
0x10f: {  	s24 =	simm.s32 @!p1 $0x200;
	s29 =	simm.s32 @!p1 $0x3F40  }
0x110: {  	[tilespmem:s29], [sflag:$0x1] =	stream.indirect.gather @!p1 [hbm4b:s7+s28], $0x10, s24, s28, $0xb8;
	[tilespmem:$0x1DD50] =	vst v63  }
0x111: {  	s24 =	simm.s32 @!p1 $0x280;
	s29 =	simm.s32 @!p1 $0x4710  }
0x112: {  	[tilespmem:s29], [sflag:$0x1] =	stream.indirect.gather @!p1 [hbm4b:s7+s28], $0x10, s24, s28, $0xb8;
	[tilespmem:$0x1DD50] =	vst v63  }
0x113: {  	s24 =	simm.s32 @!p1 $0x300;
	s29 =	simm.s32 @!p1 $0x4EE0  }
0x114: {  	[tilespmem:s29], [sflag:$0x1] =	stream.indirect.gather @!p1 [hbm4b:s7+s28], $0x10, s24, s28, $0xb8;
	[tilespmem:$0x1DD50] =	vst v63  }
0x115: {  	s24 =	simm.s32 @!p1 $0x380;
	s29 =	simm.s32 @!p1 $0x56B0  }
0x116: {  	[tilespmem:s29], [sflag:$0x1] =	stream.indirect.gather @!p1 [hbm4b:s7+s28], $0x10, s24, s28, $0xb8;
	[tilespmem:$0x1DD50] =	vst v63  }
0x117: {  	s24 =	simm.s32 @!p1 $0x400;
	s29 =	simm.s32 @!p1 $0x5E80  }
0x118: {  	[tilespmem:s29], [sflag:$0x1] =	stream.indirect.gather @!p1 [hbm4b:s7+s28], $0x10, s24, s28, $0xb8;
	[tilespmem:$0x1DD50] =	vst v63  }
0x119: {  	s24 =	simm.s32 @!p1 $0x480;
	s29 =	simm.s32 @!p1 $0x6650  }
0x11a: {  	[tilespmem:s29], [sflag:$0x1] =	stream.indirect.gather @!p1 [hbm4b:s7+s28], $0x10, s24, s28, $0xb8;
	[tilespmem:$0x1DD50] =	vst v63  }
0x11b: {  	s24 =	simm.s32 @!p1 $0x500;
	s29 =	simm.s32 @!p1 $0x6E20  }
0x11c: {  	[tilespmem:s29], [sflag:$0x1] =	stream.indirect.gather @!p1 [hbm4b:s7+s28], $0x10, s24, s28, $0xb8;
	[tilespmem:$0x1DD50] =	vst v63  }
0x11d: {  	s24 =	simm.s32 @!p1 $0x580;
	s29 =	simm.s32 @!p1 $0x75F0  }
0x11e: {  	[tilespmem:s29], [sflag:$0x1] =	stream.indirect.gather @!p1 [hbm4b:s7+s28], $0x10, s24, s28, $0xb8;
	[tilespmem:$0x1DD50] =	vst v63  }
0x11f: {  	s24 =	simm.s32 @!p1 $0x600;
	s29 =	simm.s32 @!p1 $0x7DC0  }
0x120: {  	[tilespmem:s29], [sflag:$0x1] =	stream.indirect.gather @!p1 [hbm4b:s7+s28], $0x10, s24, s28, $0xb8;
	[tilespmem:$0x1DD50] =	vst v63  }
0x121: {  	s24 =	simm.s32 @!p1 $0x680;
	s29 =	simm.s32 @!p1 $0x8590  }
0x122: {  	[tilespmem:s29], [sflag:$0x1] =	stream.indirect.gather @!p1 [hbm4b:s7+s28], $0x10, s24, s28, $0xb8;
	[tilespmem:$0x1DD50] =	vst v63  }
0x123: {  	s24 =	simm.s32 @!p1 $0x700;
	s29 =	simm.s32 @!p1 $0x8D60  }
0x124: {  	[tilespmem:s29], [sflag:$0x1] =	stream.indirect.gather @!p1 [hbm4b:s7+s28], $0x10, s24, s28, $0xb8;
	[tilespmem:$0x1DD50] =	vst v63  }
0x125: {  	s24 =	simm.s32 @!p1 $0x780;
	s29 =	simm.s32 @!p1 $0x9530  }
0x126: {  	[tilespmem:s29], [sflag:$0x1] =	stream.indirect.gather @!p1 [hbm4b:s7+s28], $0x10, s24, s28, $0xb8;
	[tilespmem:$0x1DD50] =	vst v63  }
0x127: {  	_ =	swait.ge [sflag:s31], $0x7D0  }
0x128: {  	[sflag:s31] =	ssyncset.done $0x0  }
0x129: {  	[sflag:s31] =	ssyncadd.s32 $0xFFFFF830  }
0x12a: {  	_ =	swait.ge [sflag:s31], $0x7D0  }
0x12b: {  	[sflag:s31] =	ssyncset.done $0x0  }
0x12c: {  	[sflag:s31] =	ssyncadd.s32 $0xFFFFF830  }
0x12d: {  	_ =	swait.ge [sflag:s31], $0x7D0  }
0x12e: {  	[sflag:s31] =	ssyncset.done $0x0  }
0x12f: {  	[sflag:s31] =	ssyncadd.s32 $0xFFFFF830  }
0x130: {  	_ =	swait.ge [sflag:s31], $0x7D0  }
0x131: {  	[sflag:s31] =	ssyncset.done $0x0  }
0x132: {  	[sflag:s31] =	ssyncadd.s32 $0xFFFFF830  }
0x133: {  	_ =	swait.ge [sflag:s31], $0x7D0  }
0x134: {  	[sflag:s31] =	ssyncset.done $0x0  }
0x135: {  	[sflag:s31] =	ssyncadd.s32 $0xFFFFF830  }
0x136: {  	_ =	swait.ge [sflag:s31], $0x7D0  }
0x137: {  	[sflag:s31] =	ssyncset.done $0x0  }
0x138: {  	[sflag:s31] =	ssyncadd.s32 $0xFFFFF830  }
0x139: {  	_ =	swait.ge [sflag:s31], $0x7D0  }
0x13a: {  	[sflag:s31] =	ssyncset.done $0x0  }
0x13b: {  	[sflag:s31] =	ssyncadd.s32 $0xFFFFF830  }
0x13c: {  	_ =	swait.ge [sflag:s31], $0x7D0  }
0x13d: {  	[sflag:s31] =	ssyncset.done $0x0  }
0x13e: {  	[sflag:s31] =	ssyncadd.s32 $0xFFFFF830  }
0x13f: {  	_ =	swait.ge [sflag:s31], $0x7D0  }
0x140: {  	[sflag:s31] =	ssyncset.done $0x0  }
0x141: {  	[sflag:s31] =	ssyncadd.s32 $0xFFFFF830  }
0x142: {  	_ =	swait.ge [sflag:s31], $0x7D0  }
0x143: {  	[sflag:s31] =	ssyncset.done $0x0  }
0x144: {  	[sflag:s31] =	ssyncadd.s32 $0xFFFFF830  }
0x145: {  	_ =	swait.ge [sflag:s31], $0x7D0  }
0x146: {  	[sflag:s31] =	ssyncset.done $0x0  }
0x147: {  	[sflag:s31] =	ssyncadd.s32 $0xFFFFF830  }
0x148: {  	_ =	swait.ge [sflag:s31], $0x7D0  }
0x149: {  	[sflag:s31] =	ssyncset.done $0x0  }
0x14a: {  	[sflag:s31] =	ssyncadd.s32 $0xFFFFF830  }
0x14b: {  	_ =	swait.ge [sflag:s31], $0x7D0  }
0x14c: {  	[sflag:s31] =	ssyncset.done $0x0  }
0x14d: {  	[sflag:s31] =	ssyncadd.s32 $0xFFFFF830  }
0x14e: {  	_ =	swait.ge [sflag:s31], $0x7D0  }
0x14f: {  	[sflag:s31] =	ssyncset.done $0x0  }
0x150: {  	[sflag:s31] =	ssyncadd.s32 $0xFFFFF830  }
0x151: {  	_ =	swait.ge [sflag:s31], $0x7D0  }
0x152: {  	[sflag:s31] =	ssyncset.done $0x0  }
0x153: {  	[sflag:s31] =	ssyncadd.s32 $0xFFFFF830  }
0x154: {  	_ =	swait.ge [sflag:s31], $0x7D0  }
0x155: {  	[sflag:s31] =	ssyncset.done $0x0  }
0x156: {  	[sflag:s31] =	ssyncadd.s32 $0xFFFFF830  }
0x157: {  	[spmem:s1] =	stream.indirect.scatter.add.f32 [tilespmem:s11], [sflag:$0x3], $0x10, s9, s16, $0xb8;
	[tilespmem:$0x1DD50] =	vst v63  }
0x158: {  	s24 =	simm.s32 $0x1880  }
0x159: {  	[spmem:s1] =	stream.indirect.scatter.add.f32 [tilespmem:s13], [sflag:$0x3], $0x10, s24, s16, $0xb8;
	[tilespmem:$0x1DD50] =	vst v63  }
0x15a: {  	s28 =	simm.s32 $0x1900  }
0x15b: {  	[spmem:s1] =	stream.indirect.scatter.add.f32 [tilespmem:s17], [sflag:$0x3], $0x10, s28, s16, $0xb8;
	[tilespmem:$0x1DD50] =	vst v63  }
0x15c: {  	s29 =	simm.s32 $0x1980  }
0x15d: {  	[spmem:s1] =	stream.indirect.scatter.add.f32 [tilespmem:s21], [sflag:$0x3], $0x10, s29, s16, $0xb8;
	[tilespmem:$0x1DD50] =	vst v63  }
0x15e: {  	s24 =	simm.s32 $0x1A00  }
0x15f: {  	[spmem:s1] =	stream.indirect.scatter.add.f32 [tilespmem:s25], [sflag:$0x3], $0x10, s24, s16, $0xb8;
	[tilespmem:$0x1DD50] =	vst v63  }
0x160: {  	s28 =	simm.s32 $0x1A80  }
0x161: {  	[spmem:s1] =	stream.indirect.scatter.add.f32 [tilespmem:s30], [sflag:$0x3], $0x10, s28, s16, $0xb8;
	[tilespmem:$0x1DD50] =	vst v63  }
0x162: {  	s29 =	simm.s32 $0x1B00  }
0x163: {  	[spmem:s1] =	stream.indirect.scatter.add.f32 [tilespmem:s18], [sflag:$0x3], $0x10, s29, s16, $0xb8;
	[tilespmem:$0x1DD50] =	vst v63  }
0x164: {  	s24 =	simm.s32 $0x1B80  }
0x165: {  	[spmem:s1] =	stream.indirect.scatter.add.f32 [tilespmem:s10], [sflag:$0x3], $0x10, s24, s16, $0xb8;
	[tilespmem:$0x1DD50] =	vst v63  }
0x166: {  	s28 =	simm.s32 $0x1C00  }
0x167: {  	[spmem:s1] =	stream.indirect.scatter.add.f32 [tilespmem:s12], [sflag:$0x3], $0x10, s28, s16, $0xb8;
	[tilespmem:$0x1DD50] =	vst v63  }
0x168: {  	s29 =	simm.s32 $0x1C80  }
0x169: {  	[spmem:s1] =	stream.indirect.scatter.add.f32 [tilespmem:s14], [sflag:$0x3], $0x10, s29, s16, $0xb8;
	[tilespmem:$0x1DD50] =	vst v63  }
0x16a: {  	s24 =	simm.s32 $0x1D00  }
0x16b: {  	[spmem:s1] =	stream.indirect.scatter.add.f32 [tilespmem:s19], [sflag:$0x3], $0x10, s24, s16, $0xb8;
	[tilespmem:$0x1DD50] =	vst v63  }
0x16c: {  	s28 =	simm.s32 $0x1D80  }
0x16d: {  	[spmem:s1] =	stream.indirect.scatter.add.f32 [tilespmem:s23], [sflag:$0x3], $0x10, s28, s16, $0xb8;
	[tilespmem:$0x1DD50] =	vst v63  }
0x16e: {  	s29 =	simm.s32 $0x1E00  }
0x16f: {  	[spmem:s1] =	stream.indirect.scatter.add.f32 [tilespmem:s4], [sflag:$0x3], $0x10, s29, s16, $0xb8;
	[tilespmem:$0x1DD50] =	vst v63  }
0x170: {  	s24 =	simm.s32 $0x1E80  }
0x171: {  	[spmem:s1] =	stream.indirect.scatter.add.f32 [tilespmem:s3], [sflag:$0x3], $0x10, s24, s16, $0xb8;
	[tilespmem:$0x1DD50] =	vst v63  }
0x172: {  	s28 =	simm.s32 $0x1F00  }
0x173: {  	[spmem:s1] =	stream.indirect.scatter.add.f32 [tilespmem:s0], [sflag:$0x3], $0x10, s28, s16, $0xb8;
	[tilespmem:$0x1DD50] =	vst v63  }
0x174: {  	s29 =	simm.s32 $0x1F80  }
0x175: {  	[spmem:s1] =	stream.indirect.scatter.add.f32 [tilespmem:s26], [sflag:$0x3], $0x10, s29, s16, $0xb8;
	[tilespmem:$0x1DD50] =	vst v63  }
0x176: {  	_ =	swait.ge [sflag:s20], $0x7D0  }
0x177: {  	[sflag:s20] =	ssyncset.done $0x0  }
0x178: {  	[sflag:s20] =	ssyncadd.s32 $0xFFFFF830  }
0x179: {  	_ =	swait.ge [sflag:s20], $0x7D0  }
0x17a: {  	[sflag:s20] =	ssyncset.done $0x0  }
0x17b: {  	[sflag:s20] =	ssyncadd.s32 $0xFFFFF830  }
0x17c: {  	_ =	swait.ge [sflag:s20], $0x7D0  }
0x17d: {  	[sflag:s20] =	ssyncset.done $0x0  }
0x17e: {  	[sflag:s20] =	ssyncadd.s32 $0xFFFFF830  }
0x17f: {  	_ =	swait.ge [sflag:s20], $0x7D0  }
0x180: {  	[sflag:s20] =	ssyncset.done $0x0  }
0x181: {  	[sflag:s20] =	ssyncadd.s32 $0xFFFFF830  }
0x182: {  	_ =	swait.ge [sflag:s20], $0x7D0  }
0x183: {  	[sflag:s20] =	ssyncset.done $0x0  }
0x184: {  	[sflag:s20] =	ssyncadd.s32 $0xFFFFF830  }
0x185: {  	_ =	swait.ge [sflag:s20], $0x7D0  }
0x186: {  	[sflag:s20] =	ssyncset.done $0x0  }
0x187: {  	[sflag:s20] =	ssyncadd.s32 $0xFFFFF830  }
0x188: {  	_ =	swait.ge [sflag:s20], $0x7D0  }
0x189: {  	[sflag:s20] =	ssyncset.done $0x0  }
0x18a: {  	[sflag:s20] =	ssyncadd.s32 $0xFFFFF830  }
0x18b: {  	_ =	swait.ge [sflag:s20], $0x7D0  }
0x18c: {  	[sflag:s20] =	ssyncset.done $0x0  }
0x18d: {  	[sflag:s20] =	ssyncadd.s32 $0xFFFFF830  }
0x18e: {  	_ =	swait.ge [sflag:s20], $0x7D0  }
0x18f: {  	[sflag:s20] =	ssyncset.done $0x0  }
0x190: {  	[sflag:s20] =	ssyncadd.s32 $0xFFFFF830  }
0x191: {  	_ =	swait.ge [sflag:s20], $0x7D0  }
0x192: {  	[sflag:s20] =	ssyncset.done $0x0  }
0x193: {  	[sflag:s20] =	ssyncadd.s32 $0xFFFFF830  }
0x194: {  	_ =	swait.ge [sflag:s20], $0x7D0  }
0x195: {  	[sflag:s20] =	ssyncset.done $0x0  }
0x196: {  	[sflag:s20] =	ssyncadd.s32 $0xFFFFF830  }
0x197: {  	_ =	swait.ge [sflag:s20], $0x7D0  }
0x198: {  	[sflag:s20] =	ssyncset.done $0x0  }
0x199: {  	[sflag:s20] =	ssyncadd.s32 $0xFFFFF830  }
0x19a: {  	_ =	swait.ge [sflag:s20], $0x7D0  }
0x19b: {  	[sflag:s20] =	ssyncset.done $0x0  }
0x19c: {  	[sflag:s20] =	ssyncadd.s32 $0xFFFFF830  }
0x19d: {  	_ =	swait.ge [sflag:s20], $0x7D0  }
0x19e: {  	[sflag:s20] =	ssyncset.done $0x0  }
0x19f: {  	[sflag:s20] =	ssyncadd.s32 $0xFFFFF830  }
0x1a0: {  	_ =	swait.ge [sflag:s20], $0x7D0  }
.Ltmp2:
0x1a1: {  	[sflag:s20] =	ssyncset.done $0x0;
	(pc) =	sbr.rel @p1 .LBB2_4-.Ltmp2, $4  }
0x1a2: {  	[sflag:s20] =	ssyncadd.s32 $0xFFFFF830  }
0x1a3: {  	_ =	swait.ge [sflag:s20], $0x7D0  }
0x1a4: {  	[sflag:s20] =	ssyncset.done $0x0  }
0x1a5: {  	s8 =	simm.s32 $0x800;
	s9 =	simm.s32 $0x1800;
	[sflag:s20] =	ssyncadd.s32 $0xFFFFF830  }
0x1a6: {  	s24 =	sadd.s32 s22, s5  }
.Ltmp3:
0x1a7: {  	s29 =	sadd.s32 s22, s6;
	s24 =	sadd.s32 $0x3300, s24;
	(pc) =	sbr.rel .LBB2_2-.Ltmp3, $4  }
0x1a8: {  	[tilespmem:s8], [sflag:$0x2] =	stream.linear.gather [hbm4b:s24+s2], $0x800, $0x38;
	[tilespmem:$0x1DD50] =	vst v63  }
0x1a9: {  	s24 =	sadd.s32 $0x3300, s29  }
0x1aa: {  	[tilespmem:s9], [sflag:$0x2] =	stream.linear.gather [hbm4b:s24+s2], $0x800, $0x38;
	[tilespmem:$0x1DD50] =	vst v63  }
0x1ab: {  	s22 =	sadd.s32 $0x200, s22;
	s8 =	simm.s32 $0x800;
	s9 =	simm.s32 $0x1800  }
.LBB2_5:
0x1ac: {  	_ =	sfence.sel $0x180000  }
0x1ad: {  	[bflag:$0x0] =	sbarrier.arrive $0xFFFF  }
0x1ae: {  	_ =	strace $0x90000047  }
0x1af: {  	s0 =	stileid.u32;
	[bflag:$0x2] =	sbarrier.arrive $0xFFFF  }
0x1b0: {  	p0 =	sne.s32 s0, $0x0;
	s0 =	rddreg [dreg:$0x3]  }
0x1b1: {  	s0 =	sadd.s32 @!p0 $0x100000, s0  }
0x1b2: {  	[sflag:s0] =	ssyncadd.tile.s32 @!p0 $0x1;
	_ =	shalt  }
.Lfunc_end2:
_tile_overlayer_lowered:
.L_overlay_start_2:
0x1b3: {  	(tag) =	ssettag $0x2  }
0x1b4: {  	s0 =	rddreg [dreg:$0x0];
	s2 =	stileid.u32  }
0x1b5: {  	s1 =	rddreg [dreg:$0x1];
	p0 =	sne.s32 s2, $0x0  }
0x1b6: {  	s3 =	rddreg [dreg:$0x2];
	[bflag:$0x3] =	sbarrier.arrive $0xFFFF;
	s2 =	simm.s32 @!p0 $0x1C04  }
0x1b7: {  	[timem:s3], [sflag:s2] =	dma.local @!p0 [hbm:s0], s1  }
0x1b8: {  	s0 =	simm.s32 @!p0 $0x4  }
0x1b9: {  	_ =	swait.ge @!p0 [sflag:s0], s1  }
0x1ba: {  	s1 =	ssub.s32 @!p0 $0x0, s1;
	[sflag:s0] =	ssyncset.done @!p0 $0x0  }
0x1bb: {  	[sflag:s0] =	ssyncadd.s32 @!p0 s1  }
0x1bc: {  	[bflag:$0x3] =	sbarrier.arrive $0xFFFF  }
0x1bd: {  	_ =	shalt  }

</sc_bundles>
